<compile_context>
chip_gen: v7x
topology: tpu7x:2x2x1
jax: 0.10.2.dev20260603
libtpu: 0.0.44.dev20260713+nightly
codegen_flags: <defaults>
</compile_context>

<pallas_src>
import functools

import jax
import jax.numpy as jnp
from jax import lax
from jax.experimental import pallas as pl
from jax.experimental.pallas import tpu as pltpu
from jax.experimental.pallas import tpu_sc as plsc

_E = 50000
_HID = 256
_OUT_C = 128

_NC = 2
_NS = 16
_NW = _NC * _NS
_CHUNK = 128
_EPAD = 50176
_ROWS = 4 * _EPAD
_RPW = _ROWS // _NW
_NCHUNK = _RPW // _CHUNK
_C0 = 49


def _make_gather(ncols, tc_tiling=True):
    mesh = plsc.VectorSubcoreMesh(core_axis_name="c", subcore_axis_name="s")

    nbuf = 4

    @functools.partial(
        pl.kernel,
        mesh=mesh,
        compiler_params=pltpu.CompilerParams(use_tc_tiling_on_sc=tc_tiling),
        out_type=jax.ShapeDtypeStruct((_ROWS, ncols), jnp.float32),
        scratch_types=[
            pltpu.VMEM((max(_C0, 2 * _NCHUNK - _C0) * _CHUNK,), jnp.int32),
        ] + [pltpu.VMEM((_CHUNK, ncols), jnp.float32) for _ in range(nbuf)]
          + [pltpu.SemaphoreType.DMA for _ in range(2 * nbuf)],
    )
    def gather_k(tbl, idx, out, idx_v, *scratch):
        bufs = scratch[:nbuf]
        gsems = scratch[nbuf:2 * nbuf]
        wsems = scratch[2 * nbuf:]

        def _pipeline(base, nchunk):
            pltpu.sync_copy(idx.at[pl.ds(base, nchunk * _CHUNK)],
                            idx_v.at[pl.ds(0, nchunk * _CHUNK)])

            def _gather_dma(ci, slot):
                return pltpu.make_async_copy(
                    tbl.at[idx_v.at[pl.ds(ci * _CHUNK, _CHUNK)]],
                    bufs[slot], gsems[slot])

            def _write_dma(ci, slot):
                return pltpu.make_async_copy(
                    bufs[slot], out.at[pl.ds(base + ci * _CHUNK, _CHUNK)],
                    wsems[slot])

            for s in range(nbuf - 1):
                _gather_dma(s, s).start()

            def body(p, carry):
                for s in range(nbuf):
                    ci = p * nbuf + s

                    @pl.when(ci < nchunk)
                    def _():
                        _gather_dma(ci, s).wait()
                        _write_dma(ci, s).start()

                    nslot = (s + nbuf - 1) % nbuf

                    @pl.when(ci + nbuf - 1 < nchunk)
                    def _():
                        @pl.when(ci >= 1)
                        def _():
                            _write_dma(ci - 1, nslot).wait()

                        _gather_dma(ci + nbuf - 1, nslot).start()

                return carry

            lax.fori_loop(0, (nchunk + nbuf - 1) // nbuf, body, 0)
            for c in range(nchunk - nbuf, nchunk):
                _write_dma(c, c % nbuf).wait()

        core = lax.axis_index("c")
        region = lax.axis_index("s") * 2 * _RPW

        @pl.when(core == 0)
        def _():
            _pipeline(region, _C0)

        @pl.when(core == 1)
        def _():
            _pipeline(region + _C0 * _CHUNK, 2 * _NCHUNK - _C0)

    return gather_k


def _pack16(x):
    u = lax.bitcast_convert_type(x, jnp.uint32) + jnp.uint32(0x8000)
    w = (u[:, 128:] & jnp.uint32(0xFFFF0000)) | (u[:, :128] >> 16)
    return lax.bitcast_convert_type(w, jnp.float32)


def _unpack16(w):
    u = lax.bitcast_convert_type(w, jnp.uint32)
    lo = lax.bitcast_convert_type(u << 16, jnp.float32)
    hi = lax.bitcast_convert_type(u & jnp.uint32(0xFFFF0000), jnp.float32)
    return jnp.concatenate([lo, hi], axis=1)


def _combine(h, g_ref, packed):
    if packed:
        a = _unpack16(g_ref[0])
        b = _unpack16(g_ref[1])
        c = _unpack16(g_ref[2])
        d = _unpack16(g_ref[3])
    else:
        a = g_ref[0]
        b = g_ref[1]
        c = g_ref[2]
        d = g_ref[3]
    bf = jnp.bfloat16
    return (h.astype(bf), jnp.abs(a - c).astype(bf), (a + c).astype(bf),
            jnp.abs(b - d).astype(bf), (b + d).astype(bf))


def _matmul5(parts, w_ref, b_ref):
    acc = b_ref[...].astype(jnp.float32)
    off = 0
    for p in parts:
        k = p.shape[1]
        acc = acc + jnp.dot(p, w_ref[off:off + k, :],
                            preferred_element_type=jnp.float32)
        off += k
    return acc


def _conv_body(h_ref, g_ref, w_ref, b_ref, hb_ref, *, residual, packed):
    h = _unpack16(h_ref[...]) if packed else h_ref[...]
    acc = _matmul5(_combine(h, g_ref, packed), w_ref, b_ref)
    acc = jnp.maximum(acc, 0.0)
    if residual:
        acc += h
    hb_ref[...] = _pack16(acc)


def _final_body(h_ref, g_ref, w_ref, b_ref, wo_ref, bo_ref, out_ref):
    h = _unpack16(h_ref[...])
    acc = _matmul5(_combine(h, g_ref, True), w_ref, b_ref)
    h3 = jnp.maximum(acc, 0.0) + h
    out_ref[...] = jnp.dot(h3.astype(jnp.bfloat16), wo_ref[...],
                           preferred_element_type=jnp.float32) + bo_ref[...]


def _conv_call(h, g, w, b, *, residual, packed, be=1024):
    epad, k = h.shape
    gk = g.shape[2]
    kw = 5 * _HID if packed else k + 4 * gk
    return pl.pallas_call(
        functools.partial(_conv_body, residual=residual, packed=packed),
        grid=(epad // be,),
        in_specs=[
            pl.BlockSpec((be, k), lambda i: (i, 0)),
            pl.BlockSpec((4, be, gk), lambda i: (0, i, 0)),
            pl.BlockSpec((kw, _HID), lambda i: (0, 0)),
            pl.BlockSpec((1, _HID), lambda i: (0, 0)),
        ],
        out_specs=pl.BlockSpec((be, _HID // 2), lambda i: (i, 0)),
        out_shape=jax.ShapeDtypeStruct((epad, _HID // 2), jnp.float32),
        compiler_params=pltpu.CompilerParams(dimension_semantics=("arbitrary",)),
    )(h, g, w, b)


def _final_call(h, g, w, b, wo, bo, *, be=1024):
    epad, k = h.shape
    return pl.pallas_call(
        _final_body,
        grid=(epad // be,),
        in_specs=[
            pl.BlockSpec((be, k), lambda i: (i, 0)),
            pl.BlockSpec((4, be, _HID // 2), lambda i: (0, i, 0)),
            pl.BlockSpec((5 * _HID, _HID), lambda i: (0, 0)),
            pl.BlockSpec((1, _HID), lambda i: (0, 0)),
            pl.BlockSpec((_HID, _OUT_C), lambda i: (0, 0)),
            pl.BlockSpec((1, _OUT_C), lambda i: (0, 0)),
        ],
        out_specs=pl.BlockSpec((be, _OUT_C), lambda i: (i, 0)),
        out_shape=jax.ShapeDtypeStruct((_E, _OUT_C), jnp.float32),
        compiler_params=pltpu.CompilerParams(dimension_semantics=("arbitrary",)),
    )(h, g, w, b, wo, bo)


def kernel(x, edge_index, W0, b0, W1, b1, W2, b2, W3, b3, Wout, bout):
    bf = jnp.bfloat16
    idx = jnp.pad(edge_index[1].astype(jnp.int32).reshape(_E, 4).T,
                  ((0, 0), (0, _EPAD - _E))).reshape(-1)

    xs = jnp.pad(x, ((0, _EPAD - _E), (0, 11)))
    w0p = jnp.pad(W0.reshape(5, 5, _HID), ((0, 0), (0, 11), (0, 0))).reshape(80, _HID)

    gather16 = _make_gather(16, tc_tiling=False)
    gather128 = _make_gather(128)

    g = gather16(xs, idx).reshape(4, _EPAD, 16)
    hb = _conv_call(xs, g, w0p.astype(bf), b0[None, :],
                    residual=False, packed=False)
    for wk, bk in ((W1, b1), (W2, b2)):
        g = gather128(hb, idx).reshape(4, _EPAD, 128)
        hb = _conv_call(hb, g, wk.astype(bf), bk[None, :],
                        residual=True, packed=True)
    g = gather128(hb, idx).reshape(4, _EPAD, 128)
    return _final_call(hb, g, W3.astype(bf), b3[None, :],
                       Wout.astype(bf), bout[None, :])

# --- scband reference (transcript-rebuilt; emitter-appended) ---
"""Pipeline reference for scband-mesh-cnn-45638322487704 (READ-ONLY COPY).

The authoritative reference and input builder live on the scoring server;
editing this copy changes nothing except your own understanding.
"""

import jax, jax.numpy as jnp
import numpy as np

E = 50000
IN_C = 5
HID = 256
OUT_C = 128
DEPTH = 3


def setup_inputs(seed: int = 0) -> dict:
    key = jax.random.key(seed)
    ks = jax.random.split(key, 16)
    x = jax.random.normal(ks[0], (E, IN_C), dtype=jnp.float32)
    # A: [2, 4*E]; row 0 = source edge ids, row 1 = neighbor edge ids (a,b,c,d per edge)
    row0 = jnp.repeat(jnp.arange(E, dtype=jnp.int64), 4)
    row1 = jax.random.randint(ks[1], (4 * E,), 0, E).astype(jnp.int64)
    edge_index = jnp.stack([row0, row1], axis=0)

    def lin(k, fan_in, fan_out):
        s = 1.0 / np.sqrt(fan_in)
        kw, kb = jax.random.split(k)
        W = jax.random.uniform(kw, (fan_in, fan_out), minval=-s, maxval=s, dtype=jnp.float32)
        b = jax.random.uniform(kb, (fan_out,), minval=-s, maxval=s, dtype=jnp.float32)
        return W, b

    W0, b0 = lin(ks[2], 5 * IN_C, HID)
    W1, b1 = lin(ks[3], 5 * HID, HID)
    W2, b2 = lin(ks[4], 5 * HID, HID)
    W3, b3 = lin(ks[5], 5 * HID, HID)
    Wout, bout = lin(ks[6], HID, OUT_C)
    return {"x": x, "edge_index": edge_index, "W0": W0, "b0": b0, "W1": W1, "b1": b1, "W2": W2, "b2": b2, "W3": W3, "b3": b3, "Wout": Wout, "bout": bout}


def _mesh_conv(h, nbrs, W, b):
    # MeshCNN symmetric convolution over the fixed 4-edge neighborhood
    na = h[nbrs[:, 0]]
    nb = h[nbrs[:, 1]]
    nc = h[nbrs[:, 2]]
    nd = h[nbrs[:, 3]]
    f = jnp.concatenate([h, jnp.abs(na - nc), na + nc, jnp.abs(nb - nd), nb + nd], axis=1)
    return f @ W + b


def reference(x, edge_index, W0, b0, W1, b1, W2, b2, W3, b3, Wout, bout):
    nbrs = edge_index[1].reshape(-1, 4)
    h = jax.nn.relu(_mesh_conv(x, nbrs, W0, b0))
    # depth residual (sum_res=True) MeshConv blocks
    h = jax.nn.relu(_mesh_conv(h, nbrs, W1, b1)) + h
    h = jax.nn.relu(_mesh_conv(h, nbrs, W2, b2)) + h
    h = jax.nn.relu(_mesh_conv(h, nbrs, W3, b3)) + h
    out = h @ Wout + bout
    return out

if __name__ == "__main__":
    import jax
    _d = setup_inputs()
    print(jax.jit(kernel)(*tuple(_d.values())))

</pallas_src>

<mosaic_0001>
#map = affine_map<(d0, d1) -> (0, 0)>
#map1 = affine_map<(d0, d1) -> (0)>
module attributes {stable_mosaic.version = 14 : i64} {
  func.func @gather_k(%arg0: i32, %arg1: i32, %arg2: memref<50176x16xf32, #tpu.memory_space<hbm>>, %arg3: memref<200704xi32, #tpu.memory_space<hbm>>, %arg4: memref<200704x16xf32, #tpu.memory_space<hbm>>, %arg5: memref<6272xi32, #tpu.memory_space<vmem>>, %arg6: memref<128x16xf32, #tpu.memory_space<vmem>>, %arg7: memref<128x16xf32, #tpu.memory_space<vmem>>, %arg8: memref<128x16xf32, #tpu.memory_space<vmem>>, %arg9: memref<128x16xf32, #tpu.memory_space<vmem>>, %arg10: memref<!tpu.dma_semaphore, #tpu.memory_space<semaphore_mem>>, %arg11: memref<!tpu.dma_semaphore, #tpu.memory_space<semaphore_mem>>, %arg12: memref<!tpu.dma_semaphore, #tpu.memory_space<semaphore_mem>>, %arg13: memref<!tpu.dma_semaphore, #tpu.memory_space<semaphore_mem>>, %arg14: memref<!tpu.dma_semaphore, #tpu.memory_space<semaphore_mem>>, %arg15: memref<!tpu.dma_semaphore, #tpu.memory_space<semaphore_mem>>, %arg16: memref<!tpu.dma_semaphore, #tpu.memory_space<semaphore_mem>>, %arg17: memref<!tpu.dma_semaphore, #tpu.memory_space<semaphore_mem>>) attributes {dimension_semantics = [#tpu.dimension_semantics<core_parallel>, #tpu.dimension_semantics<subcore_parallel>], iteration_bounds = array<i64: 2, 16>, scalar_prefetch = 0 : i64, scratch_operands = 13 : i64, tpu.core_type = #tpu.core_type<sc_vector_subcore>, window_params = [{transform_indices = #map}, {transform_indices = #map1}, {transform_indices = #map}]} {
    %mul3A = arith.constant 2 : i32
    %mul3A_0 = arith.muli %arg1, %mul3A : i32
    %mul3A_1 = arith.constant 6272 : i32
    %mul3A_2 = arith.muli %mul3A_0, %mul3A_1 : i32
    %eq3A = arith.constant 0 : i32
    %eq3A_3 = arith.cmpi eq, %arg0, %eq3A : i32
    %convert_element_type3A = arith.extui %eq3A_3 : i1 to i32
    %cond3A = arith.constant 0 : i32
    %cond3A_4 = arith.cmpi ne, %convert_element_type3A, %cond3A : i32
    scf.if %cond3A_4 {
      "tpu.region"() ({
        %run_scoped3A = tpu.sem_alloc : memref<!tpu.dma_semaphore, #tpu.memory_space<semaphore_mem>>
        %dma_start3A_51 = arith.constant 0 : i32
        %dma_start3A_52 = tpu.memref_slice %arg5[%dma_start3A_51] : memref<6272xi32, #tpu.memory_space<vmem>> -> memref<6272xi32, #tpu.memory_space<vmem>>
        %dma_start3A_53 = tpu.memref_slice %arg3[%mul3A_2] : memref<200704xi32, #tpu.memory_space<hbm>> -> memref<6272xi32, #tpu.memory_space<hbm>>
        %dma_start3A_54 = arith.constant 0 : i32
        %dma_start3A_55 = tpu.memref_slice %arg5[%dma_start3A_54] : memref<6272xi32, #tpu.memory_space<vmem>> -> memref<6272xi32, #tpu.memory_space<vmem>>
        %dma_start3A_56 = tpu.memref_slice %arg3[%mul3A_2] : memref<200704xi32, #tpu.memory_space<hbm>> -> memref<6272xi32, #tpu.memory_space<hbm>>
        tpu.enqueue_dma source(%dma_start3A_56 : memref<6272xi32, #tpu.memory_space<hbm>>) target(%dma_start3A_55 : memref<6272xi32, #tpu.memory_space<vmem>>) target_semaphore(%run_scoped3A : memref<!tpu.dma_semaphore, #tpu.memory_space<semaphore_mem>>)
        %dma_wait3A_57 = arith.constant 0 : i32
        %dma_wait3A_58 = tpu.memref_slice %arg5[%dma_wait3A_57] : memref<6272xi32, #tpu.memory_space<vmem>> -> memref<6272xi32, #tpu.memory_space<vmem>>
        %dma_wait3A_59 = tpu.memref_slice %arg3[%mul3A_2] : memref<200704xi32, #tpu.memory_space<hbm>> -> memref<6272xi32, #tpu.memory_space<hbm>>
        %dma_wait3A_60 = arith.constant 0 : i32
        %dma_wait3A_61 = tpu.memref_slice %arg5[%dma_wait3A_60] : memref<6272xi32, #tpu.memory_space<vmem>> -> memref<6272xi32, #tpu.memory_space<vmem>>
        %dma_wait3A_62 = tpu.memref_slice %arg3[%mul3A_2] : memref<200704xi32, #tpu.memory_space<hbm>> -> memref<6272xi32, #tpu.memory_space<hbm>>
        tpu.wait_dma2 semaphore(%run_scoped3A : memref<!tpu.dma_semaphore, #tpu.memory_space<semaphore_mem>>) src(%dma_wait3A_62 : memref<6272xi32, #tpu.memory_space<hbm>>) dst(%dma_wait3A_61 : memref<6272xi32, #tpu.memory_space<vmem>>)
        tpu.yield
      }) : () -> ()
      %dma_start3A = arith.constant 0 : i32
      %dma_start3A_10 = tpu.memref_slice %arg5[%dma_start3A] : memref<6272xi32, #tpu.memory_space<vmem>> -> memref<128xi32, #tpu.memory_space<vmem>>
      %dma_start3A_11 = arith.constant 0 : i32
      %dma_start3A_12 = arith.constant 0 : i32
      %dma_start3A_13 = tpu.memref_slice %arg2[%dma_start3A_11, %dma_start3A_12] : memref<50176x16xf32, #tpu.memory_space<hbm>> -> memref<50176x16xf32, #tpu.memory_space<hbm>>
      tpu.enqueue_indirect_dma source(%dma_start3A_13 : memref<50176x16xf32, #tpu.memory_space<hbm>>) target(%arg6 : memref<128x16xf32, #tpu.memory_space<vmem>>) offsets(%dma_start3A_10 : memref<128xi32, #tpu.memory_space<vmem>>) semaphore(%arg10 : memref<!tpu.dma_semaphore, #tpu.memory_space<semaphore_mem>>)
      %dma_start3A_14 = arith.constant 128 : i32
      %dma_start3A_15 = tpu.memref_slice %arg5[%dma_start3A_14] : memref<6272xi32, #tpu.memory_space<vmem>> -> memref<128xi32, #tpu.memory_space<vmem>>
      %dma_start3A_16 = arith.constant 0 : i32
      %dma_start3A_17 = arith.constant 0 : i32
      %dma_start3A_18 = tpu.memref_slice %arg2[%dma_start3A_16, %dma_start3A_17] : memref<50176x16xf32, #tpu.memory_space<hbm>> -> memref<50176x16xf32, #tpu.memory_space<hbm>>
      tpu.enqueue_indirect_dma source(%dma_start3A_18 : memref<50176x16xf32, #tpu.memory_space<hbm>>) target(%arg7 : memref<128x16xf32, #tpu.memory_space<vmem>>) offsets(%dma_start3A_15 : memref<128xi32, #tpu.memory_space<vmem>>) semaphore(%arg11 : memref<!tpu.dma_semaphore, #tpu.memory_space<semaphore_mem>>)
      %dma_start3A_19 = arith.constant 256 : i32
      %dma_start3A_20 = tpu.memref_slice %arg5[%dma_start3A_19] : memref<6272xi32, #tpu.memory_space<vmem>> -> memref<128xi32, #tpu.memory_space<vmem>>
      %dma_start3A_21 = arith.constant 0 : i32
      %dma_start3A_22 = arith.constant 0 : i32
      %dma_start3A_23 = tpu.memref_slice %arg2[%dma_start3A_21, %dma_start3A_22] : memref<50176x16xf32, #tpu.memory_space<hbm>> -> memref<50176x16xf32, #tpu.memory_space<hbm>>
      tpu.enqueue_indirect_dma source(%dma_start3A_23 : memref<50176x16xf32, #tpu.memory_space<hbm>>) target(%arg8 : memref<128x16xf32, #tpu.memory_space<vmem>>) offsets(%dma_start3A_20 : memref<128xi32, #tpu.memory_space<vmem>>) semaphore(%arg12 : memref<!tpu.dma_semaphore, #tpu.memory_space<semaphore_mem>>)
      %scan3A = arith.constant 0 : i32
      %scan3A_24 = arith.constant 0 : i32
      %scan3A_25 = arith.constant 13 : i32
      %scan3A_26 = arith.addi %scan3A_24, %scan3A_25 : i32
      %scan3A_27 = arith.constant 1 : i32
      scf.for %scan3A_51 = %scan3A_24 to %scan3A_26 step %scan3A_27  : i32 {
        %mul3A_52 = arith.constant 4 : i32
        %mul3A_53 = arith.muli %scan3A_51, %mul3A_52 : i32
        %add3A_54 = arith.constant 0 : i32
        %add3A_55 = arith.addi %mul3A_53, %add3A_54 : i32
        %lt3A = arith.constant 49 : i32
        %lt3A_56 = arith.cmpi slt, %add3A_55, %lt3A : i32
        %convert_element_type3A_57 = arith.extui %lt3A_56 : i1 to i32
        %cond3A_58 = arith.constant 0 : i32
        %cond3A_59 = arith.cmpi ne, %convert_element_type3A_57, %cond3A_58 : i32
        scf.if %cond3A_59 {
          %mul3A_122 = arith.constant 128 : i32
          %mul3A_123 = arith.muli %add3A_55, %mul3A_122 : i32
          %dma_wait3A_124 = tpu.memref_slice %arg5[%mul3A_123] : memref<6272xi32, #tpu.memory_space<vmem>> -> memref<128xi32, #tpu.memory_space<vmem>>
          %dma_wait3A_125 = arith.constant 0 : i32
          %dma_wait3A_126 = arith.constant 0 : i32
          %dma_wait3A_127 = tpu.memref_slice %arg2[%dma_wait3A_125, %dma_wait3A_126] : memref<50176x16xf32, #tpu.memory_space<hbm>> -> memref<50176x16xf32, #tpu.memory_space<hbm>>
          tpu.wait_indirect_dma semaphore(%arg10 : memref<!tpu.dma_semaphore, #tpu.memory_space<semaphore_mem>>) src(%dma_wait3A_127 : memref<50176x16xf32, #tpu.memory_space<hbm>>) dst(%arg6 : memref<128x16xf32, #tpu.memory_space<vmem>>)
          %mul3A_128 = arith.constant 128 : i32
          %mul3A_129 = arith.muli %add3A_55, %mul3A_128 : i32
          %add3A_130 = arith.addi %mul3A_2, %mul3A_129 : i32
          %dma_start3A_131 = arith.constant 0 : i32
          %dma_start3A_132 = tpu.memref_slice %arg4[%add3A_130, %dma_start3A_131] : memref<200704x16xf32, #tpu.memory_space<hbm>> -> memref<128x16xf32, #tpu.memory_space<hbm>>
          %dma_start3A_133 = arith.constant 0 : i32
          %dma_start3A_134 = tpu.memref_slice %arg4[%add3A_130, %dma_start3A_133] : memref<200704x16xf32, #tpu.memory_space<hbm>> -> memref<128x16xf32, #tpu.memory_space<hbm>>
          tpu.enqueue_dma source(%arg6 : memref<128x16xf32, #tpu.memory_space<vmem>>) target(%dma_start3A_134 : memref<128x16xf32, #tpu.memory_space<hbm>>) target_semaphore(%arg14 : memref<!tpu.dma_semaphore, #tpu.memory_space<semaphore_mem>>)
        } else {
        }
        %add3A_60 = arith.constant 4 : i32
        %add3A_61 = arith.addi %add3A_55, %add3A_60 : i32
        %sub3A = arith.constant 1 : i32
        %sub3A_62 = arith.subi %add3A_61, %sub3A : i32
        %lt3A_63 = arith.constant 49 : i32
        %lt3A_64 = arith.cmpi slt, %sub3A_62, %lt3A_63 : i32
        %convert_element_type3A_65 = arith.extui %lt3A_64 : i1 to i32
        %cond3A_66 = arith.constant 0 : i32
        %cond3A_67 = arith.cmpi ne, %convert_element_type3A_65, %cond3A_66 : i32
        scf.if %cond3A_67 {
          %ge3A = arith.constant 1 : i32
          %ge3A_122 = arith.cmpi sge, %add3A_55, %ge3A : i32
          %convert_element_type3A_123 = arith.extui %ge3A_122 : i1 to i32
          %cond3A_124 = arith.constant 0 : i32
          %cond3A_125 = arith.cmpi ne, %convert_element_type3A_123, %cond3A_124 : i32
          scf.if %cond3A_125 {
            %sub3A_136 = arith.constant 1 : i32
            %sub3A_137 = arith.subi %add3A_55, %sub3A_136 : i32
            %mul3A_138 = arith.constant 128 : i32
            %mul3A_139 = arith.muli %sub3A_137, %mul3A_138 : i32
            %add3A_140 = arith.addi %mul3A_2, %mul3A_139 : i32
            %dma_wait3A_141 = arith.constant 0 : i32
            %dma_wait3A_142 = tpu.memref_slice %arg4[%add3A_140, %dma_wait3A_141] : memref<200704x16xf32, #tpu.memory_space<hbm>> -> memref<128x16xf32, #tpu.memory_space<hbm>>
            %dma_wait3A_143 = arith.constant 0 : i32
            %dma_wait3A_144 = tpu.memref_slice %arg4[%add3A_140, %dma_wait3A_143] : memref<200704x16xf32, #tpu.memory_space<hbm>> -> memref<128x16xf32, #tpu.memory_space<hbm>>
            tpu.wait_dma2 semaphore(%arg17 : memref<!tpu.dma_semaphore, #tpu.memory_space<semaphore_mem>>) src(%arg9 : memref<128x16xf32, #tpu.memory_space<vmem>>) dst(%dma_wait3A_144 : memref<128x16xf32, #tpu.memory_space<hbm>>)
          } else {
          }
          %add3A_126 = arith.constant 4 : i32
          %add3A_127 = arith.addi %add3A_55, %add3A_126 : i32
          %sub3A_128 = arith.constant 1 : i32
          %sub3A_129 = arith.subi %add3A_127, %sub3A_128 : i32
          %mul3A_130 = arith.constant 128 : i32
          %mul3A_131 = arith.muli %sub3A_129, %mul3A_130 : i32
          %dma_start3A_132 = tpu.memref_slice %arg5[%mul3A_131] : memref<6272xi32, #tpu.memory_space<vmem>> -> memref<128xi32, #tpu.memory_space<vmem>>
          %dma_start3A_133 = arith.constant 0 : i32
          %dma_start3A_134 = arith.constant 0 : i32
          %dma_start3A_135 = tpu.memref_slice %arg2[%dma_start3A_133, %dma_start3A_134] : memref<50176x16xf32, #tpu.memory_space<hbm>> -> memref<50176x16xf32, #tpu.memory_space<hbm>>
          tpu.enqueue_indirect_dma source(%dma_start3A_135 : memref<50176x16xf32, #tpu.memory_space<hbm>>) target(%arg9 : memref<128x16xf32, #tpu.memory_space<vmem>>) offsets(%dma_start3A_132 : memref<128xi32, #tpu.memory_space<vmem>>) semaphore(%arg13 : memref<!tpu.dma_semaphore, #tpu.memory_space<semaphore_mem>>)
        } else {
        }
        %mul3A_68 = arith.constant 4 : i32
        %mul3A_69 = arith.muli %scan3A_51, %mul3A_68 : i32
        %add3A_70 = arith.constant 1 : i32
        %add3A_71 = arith.addi %mul3A_69, %add3A_70 : i32
        %lt3A_72 = arith.constant 49 : i32
        %lt3A_73 = arith.cmpi slt, %add3A_71, %lt3A_72 : i32
        %convert_element_type3A_74 = arith.extui %lt3A_73 : i1 to i32
        %cond3A_75 = arith.constant 0 : i32
        %cond3A_76 = arith.cmpi ne, %convert_element_type3A_74, %cond3A_75 : i32
        scf.if %cond3A_76 {
          %mul3A_122 = arith.constant 128 : i32
          %mul3A_123 = arith.muli %add3A_71, %mul3A_122 : i32
          %dma_wait3A_124 = tpu.memref_slice %arg5[%mul3A_123] : memref<6272xi32, #tpu.memory_space<vmem>> -> memref<128xi32, #tpu.memory_space<vmem>>
          %dma_wait3A_125 = arith.constant 0 : i32
          %dma_wait3A_126 = arith.constant 0 : i32
          %dma_wait3A_127 = tpu.memref_slice %arg2[%dma_wait3A_125, %dma_wait3A_126] : memref<50176x16xf32, #tpu.memory_space<hbm>> -> memref<50176x16xf32, #tpu.memory_space<hbm>>
          tpu.wait_indirect_dma semaphore(%arg11 : memref<!tpu.dma_semaphore, #tpu.memory_space<semaphore_mem>>) src(%dma_wait3A_127 : memref<50176x16xf32, #tpu.memory_space<hbm>>) dst(%arg7 : memref<128x16xf32, #tpu.memory_space<vmem>>)
          %mul3A_128 = arith.constant 128 : i32
          %mul3A_129 = arith.muli %add3A_71, %mul3A_128 : i32
          %add3A_130 = arith.addi %mul3A_2, %mul3A_129 : i32
          %dma_start3A_131 = arith.constant 0 : i32
          %dma_start3A_132 = tpu.memref_slice %arg4[%add3A_130, %dma_start3A_131] : memref<200704x16xf32, #tpu.memory_space<hbm>> -> memref<128x16xf32, #tpu.memory_space<hbm>>
          %dma_start3A_133 = arith.constant 0 : i32
          %dma_start3A_134 = tpu.memref_slice %arg4[%add3A_130, %dma_start3A_133] : memref<200704x16xf32, #tpu.memory_space<hbm>> -> memref<128x16xf32, #tpu.memory_space<hbm>>
          tpu.enqueue_dma source(%arg7 : memref<128x16xf32, #tpu.memory_space<vmem>>) target(%dma_start3A_134 : memref<128x16xf32, #tpu.memory_space<hbm>>) target_semaphore(%arg15 : memref<!tpu.dma_semaphore, #tpu.memory_space<semaphore_mem>>)
        } else {
        }
        %add3A_77 = arith.constant 4 : i32
        %add3A_78 = arith.addi %add3A_71, %add3A_77 : i32
        %sub3A_79 = arith.constant 1 : i32
        %sub3A_80 = arith.subi %add3A_78, %sub3A_79 : i32
        %lt3A_81 = arith.constant 49 : i32
        %lt3A_82 = arith.cmpi slt, %sub3A_80, %lt3A_81 : i32
        %convert_element_type3A_83 = arith.extui %lt3A_82 : i1 to i32
        %cond3A_84 = arith.constant 0 : i32
        %cond3A_85 = arith.cmpi ne, %convert_element_type3A_83, %cond3A_84 : i32
        scf.if %cond3A_85 {
          %ge3A = arith.constant 1 : i32
          %ge3A_122 = arith.cmpi sge, %add3A_71, %ge3A : i32
          %convert_element_type3A_123 = arith.extui %ge3A_122 : i1 to i32
          %cond3A_124 = arith.constant 0 : i32
          %cond3A_125 = arith.cmpi ne, %convert_element_type3A_123, %cond3A_124 : i32
          scf.if %cond3A_125 {
            %sub3A_136 = arith.constant 1 : i32
            %sub3A_137 = arith.subi %add3A_71, %sub3A_136 : i32
            %mul3A_138 = arith.constant 128 : i32
            %mul3A_139 = arith.muli %sub3A_137, %mul3A_138 : i32
            %add3A_140 = arith.addi %mul3A_2, %mul3A_139 : i32
            %dma_wait3A_141 = arith.constant 0 : i32
            %dma_wait3A_142 = tpu.memref_slice %arg4[%add3A_140, %dma_wait3A_141] : memref<200704x16xf32, #tpu.memory_space<hbm>> -> memref<128x16xf32, #tpu.memory_space<hbm>>
            %dma_wait3A_143 = arith.constant 0 : i32
            %dma_wait3A_144 = tpu.memref_slice %arg4[%add3A_140, %dma_wait3A_143] : memref<200704x16xf32, #tpu.memory_space<hbm>> -> memref<128x16xf32, #tpu.memory_space<hbm>>
            tpu.wait_dma2 semaphore(%arg14 : memref<!tpu.dma_semaphore, #tpu.memory_space<semaphore_mem>>) src(%arg6 : memref<128x16xf32, #tpu.memory_space<vmem>>) dst(%dma_wait3A_144 : memref<128x16xf32, #tpu.memory_space<hbm>>)
          } else {
          }
          %add3A_126 = arith.constant 4 : i32
          %add3A_127 = arith.addi %add3A_71, %add3A_126 : i32
          %sub3A_128 = arith.constant 1 : i32
          %sub3A_129 = arith.subi %add3A_127, %sub3A_128 : i32
          %mul3A_130 = arith.constant 128 : i32
          %mul3A_131 = arith.muli %sub3A_129, %mul3A_130 : i32
          %dma_start3A_132 = tpu.memref_slice %arg5[%mul3A_131] : memref<6272xi32, #tpu.memory_space<vmem>> -> memref<128xi32, #tpu.memory_space<vmem>>
          %dma_start3A_133 = arith.constant 0 : i32
          %dma_start3A_134 = arith.constant 0 : i32
          %dma_start3A_135 = tpu.memref_slice %arg2[%dma_start3A_133, %dma_start3A_134] : memref<50176x16xf32, #tpu.memory_space<hbm>> -> memref<50176x16xf32, #tpu.memory_space<hbm>>
          tpu.enqueue_indirect_dma source(%dma_start3A_135 : memref<50176x16xf32, #tpu.memory_space<hbm>>) target(%arg6 : memref<128x16xf32, #tpu.memory_space<vmem>>) offsets(%dma_start3A_132 : memref<128xi32, #tpu.memory_space<vmem>>) semaphore(%arg10 : memref<!tpu.dma_semaphore, #tpu.memory_space<semaphore_mem>>)
        } else {
        }
        %mul3A_86 = arith.constant 4 : i32
        %mul3A_87 = arith.muli %scan3A_51, %mul3A_86 : i32
        %add3A_88 = arith.constant 2 : i32
        %add3A_89 = arith.addi %mul3A_87, %add3A_88 : i32
        %lt3A_90 = arith.constant 49 : i32
        %lt3A_91 = arith.cmpi slt, %add3A_89, %lt3A_90 : i32
        %convert_element_type3A_92 = arith.extui %lt3A_91 : i1 to i32
        %cond3A_93 = arith.constant 0 : i32
        %cond3A_94 = arith.cmpi ne, %convert_element_type3A_92, %cond3A_93 : i32
        scf.if %cond3A_94 {
          %mul3A_122 = arith.constant 128 : i32
          %mul3A_123 = arith.muli %add3A_89, %mul3A_122 : i32
          %dma_wait3A_124 = tpu.memref_slice %arg5[%mul3A_123] : memref<6272xi32, #tpu.memory_space<vmem>> -> memref<128xi32, #tpu.memory_space<vmem>>
          %dma_wait3A_125 = arith.constant 0 : i32
          %dma_wait3A_126 = arith.constant 0 : i32
          %dma_wait3A_127 = tpu.memref_slice %arg2[%dma_wait3A_125, %dma_wait3A_126] : memref<50176x16xf32, #tpu.memory_space<hbm>> -> memref<50176x16xf32, #tpu.memory_space<hbm>>
          tpu.wait_indirect_dma semaphore(%arg12 : memref<!tpu.dma_semaphore, #tpu.memory_space<semaphore_mem>>) src(%dma_wait3A_127 : memref<50176x16xf32, #tpu.memory_space<hbm>>) dst(%arg8 : memref<128x16xf32, #tpu.memory_space<vmem>>)
          %mul3A_128 = arith.constant 128 : i32
          %mul3A_129 = arith.muli %add3A_89, %mul3A_128 : i32
          %add3A_130 = arith.addi %mul3A_2, %mul3A_129 : i32
          %dma_start3A_131 = arith.constant 0 : i32
          %dma_start3A_132 = tpu.memref_slice %arg4[%add3A_130, %dma_start3A_131] : memref<200704x16xf32, #tpu.memory_space<hbm>> -> memref<128x16xf32, #tpu.memory_space<hbm>>
          %dma_start3A_133 = arith.constant 0 : i32
          %dma_start3A_134 = tpu.memref_slice %arg4[%add3A_130, %dma_start3A_133] : memref<200704x16xf32, #tpu.memory_space<hbm>> -> memref<128x16xf32, #tpu.memory_space<hbm>>
          tpu.enqueue_dma source(%arg8 : memref<128x16xf32, #tpu.memory_space<vmem>>) target(%dma_start3A_134 : memref<128x16xf32, #tpu.memory_space<hbm>>) target_semaphore(%arg16 : memref<!tpu.dma_semaphore, #tpu.memory_space<semaphore_mem>>)
        } else {
        }
        %add3A_95 = arith.constant 4 : i32
        %add3A_96 = arith.addi %add3A_89, %add3A_95 : i32
        %sub3A_97 = arith.constant 1 : i32
        %sub3A_98 = arith.subi %add3A_96, %sub3A_97 : i32
        %lt3A_99 = arith.constant 49 : i32
        %lt3A_100 = arith.cmpi slt, %sub3A_98, %lt3A_99 : i32
        %convert_element_type3A_101 = arith.extui %lt3A_100 : i1 to i32
        %cond3A_102 = arith.constant 0 : i32
        %cond3A_103 = arith.cmpi ne, %convert_element_type3A_101, %cond3A_102 : i32
        scf.if %cond3A_103 {
          %ge3A = arith.constant 1 : i32
          %ge3A_122 = arith.cmpi sge, %add3A_89, %ge3A : i32
          %convert_element_type3A_123 = arith.extui %ge3A_122 : i1 to i32
          %cond3A_124 = arith.constant 0 : i32
          %cond3A_125 = arith.cmpi ne, %convert_element_type3A_123, %cond3A_124 : i32
          scf.if %cond3A_125 {
            %sub3A_136 = arith.constant 1 : i32
            %sub3A_137 = arith.subi %add3A_89, %sub3A_136 : i32
            %mul3A_138 = arith.constant 128 : i32
            %mul3A_139 = arith.muli %sub3A_137, %mul3A_138 : i32
            %add3A_140 = arith.addi %mul3A_2, %mul3A_139 : i32
            %dma_wait3A_141 = arith.constant 0 : i32
            %dma_wait3A_142 = tpu.memref_slice %arg4[%add3A_140, %dma_wait3A_141] : memref<200704x16xf32, #tpu.memory_space<hbm>> -> memref<128x16xf32, #tpu.memory_space<hbm>>
            %dma_wait3A_143 = arith.constant 0 : i32
            %dma_wait3A_144 = tpu.memref_slice %arg4[%add3A_140, %dma_wait3A_143] : memref<200704x16xf32, #tpu.memory_space<hbm>> -> memref<128x16xf32, #tpu.memory_space<hbm>>
            tpu.wait_dma2 semaphore(%arg15 : memref<!tpu.dma_semaphore, #tpu.memory_space<semaphore_mem>>) src(%arg7 : memref<128x16xf32, #tpu.memory_space<vmem>>) dst(%dma_wait3A_144 : memref<128x16xf32, #tpu.memory_space<hbm>>)
          } else {
          }
          %add3A_126 = arith.constant 4 : i32
          %add3A_127 = arith.addi %add3A_89, %add3A_126 : i32
          %sub3A_128 = arith.constant 1 : i32
          %sub3A_129 = arith.subi %add3A_127, %sub3A_128 : i32
          %mul3A_130 = arith.constant 128 : i32
          %mul3A_131 = arith.muli %sub3A_129, %mul3A_130 : i32
          %dma_start3A_132 = tpu.memref_slice %arg5[%mul3A_131] : memref<6272xi32, #tpu.memory_space<vmem>> -> memref<128xi32, #tpu.memory_space<vmem>>
          %dma_start3A_133 = arith.constant 0 : i32
          %dma_start3A_134 = arith.constant 0 : i32
          %dma_start3A_135 = tpu.memref_slice %arg2[%dma_start3A_133, %dma_start3A_134] : memref<50176x16xf32, #tpu.memory_space<hbm>> -> memref<50176x16xf32, #tpu.memory_space<hbm>>
          tpu.enqueue_indirect_dma source(%dma_start3A_135 : memref<50176x16xf32, #tpu.memory_space<hbm>>) target(%arg7 : memref<128x16xf32, #tpu.memory_space<vmem>>) offsets(%dma_start3A_132 : memref<128xi32, #tpu.memory_space<vmem>>) semaphore(%arg11 : memref<!tpu.dma_semaphore, #tpu.memory_space<semaphore_mem>>)
        } else {
        }
        %mul3A_104 = arith.constant 4 : i32
        %mul3A_105 = arith.muli %scan3A_51, %mul3A_104 : i32
        %add3A_106 = arith.constant 3 : i32
        %add3A_107 = arith.addi %mul3A_105, %add3A_106 : i32
        %lt3A_108 = arith.constant 49 : i32
        %lt3A_109 = arith.cmpi slt, %add3A_107, %lt3A_108 : i32
        %convert_element_type3A_110 = arith.extui %lt3A_109 : i1 to i32
        %cond3A_111 = arith.constant 0 : i32
        %cond3A_112 = arith.cmpi ne, %convert_element_type3A_110, %cond3A_111 : i32
        scf.if %cond3A_112 {
          %mul3A_122 = arith.constant 128 : i32
          %mul3A_123 = arith.muli %add3A_107, %mul3A_122 : i32
          %dma_wait3A_124 = tpu.memref_slice %arg5[%mul3A_123] : memref<6272xi32, #tpu.memory_space<vmem>> -> memref<128xi32, #tpu.memory_space<vmem>>
          %dma_wait3A_125 = arith.constant 0 : i32
          %dma_wait3A_126 = arith.constant 0 : i32
          %dma_wait3A_127 = tpu.memref_slice %arg2[%dma_wait3A_125, %dma_wait3A_126] : memref<50176x16xf32, #tpu.memory_space<hbm>> -> memref<50176x16xf32, #tpu.memory_space<hbm>>
          tpu.wait_indirect_dma semaphore(%arg13 : memref<!tpu.dma_semaphore, #tpu.memory_space<semaphore_mem>>) src(%dma_wait3A_127 : memref<50176x16xf32, #tpu.memory_space<hbm>>) dst(%arg9 : memref<128x16xf32, #tpu.memory_space<vmem>>)
          %mul3A_128 = arith.constant 128 : i32
          %mul3A_129 = arith.muli %add3A_107, %mul3A_128 : i32
          %add3A_130 = arith.addi %mul3A_2, %mul3A_129 : i32
          %dma_start3A_131 = arith.constant 0 : i32
          %dma_start3A_132 = tpu.memref_slice %arg4[%add3A_130, %dma_start3A_131] : memref<200704x16xf32, #tpu.memory_space<hbm>> -> memref<128x16xf32, #tpu.memory_space<hbm>>
          %dma_start3A_133 = arith.constant 0 : i32
          %dma_start3A_134 = tpu.memref_slice %arg4[%add3A_130, %dma_start3A_133] : memref<200704x16xf32, #tpu.memory_space<hbm>> -> memref<128x16xf32, #tpu.memory_space<hbm>>
          tpu.enqueue_dma source(%arg9 : memref<128x16xf32, #tpu.memory_space<vmem>>) target(%dma_start3A_134 : memref<128x16xf32, #tpu.memory_space<hbm>>) target_semaphore(%arg17 : memref<!tpu.dma_semaphore, #tpu.memory_space<semaphore_mem>>)
        } else {
        }
        %add3A_113 = arith.constant 4 : i32
        %add3A_114 = arith.addi %add3A_107, %add3A_113 : i32
        %sub3A_115 = arith.constant 1 : i32
        %sub3A_116 = arith.subi %add3A_114, %sub3A_115 : i32
        %lt3A_117 = arith.constant 49 : i32
        %lt3A_118 = arith.cmpi slt, %sub3A_116, %lt3A_117 : i32
        %convert_element_type3A_119 = arith.extui %lt3A_118 : i1 to i32
        %cond3A_120 = arith.constant 0 : i32
        %cond3A_121 = arith.cmpi ne, %convert_element_type3A_119, %cond3A_120 : i32
        scf.if %cond3A_121 {
          %ge3A = arith.constant 1 : i32
          %ge3A_122 = arith.cmpi sge, %add3A_107, %ge3A : i32
          %convert_element_type3A_123 = arith.extui %ge3A_122 : i1 to i32
          %cond3A_124 = arith.constant 0 : i32
          %cond3A_125 = arith.cmpi ne, %convert_element_type3A_123, %cond3A_124 : i32
          scf.if %cond3A_125 {
            %sub3A_136 = arith.constant 1 : i32
            %sub3A_137 = arith.subi %add3A_107, %sub3A_136 : i32
            %mul3A_138 = arith.constant 128 : i32
            %mul3A_139 = arith.muli %sub3A_137, %mul3A_138 : i32
            %add3A_140 = arith.addi %mul3A_2, %mul3A_139 : i32
            %dma_wait3A_141 = arith.constant 0 : i32
            %dma_wait3A_142 = tpu.memref_slice %arg4[%add3A_140, %dma_wait3A_141] : memref<200704x16xf32, #tpu.memory_space<hbm>> -> memref<128x16xf32, #tpu.memory_space<hbm>>
            %dma_wait3A_143 = arith.constant 0 : i32
            %dma_wait3A_144 = tpu.memref_slice %arg4[%add3A_140, %dma_wait3A_143] : memref<200704x16xf32, #tpu.memory_space<hbm>> -> memref<128x16xf32, #tpu.memory_space<hbm>>
            tpu.wait_dma2 semaphore(%arg16 : memref<!tpu.dma_semaphore, #tpu.memory_space<semaphore_mem>>) src(%arg8 : memref<128x16xf32, #tpu.memory_space<vmem>>) dst(%dma_wait3A_144 : memref<128x16xf32, #tpu.memory_space<hbm>>)
          } else {
          }
          %add3A_126 = arith.constant 4 : i32
          %add3A_127 = arith.addi %add3A_107, %add3A_126 : i32
          %sub3A_128 = arith.constant 1 : i32
          %sub3A_129 = arith.subi %add3A_127, %sub3A_128 : i32
          %mul3A_130 = arith.constant 128 : i32
          %mul3A_131 = arith.muli %sub3A_129, %mul3A_130 : i32
          %dma_start3A_132 = tpu.memref_slice %arg5[%mul3A_131] : memref<6272xi32, #tpu.memory_space<vmem>> -> memref<128xi32, #tpu.memory_space<vmem>>
          %dma_start3A_133 = arith.constant 0 : i32
          %dma_start3A_134 = arith.constant 0 : i32
          %dma_start3A_135 = tpu.memref_slice %arg2[%dma_start3A_133, %dma_start3A_134] : memref<50176x16xf32, #tpu.memory_space<hbm>> -> memref<50176x16xf32, #tpu.memory_space<hbm>>
          tpu.enqueue_indirect_dma source(%dma_start3A_135 : memref<50176x16xf32, #tpu.memory_space<hbm>>) target(%arg8 : memref<128x16xf32, #tpu.memory_space<vmem>>) offsets(%dma_start3A_132 : memref<128xi32, #tpu.memory_space<vmem>>) semaphore(%arg12 : memref<!tpu.dma_semaphore, #tpu.memory_space<semaphore_mem>>)
        } else {
        }
      }
      %scan3A_28 = arith.constant 13 : i32
      %add3A = arith.constant 5760 : i32
      %add3A_29 = arith.addi %mul3A_2, %add3A : i32
      %dma_wait3A = arith.constant 0 : i32
      %dma_wait3A_30 = tpu.memref_slice %arg4[%add3A_29, %dma_wait3A] : memref<200704x16xf32, #tpu.memory_space<hbm>> -> memref<128x16xf32, #tpu.memory_space<hbm>>
      %dma_wait3A_31 = arith.constant 0 : i32
      %dma_wait3A_32 = tpu.memref_slice %arg4[%add3A_29, %dma_wait3A_31] : memref<200704x16xf32, #tpu.memory_space<hbm>> -> memref<128x16xf32, #tpu.memory_space<hbm>>
      tpu.wait_dma2 semaphore(%arg15 : memref<!tpu.dma_semaphore, #tpu.memory_space<semaphore_mem>>) src(%arg7 : memref<128x16xf32, #tpu.memory_space<vmem>>) dst(%dma_wait3A_32 : memref<128x16xf32, #tpu.memory_space<hbm>>)
      %add3A_33 = arith.constant 5888 : i32
      %add3A_34 = arith.addi %mul3A_2, %add3A_33 : i32
      %dma_wait3A_35 = arith.constant 0 : i32
      %dma_wait3A_36 = tpu.memref_slice %arg4[%add3A_34, %dma_wait3A_35] : memref<200704x16xf32, #tpu.memory_space<hbm>> -> memref<128x16xf32, #tpu.memory_space<hbm>>
      %dma_wait3A_37 = arith.constant 0 : i32
      %dma_wait3A_38 = tpu.memref_slice %arg4[%add3A_34, %dma_wait3A_37] : memref<200704x16xf32, #tpu.memory_space<hbm>> -> memref<128x16xf32, #tpu.memory_space<hbm>>
      tpu.wait_dma2 semaphore(%arg16 : memref<!tpu.dma_semaphore, #tpu.memory_space<semaphore_mem>>) src(%arg8 : memref<128x16xf32, #tpu.memory_space<vmem>>) dst(%dma_wait3A_38 : memref<128x16xf32, #tpu.memory_space<hbm>>)
      %add3A_39 = arith.constant 6016 : i32
      %add3A_40 = arith.addi %mul3A_2, %add3A_39 : i32
      %dma_wait3A_41 = arith.constant 0 : i32
      %dma_wait3A_42 = tpu.memref_slice %arg4[%add3A_40, %dma_wait3A_41] : memref<200704x16xf32, #tpu.memory_space<hbm>> -> memref<128x16xf32, #tpu.memory_space<hbm>>
      %dma_wait3A_43 = arith.constant 0 : i32
      %dma_wait3A_44 = tpu.memref_slice %arg4[%add3A_40, %dma_wait3A_43] : memref<200704x16xf32, #tpu.memory_space<hbm>> -> memref<128x16xf32, #tpu.memory_space<hbm>>
      tpu.wait_dma2 semaphore(%arg17 : memref<!tpu.dma_semaphore, #tpu.memory_space<semaphore_mem>>) src(%arg9 : memref<128x16xf32, #tpu.memory_space<vmem>>) dst(%dma_wait3A_44 : memref<128x16xf32, #tpu.memory_space<hbm>>)
      %add3A_45 = arith.constant 6144 : i32
      %add3A_46 = arith.addi %mul3A_2, %add3A_45 : i32
      %dma_wait3A_47 = arith.constant 0 : i32
      %dma_wait3A_48 = tpu.memref_slice %arg4[%add3A_46, %dma_wait3A_47] : memref<200704x16xf32, #tpu.memory_space<hbm>> -> memref<128x16xf32, #tpu.memory_space<hbm>>
      %dma_wait3A_49 = arith.constant 0 : i32
      %dma_wait3A_50 = tpu.memref_slice %arg4[%add3A_46, %dma_wait3A_49] : memref<200704x16xf32, #tpu.memory_space<hbm>> -> memref<128x16xf32, #tpu.memory_space<hbm>>
      tpu.wait_dma2 semaphore(%arg14 : memref<!tpu.dma_semaphore, #tpu.memory_space<semaphore_mem>>) src(%arg6 : memref<128x16xf32, #tpu.memory_space<vmem>>) dst(%dma_wait3A_50 : memref<128x16xf32, #tpu.memory_space<hbm>>)
    } else {
    }
    %eq3A_5 = arith.constant 1 : i32
    %eq3A_6 = arith.cmpi eq, %arg0, %eq3A_5 : i32
    %convert_element_type3A_7 = arith.extui %eq3A_6 : i1 to i32
    %cond3A_8 = arith.constant 0 : i32
    %cond3A_9 = arith.cmpi ne, %convert_element_type3A_7, %cond3A_8 : i32
    scf.if %cond3A_9 {
      %add3A = arith.constant 6272 : i32
      %add3A_10 = arith.addi %mul3A_2, %add3A : i32
      "tpu.region"() ({
        %run_scoped3A = tpu.sem_alloc : memref<!tpu.dma_semaphore, #tpu.memory_space<semaphore_mem>>
        %dma_start3A_53 = arith.constant 0 : i32
        %dma_start3A_54 = tpu.memref_slice %arg5[%dma_start3A_53] : memref<6272xi32, #tpu.memory_space<vmem>> -> memref<6272xi32, #tpu.memory_space<vmem>>
        %dma_start3A_55 = tpu.memref_slice %arg3[%add3A_10] : memref<200704xi32, #tpu.memory_space<hbm>> -> memref<6272xi32, #tpu.memory_space<hbm>>
        %dma_start3A_56 = arith.constant 0 : i32
        %dma_start3A_57 = tpu.memref_slice %arg5[%dma_start3A_56] : memref<6272xi32, #tpu.memory_space<vmem>> -> memref<6272xi32, #tpu.memory_space<vmem>>
        %dma_start3A_58 = tpu.memref_slice %arg3[%add3A_10] : memref<200704xi32, #tpu.memory_space<hbm>> -> memref<6272xi32, #tpu.memory_space<hbm>>
        tpu.enqueue_dma source(%dma_start3A_58 : memref<6272xi32, #tpu.memory_space<hbm>>) target(%dma_start3A_57 : memref<6272xi32, #tpu.memory_space<vmem>>) target_semaphore(%run_scoped3A : memref<!tpu.dma_semaphore, #tpu.memory_space<semaphore_mem>>)
        %dma_wait3A_59 = arith.constant 0 : i32
        %dma_wait3A_60 = tpu.memref_slice %arg5[%dma_wait3A_59] : memref<6272xi32, #tpu.memory_space<vmem>> -> memref<6272xi32, #tpu.memory_space<vmem>>
        %dma_wait3A_61 = tpu.memref_slice %arg3[%add3A_10] : memref<200704xi32, #tpu.memory_space<hbm>> -> memref<6272xi32, #tpu.memory_space<hbm>>
        %dma_wait3A_62 = arith.constant 0 : i32
        %dma_wait3A_63 = tpu.memref_slice %arg5[%dma_wait3A_62] : memref<6272xi32, #tpu.memory_space<vmem>> -> memref<6272xi32, #tpu.memory_space<vmem>>
        %dma_wait3A_64 = tpu.memref_slice %arg3[%add3A_10] : memref<200704xi32, #tpu.memory_space<hbm>> -> memref<6272xi32, #tpu.memory_space<hbm>>
        tpu.wait_dma2 semaphore(%run_scoped3A : memref<!tpu.dma_semaphore, #tpu.memory_space<semaphore_mem>>) src(%dma_wait3A_64 : memref<6272xi32, #tpu.memory_space<hbm>>) dst(%dma_wait3A_63 : memref<6272xi32, #tpu.memory_space<vmem>>)
        tpu.yield
      }) : () -> ()
      %dma_start3A = arith.constant 0 : i32
      %dma_start3A_11 = tpu.memref_slice %arg5[%dma_start3A] : memref<6272xi32, #tpu.memory_space<vmem>> -> memref<128xi32, #tpu.memory_space<vmem>>
      %dma_start3A_12 = arith.constant 0 : i32
      %dma_start3A_13 = arith.constant 0 : i32
      %dma_start3A_14 = tpu.memref_slice %arg2[%dma_start3A_12, %dma_start3A_13] : memref<50176x16xf32, #tpu.memory_space<hbm>> -> memref<50176x16xf32, #tpu.memory_space<hbm>>
      tpu.enqueue_indirect_dma source(%dma_start3A_14 : memref<50176x16xf32, #tpu.memory_space<hbm>>) target(%arg6 : memref<128x16xf32, #tpu.memory_space<vmem>>) offsets(%dma_start3A_11 : memref<128xi32, #tpu.memory_space<vmem>>) semaphore(%arg10 : memref<!tpu.dma_semaphore, #tpu.memory_space<semaphore_mem>>)
      %dma_start3A_15 = arith.constant 128 : i32
      %dma_start3A_16 = tpu.memref_slice %arg5[%dma_start3A_15] : memref<6272xi32, #tpu.memory_space<vmem>> -> memref<128xi32, #tpu.memory_space<vmem>>
      %dma_start3A_17 = arith.constant 0 : i32
      %dma_start3A_18 = arith.constant 0 : i32
      %dma_start3A_19 = tpu.memref_slice %arg2[%dma_start3A_17, %dma_start3A_18] : memref<50176x16xf32, #tpu.memory_space<hbm>> -> memref<50176x16xf32, #tpu.memory_space<hbm>>
      tpu.enqueue_indirect_dma source(%dma_start3A_19 : memref<50176x16xf32, #tpu.memory_space<hbm>>) target(%arg7 : memref<128x16xf32, #tpu.memory_space<vmem>>) offsets(%dma_start3A_16 : memref<128xi32, #tpu.memory_space<vmem>>) semaphore(%arg11 : memref<!tpu.dma_semaphore, #tpu.memory_space<semaphore_mem>>)
      %dma_start3A_20 = arith.constant 256 : i32
      %dma_start3A_21 = tpu.memref_slice %arg5[%dma_start3A_20] : memref<6272xi32, #tpu.memory_space<vmem>> -> memref<128xi32, #tpu.memory_space<vmem>>
      %dma_start3A_22 = arith.constant 0 : i32
      %dma_start3A_23 = arith.constant 0 : i32
      %dma_start3A_24 = tpu.memref_slice %arg2[%dma_start3A_22, %dma_start3A_23] : memref<50176x16xf32, #tpu.memory_space<hbm>> -> memref<50176x16xf32, #tpu.memory_space<hbm>>
      tpu.enqueue_indirect_dma source(%dma_start3A_24 : memref<50176x16xf32, #tpu.memory_space<hbm>>) target(%arg8 : memref<128x16xf32, #tpu.memory_space<vmem>>) offsets(%dma_start3A_21 : memref<128xi32, #tpu.memory_space<vmem>>) semaphore(%arg12 : memref<!tpu.dma_semaphore, #tpu.memory_space<semaphore_mem>>)
      %scan3A = arith.constant 0 : i32
      %scan3A_25 = arith.constant 0 : i32
      %scan3A_26 = arith.constant 13 : i32
      %scan3A_27 = arith.addi %scan3A_25, %scan3A_26 : i32
      %scan3A_28 = arith.constant 1 : i32
      scf.for %scan3A_53 = %scan3A_25 to %scan3A_27 step %scan3A_28  : i32 {
        %mul3A_54 = arith.constant 4 : i32
        %mul3A_55 = arith.muli %scan3A_53, %mul3A_54 : i32
        %add3A_56 = arith.constant 0 : i32
        %add3A_57 = arith.addi %mul3A_55, %add3A_56 : i32
        %lt3A = arith.constant 49 : i32
        %lt3A_58 = arith.cmpi slt, %add3A_57, %lt3A : i32
        %convert_element_type3A_59 = arith.extui %lt3A_58 : i1 to i32
        %cond3A_60 = arith.constant 0 : i32
        %cond3A_61 = arith.cmpi ne, %convert_element_type3A_59, %cond3A_60 : i32
        scf.if %cond3A_61 {
          %mul3A_124 = arith.constant 128 : i32
          %mul3A_125 = arith.muli %add3A_57, %mul3A_124 : i32
          %dma_wait3A_126 = tpu.memref_slice %arg5[%mul3A_125] : memref<6272xi32, #tpu.memory_space<vmem>> -> memref<128xi32, #tpu.memory_space<vmem>>
          %dma_wait3A_127 = arith.constant 0 : i32
          %dma_wait3A_128 = arith.constant 0 : i32
          %dma_wait3A_129 = tpu.memref_slice %arg2[%dma_wait3A_127, %dma_wait3A_128] : memref<50176x16xf32, #tpu.memory_space<hbm>> -> memref<50176x16xf32, #tpu.memory_space<hbm>>
          tpu.wait_indirect_dma semaphore(%arg10 : memref<!tpu.dma_semaphore, #tpu.memory_space<semaphore_mem>>) src(%dma_wait3A_129 : memref<50176x16xf32, #tpu.memory_space<hbm>>) dst(%arg6 : memref<128x16xf32, #tpu.memory_space<vmem>>)
          %mul3A_130 = arith.constant 128 : i32
          %mul3A_131 = arith.muli %add3A_57, %mul3A_130 : i32
          %add3A_132 = arith.addi %add3A_10, %mul3A_131 : i32
          %dma_start3A_133 = arith.constant 0 : i32
          %dma_start3A_134 = tpu.memref_slice %arg4[%add3A_132, %dma_start3A_133] : memref<200704x16xf32, #tpu.memory_space<hbm>> -> memref<128x16xf32, #tpu.memory_space<hbm>>
          %dma_start3A_135 = arith.constant 0 : i32
          %dma_start3A_136 = tpu.memref_slice %arg4[%add3A_132, %dma_start3A_135] : memref<200704x16xf32, #tpu.memory_space<hbm>> -> memref<128x16xf32, #tpu.memory_space<hbm>>
          tpu.enqueue_dma source(%arg6 : memref<128x16xf32, #tpu.memory_space<vmem>>) target(%dma_start3A_136 : memref<128x16xf32, #tpu.memory_space<hbm>>) target_semaphore(%arg14 : memref<!tpu.dma_semaphore, #tpu.memory_space<semaphore_mem>>)
        } else {
        }
        %add3A_62 = arith.constant 4 : i32
        %add3A_63 = arith.addi %add3A_57, %add3A_62 : i32
        %sub3A = arith.constant 1 : i32
        %sub3A_64 = arith.subi %add3A_63, %sub3A : i32
        %lt3A_65 = arith.constant 49 : i32
        %lt3A_66 = arith.cmpi slt, %sub3A_64, %lt3A_65 : i32
        %convert_element_type3A_67 = arith.extui %lt3A_66 : i1 to i32
        %cond3A_68 = arith.constant 0 : i32
        %cond3A_69 = arith.cmpi ne, %convert_element_type3A_67, %cond3A_68 : i32
        scf.if %cond3A_69 {
          %ge3A = arith.constant 1 : i32
          %ge3A_124 = arith.cmpi sge, %add3A_57, %ge3A : i32
          %convert_element_type3A_125 = arith.extui %ge3A_124 : i1 to i32
          %cond3A_126 = arith.constant 0 : i32
          %cond3A_127 = arith.cmpi ne, %convert_element_type3A_125, %cond3A_126 : i32
          scf.if %cond3A_127 {
            %sub3A_138 = arith.constant 1 : i32
            %sub3A_139 = arith.subi %add3A_57, %sub3A_138 : i32
            %mul3A_140 = arith.constant 128 : i32
            %mul3A_141 = arith.muli %sub3A_139, %mul3A_140 : i32
            %add3A_142 = arith.addi %add3A_10, %mul3A_141 : i32
            %dma_wait3A_143 = arith.constant 0 : i32
            %dma_wait3A_144 = tpu.memref_slice %arg4[%add3A_142, %dma_wait3A_143] : memref<200704x16xf32, #tpu.memory_space<hbm>> -> memref<128x16xf32, #tpu.memory_space<hbm>>
            %dma_wait3A_145 = arith.constant 0 : i32
            %dma_wait3A_146 = tpu.memref_slice %arg4[%add3A_142, %dma_wait3A_145] : memref<200704x16xf32, #tpu.memory_space<hbm>> -> memref<128x16xf32, #tpu.memory_space<hbm>>
            tpu.wait_dma2 semaphore(%arg17 : memref<!tpu.dma_semaphore, #tpu.memory_space<semaphore_mem>>) src(%arg9 : memref<128x16xf32, #tpu.memory_space<vmem>>) dst(%dma_wait3A_146 : memref<128x16xf32, #tpu.memory_space<hbm>>)
          } else {
          }
          %add3A_128 = arith.constant 4 : i32
          %add3A_129 = arith.addi %add3A_57, %add3A_128 : i32
          %sub3A_130 = arith.constant 1 : i32
          %sub3A_131 = arith.subi %add3A_129, %sub3A_130 : i32
          %mul3A_132 = arith.constant 128 : i32
          %mul3A_133 = arith.muli %sub3A_131, %mul3A_132 : i32
          %dma_start3A_134 = tpu.memref_slice %arg5[%mul3A_133] : memref<6272xi32, #tpu.memory_space<vmem>> -> memref<128xi32, #tpu.memory_space<vmem>>
          %dma_start3A_135 = arith.constant 0 : i32
          %dma_start3A_136 = arith.constant 0 : i32
          %dma_start3A_137 = tpu.memref_slice %arg2[%dma_start3A_135, %dma_start3A_136] : memref<50176x16xf32, #tpu.memory_space<hbm>> -> memref<50176x16xf32, #tpu.memory_space<hbm>>
          tpu.enqueue_indirect_dma source(%dma_start3A_137 : memref<50176x16xf32, #tpu.memory_space<hbm>>) target(%arg9 : memref<128x16xf32, #tpu.memory_space<vmem>>) offsets(%dma_start3A_134 : memref<128xi32, #tpu.memory_space<vmem>>) semaphore(%arg13 : memref<!tpu.dma_semaphore, #tpu.memory_space<semaphore_mem>>)
        } else {
        }
        %mul3A_70 = arith.constant 4 : i32
        %mul3A_71 = arith.muli %scan3A_53, %mul3A_70 : i32
        %add3A_72 = arith.constant 1 : i32
        %add3A_73 = arith.addi %mul3A_71, %add3A_72 : i32
        %lt3A_74 = arith.constant 49 : i32
        %lt3A_75 = arith.cmpi slt, %add3A_73, %lt3A_74 : i32
        %convert_element_type3A_76 = arith.extui %lt3A_75 : i1 to i32
        %cond3A_77 = arith.constant 0 : i32
        %cond3A_78 = arith.cmpi ne, %convert_element_type3A_76, %cond3A_77 : i32
        scf.if %cond3A_78 {
          %mul3A_124 = arith.constant 128 : i32
          %mul3A_125 = arith.muli %add3A_73, %mul3A_124 : i32
          %dma_wait3A_126 = tpu.memref_slice %arg5[%mul3A_125] : memref<6272xi32, #tpu.memory_space<vmem>> -> memref<128xi32, #tpu.memory_space<vmem>>
          %dma_wait3A_127 = arith.constant 0 : i32
          %dma_wait3A_128 = arith.constant 0 : i32
          %dma_wait3A_129 = tpu.memref_slice %arg2[%dma_wait3A_127, %dma_wait3A_128] : memref<50176x16xf32, #tpu.memory_space<hbm>> -> memref<50176x16xf32, #tpu.memory_space<hbm>>
          tpu.wait_indirect_dma semaphore(%arg11 : memref<!tpu.dma_semaphore, #tpu.memory_space<semaphore_mem>>) src(%dma_wait3A_129 : memref<50176x16xf32, #tpu.memory_space<hbm>>) dst(%arg7 : memref<128x16xf32, #tpu.memory_space<vmem>>)
          %mul3A_130 = arith.constant 128 : i32
          %mul3A_131 = arith.muli %add3A_73, %mul3A_130 : i32
          %add3A_132 = arith.addi %add3A_10, %mul3A_131 : i32
          %dma_start3A_133 = arith.constant 0 : i32
          %dma_start3A_134 = tpu.memref_slice %arg4[%add3A_132, %dma_start3A_133] : memref<200704x16xf32, #tpu.memory_space<hbm>> -> memref<128x16xf32, #tpu.memory_space<hbm>>
          %dma_start3A_135 = arith.constant 0 : i32
          %dma_start3A_136 = tpu.memref_slice %arg4[%add3A_132, %dma_start3A_135] : memref<200704x16xf32, #tpu.memory_space<hbm>> -> memref<128x16xf32, #tpu.memory_space<hbm>>
          tpu.enqueue_dma source(%arg7 : memref<128x16xf32, #tpu.memory_space<vmem>>) target(%dma_start3A_136 : memref<128x16xf32, #tpu.memory_space<hbm>>) target_semaphore(%arg15 : memref<!tpu.dma_semaphore, #tpu.memory_space<semaphore_mem>>)
        } else {
        }
        %add3A_79 = arith.constant 4 : i32
        %add3A_80 = arith.addi %add3A_73, %add3A_79 : i32
        %sub3A_81 = arith.constant 1 : i32
        %sub3A_82 = arith.subi %add3A_80, %sub3A_81 : i32
        %lt3A_83 = arith.constant 49 : i32
        %lt3A_84 = arith.cmpi slt, %sub3A_82, %lt3A_83 : i32
        %convert_element_type3A_85 = arith.extui %lt3A_84 : i1 to i32
        %cond3A_86 = arith.constant 0 : i32
        %cond3A_87 = arith.cmpi ne, %convert_element_type3A_85, %cond3A_86 : i32
        scf.if %cond3A_87 {
          %ge3A = arith.constant 1 : i32
          %ge3A_124 = arith.cmpi sge, %add3A_73, %ge3A : i32
          %convert_element_type3A_125 = arith.extui %ge3A_124 : i1 to i32
          %cond3A_126 = arith.constant 0 : i32
          %cond3A_127 = arith.cmpi ne, %convert_element_type3A_125, %cond3A_126 : i32
          scf.if %cond3A_127 {
            %sub3A_138 = arith.constant 1 : i32
            %sub3A_139 = arith.subi %add3A_73, %sub3A_138 : i32
            %mul3A_140 = arith.constant 128 : i32
            %mul3A_141 = arith.muli %sub3A_139, %mul3A_140 : i32
            %add3A_142 = arith.addi %add3A_10, %mul3A_141 : i32
            %dma_wait3A_143 = arith.constant 0 : i32
            %dma_wait3A_144 = tpu.memref_slice %arg4[%add3A_142, %dma_wait3A_143] : memref<200704x16xf32, #tpu.memory_space<hbm>> -> memref<128x16xf32, #tpu.memory_space<hbm>>
            %dma_wait3A_145 = arith.constant 0 : i32
            %dma_wait3A_146 = tpu.memref_slice %arg4[%add3A_142, %dma_wait3A_145] : memref<200704x16xf32, #tpu.memory_space<hbm>> -> memref<128x16xf32, #tpu.memory_space<hbm>>
            tpu.wait_dma2 semaphore(%arg14 : memref<!tpu.dma_semaphore, #tpu.memory_space<semaphore_mem>>) src(%arg6 : memref<128x16xf32, #tpu.memory_space<vmem>>) dst(%dma_wait3A_146 : memref<128x16xf32, #tpu.memory_space<hbm>>)
          } else {
          }
          %add3A_128 = arith.constant 4 : i32
          %add3A_129 = arith.addi %add3A_73, %add3A_128 : i32
          %sub3A_130 = arith.constant 1 : i32
          %sub3A_131 = arith.subi %add3A_129, %sub3A_130 : i32
          %mul3A_132 = arith.constant 128 : i32
          %mul3A_133 = arith.muli %sub3A_131, %mul3A_132 : i32
          %dma_start3A_134 = tpu.memref_slice %arg5[%mul3A_133] : memref<6272xi32, #tpu.memory_space<vmem>> -> memref<128xi32, #tpu.memory_space<vmem>>
          %dma_start3A_135 = arith.constant 0 : i32
          %dma_start3A_136 = arith.constant 0 : i32
          %dma_start3A_137 = tpu.memref_slice %arg2[%dma_start3A_135, %dma_start3A_136] : memref<50176x16xf32, #tpu.memory_space<hbm>> -> memref<50176x16xf32, #tpu.memory_space<hbm>>
          tpu.enqueue_indirect_dma source(%dma_start3A_137 : memref<50176x16xf32, #tpu.memory_space<hbm>>) target(%arg6 : memref<128x16xf32, #tpu.memory_space<vmem>>) offsets(%dma_start3A_134 : memref<128xi32, #tpu.memory_space<vmem>>) semaphore(%arg10 : memref<!tpu.dma_semaphore, #tpu.memory_space<semaphore_mem>>)
        } else {
        }
        %mul3A_88 = arith.constant 4 : i32
        %mul3A_89 = arith.muli %scan3A_53, %mul3A_88 : i32
        %add3A_90 = arith.constant 2 : i32
        %add3A_91 = arith.addi %mul3A_89, %add3A_90 : i32
        %lt3A_92 = arith.constant 49 : i32
        %lt3A_93 = arith.cmpi slt, %add3A_91, %lt3A_92 : i32
        %convert_element_type3A_94 = arith.extui %lt3A_93 : i1 to i32
        %cond3A_95 = arith.constant 0 : i32
        %cond3A_96 = arith.cmpi ne, %convert_element_type3A_94, %cond3A_95 : i32
        scf.if %cond3A_96 {
          %mul3A_124 = arith.constant 128 : i32
          %mul3A_125 = arith.muli %add3A_91, %mul3A_124 : i32
          %dma_wait3A_126 = tpu.memref_slice %arg5[%mul3A_125] : memref<6272xi32, #tpu.memory_space<vmem>> -> memref<128xi32, #tpu.memory_space<vmem>>
          %dma_wait3A_127 = arith.constant 0 : i32
          %dma_wait3A_128 = arith.constant 0 : i32
          %dma_wait3A_129 = tpu.memref_slice %arg2[%dma_wait3A_127, %dma_wait3A_128] : memref<50176x16xf32, #tpu.memory_space<hbm>> -> memref<50176x16xf32, #tpu.memory_space<hbm>>
          tpu.wait_indirect_dma semaphore(%arg12 : memref<!tpu.dma_semaphore, #tpu.memory_space<semaphore_mem>>) src(%dma_wait3A_129 : memref<50176x16xf32, #tpu.memory_space<hbm>>) dst(%arg8 : memref<128x16xf32, #tpu.memory_space<vmem>>)
          %mul3A_130 = arith.constant 128 : i32
          %mul3A_131 = arith.muli %add3A_91, %mul3A_130 : i32
          %add3A_132 = arith.addi %add3A_10, %mul3A_131 : i32
          %dma_start3A_133 = arith.constant 0 : i32
          %dma_start3A_134 = tpu.memref_slice %arg4[%add3A_132, %dma_start3A_133] : memref<200704x16xf32, #tpu.memory_space<hbm>> -> memref<128x16xf32, #tpu.memory_space<hbm>>
          %dma_start3A_135 = arith.constant 0 : i32
          %dma_start3A_136 = tpu.memref_slice %arg4[%add3A_132, %dma_start3A_135] : memref<200704x16xf32, #tpu.memory_space<hbm>> -> memref<128x16xf32, #tpu.memory_space<hbm>>
          tpu.enqueue_dma source(%arg8 : memref<128x16xf32, #tpu.memory_space<vmem>>) target(%dma_start3A_136 : memref<128x16xf32, #tpu.memory_space<hbm>>) target_semaphore(%arg16 : memref<!tpu.dma_semaphore, #tpu.memory_space<semaphore_mem>>)
        } else {
        }
        %add3A_97 = arith.constant 4 : i32
        %add3A_98 = arith.addi %add3A_91, %add3A_97 : i32
        %sub3A_99 = arith.constant 1 : i32
        %sub3A_100 = arith.subi %add3A_98, %sub3A_99 : i32
        %lt3A_101 = arith.constant 49 : i32
        %lt3A_102 = arith.cmpi slt, %sub3A_100, %lt3A_101 : i32
        %convert_element_type3A_103 = arith.extui %lt3A_102 : i1 to i32
        %cond3A_104 = arith.constant 0 : i32
        %cond3A_105 = arith.cmpi ne, %convert_element_type3A_103, %cond3A_104 : i32
        scf.if %cond3A_105 {
          %ge3A = arith.constant 1 : i32
          %ge3A_124 = arith.cmpi sge, %add3A_91, %ge3A : i32
          %convert_element_type3A_125 = arith.extui %ge3A_124 : i1 to i32
          %cond3A_126 = arith.constant 0 : i32
          %cond3A_127 = arith.cmpi ne, %convert_element_type3A_125, %cond3A_126 : i32
          scf.if %cond3A_127 {
            %sub3A_138 = arith.constant 1 : i32
            %sub3A_139 = arith.subi %add3A_91, %sub3A_138 : i32
            %mul3A_140 = arith.constant 128 : i32
            %mul3A_141 = arith.muli %sub3A_139, %mul3A_140 : i32
            %add3A_142 = arith.addi %add3A_10, %mul3A_141 : i32
            %dma_wait3A_143 = arith.constant 0 : i32
            %dma_wait3A_144 = tpu.memref_slice %arg4[%add3A_142, %dma_wait3A_143] : memref<200704x16xf32, #tpu.memory_space<hbm>> -> memref<128x16xf32, #tpu.memory_space<hbm>>
            %dma_wait3A_145 = arith.constant 0 : i32
            %dma_wait3A_146 = tpu.memref_slice %arg4[%add3A_142, %dma_wait3A_145] : memref<200704x16xf32, #tpu.memory_space<hbm>> -> memref<128x16xf32, #tpu.memory_space<hbm>>
            tpu.wait_dma2 semaphore(%arg15 : memref<!tpu.dma_semaphore, #tpu.memory_space<semaphore_mem>>) src(%arg7 : memref<128x16xf32, #tpu.memory_space<vmem>>) dst(%dma_wait3A_146 : memref<128x16xf32, #tpu.memory_space<hbm>>)
          } else {
          }
          %add3A_128 = arith.constant 4 : i32
          %add3A_129 = arith.addi %add3A_91, %add3A_128 : i32
          %sub3A_130 = arith.constant 1 : i32
          %sub3A_131 = arith.subi %add3A_129, %sub3A_130 : i32
          %mul3A_132 = arith.constant 128 : i32
          %mul3A_133 = arith.muli %sub3A_131, %mul3A_132 : i32
          %dma_start3A_134 = tpu.memref_slice %arg5[%mul3A_133] : memref<6272xi32, #tpu.memory_space<vmem>> -> memref<128xi32, #tpu.memory_space<vmem>>
          %dma_start3A_135 = arith.constant 0 : i32
          %dma_start3A_136 = arith.constant 0 : i32
          %dma_start3A_137 = tpu.memref_slice %arg2[%dma_start3A_135, %dma_start3A_136] : memref<50176x16xf32, #tpu.memory_space<hbm>> -> memref<50176x16xf32, #tpu.memory_space<hbm>>
          tpu.enqueue_indirect_dma source(%dma_start3A_137 : memref<50176x16xf32, #tpu.memory_space<hbm>>) target(%arg7 : memref<128x16xf32, #tpu.memory_space<vmem>>) offsets(%dma_start3A_134 : memref<128xi32, #tpu.memory_space<vmem>>) semaphore(%arg11 : memref<!tpu.dma_semaphore, #tpu.memory_space<semaphore_mem>>)
        } else {
        }
        %mul3A_106 = arith.constant 4 : i32
        %mul3A_107 = arith.muli %scan3A_53, %mul3A_106 : i32
        %add3A_108 = arith.constant 3 : i32
        %add3A_109 = arith.addi %mul3A_107, %add3A_108 : i32
        %lt3A_110 = arith.constant 49 : i32
        %lt3A_111 = arith.cmpi slt, %add3A_109, %lt3A_110 : i32
        %convert_element_type3A_112 = arith.extui %lt3A_111 : i1 to i32
        %cond3A_113 = arith.constant 0 : i32
        %cond3A_114 = arith.cmpi ne, %convert_element_type3A_112, %cond3A_113 : i32
        scf.if %cond3A_114 {
          %mul3A_124 = arith.constant 128 : i32
          %mul3A_125 = arith.muli %add3A_109, %mul3A_124 : i32
          %dma_wait3A_126 = tpu.memref_slice %arg5[%mul3A_125] : memref<6272xi32, #tpu.memory_space<vmem>> -> memref<128xi32, #tpu.memory_space<vmem>>
          %dma_wait3A_127 = arith.constant 0 : i32
          %dma_wait3A_128 = arith.constant 0 : i32
          %dma_wait3A_129 = tpu.memref_slice %arg2[%dma_wait3A_127, %dma_wait3A_128] : memref<50176x16xf32, #tpu.memory_space<hbm>> -> memref<50176x16xf32, #tpu.memory_space<hbm>>
          tpu.wait_indirect_dma semaphore(%arg13 : memref<!tpu.dma_semaphore, #tpu.memory_space<semaphore_mem>>) src(%dma_wait3A_129 : memref<50176x16xf32, #tpu.memory_space<hbm>>) dst(%arg9 : memref<128x16xf32, #tpu.memory_space<vmem>>)
          %mul3A_130 = arith.constant 128 : i32
          %mul3A_131 = arith.muli %add3A_109, %mul3A_130 : i32
          %add3A_132 = arith.addi %add3A_10, %mul3A_131 : i32
          %dma_start3A_133 = arith.constant 0 : i32
          %dma_start3A_134 = tpu.memref_slice %arg4[%add3A_132, %dma_start3A_133] : memref<200704x16xf32, #tpu.memory_space<hbm>> -> memref<128x16xf32, #tpu.memory_space<hbm>>
          %dma_start3A_135 = arith.constant 0 : i32
          %dma_start3A_136 = tpu.memref_slice %arg4[%add3A_132, %dma_start3A_135] : memref<200704x16xf32, #tpu.memory_space<hbm>> -> memref<128x16xf32, #tpu.memory_space<hbm>>
          tpu.enqueue_dma source(%arg9 : memref<128x16xf32, #tpu.memory_space<vmem>>) target(%dma_start3A_136 : memref<128x16xf32, #tpu.memory_space<hbm>>) target_semaphore(%arg17 : memref<!tpu.dma_semaphore, #tpu.memory_space<semaphore_mem>>)
        } else {
        }
        %add3A_115 = arith.constant 4 : i32
        %add3A_116 = arith.addi %add3A_109, %add3A_115 : i32
        %sub3A_117 = arith.constant 1 : i32
        %sub3A_118 = arith.subi %add3A_116, %sub3A_117 : i32
        %lt3A_119 = arith.constant 49 : i32
        %lt3A_120 = arith.cmpi slt, %sub3A_118, %lt3A_119 : i32
        %convert_element_type3A_121 = arith.extui %lt3A_120 : i1 to i32
        %cond3A_122 = arith.constant 0 : i32
        %cond3A_123 = arith.cmpi ne, %convert_element_type3A_121, %cond3A_122 : i32
        scf.if %cond3A_123 {
          %ge3A = arith.constant 1 : i32
          %ge3A_124 = arith.cmpi sge, %add3A_109, %ge3A : i32
          %convert_element_type3A_125 = arith.extui %ge3A_124 : i1 to i32
          %cond3A_126 = arith.constant 0 : i32
          %cond3A_127 = arith.cmpi ne, %convert_element_type3A_125, %cond3A_126 : i32
          scf.if %cond3A_127 {
            %sub3A_138 = arith.constant 1 : i32
            %sub3A_139 = arith.subi %add3A_109, %sub3A_138 : i32
            %mul3A_140 = arith.constant 128 : i32
            %mul3A_141 = arith.muli %sub3A_139, %mul3A_140 : i32
            %add3A_142 = arith.addi %add3A_10, %mul3A_141 : i32
            %dma_wait3A_143 = arith.constant 0 : i32
            %dma_wait3A_144 = tpu.memref_slice %arg4[%add3A_142, %dma_wait3A_143] : memref<200704x16xf32, #tpu.memory_space<hbm>> -> memref<128x16xf32, #tpu.memory_space<hbm>>
            %dma_wait3A_145 = arith.constant 0 : i32
            %dma_wait3A_146 = tpu.memref_slice %arg4[%add3A_142, %dma_wait3A_145] : memref<200704x16xf32, #tpu.memory_space<hbm>> -> memref<128x16xf32, #tpu.memory_space<hbm>>
            tpu.wait_dma2 semaphore(%arg16 : memref<!tpu.dma_semaphore, #tpu.memory_space<semaphore_mem>>) src(%arg8 : memref<128x16xf32, #tpu.memory_space<vmem>>) dst(%dma_wait3A_146 : memref<128x16xf32, #tpu.memory_space<hbm>>)
          } else {
          }
          %add3A_128 = arith.constant 4 : i32
          %add3A_129 = arith.addi %add3A_109, %add3A_128 : i32
          %sub3A_130 = arith.constant 1 : i32
          %sub3A_131 = arith.subi %add3A_129, %sub3A_130 : i32
          %mul3A_132 = arith.constant 128 : i32
          %mul3A_133 = arith.muli %sub3A_131, %mul3A_132 : i32
          %dma_start3A_134 = tpu.memref_slice %arg5[%mul3A_133] : memref<6272xi32, #tpu.memory_space<vmem>> -> memref<128xi32, #tpu.memory_space<vmem>>
          %dma_start3A_135 = arith.constant 0 : i32
          %dma_start3A_136 = arith.constant 0 : i32
          %dma_start3A_137 = tpu.memref_slice %arg2[%dma_start3A_135, %dma_start3A_136] : memref<50176x16xf32, #tpu.memory_space<hbm>> -> memref<50176x16xf32, #tpu.memory_space<hbm>>
          tpu.enqueue_indirect_dma source(%dma_start3A_137 : memref<50176x16xf32, #tpu.memory_space<hbm>>) target(%arg8 : memref<128x16xf32, #tpu.memory_space<vmem>>) offsets(%dma_start3A_134 : memref<128xi32, #tpu.memory_space<vmem>>) semaphore(%arg12 : memref<!tpu.dma_semaphore, #tpu.memory_space<semaphore_mem>>)
        } else {
        }
      }
      %scan3A_29 = arith.constant 13 : i32
      %add3A_30 = arith.constant 5760 : i32
      %add3A_31 = arith.addi %add3A_10, %add3A_30 : i32
      %dma_wait3A = arith.constant 0 : i32
      %dma_wait3A_32 = tpu.memref_slice %arg4[%add3A_31, %dma_wait3A] : memref<200704x16xf32, #tpu.memory_space<hbm>> -> memref<128x16xf32, #tpu.memory_space<hbm>>
      %dma_wait3A_33 = arith.constant 0 : i32
      %dma_wait3A_34 = tpu.memref_slice %arg4[%add3A_31, %dma_wait3A_33] : memref<200704x16xf32, #tpu.memory_space<hbm>> -> memref<128x16xf32, #tpu.memory_space<hbm>>
      tpu.wait_dma2 semaphore(%arg15 : memref<!tpu.dma_semaphore, #tpu.memory_space<semaphore_mem>>) src(%arg7 : memref<128x16xf32, #tpu.memory_space<vmem>>) dst(%dma_wait3A_34 : memref<128x16xf32, #tpu.memory_space<hbm>>)
      %add3A_35 = arith.constant 5888 : i32
      %add3A_36 = arith.addi %add3A_10, %add3A_35 : i32
      %dma_wait3A_37 = arith.constant 0 : i32
      %dma_wait3A_38 = tpu.memref_slice %arg4[%add3A_36, %dma_wait3A_37] : memref<200704x16xf32, #tpu.memory_space<hbm>> -> memref<128x16xf32, #tpu.memory_space<hbm>>
      %dma_wait3A_39 = arith.constant 0 : i32
      %dma_wait3A_40 = tpu.memref_slice %arg4[%add3A_36, %dma_wait3A_39] : memref<200704x16xf32, #tpu.memory_space<hbm>> -> memref<128x16xf32, #tpu.memory_space<hbm>>
      tpu.wait_dma2 semaphore(%arg16 : memref<!tpu.dma_semaphore, #tpu.memory_space<semaphore_mem>>) src(%arg8 : memref<128x16xf32, #tpu.memory_space<vmem>>) dst(%dma_wait3A_40 : memref<128x16xf32, #tpu.memory_space<hbm>>)
      %add3A_41 = arith.constant 6016 : i32
      %add3A_42 = arith.addi %add3A_10, %add3A_41 : i32
      %dma_wait3A_43 = arith.constant 0 : i32
      %dma_wait3A_44 = tpu.memref_slice %arg4[%add3A_42, %dma_wait3A_43] : memref<200704x16xf32, #tpu.memory_space<hbm>> -> memref<128x16xf32, #tpu.memory_space<hbm>>
      %dma_wait3A_45 = arith.constant 0 : i32
      %dma_wait3A_46 = tpu.memref_slice %arg4[%add3A_42, %dma_wait3A_45] : memref<200704x16xf32, #tpu.memory_space<hbm>> -> memref<128x16xf32, #tpu.memory_space<hbm>>
      tpu.wait_dma2 semaphore(%arg17 : memref<!tpu.dma_semaphore, #tpu.memory_space<semaphore_mem>>) src(%arg9 : memref<128x16xf32, #tpu.memory_space<vmem>>) dst(%dma_wait3A_46 : memref<128x16xf32, #tpu.memory_space<hbm>>)
      %add3A_47 = arith.constant 6144 : i32
      %add3A_48 = arith.addi %add3A_10, %add3A_47 : i32
      %dma_wait3A_49 = arith.constant 0 : i32
      %dma_wait3A_50 = tpu.memref_slice %arg4[%add3A_48, %dma_wait3A_49] : memref<200704x16xf32, #tpu.memory_space<hbm>> -> memref<128x16xf32, #tpu.memory_space<hbm>>
      %dma_wait3A_51 = arith.constant 0 : i32
      %dma_wait3A_52 = tpu.memref_slice %arg4[%add3A_48, %dma_wait3A_51] : memref<200704x16xf32, #tpu.memory_space<hbm>> -> memref<128x16xf32, #tpu.memory_space<hbm>>
      tpu.wait_dma2 semaphore(%arg14 : memref<!tpu.dma_semaphore, #tpu.memory_space<semaphore_mem>>) src(%arg6 : memref<128x16xf32, #tpu.memory_space<vmem>>) dst(%dma_wait3A_52 : memref<128x16xf32, #tpu.memory_space<hbm>>)
    } else {
    }
    return
  }
}

#map = affine_map<(d0, d1) -> (0, 0)>
#map1 = affine_map<(d0, d1) -> (0)>
module attributes {stable_mosaic.version = 14 : i64} {
  func.func @gather_k(%arg0: i32, %arg1: i32, %arg2: memref<50176x128xf32, #tpu.memory_space<hbm>>, %arg3: memref<200704xi32, #tpu.memory_space<hbm>>, %arg4: memref<200704x128xf32, #tpu.memory_space<hbm>>, %arg5: memref<6272xi32, #tpu.memory_space<vmem>>, %arg6: memref<128x128xf32, #tpu.memory_space<vmem>>, %arg7: memref<128x128xf32, #tpu.memory_space<vmem>>, %arg8: memref<128x128xf32, #tpu.memory_space<vmem>>, %arg9: memref<128x128xf32, #tpu.memory_space<vmem>>, %arg10: memref<!tpu.dma_semaphore, #tpu.memory_space<semaphore_mem>>, %arg11: memref<!tpu.dma_semaphore, #tpu.memory_space<semaphore_mem>>, %arg12: memref<!tpu.dma_semaphore, #tpu.memory_space<semaphore_mem>>, %arg13: memref<!tpu.dma_semaphore, #tpu.memory_space<semaphore_mem>>, %arg14: memref<!tpu.dma_semaphore, #tpu.memory_space<semaphore_mem>>, %arg15: memref<!tpu.dma_semaphore, #tpu.memory_space<semaphore_mem>>, %arg16: memref<!tpu.dma_semaphore, #tpu.memory_space<semaphore_mem>>, %arg17: memref<!tpu.dma_semaphore, #tpu.memory_space<semaphore_mem>>) attributes {dimension_semantics = [#tpu.dimension_semantics<core_parallel>, #tpu.dimension_semantics<subcore_parallel>], iteration_bounds = array<i64: 2, 16>, scalar_prefetch = 0 : i64, scratch_operands = 13 : i64, tpu.core_type = #tpu.core_type<sc_vector_subcore>, window_params = [{transform_indices = #map}, {transform_indices = #map1}, {transform_indices = #map}]} {
    %mul3A = arith.constant 2 : i32
    %mul3A_0 = arith.muli %arg1, %mul3A : i32
    %mul3A_1 = arith.constant 6272 : i32
    %mul3A_2 = arith.muli %mul3A_0, %mul3A_1 : i32
    %eq3A = arith.constant 0 : i32
    %eq3A_3 = arith.cmpi eq, %arg0, %eq3A : i32
    %convert_element_type3A = arith.extui %eq3A_3 : i1 to i32
    %cond3A = arith.constant 0 : i32
    %cond3A_4 = arith.cmpi ne, %convert_element_type3A, %cond3A : i32
    scf.if %cond3A_4 {
      "tpu.region"() ({
        %run_scoped3A = tpu.sem_alloc : memref<!tpu.dma_semaphore, #tpu.memory_space<semaphore_mem>>
        %dma_start3A_51 = arith.constant 0 : i32
        %dma_start3A_52 = tpu.memref_slice %arg5[%dma_start3A_51] : memref<6272xi32, #tpu.memory_space<vmem>> -> memref<6272xi32, #tpu.memory_space<vmem>>
        %dma_start3A_53 = tpu.memref_slice %arg3[%mul3A_2] : memref<200704xi32, #tpu.memory_space<hbm>> -> memref<6272xi32, #tpu.memory_space<hbm>>
        %dma_start3A_54 = arith.constant 0 : i32
        %dma_start3A_55 = tpu.memref_slice %arg5[%dma_start3A_54] : memref<6272xi32, #tpu.memory_space<vmem>> -> memref<6272xi32, #tpu.memory_space<vmem>>
        %dma_start3A_56 = tpu.memref_slice %arg3[%mul3A_2] : memref<200704xi32, #tpu.memory_space<hbm>> -> memref<6272xi32, #tpu.memory_space<hbm>>
        tpu.enqueue_dma source(%dma_start3A_56 : memref<6272xi32, #tpu.memory_space<hbm>>) target(%dma_start3A_55 : memref<6272xi32, #tpu.memory_space<vmem>>) target_semaphore(%run_scoped3A : memref<!tpu.dma_semaphore, #tpu.memory_space<semaphore_mem>>)
        %dma_wait3A_57 = arith.constant 0 : i32
        %dma_wait3A_58 = tpu.memref_slice %arg5[%dma_wait3A_57] : memref<6272xi32, #tpu.memory_space<vmem>> -> memref<6272xi32, #tpu.memory_space<vmem>>
        %dma_wait3A_59 = tpu.memref_slice %arg3[%mul3A_2] : memref<200704xi32, #tpu.memory_space<hbm>> -> memref<6272xi32, #tpu.memory_space<hbm>>
        %dma_wait3A_60 = arith.constant 0 : i32
        %dma_wait3A_61 = tpu.memref_slice %arg5[%dma_wait3A_60] : memref<6272xi32, #tpu.memory_space<vmem>> -> memref<6272xi32, #tpu.memory_space<vmem>>
        %dma_wait3A_62 = tpu.memref_slice %arg3[%mul3A_2] : memref<200704xi32, #tpu.memory_space<hbm>> -> memref<6272xi32, #tpu.memory_space<hbm>>
        tpu.wait_dma2 semaphore(%run_scoped3A : memref<!tpu.dma_semaphore, #tpu.memory_space<semaphore_mem>>) src(%dma_wait3A_62 : memref<6272xi32, #tpu.memory_space<hbm>>) dst(%dma_wait3A_61 : memref<6272xi32, #tpu.memory_space<vmem>>)
        tpu.yield
      }) : () -> ()
      %dma_start3A = arith.constant 0 : i32
      %dma_start3A_10 = tpu.memref_slice %arg5[%dma_start3A] : memref<6272xi32, #tpu.memory_space<vmem>> -> memref<128xi32, #tpu.memory_space<vmem>>
      %dma_start3A_11 = arith.constant 0 : i32
      %dma_start3A_12 = arith.constant 0 : i32
      %dma_start3A_13 = tpu.memref_slice %arg2[%dma_start3A_11, %dma_start3A_12] : memref<50176x128xf32, #tpu.memory_space<hbm>> -> memref<50176x128xf32, #tpu.memory_space<hbm>>
      tpu.enqueue_indirect_dma source(%dma_start3A_13 : memref<50176x128xf32, #tpu.memory_space<hbm>>) target(%arg6 : memref<128x128xf32, #tpu.memory_space<vmem>>) offsets(%dma_start3A_10 : memref<128xi32, #tpu.memory_space<vmem>>) semaphore(%arg10 : memref<!tpu.dma_semaphore, #tpu.memory_space<semaphore_mem>>)
      %dma_start3A_14 = arith.constant 128 : i32
      %dma_start3A_15 = tpu.memref_slice %arg5[%dma_start3A_14] : memref<6272xi32, #tpu.memory_space<vmem>> -> memref<128xi32, #tpu.memory_space<vmem>>
      %dma_start3A_16 = arith.constant 0 : i32
      %dma_start3A_17 = arith.constant 0 : i32
      %dma_start3A_18 = tpu.memref_slice %arg2[%dma_start3A_16, %dma_start3A_17] : memref<50176x128xf32, #tpu.memory_space<hbm>> -> memref<50176x128xf32, #tpu.memory_space<hbm>>
      tpu.enqueue_indirect_dma source(%dma_start3A_18 : memref<50176x128xf32, #tpu.memory_space<hbm>>) target(%arg7 : memref<128x128xf32, #tpu.memory_space<vmem>>) offsets(%dma_start3A_15 : memref<128xi32, #tpu.memory_space<vmem>>) semaphore(%arg11 : memref<!tpu.dma_semaphore, #tpu.memory_space<semaphore_mem>>)
      %dma_start3A_19 = arith.constant 256 : i32
      %dma_start3A_20 = tpu.memref_slice %arg5[%dma_start3A_19] : memref<6272xi32, #tpu.memory_space<vmem>> -> memref<128xi32, #tpu.memory_space<vmem>>
      %dma_start3A_21 = arith.constant 0 : i32
      %dma_start3A_22 = arith.constant 0 : i32
      %dma_start3A_23 = tpu.memref_slice %arg2[%dma_start3A_21, %dma_start3A_22] : memref<50176x128xf32, #tpu.memory_space<hbm>> -> memref<50176x128xf32, #tpu.memory_space<hbm>>
      tpu.enqueue_indirect_dma source(%dma_start3A_23 : memref<50176x128xf32, #tpu.memory_space<hbm>>) target(%arg8 : memref<128x128xf32, #tpu.memory_space<vmem>>) offsets(%dma_start3A_20 : memref<128xi32, #tpu.memory_space<vmem>>) semaphore(%arg12 : memref<!tpu.dma_semaphore, #tpu.memory_space<semaphore_mem>>)
      %scan3A = arith.constant 0 : i32
      %scan3A_24 = arith.constant 0 : i32
      %scan3A_25 = arith.constant 13 : i32
      %scan3A_26 = arith.addi %scan3A_24, %scan3A_25 : i32
      %scan3A_27 = arith.constant 1 : i32
      scf.for %scan3A_51 = %scan3A_24 to %scan3A_26 step %scan3A_27  : i32 {
        %mul3A_52 = arith.constant 4 : i32
        %mul3A_53 = arith.muli %scan3A_51, %mul3A_52 : i32
        %add3A_54 = arith.constant 0 : i32
        %add3A_55 = arith.addi %mul3A_53, %add3A_54 : i32
        %lt3A = arith.constant 49 : i32
        %lt3A_56 = arith.cmpi slt, %add3A_55, %lt3A : i32
        %convert_element_type3A_57 = arith.extui %lt3A_56 : i1 to i32
        %cond3A_58 = arith.constant 0 : i32
        %cond3A_59 = arith.cmpi ne, %convert_element_type3A_57, %cond3A_58 : i32
        scf.if %cond3A_59 {
          %mul3A_122 = arith.constant 128 : i32
          %mul3A_123 = arith.muli %add3A_55, %mul3A_122 : i32
          %dma_wait3A_124 = tpu.memref_slice %arg5[%mul3A_123] : memref<6272xi32, #tpu.memory_space<vmem>> -> memref<128xi32, #tpu.memory_space<vmem>>
          %dma_wait3A_125 = arith.constant 0 : i32
          %dma_wait3A_126 = arith.constant 0 : i32
          %dma_wait3A_127 = tpu.memref_slice %arg2[%dma_wait3A_125, %dma_wait3A_126] : memref<50176x128xf32, #tpu.memory_space<hbm>> -> memref<50176x128xf32, #tpu.memory_space<hbm>>
          tpu.wait_indirect_dma semaphore(%arg10 : memref<!tpu.dma_semaphore, #tpu.memory_space<semaphore_mem>>) src(%dma_wait3A_127 : memref<50176x128xf32, #tpu.memory_space<hbm>>) dst(%arg6 : memref<128x128xf32, #tpu.memory_space<vmem>>)
          %mul3A_128 = arith.constant 128 : i32
          %mul3A_129 = arith.muli %add3A_55, %mul3A_128 : i32
          %add3A_130 = arith.addi %mul3A_2, %mul3A_129 : i32
          %dma_start3A_131 = arith.constant 0 : i32
          %dma_start3A_132 = tpu.memref_slice %arg4[%add3A_130, %dma_start3A_131] : memref<200704x128xf32, #tpu.memory_space<hbm>> -> memref<128x128xf32, #tpu.memory_space<hbm>>
          %dma_start3A_133 = arith.constant 0 : i32
          %dma_start3A_134 = tpu.memref_slice %arg4[%add3A_130, %dma_start3A_133] : memref<200704x128xf32, #tpu.memory_space<hbm>> -> memref<128x128xf32, #tpu.memory_space<hbm>>
          tpu.enqueue_dma source(%arg6 : memref<128x128xf32, #tpu.memory_space<vmem>>) target(%dma_start3A_134 : memref<128x128xf32, #tpu.memory_space<hbm>>) target_semaphore(%arg14 : memref<!tpu.dma_semaphore, #tpu.memory_space<semaphore_mem>>)
        } else {
        }
        %add3A_60 = arith.constant 4 : i32
        %add3A_61 = arith.addi %add3A_55, %add3A_60 : i32
        %sub3A = arith.constant 1 : i32
        %sub3A_62 = arith.subi %add3A_61, %sub3A : i32
        %lt3A_63 = arith.constant 49 : i32
        %lt3A_64 = arith.cmpi slt, %sub3A_62, %lt3A_63 : i32
        %convert_element_type3A_65 = arith.extui %lt3A_64 : i1 to i32
        %cond3A_66 = arith.constant 0 : i32
        %cond3A_67 = arith.cmpi ne, %convert_element_type3A_65, %cond3A_66 : i32
        scf.if %cond3A_67 {
          %ge3A = arith.constant 1 : i32
          %ge3A_122 = arith.cmpi sge, %add3A_55, %ge3A : i32
          %convert_element_type3A_123 = arith.extui %ge3A_122 : i1 to i32
          %cond3A_124 = arith.constant 0 : i32
          %cond3A_125 = arith.cmpi ne, %convert_element_type3A_123, %cond3A_124 : i32
          scf.if %cond3A_125 {
            %sub3A_136 = arith.constant 1 : i32
            %sub3A_137 = arith.subi %add3A_55, %sub3A_136 : i32
            %mul3A_138 = arith.constant 128 : i32
            %mul3A_139 = arith.muli %sub3A_137, %mul3A_138 : i32
            %add3A_140 = arith.addi %mul3A_2, %mul3A_139 : i32
            %dma_wait3A_141 = arith.constant 0 : i32
            %dma_wait3A_142 = tpu.memref_slice %arg4[%add3A_140, %dma_wait3A_141] : memref<200704x128xf32, #tpu.memory_space<hbm>> -> memref<128x128xf32, #tpu.memory_space<hbm>>
            %dma_wait3A_143 = arith.constant 0 : i32
            %dma_wait3A_144 = tpu.memref_slice %arg4[%add3A_140, %dma_wait3A_143] : memref<200704x128xf32, #tpu.memory_space<hbm>> -> memref<128x128xf32, #tpu.memory_space<hbm>>
            tpu.wait_dma2 semaphore(%arg17 : memref<!tpu.dma_semaphore, #tpu.memory_space<semaphore_mem>>) src(%arg9 : memref<128x128xf32, #tpu.memory_space<vmem>>) dst(%dma_wait3A_144 : memref<128x128xf32, #tpu.memory_space<hbm>>)
          } else {
          }
          %add3A_126 = arith.constant 4 : i32
          %add3A_127 = arith.addi %add3A_55, %add3A_126 : i32
          %sub3A_128 = arith.constant 1 : i32
          %sub3A_129 = arith.subi %add3A_127, %sub3A_128 : i32
          %mul3A_130 = arith.constant 128 : i32
          %mul3A_131 = arith.muli %sub3A_129, %mul3A_130 : i32
          %dma_start3A_132 = tpu.memref_slice %arg5[%mul3A_131] : memref<6272xi32, #tpu.memory_space<vmem>> -> memref<128xi32, #tpu.memory_space<vmem>>
          %dma_start3A_133 = arith.constant 0 : i32
          %dma_start3A_134 = arith.constant 0 : i32
          %dma_start3A_135 = tpu.memref_slice %arg2[%dma_start3A_133, %dma_start3A_134] : memref<50176x128xf32, #tpu.memory_space<hbm>> -> memref<50176x128xf32, #tpu.memory_space<hbm>>
          tpu.enqueue_indirect_dma source(%dma_start3A_135 : memref<50176x128xf32, #tpu.memory_space<hbm>>) target(%arg9 : memref<128x128xf32, #tpu.memory_space<vmem>>) offsets(%dma_start3A_132 : memref<128xi32, #tpu.memory_space<vmem>>) semaphore(%arg13 : memref<!tpu.dma_semaphore, #tpu.memory_space<semaphore_mem>>)
        } else {
        }
        %mul3A_68 = arith.constant 4 : i32
        %mul3A_69 = arith.muli %scan3A_51, %mul3A_68 : i32
        %add3A_70 = arith.constant 1 : i32
        %add3A_71 = arith.addi %mul3A_69, %add3A_70 : i32
        %lt3A_72 = arith.constant 49 : i32
        %lt3A_73 = arith.cmpi slt, %add3A_71, %lt3A_72 : i32
        %convert_element_type3A_74 = arith.extui %lt3A_73 : i1 to i32
        %cond3A_75 = arith.constant 0 : i32
        %cond3A_76 = arith.cmpi ne, %convert_element_type3A_74, %cond3A_75 : i32
        scf.if %cond3A_76 {
          %mul3A_122 = arith.constant 128 : i32
          %mul3A_123 = arith.muli %add3A_71, %mul3A_122 : i32
          %dma_wait3A_124 = tpu.memref_slice %arg5[%mul3A_123] : memref<6272xi32, #tpu.memory_space<vmem>> -> memref<128xi32, #tpu.memory_space<vmem>>
          %dma_wait3A_125 = arith.constant 0 : i32
          %dma_wait3A_126 = arith.constant 0 : i32
          %dma_wait3A_127 = tpu.memref_slice %arg2[%dma_wait3A_125, %dma_wait3A_126] : memref<50176x128xf32, #tpu.memory_space<hbm>> -> memref<50176x128xf32, #tpu.memory_space<hbm>>
          tpu.wait_indirect_dma semaphore(%arg11 : memref<!tpu.dma_semaphore, #tpu.memory_space<semaphore_mem>>) src(%dma_wait3A_127 : memref<50176x128xf32, #tpu.memory_space<hbm>>) dst(%arg7 : memref<128x128xf32, #tpu.memory_space<vmem>>)
          %mul3A_128 = arith.constant 128 : i32
          %mul3A_129 = arith.muli %add3A_71, %mul3A_128 : i32
          %add3A_130 = arith.addi %mul3A_2, %mul3A_129 : i32
          %dma_start3A_131 = arith.constant 0 : i32
          %dma_start3A_132 = tpu.memref_slice %arg4[%add3A_130, %dma_start3A_131] : memref<200704x128xf32, #tpu.memory_space<hbm>> -> memref<128x128xf32, #tpu.memory_space<hbm>>
          %dma_start3A_133 = arith.constant 0 : i32
          %dma_start3A_134 = tpu.memref_slice %arg4[%add3A_130, %dma_start3A_133] : memref<200704x128xf32, #tpu.memory_space<hbm>> -> memref<128x128xf32, #tpu.memory_space<hbm>>
          tpu.enqueue_dma source(%arg7 : memref<128x128xf32, #tpu.memory_space<vmem>>) target(%dma_start3A_134 : memref<128x128xf32, #tpu.memory_space<hbm>>) target_semaphore(%arg15 : memref<!tpu.dma_semaphore, #tpu.memory_space<semaphore_mem>>)
        } else {
        }
        %add3A_77 = arith.constant 4 : i32
        %add3A_78 = arith.addi %add3A_71, %add3A_77 : i32
        %sub3A_79 = arith.constant 1 : i32
        %sub3A_80 = arith.subi %add3A_78, %sub3A_79 : i32
        %lt3A_81 = arith.constant 49 : i32
        %lt3A_82 = arith.cmpi slt, %sub3A_80, %lt3A_81 : i32
        %convert_element_type3A_83 = arith.extui %lt3A_82 : i1 to i32
        %cond3A_84 = arith.constant 0 : i32
        %cond3A_85 = arith.cmpi ne, %convert_element_type3A_83, %cond3A_84 : i32
        scf.if %cond3A_85 {
          %ge3A = arith.constant 1 : i32
          %ge3A_122 = arith.cmpi sge, %add3A_71, %ge3A : i32
          %convert_element_type3A_123 = arith.extui %ge3A_122 : i1 to i32
          %cond3A_124 = arith.constant 0 : i32
          %cond3A_125 = arith.cmpi ne, %convert_element_type3A_123, %cond3A_124 : i32
          scf.if %cond3A_125 {
            %sub3A_136 = arith.constant 1 : i32
            %sub3A_137 = arith.subi %add3A_71, %sub3A_136 : i32
            %mul3A_138 = arith.constant 128 : i32
            %mul3A_139 = arith.muli %sub3A_137, %mul3A_138 : i32
            %add3A_140 = arith.addi %mul3A_2, %mul3A_139 : i32
            %dma_wait3A_141 = arith.constant 0 : i32
            %dma_wait3A_142 = tpu.memref_slice %arg4[%add3A_140, %dma_wait3A_141] : memref<200704x128xf32, #tpu.memory_space<hbm>> -> memref<128x128xf32, #tpu.memory_space<hbm>>
            %dma_wait3A_143 = arith.constant 0 : i32
            %dma_wait3A_144 = tpu.memref_slice %arg4[%add3A_140, %dma_wait3A_143] : memref<200704x128xf32, #tpu.memory_space<hbm>> -> memref<128x128xf32, #tpu.memory_space<hbm>>
            tpu.wait_dma2 semaphore(%arg14 : memref<!tpu.dma_semaphore, #tpu.memory_space<semaphore_mem>>) src(%arg6 : memref<128x128xf32, #tpu.memory_space<vmem>>) dst(%dma_wait3A_144 : memref<128x128xf32, #tpu.memory_space<hbm>>)
          } else {
          }
          %add3A_126 = arith.constant 4 : i32
          %add3A_127 = arith.addi %add3A_71, %add3A_126 : i32
          %sub3A_128 = arith.constant 1 : i32
          %sub3A_129 = arith.subi %add3A_127, %sub3A_128 : i32
          %mul3A_130 = arith.constant 128 : i32
          %mul3A_131 = arith.muli %sub3A_129, %mul3A_130 : i32
          %dma_start3A_132 = tpu.memref_slice %arg5[%mul3A_131] : memref<6272xi32, #tpu.memory_space<vmem>> -> memref<128xi32, #tpu.memory_space<vmem>>
          %dma_start3A_133 = arith.constant 0 : i32
          %dma_start3A_134 = arith.constant 0 : i32
          %dma_start3A_135 = tpu.memref_slice %arg2[%dma_start3A_133, %dma_start3A_134] : memref<50176x128xf32, #tpu.memory_space<hbm>> -> memref<50176x128xf32, #tpu.memory_space<hbm>>
          tpu.enqueue_indirect_dma source(%dma_start3A_135 : memref<50176x128xf32, #tpu.memory_space<hbm>>) target(%arg6 : memref<128x128xf32, #tpu.memory_space<vmem>>) offsets(%dma_start3A_132 : memref<128xi32, #tpu.memory_space<vmem>>) semaphore(%arg10 : memref<!tpu.dma_semaphore, #tpu.memory_space<semaphore_mem>>)
        } else {
        }
        %mul3A_86 = arith.constant 4 : i32
        %mul3A_87 = arith.muli %scan3A_51, %mul3A_86 : i32
        %add3A_88 = arith.constant 2 : i32
        %add3A_89 = arith.addi %mul3A_87, %add3A_88 : i32
        %lt3A_90 = arith.constant 49 : i32
        %lt3A_91 = arith.cmpi slt, %add3A_89, %lt3A_90 : i32
        %convert_element_type3A_92 = arith.extui %lt3A_91 : i1 to i32
        %cond3A_93 = arith.constant 0 : i32
        %cond3A_94 = arith.cmpi ne, %convert_element_type3A_92, %cond3A_93 : i32
        scf.if %cond3A_94 {
          %mul3A_122 = arith.constant 128 : i32
          %mul3A_123 = arith.muli %add3A_89, %mul3A_122 : i32
          %dma_wait3A_124 = tpu.memref_slice %arg5[%mul3A_123] : memref<6272xi32, #tpu.memory_space<vmem>> -> memref<128xi32, #tpu.memory_space<vmem>>
          %dma_wait3A_125 = arith.constant 0 : i32
          %dma_wait3A_126 = arith.constant 0 : i32
          %dma_wait3A_127 = tpu.memref_slice %arg2[%dma_wait3A_125, %dma_wait3A_126] : memref<50176x128xf32, #tpu.memory_space<hbm>> -> memref<50176x128xf32, #tpu.memory_space<hbm>>
          tpu.wait_indirect_dma semaphore(%arg12 : memref<!tpu.dma_semaphore, #tpu.memory_space<semaphore_mem>>) src(%dma_wait3A_127 : memref<50176x128xf32, #tpu.memory_space<hbm>>) dst(%arg8 : memref<128x128xf32, #tpu.memory_space<vmem>>)
          %mul3A_128 = arith.constant 128 : i32
          %mul3A_129 = arith.muli %add3A_89, %mul3A_128 : i32
          %add3A_130 = arith.addi %mul3A_2, %mul3A_129 : i32
          %dma_start3A_131 = arith.constant 0 : i32
          %dma_start3A_132 = tpu.memref_slice %arg4[%add3A_130, %dma_start3A_131] : memref<200704x128xf32, #tpu.memory_space<hbm>> -> memref<128x128xf32, #tpu.memory_space<hbm>>
          %dma_start3A_133 = arith.constant 0 : i32
          %dma_start3A_134 = tpu.memref_slice %arg4[%add3A_130, %dma_start3A_133] : memref<200704x128xf32, #tpu.memory_space<hbm>> -> memref<128x128xf32, #tpu.memory_space<hbm>>
          tpu.enqueue_dma source(%arg8 : memref<128x128xf32, #tpu.memory_space<vmem>>) target(%dma_start3A_134 : memref<128x128xf32, #tpu.memory_space<hbm>>) target_semaphore(%arg16 : memref<!tpu.dma_semaphore, #tpu.memory_space<semaphore_mem>>)
        } else {
        }
        %add3A_95 = arith.constant 4 : i32
        %add3A_96 = arith.addi %add3A_89, %add3A_95 : i32
        %sub3A_97 = arith.constant 1 : i32
        %sub3A_98 = arith.subi %add3A_96, %sub3A_97 : i32
        %lt3A_99 = arith.constant 49 : i32
        %lt3A_100 = arith.cmpi slt, %sub3A_98, %lt3A_99 : i32
        %convert_element_type3A_101 = arith.extui %lt3A_100 : i1 to i32
        %cond3A_102 = arith.constant 0 : i32
        %cond3A_103 = arith.cmpi ne, %convert_element_type3A_101, %cond3A_102 : i32
        scf.if %cond3A_103 {
          %ge3A = arith.constant 1 : i32
          %ge3A_122 = arith.cmpi sge, %add3A_89, %ge3A : i32
          %convert_element_type3A_123 = arith.extui %ge3A_122 : i1 to i32
          %cond3A_124 = arith.constant 0 : i32
          %cond3A_125 = arith.cmpi ne, %convert_element_type3A_123, %cond3A_124 : i32
          scf.if %cond3A_125 {
            %sub3A_136 = arith.constant 1 : i32
            %sub3A_137 = arith.subi %add3A_89, %sub3A_136 : i32
            %mul3A_138 = arith.constant 128 : i32
            %mul3A_139 = arith.muli %sub3A_137, %mul3A_138 : i32
            %add3A_140 = arith.addi %mul3A_2, %mul3A_139 : i32
            %dma_wait3A_141 = arith.constant 0 : i32
            %dma_wait3A_142 = tpu.memref_slice %arg4[%add3A_140, %dma_wait3A_141] : memref<200704x128xf32, #tpu.memory_space<hbm>> -> memref<128x128xf32, #tpu.memory_space<hbm>>
            %dma_wait3A_143 = arith.constant 0 : i32
            %dma_wait3A_144 = tpu.memref_slice %arg4[%add3A_140, %dma_wait3A_143] : memref<200704x128xf32, #tpu.memory_space<hbm>> -> memref<128x128xf32, #tpu.memory_space<hbm>>
            tpu.wait_dma2 semaphore(%arg15 : memref<!tpu.dma_semaphore, #tpu.memory_space<semaphore_mem>>) src(%arg7 : memref<128x128xf32, #tpu.memory_space<vmem>>) dst(%dma_wait3A_144 : memref<128x128xf32, #tpu.memory_space<hbm>>)
          } else {
          }
          %add3A_126 = arith.constant 4 : i32
          %add3A_127 = arith.addi %add3A_89, %add3A_126 : i32
          %sub3A_128 = arith.constant 1 : i32
          %sub3A_129 = arith.subi %add3A_127, %sub3A_128 : i32
          %mul3A_130 = arith.constant 128 : i32
          %mul3A_131 = arith.muli %sub3A_129, %mul3A_130 : i32
          %dma_start3A_132 = tpu.memref_slice %arg5[%mul3A_131] : memref<6272xi32, #tpu.memory_space<vmem>> -> memref<128xi32, #tpu.memory_space<vmem>>
          %dma_start3A_133 = arith.constant 0 : i32
          %dma_start3A_134 = arith.constant 0 : i32
          %dma_start3A_135 = tpu.memref_slice %arg2[%dma_start3A_133, %dma_start3A_134] : memref<50176x128xf32, #tpu.memory_space<hbm>> -> memref<50176x128xf32, #tpu.memory_space<hbm>>
          tpu.enqueue_indirect_dma source(%dma_start3A_135 : memref<50176x128xf32, #tpu.memory_space<hbm>>) target(%arg7 : memref<128x128xf32, #tpu.memory_space<vmem>>) offsets(%dma_start3A_132 : memref<128xi32, #tpu.memory_space<vmem>>) semaphore(%arg11 : memref<!tpu.dma_semaphore, #tpu.memory_space<semaphore_mem>>)
        } else {
        }
        %mul3A_104 = arith.constant 4 : i32
        %mul3A_105 = arith.muli %scan3A_51, %mul3A_104 : i32
        %add3A_106 = arith.constant 3 : i32
        %add3A_107 = arith.addi %mul3A_105, %add3A_106 : i32
        %lt3A_108 = arith.constant 49 : i32
        %lt3A_109 = arith.cmpi slt, %add3A_107, %lt3A_108 : i32
        %convert_element_type3A_110 = arith.extui %lt3A_109 : i1 to i32
        %cond3A_111 = arith.constant 0 : i32
        %cond3A_112 = arith.cmpi ne, %convert_element_type3A_110, %cond3A_111 : i32
        scf.if %cond3A_112 {
          %mul3A_122 = arith.constant 128 : i32
          %mul3A_123 = arith.muli %add3A_107, %mul3A_122 : i32
          %dma_wait3A_124 = tpu.memref_slice %arg5[%mul3A_123] : memref<6272xi32, #tpu.memory_space<vmem>> -> memref<128xi32, #tpu.memory_space<vmem>>
          %dma_wait3A_125 = arith.constant 0 : i32
          %dma_wait3A_126 = arith.constant 0 : i32
          %dma_wait3A_127 = tpu.memref_slice %arg2[%dma_wait3A_125, %dma_wait3A_126] : memref<50176x128xf32, #tpu.memory_space<hbm>> -> memref<50176x128xf32, #tpu.memory_space<hbm>>
          tpu.wait_indirect_dma semaphore(%arg13 : memref<!tpu.dma_semaphore, #tpu.memory_space<semaphore_mem>>) src(%dma_wait3A_127 : memref<50176x128xf32, #tpu.memory_space<hbm>>) dst(%arg9 : memref<128x128xf32, #tpu.memory_space<vmem>>)
          %mul3A_128 = arith.constant 128 : i32
          %mul3A_129 = arith.muli %add3A_107, %mul3A_128 : i32
          %add3A_130 = arith.addi %mul3A_2, %mul3A_129 : i32
          %dma_start3A_131 = arith.constant 0 : i32
          %dma_start3A_132 = tpu.memref_slice %arg4[%add3A_130, %dma_start3A_131] : memref<200704x128xf32, #tpu.memory_space<hbm>> -> memref<128x128xf32, #tpu.memory_space<hbm>>
          %dma_start3A_133 = arith.constant 0 : i32
          %dma_start3A_134 = tpu.memref_slice %arg4[%add3A_130, %dma_start3A_133] : memref<200704x128xf32, #tpu.memory_space<hbm>> -> memref<128x128xf32, #tpu.memory_space<hbm>>
          tpu.enqueue_dma source(%arg9 : memref<128x128xf32, #tpu.memory_space<vmem>>) target(%dma_start3A_134 : memref<128x128xf32, #tpu.memory_space<hbm>>) target_semaphore(%arg17 : memref<!tpu.dma_semaphore, #tpu.memory_space<semaphore_mem>>)
        } else {
        }
        %add3A_113 = arith.constant 4 : i32
        %add3A_114 = arith.addi %add3A_107, %add3A_113 : i32
        %sub3A_115 = arith.constant 1 : i32
        %sub3A_116 = arith.subi %add3A_114, %sub3A_115 : i32
        %lt3A_117 = arith.constant 49 : i32
        %lt3A_118 = arith.cmpi slt, %sub3A_116, %lt3A_117 : i32
        %convert_element_type3A_119 = arith.extui %lt3A_118 : i1 to i32
        %cond3A_120 = arith.constant 0 : i32
        %cond3A_121 = arith.cmpi ne, %convert_element_type3A_119, %cond3A_120 : i32
        scf.if %cond3A_121 {
          %ge3A = arith.constant 1 : i32
          %ge3A_122 = arith.cmpi sge, %add3A_107, %ge3A : i32
          %convert_element_type3A_123 = arith.extui %ge3A_122 : i1 to i32
          %cond3A_124 = arith.constant 0 : i32
          %cond3A_125 = arith.cmpi ne, %convert_element_type3A_123, %cond3A_124 : i32
          scf.if %cond3A_125 {
            %sub3A_136 = arith.constant 1 : i32
            %sub3A_137 = arith.subi %add3A_107, %sub3A_136 : i32
            %mul3A_138 = arith.constant 128 : i32
            %mul3A_139 = arith.muli %sub3A_137, %mul3A_138 : i32
            %add3A_140 = arith.addi %mul3A_2, %mul3A_139 : i32
            %dma_wait3A_141 = arith.constant 0 : i32
            %dma_wait3A_142 = tpu.memref_slice %arg4[%add3A_140, %dma_wait3A_141] : memref<200704x128xf32, #tpu.memory_space<hbm>> -> memref<128x128xf32, #tpu.memory_space<hbm>>
            %dma_wait3A_143 = arith.constant 0 : i32
            %dma_wait3A_144 = tpu.memref_slice %arg4[%add3A_140, %dma_wait3A_143] : memref<200704x128xf32, #tpu.memory_space<hbm>> -> memref<128x128xf32, #tpu.memory_space<hbm>>
            tpu.wait_dma2 semaphore(%arg16 : memref<!tpu.dma_semaphore, #tpu.memory_space<semaphore_mem>>) src(%arg8 : memref<128x128xf32, #tpu.memory_space<vmem>>) dst(%dma_wait3A_144 : memref<128x128xf32, #tpu.memory_space<hbm>>)
          } else {
          }
          %add3A_126 = arith.constant 4 : i32
          %add3A_127 = arith.addi %add3A_107, %add3A_126 : i32
          %sub3A_128 = arith.constant 1 : i32
          %sub3A_129 = arith.subi %add3A_127, %sub3A_128 : i32
          %mul3A_130 = arith.constant 128 : i32
          %mul3A_131 = arith.muli %sub3A_129, %mul3A_130 : i32
          %dma_start3A_132 = tpu.memref_slice %arg5[%mul3A_131] : memref<6272xi32, #tpu.memory_space<vmem>> -> memref<128xi32, #tpu.memory_space<vmem>>
          %dma_start3A_133 = arith.constant 0 : i32
          %dma_start3A_134 = arith.constant 0 : i32
          %dma_start3A_135 = tpu.memref_slice %arg2[%dma_start3A_133, %dma_start3A_134] : memref<50176x128xf32, #tpu.memory_space<hbm>> -> memref<50176x128xf32, #tpu.memory_space<hbm>>
          tpu.enqueue_indirect_dma source(%dma_start3A_135 : memref<50176x128xf32, #tpu.memory_space<hbm>>) target(%arg8 : memref<128x128xf32, #tpu.memory_space<vmem>>) offsets(%dma_start3A_132 : memref<128xi32, #tpu.memory_space<vmem>>) semaphore(%arg12 : memref<!tpu.dma_semaphore, #tpu.memory_space<semaphore_mem>>)
        } else {
        }
      }
      %scan3A_28 = arith.constant 13 : i32
      %add3A = arith.constant 5760 : i32
      %add3A_29 = arith.addi %mul3A_2, %add3A : i32
      %dma_wait3A = arith.constant 0 : i32
      %dma_wait3A_30 = tpu.memref_slice %arg4[%add3A_29, %dma_wait3A] : memref<200704x128xf32, #tpu.memory_space<hbm>> -> memref<128x128xf32, #tpu.memory_space<hbm>>
      %dma_wait3A_31 = arith.constant 0 : i32
      %dma_wait3A_32 = tpu.memref_slice %arg4[%add3A_29, %dma_wait3A_31] : memref<200704x128xf32, #tpu.memory_space<hbm>> -> memref<128x128xf32, #tpu.memory_space<hbm>>
      tpu.wait_dma2 semaphore(%arg15 : memref<!tpu.dma_semaphore, #tpu.memory_space<semaphore_mem>>) src(%arg7 : memref<128x128xf32, #tpu.memory_space<vmem>>) dst(%dma_wait3A_32 : memref<128x128xf32, #tpu.memory_space<hbm>>)
      %add3A_33 = arith.constant 5888 : i32
      %add3A_34 = arith.addi %mul3A_2, %add3A_33 : i32
      %dma_wait3A_35 = arith.constant 0 : i32
      %dma_wait3A_36 = tpu.memref_slice %arg4[%add3A_34, %dma_wait3A_35] : memref<200704x128xf32, #tpu.memory_space<hbm>> -> memref<128x128xf32, #tpu.memory_space<hbm>>
      %dma_wait3A_37 = arith.constant 0 : i32
      %dma_wait3A_38 = tpu.memref_slice %arg4[%add3A_34, %dma_wait3A_37] : memref<200704x128xf32, #tpu.memory_space<hbm>> -> memref<128x128xf32, #tpu.memory_space<hbm>>
      tpu.wait_dma2 semaphore(%arg16 : memref<!tpu.dma_semaphore, #tpu.memory_space<semaphore_mem>>) src(%arg8 : memref<128x128xf32, #tpu.memory_space<vmem>>) dst(%dma_wait3A_38 : memref<128x128xf32, #tpu.memory_space<hbm>>)
      %add3A_39 = arith.constant 6016 : i32
      %add3A_40 = arith.addi %mul3A_2, %add3A_39 : i32
      %dma_wait3A_41 = arith.constant 0 : i32
      %dma_wait3A_42 = tpu.memref_slice %arg4[%add3A_40, %dma_wait3A_41] : memref<200704x128xf32, #tpu.memory_space<hbm>> -> memref<128x128xf32, #tpu.memory_space<hbm>>
      %dma_wait3A_43 = arith.constant 0 : i32
      %dma_wait3A_44 = tpu.memref_slice %arg4[%add3A_40, %dma_wait3A_43] : memref<200704x128xf32, #tpu.memory_space<hbm>> -> memref<128x128xf32, #tpu.memory_space<hbm>>
      tpu.wait_dma2 semaphore(%arg17 : memref<!tpu.dma_semaphore, #tpu.memory_space<semaphore_mem>>) src(%arg9 : memref<128x128xf32, #tpu.memory_space<vmem>>) dst(%dma_wait3A_44 : memref<128x128xf32, #tpu.memory_space<hbm>>)
      %add3A_45 = arith.constant 6144 : i32
      %add3A_46 = arith.addi %mul3A_2, %add3A_45 : i32
      %dma_wait3A_47 = arith.constant 0 : i32
      %dma_wait3A_48 = tpu.memref_slice %arg4[%add3A_46, %dma_wait3A_47] : memref<200704x128xf32, #tpu.memory_space<hbm>> -> memref<128x128xf32, #tpu.memory_space<hbm>>
      %dma_wait3A_49 = arith.constant 0 : i32
      %dma_wait3A_50 = tpu.memref_slice %arg4[%add3A_46, %dma_wait3A_49] : memref<200704x128xf32, #tpu.memory_space<hbm>> -> memref<128x128xf32, #tpu.memory_space<hbm>>
      tpu.wait_dma2 semaphore(%arg14 : memref<!tpu.dma_semaphore, #tpu.memory_space<semaphore_mem>>) src(%arg6 : memref<128x128xf32, #tpu.memory_space<vmem>>) dst(%dma_wait3A_50 : memref<128x128xf32, #tpu.memory_space<hbm>>)
    } else {
    }
    %eq3A_5 = arith.constant 1 : i32
    %eq3A_6 = arith.cmpi eq, %arg0, %eq3A_5 : i32
    %convert_element_type3A_7 = arith.extui %eq3A_6 : i1 to i32
    %cond3A_8 = arith.constant 0 : i32
    %cond3A_9 = arith.cmpi ne, %convert_element_type3A_7, %cond3A_8 : i32
    scf.if %cond3A_9 {
      %add3A = arith.constant 6272 : i32
      %add3A_10 = arith.addi %mul3A_2, %add3A : i32
      "tpu.region"() ({
        %run_scoped3A = tpu.sem_alloc : memref<!tpu.dma_semaphore, #tpu.memory_space<semaphore_mem>>
        %dma_start3A_53 = arith.constant 0 : i32
        %dma_start3A_54 = tpu.memref_slice %arg5[%dma_start3A_53] : memref<6272xi32, #tpu.memory_space<vmem>> -> memref<6272xi32, #tpu.memory_space<vmem>>
        %dma_start3A_55 = tpu.memref_slice %arg3[%add3A_10] : memref<200704xi32, #tpu.memory_space<hbm>> -> memref<6272xi32, #tpu.memory_space<hbm>>
        %dma_start3A_56 = arith.constant 0 : i32
        %dma_start3A_57 = tpu.memref_slice %arg5[%dma_start3A_56] : memref<6272xi32, #tpu.memory_space<vmem>> -> memref<6272xi32, #tpu.memory_space<vmem>>
        %dma_start3A_58 = tpu.memref_slice %arg3[%add3A_10] : memref<200704xi32, #tpu.memory_space<hbm>> -> memref<6272xi32, #tpu.memory_space<hbm>>
        tpu.enqueue_dma source(%dma_start3A_58 : memref<6272xi32, #tpu.memory_space<hbm>>) target(%dma_start3A_57 : memref<6272xi32, #tpu.memory_space<vmem>>) target_semaphore(%run_scoped3A : memref<!tpu.dma_semaphore, #tpu.memory_space<semaphore_mem>>)
        %dma_wait3A_59 = arith.constant 0 : i32
        %dma_wait3A_60 = tpu.memref_slice %arg5[%dma_wait3A_59] : memref<6272xi32, #tpu.memory_space<vmem>> -> memref<6272xi32, #tpu.memory_space<vmem>>
        %dma_wait3A_61 = tpu.memref_slice %arg3[%add3A_10] : memref<200704xi32, #tpu.memory_space<hbm>> -> memref<6272xi32, #tpu.memory_space<hbm>>
        %dma_wait3A_62 = arith.constant 0 : i32
        %dma_wait3A_63 = tpu.memref_slice %arg5[%dma_wait3A_62] : memref<6272xi32, #tpu.memory_space<vmem>> -> memref<6272xi32, #tpu.memory_space<vmem>>
        %dma_wait3A_64 = tpu.memref_slice %arg3[%add3A_10] : memref<200704xi32, #tpu.memory_space<hbm>> -> memref<6272xi32, #tpu.memory_space<hbm>>
        tpu.wait_dma2 semaphore(%run_scoped3A : memref<!tpu.dma_semaphore, #tpu.memory_space<semaphore_mem>>) src(%dma_wait3A_64 : memref<6272xi32, #tpu.memory_space<hbm>>) dst(%dma_wait3A_63 : memref<6272xi32, #tpu.memory_space<vmem>>)
        tpu.yield
      }) : () -> ()
      %dma_start3A = arith.constant 0 : i32
      %dma_start3A_11 = tpu.memref_slice %arg5[%dma_start3A] : memref<6272xi32, #tpu.memory_space<vmem>> -> memref<128xi32, #tpu.memory_space<vmem>>
      %dma_start3A_12 = arith.constant 0 : i32
      %dma_start3A_13 = arith.constant 0 : i32
      %dma_start3A_14 = tpu.memref_slice %arg2[%dma_start3A_12, %dma_start3A_13] : memref<50176x128xf32, #tpu.memory_space<hbm>> -> memref<50176x128xf32, #tpu.memory_space<hbm>>
      tpu.enqueue_indirect_dma source(%dma_start3A_14 : memref<50176x128xf32, #tpu.memory_space<hbm>>) target(%arg6 : memref<128x128xf32, #tpu.memory_space<vmem>>) offsets(%dma_start3A_11 : memref<128xi32, #tpu.memory_space<vmem>>) semaphore(%arg10 : memref<!tpu.dma_semaphore, #tpu.memory_space<semaphore_mem>>)
      %dma_start3A_15 = arith.constant 128 : i32
      %dma_start3A_16 = tpu.memref_slice %arg5[%dma_start3A_15] : memref<6272xi32, #tpu.memory_space<vmem>> -> memref<128xi32, #tpu.memory_space<vmem>>
      %dma_start3A_17 = arith.constant 0 : i32
      %dma_start3A_18 = arith.constant 0 : i32
      %dma_start3A_19 = tpu.memref_slice %arg2[%dma_start3A_17, %dma_start3A_18] : memref<50176x128xf32, #tpu.memory_space<hbm>> -> memref<50176x128xf32, #tpu.memory_space<hbm>>
      tpu.enqueue_indirect_dma source(%dma_start3A_19 : memref<50176x128xf32, #tpu.memory_space<hbm>>) target(%arg7 : memref<128x128xf32, #tpu.memory_space<vmem>>) offsets(%dma_start3A_16 : memref<128xi32, #tpu.memory_space<vmem>>) semaphore(%arg11 : memref<!tpu.dma_semaphore, #tpu.memory_space<semaphore_mem>>)
      %dma_start3A_20 = arith.constant 256 : i32
      %dma_start3A_21 = tpu.memref_slice %arg5[%dma_start3A_20] : memref<6272xi32, #tpu.memory_space<vmem>> -> memref<128xi32, #tpu.memory_space<vmem>>
      %dma_start3A_22 = arith.constant 0 : i32
      %dma_start3A_23 = arith.constant 0 : i32
      %dma_start3A_24 = tpu.memref_slice %arg2[%dma_start3A_22, %dma_start3A_23] : memref<50176x128xf32, #tpu.memory_space<hbm>> -> memref<50176x128xf32, #tpu.memory_space<hbm>>
      tpu.enqueue_indirect_dma source(%dma_start3A_24 : memref<50176x128xf32, #tpu.memory_space<hbm>>) target(%arg8 : memref<128x128xf32, #tpu.memory_space<vmem>>) offsets(%dma_start3A_21 : memref<128xi32, #tpu.memory_space<vmem>>) semaphore(%arg12 : memref<!tpu.dma_semaphore, #tpu.memory_space<semaphore_mem>>)
      %scan3A = arith.constant 0 : i32
      %scan3A_25 = arith.constant 0 : i32
      %scan3A_26 = arith.constant 13 : i32
      %scan3A_27 = arith.addi %scan3A_25, %scan3A_26 : i32
      %scan3A_28 = arith.constant 1 : i32
      scf.for %scan3A_53 = %scan3A_25 to %scan3A_27 step %scan3A_28  : i32 {
        %mul3A_54 = arith.constant 4 : i32
        %mul3A_55 = arith.muli %scan3A_53, %mul3A_54 : i32
        %add3A_56 = arith.constant 0 : i32
        %add3A_57 = arith.addi %mul3A_55, %add3A_56 : i32
        %lt3A = arith.constant 49 : i32
        %lt3A_58 = arith.cmpi slt, %add3A_57, %lt3A : i32
        %convert_element_type3A_59 = arith.extui %lt3A_58 : i1 to i32
        %cond3A_60 = arith.constant 0 : i32
        %cond3A_61 = arith.cmpi ne, %convert_element_type3A_59, %cond3A_60 : i32
        scf.if %cond3A_61 {
          %mul3A_124 = arith.constant 128 : i32
          %mul3A_125 = arith.muli %add3A_57, %mul3A_124 : i32
          %dma_wait3A_126 = tpu.memref_slice %arg5[%mul3A_125] : memref<6272xi32, #tpu.memory_space<vmem>> -> memref<128xi32, #tpu.memory_space<vmem>>
          %dma_wait3A_127 = arith.constant 0 : i32
          %dma_wait3A_128 = arith.constant 0 : i32
          %dma_wait3A_129 = tpu.memref_slice %arg2[%dma_wait3A_127, %dma_wait3A_128] : memref<50176x128xf32, #tpu.memory_space<hbm>> -> memref<50176x128xf32, #tpu.memory_space<hbm>>
          tpu.wait_indirect_dma semaphore(%arg10 : memref<!tpu.dma_semaphore, #tpu.memory_space<semaphore_mem>>) src(%dma_wait3A_129 : memref<50176x128xf32, #tpu.memory_space<hbm>>) dst(%arg6 : memref<128x128xf32, #tpu.memory_space<vmem>>)
          %mul3A_130 = arith.constant 128 : i32
          %mul3A_131 = arith.muli %add3A_57, %mul3A_130 : i32
          %add3A_132 = arith.addi %add3A_10, %mul3A_131 : i32
          %dma_start3A_133 = arith.constant 0 : i32
          %dma_start3A_134 = tpu.memref_slice %arg4[%add3A_132, %dma_start3A_133] : memref<200704x128xf32, #tpu.memory_space<hbm>> -> memref<128x128xf32, #tpu.memory_space<hbm>>
          %dma_start3A_135 = arith.constant 0 : i32
          %dma_start3A_136 = tpu.memref_slice %arg4[%add3A_132, %dma_start3A_135] : memref<200704x128xf32, #tpu.memory_space<hbm>> -> memref<128x128xf32, #tpu.memory_space<hbm>>
          tpu.enqueue_dma source(%arg6 : memref<128x128xf32, #tpu.memory_space<vmem>>) target(%dma_start3A_136 : memref<128x128xf32, #tpu.memory_space<hbm>>) target_semaphore(%arg14 : memref<!tpu.dma_semaphore, #tpu.memory_space<semaphore_mem>>)
        } else {
        }
        %add3A_62 = arith.constant 4 : i32
        %add3A_63 = arith.addi %add3A_57, %add3A_62 : i32
        %sub3A = arith.constant 1 : i32
        %sub3A_64 = arith.subi %add3A_63, %sub3A : i32
        %lt3A_65 = arith.constant 49 : i32
        %lt3A_66 = arith.cmpi slt, %sub3A_64, %lt3A_65 : i32
        %convert_element_type3A_67 = arith.extui %lt3A_66 : i1 to i32
        %cond3A_68 = arith.constant 0 : i32
        %cond3A_69 = arith.cmpi ne, %convert_element_type3A_67, %cond3A_68 : i32
        scf.if %cond3A_69 {
          %ge3A = arith.constant 1 : i32
          %ge3A_124 = arith.cmpi sge, %add3A_57, %ge3A : i32
          %convert_element_type3A_125 = arith.extui %ge3A_124 : i1 to i32
          %cond3A_126 = arith.constant 0 : i32
          %cond3A_127 = arith.cmpi ne, %convert_element_type3A_125, %cond3A_126 : i32
          scf.if %cond3A_127 {
            %sub3A_138 = arith.constant 1 : i32
            %sub3A_139 = arith.subi %add3A_57, %sub3A_138 : i32
            %mul3A_140 = arith.constant 128 : i32
            %mul3A_141 = arith.muli %sub3A_139, %mul3A_140 : i32
            %add3A_142 = arith.addi %add3A_10, %mul3A_141 : i32
            %dma_wait3A_143 = arith.constant 0 : i32
            %dma_wait3A_144 = tpu.memref_slice %arg4[%add3A_142, %dma_wait3A_143] : memref<200704x128xf32, #tpu.memory_space<hbm>> -> memref<128x128xf32, #tpu.memory_space<hbm>>
            %dma_wait3A_145 = arith.constant 0 : i32
            %dma_wait3A_146 = tpu.memref_slice %arg4[%add3A_142, %dma_wait3A_145] : memref<200704x128xf32, #tpu.memory_space<hbm>> -> memref<128x128xf32, #tpu.memory_space<hbm>>
            tpu.wait_dma2 semaphore(%arg17 : memref<!tpu.dma_semaphore, #tpu.memory_space<semaphore_mem>>) src(%arg9 : memref<128x128xf32, #tpu.memory_space<vmem>>) dst(%dma_wait3A_146 : memref<128x128xf32, #tpu.memory_space<hbm>>)
          } else {
          }
          %add3A_128 = arith.constant 4 : i32
          %add3A_129 = arith.addi %add3A_57, %add3A_128 : i32
          %sub3A_130 = arith.constant 1 : i32
          %sub3A_131 = arith.subi %add3A_129, %sub3A_130 : i32
          %mul3A_132 = arith.constant 128 : i32
          %mul3A_133 = arith.muli %sub3A_131, %mul3A_132 : i32
          %dma_start3A_134 = tpu.memref_slice %arg5[%mul3A_133] : memref<6272xi32, #tpu.memory_space<vmem>> -> memref<128xi32, #tpu.memory_space<vmem>>
          %dma_start3A_135 = arith.constant 0 : i32
          %dma_start3A_136 = arith.constant 0 : i32
          %dma_start3A_137 = tpu.memref_slice %arg2[%dma_start3A_135, %dma_start3A_136] : memref<50176x128xf32, #tpu.memory_space<hbm>> -> memref<50176x128xf32, #tpu.memory_space<hbm>>
          tpu.enqueue_indirect_dma source(%dma_start3A_137 : memref<50176x128xf32, #tpu.memory_space<hbm>>) target(%arg9 : memref<128x128xf32, #tpu.memory_space<vmem>>) offsets(%dma_start3A_134 : memref<128xi32, #tpu.memory_space<vmem>>) semaphore(%arg13 : memref<!tpu.dma_semaphore, #tpu.memory_space<semaphore_mem>>)
        } else {
        }
        %mul3A_70 = arith.constant 4 : i32
        %mul3A_71 = arith.muli %scan3A_53, %mul3A_70 : i32
        %add3A_72 = arith.constant 1 : i32
        %add3A_73 = arith.addi %mul3A_71, %add3A_72 : i32
        %lt3A_74 = arith.constant 49 : i32
        %lt3A_75 = arith.cmpi slt, %add3A_73, %lt3A_74 : i32
        %convert_element_type3A_76 = arith.extui %lt3A_75 : i1 to i32
        %cond3A_77 = arith.constant 0 : i32
        %cond3A_78 = arith.cmpi ne, %convert_element_type3A_76, %cond3A_77 : i32
        scf.if %cond3A_78 {
          %mul3A_124 = arith.constant 128 : i32
          %mul3A_125 = arith.muli %add3A_73, %mul3A_124 : i32
          %dma_wait3A_126 = tpu.memref_slice %arg5[%mul3A_125] : memref<6272xi32, #tpu.memory_space<vmem>> -> memref<128xi32, #tpu.memory_space<vmem>>
          %dma_wait3A_127 = arith.constant 0 : i32
          %dma_wait3A_128 = arith.constant 0 : i32
          %dma_wait3A_129 = tpu.memref_slice %arg2[%dma_wait3A_127, %dma_wait3A_128] : memref<50176x128xf32, #tpu.memory_space<hbm>> -> memref<50176x128xf32, #tpu.memory_space<hbm>>
          tpu.wait_indirect_dma semaphore(%arg11 : memref<!tpu.dma_semaphore, #tpu.memory_space<semaphore_mem>>) src(%dma_wait3A_129 : memref<50176x128xf32, #tpu.memory_space<hbm>>) dst(%arg7 : memref<128x128xf32, #tpu.memory_space<vmem>>)
          %mul3A_130 = arith.constant 128 : i32
          %mul3A_131 = arith.muli %add3A_73, %mul3A_130 : i32
          %add3A_132 = arith.addi %add3A_10, %mul3A_131 : i32
          %dma_start3A_133 = arith.constant 0 : i32
          %dma_start3A_134 = tpu.memref_slice %arg4[%add3A_132, %dma_start3A_133] : memref<200704x128xf32, #tpu.memory_space<hbm>> -> memref<128x128xf32, #tpu.memory_space<hbm>>
          %dma_start3A_135 = arith.constant 0 : i32
          %dma_start3A_136 = tpu.memref_slice %arg4[%add3A_132, %dma_start3A_135] : memref<200704x128xf32, #tpu.memory_space<hbm>> -> memref<128x128xf32, #tpu.memory_space<hbm>>
          tpu.enqueue_dma source(%arg7 : memref<128x128xf32, #tpu.memory_space<vmem>>) target(%dma_start3A_136 : memref<128x128xf32, #tpu.memory_space<hbm>>) target_semaphore(%arg15 : memref<!tpu.dma_semaphore, #tpu.memory_space<semaphore_mem>>)
        } else {
        }
        %add3A_79 = arith.constant 4 : i32
        %add3A_80 = arith.addi %add3A_73, %add3A_79 : i32
        %sub3A_81 = arith.constant 1 : i32
        %sub3A_82 = arith.subi %add3A_80, %sub3A_81 : i32
        %lt3A_83 = arith.constant 49 : i32
        %lt3A_84 = arith.cmpi slt, %sub3A_82, %lt3A_83 : i32
        %convert_element_type3A_85 = arith.extui %lt3A_84 : i1 to i32
        %cond3A_86 = arith.constant 0 : i32
        %cond3A_87 = arith.cmpi ne, %convert_element_type3A_85, %cond3A_86 : i32
        scf.if %cond3A_87 {
          %ge3A = arith.constant 1 : i32
          %ge3A_124 = arith.cmpi sge, %add3A_73, %ge3A : i32
          %convert_element_type3A_125 = arith.extui %ge3A_124 : i1 to i32
          %cond3A_126 = arith.constant 0 : i32
          %cond3A_127 = arith.cmpi ne, %convert_element_type3A_125, %cond3A_126 : i32
          scf.if %cond3A_127 {
            %sub3A_138 = arith.constant 1 : i32
            %sub3A_139 = arith.subi %add3A_73, %sub3A_138 : i32
            %mul3A_140 = arith.constant 128 : i32
            %mul3A_141 = arith.muli %sub3A_139, %mul3A_140 : i32
            %add3A_142 = arith.addi %add3A_10, %mul3A_141 : i32
            %dma_wait3A_143 = arith.constant 0 : i32
            %dma_wait3A_144 = tpu.memref_slice %arg4[%add3A_142, %dma_wait3A_143] : memref<200704x128xf32, #tpu.memory_space<hbm>> -> memref<128x128xf32, #tpu.memory_space<hbm>>
            %dma_wait3A_145 = arith.constant 0 : i32
            %dma_wait3A_146 = tpu.memref_slice %arg4[%add3A_142, %dma_wait3A_145] : memref<200704x128xf32, #tpu.memory_space<hbm>> -> memref<128x128xf32, #tpu.memory_space<hbm>>
            tpu.wait_dma2 semaphore(%arg14 : memref<!tpu.dma_semaphore, #tpu.memory_space<semaphore_mem>>) src(%arg6 : memref<128x128xf32, #tpu.memory_space<vmem>>) dst(%dma_wait3A_146 : memref<128x128xf32, #tpu.memory_space<hbm>>)
          } else {
          }
          %add3A_128 = arith.constant 4 : i32
          %add3A_129 = arith.addi %add3A_73, %add3A_128 : i32
          %sub3A_130 = arith.constant 1 : i32
          %sub3A_131 = arith.subi %add3A_129, %sub3A_130 : i32
          %mul3A_132 = arith.constant 128 : i32
          %mul3A_133 = arith.muli %sub3A_131, %mul3A_132 : i32
          %dma_start3A_134 = tpu.memref_slice %arg5[%mul3A_133] : memref<6272xi32, #tpu.memory_space<vmem>> -> memref<128xi32, #tpu.memory_space<vmem>>
          %dma_start3A_135 = arith.constant 0 : i32
          %dma_start3A_136 = arith.constant 0 : i32
          %dma_start3A_137 = tpu.memref_slice %arg2[%dma_start3A_135, %dma_start3A_136] : memref<50176x128xf32, #tpu.memory_space<hbm>> -> memref<50176x128xf32, #tpu.memory_space<hbm>>
          tpu.enqueue_indirect_dma source(%dma_start3A_137 : memref<50176x128xf32, #tpu.memory_space<hbm>>) target(%arg6 : memref<128x128xf32, #tpu.memory_space<vmem>>) offsets(%dma_start3A_134 : memref<128xi32, #tpu.memory_space<vmem>>) semaphore(%arg10 : memref<!tpu.dma_semaphore, #tpu.memory_space<semaphore_mem>>)
        } else {
        }
        %mul3A_88 = arith.constant 4 : i32
        %mul3A_89 = arith.muli %scan3A_53, %mul3A_88 : i32
        %add3A_90 = arith.constant 2 : i32
        %add3A_91 = arith.addi %mul3A_89, %add3A_90 : i32
        %lt3A_92 = arith.constant 49 : i32
        %lt3A_93 = arith.cmpi slt, %add3A_91, %lt3A_92 : i32
        %convert_element_type3A_94 = arith.extui %lt3A_93 : i1 to i32
        %cond3A_95 = arith.constant 0 : i32
        %cond3A_96 = arith.cmpi ne, %convert_element_type3A_94, %cond3A_95 : i32
        scf.if %cond3A_96 {
          %mul3A_124 = arith.constant 128 : i32
          %mul3A_125 = arith.muli %add3A_91, %mul3A_124 : i32
          %dma_wait3A_126 = tpu.memref_slice %arg5[%mul3A_125] : memref<6272xi32, #tpu.memory_space<vmem>> -> memref<128xi32, #tpu.memory_space<vmem>>
          %dma_wait3A_127 = arith.constant 0 : i32
          %dma_wait3A_128 = arith.constant 0 : i32
          %dma_wait3A_129 = tpu.memref_slice %arg2[%dma_wait3A_127, %dma_wait3A_128] : memref<50176x128xf32, #tpu.memory_space<hbm>> -> memref<50176x128xf32, #tpu.memory_space<hbm>>
          tpu.wait_indirect_dma semaphore(%arg12 : memref<!tpu.dma_semaphore, #tpu.memory_space<semaphore_mem>>) src(%dma_wait3A_129 : memref<50176x128xf32, #tpu.memory_space<hbm>>) dst(%arg8 : memref<128x128xf32, #tpu.memory_space<vmem>>)
          %mul3A_130 = arith.constant 128 : i32
          %mul3A_131 = arith.muli %add3A_91, %mul3A_130 : i32
          %add3A_132 = arith.addi %add3A_10, %mul3A_131 : i32
          %dma_start3A_133 = arith.constant 0 : i32
          %dma_start3A_134 = tpu.memref_slice %arg4[%add3A_132, %dma_start3A_133] : memref<200704x128xf32, #tpu.memory_space<hbm>> -> memref<128x128xf32, #tpu.memory_space<hbm>>
          %dma_start3A_135 = arith.constant 0 : i32
          %dma_start3A_136 = tpu.memref_slice %arg4[%add3A_132, %dma_start3A_135] : memref<200704x128xf32, #tpu.memory_space<hbm>> -> memref<128x128xf32, #tpu.memory_space<hbm>>
          tpu.enqueue_dma source(%arg8 : memref<128x128xf32, #tpu.memory_space<vmem>>) target(%dma_start3A_136 : memref<128x128xf32, #tpu.memory_space<hbm>>) target_semaphore(%arg16 : memref<!tpu.dma_semaphore, #tpu.memory_space<semaphore_mem>>)
        } else {
        }
        %add3A_97 = arith.constant 4 : i32
        %add3A_98 = arith.addi %add3A_91, %add3A_97 : i32
        %sub3A_99 = arith.constant 1 : i32
        %sub3A_100 = arith.subi %add3A_98, %sub3A_99 : i32
        %lt3A_101 = arith.constant 49 : i32
        %lt3A_102 = arith.cmpi slt, %sub3A_100, %lt3A_101 : i32
        %convert_element_type3A_103 = arith.extui %lt3A_102 : i1 to i32
        %cond3A_104 = arith.constant 0 : i32
        %cond3A_105 = arith.cmpi ne, %convert_element_type3A_103, %cond3A_104 : i32
        scf.if %cond3A_105 {
          %ge3A = arith.constant 1 : i32
          %ge3A_124 = arith.cmpi sge, %add3A_91, %ge3A : i32
          %convert_element_type3A_125 = arith.extui %ge3A_124 : i1 to i32
          %cond3A_126 = arith.constant 0 : i32
          %cond3A_127 = arith.cmpi ne, %convert_element_type3A_125, %cond3A_126 : i32
          scf.if %cond3A_127 {
            %sub3A_138 = arith.constant 1 : i32
            %sub3A_139 = arith.subi %add3A_91, %sub3A_138 : i32
            %mul3A_140 = arith.constant 128 : i32
            %mul3A_141 = arith.muli %sub3A_139, %mul3A_140 : i32
            %add3A_142 = arith.addi %add3A_10, %mul3A_141 : i32
            %dma_wait3A_143 = arith.constant 0 : i32
            %dma_wait3A_144 = tpu.memref_slice %arg4[%add3A_142, %dma_wait3A_143] : memref<200704x128xf32, #tpu.memory_space<hbm>> -> memref<128x128xf32, #tpu.memory_space<hbm>>
            %dma_wait3A_145 = arith.constant 0 : i32
            %dma_wait3A_146 = tpu.memref_slice %arg4[%add3A_142, %dma_wait3A_145] : memref<200704x128xf32, #tpu.memory_space<hbm>> -> memref<128x128xf32, #tpu.memory_space<hbm>>
            tpu.wait_dma2 semaphore(%arg15 : memref<!tpu.dma_semaphore, #tpu.memory_space<semaphore_mem>>) src(%arg7 : memref<128x128xf32, #tpu.memory_space<vmem>>) dst(%dma_wait3A_146 : memref<128x128xf32, #tpu.memory_space<hbm>>)
          } else {
          }
          %add3A_128 = arith.constant 4 : i32
          %add3A_129 = arith.addi %add3A_91, %add3A_128 : i32
          %sub3A_130 = arith.constant 1 : i32
          %sub3A_131 = arith.subi %add3A_129, %sub3A_130 : i32
          %mul3A_132 = arith.constant 128 : i32
          %mul3A_133 = arith.muli %sub3A_131, %mul3A_132 : i32
          %dma_start3A_134 = tpu.memref_slice %arg5[%mul3A_133] : memref<6272xi32, #tpu.memory_space<vmem>> -> memref<128xi32, #tpu.memory_space<vmem>>
          %dma_start3A_135 = arith.constant 0 : i32
          %dma_start3A_136 = arith.constant 0 : i32
          %dma_start3A_137 = tpu.memref_slice %arg2[%dma_start3A_135, %dma_start3A_136] : memref<50176x128xf32, #tpu.memory_space<hbm>> -> memref<50176x128xf32, #tpu.memory_space<hbm>>
          tpu.enqueue_indirect_dma source(%dma_start3A_137 : memref<50176x128xf32, #tpu.memory_space<hbm>>) target(%arg7 : memref<128x128xf32, #tpu.memory_space<vmem>>) offsets(%dma_start3A_134 : memref<128xi32, #tpu.memory_space<vmem>>) semaphore(%arg11 : memref<!tpu.dma_semaphore, #tpu.memory_space<semaphore_mem>>)
        } else {
        }
        %mul3A_106 = arith.constant 4 : i32
        %mul3A_107 = arith.muli %scan3A_53, %mul3A_106 : i32
        %add3A_108 = arith.constant 3 : i32
        %add3A_109 = arith.addi %mul3A_107, %add3A_108 : i32
        %lt3A_110 = arith.constant 49 : i32
        %lt3A_111 = arith.cmpi slt, %add3A_109, %lt3A_110 : i32
        %convert_element_type3A_112 = arith.extui %lt3A_111 : i1 to i32
        %cond3A_113 = arith.constant 0 : i32
        %cond3A_114 = arith.cmpi ne, %convert_element_type3A_112, %cond3A_113 : i32
        scf.if %cond3A_114 {
          %mul3A_124 = arith.constant 128 : i32
          %mul3A_125 = arith.muli %add3A_109, %mul3A_124 : i32
          %dma_wait3A_126 = tpu.memref_slice %arg5[%mul3A_125] : memref<6272xi32, #tpu.memory_space<vmem>> -> memref<128xi32, #tpu.memory_space<vmem>>
          %dma_wait3A_127 = arith.constant 0 : i32
          %dma_wait3A_128 = arith.constant 0 : i32
          %dma_wait3A_129 = tpu.memref_slice %arg2[%dma_wait3A_127, %dma_wait3A_128] : memref<50176x128xf32, #tpu.memory_space<hbm>> -> memref<50176x128xf32, #tpu.memory_space<hbm>>
          tpu.wait_indirect_dma semaphore(%arg13 : memref<!tpu.dma_semaphore, #tpu.memory_space<semaphore_mem>>) src(%dma_wait3A_129 : memref<50176x128xf32, #tpu.memory_space<hbm>>) dst(%arg9 : memref<128x128xf32, #tpu.memory_space<vmem>>)
          %mul3A_130 = arith.constant 128 : i32
          %mul3A_131 = arith.muli %add3A_109, %mul3A_130 : i32
          %add3A_132 = arith.addi %add3A_10, %mul3A_131 : i32
          %dma_start3A_133 = arith.constant 0 : i32
          %dma_start3A_134 = tpu.memref_slice %arg4[%add3A_132, %dma_start3A_133] : memref<200704x128xf32, #tpu.memory_space<hbm>> -> memref<128x128xf32, #tpu.memory_space<hbm>>
          %dma_start3A_135 = arith.constant 0 : i32
          %dma_start3A_136 = tpu.memref_slice %arg4[%add3A_132, %dma_start3A_135] : memref<200704x128xf32, #tpu.memory_space<hbm>> -> memref<128x128xf32, #tpu.memory_space<hbm>>
          tpu.enqueue_dma source(%arg9 : memref<128x128xf32, #tpu.memory_space<vmem>>) target(%dma_start3A_136 : memref<128x128xf32, #tpu.memory_space<hbm>>) target_semaphore(%arg17 : memref<!tpu.dma_semaphore, #tpu.memory_space<semaphore_mem>>)
        } else {
        }
        %add3A_115 = arith.constant 4 : i32
        %add3A_116 = arith.addi %add3A_109, %add3A_115 : i32
        %sub3A_117 = arith.constant 1 : i32
        %sub3A_118 = arith.subi %add3A_116, %sub3A_117 : i32
        %lt3A_119 = arith.constant 49 : i32
        %lt3A_120 = arith.cmpi slt, %sub3A_118, %lt3A_119 : i32
        %convert_element_type3A_121 = arith.extui %lt3A_120 : i1 to i32
        %cond3A_122 = arith.constant 0 : i32
        %cond3A_123 = arith.cmpi ne, %convert_element_type3A_121, %cond3A_122 : i32
        scf.if %cond3A_123 {
          %ge3A = arith.constant 1 : i32
          %ge3A_124 = arith.cmpi sge, %add3A_109, %ge3A : i32
          %convert_element_type3A_125 = arith.extui %ge3A_124 : i1 to i32
          %cond3A_126 = arith.constant 0 : i32
          %cond3A_127 = arith.cmpi ne, %convert_element_type3A_125, %cond3A_126 : i32
          scf.if %cond3A_127 {
            %sub3A_138 = arith.constant 1 : i32
            %sub3A_139 = arith.subi %add3A_109, %sub3A_138 : i32
            %mul3A_140 = arith.constant 128 : i32
            %mul3A_141 = arith.muli %sub3A_139, %mul3A_140 : i32
            %add3A_142 = arith.addi %add3A_10, %mul3A_141 : i32
            %dma_wait3A_143 = arith.constant 0 : i32
            %dma_wait3A_144 = tpu.memref_slice %arg4[%add3A_142, %dma_wait3A_143] : memref<200704x128xf32, #tpu.memory_space<hbm>> -> memref<128x128xf32, #tpu.memory_space<hbm>>
            %dma_wait3A_145 = arith.constant 0 : i32
            %dma_wait3A_146 = tpu.memref_slice %arg4[%add3A_142, %dma_wait3A_145] : memref<200704x128xf32, #tpu.memory_space<hbm>> -> memref<128x128xf32, #tpu.memory_space<hbm>>
            tpu.wait_dma2 semaphore(%arg16 : memref<!tpu.dma_semaphore, #tpu.memory_space<semaphore_mem>>) src(%arg8 : memref<128x128xf32, #tpu.memory_space<vmem>>) dst(%dma_wait3A_146 : memref<128x128xf32, #tpu.memory_space<hbm>>)
          } else {
          }
          %add3A_128 = arith.constant 4 : i32
          %add3A_129 = arith.addi %add3A_109, %add3A_128 : i32
          %sub3A_130 = arith.constant 1 : i32
          %sub3A_131 = arith.subi %add3A_129, %sub3A_130 : i32
          %mul3A_132 = arith.constant 128 : i32
          %mul3A_133 = arith.muli %sub3A_131, %mul3A_132 : i32
          %dma_start3A_134 = tpu.memref_slice %arg5[%mul3A_133] : memref<6272xi32, #tpu.memory_space<vmem>> -> memref<128xi32, #tpu.memory_space<vmem>>
          %dma_start3A_135 = arith.constant 0 : i32
          %dma_start3A_136 = arith.constant 0 : i32
          %dma_start3A_137 = tpu.memref_slice %arg2[%dma_start3A_135, %dma_start3A_136] : memref<50176x128xf32, #tpu.memory_space<hbm>> -> memref<50176x128xf32, #tpu.memory_space<hbm>>
          tpu.enqueue_indirect_dma source(%dma_start3A_137 : memref<50176x128xf32, #tpu.memory_space<hbm>>) target(%arg8 : memref<128x128xf32, #tpu.memory_space<vmem>>) offsets(%dma_start3A_134 : memref<128xi32, #tpu.memory_space<vmem>>) semaphore(%arg12 : memref<!tpu.dma_semaphore, #tpu.memory_space<semaphore_mem>>)
        } else {
        }
      }
      %scan3A_29 = arith.constant 13 : i32
      %add3A_30 = arith.constant 5760 : i32
      %add3A_31 = arith.addi %add3A_10, %add3A_30 : i32
      %dma_wait3A = arith.constant 0 : i32
      %dma_wait3A_32 = tpu.memref_slice %arg4[%add3A_31, %dma_wait3A] : memref<200704x128xf32, #tpu.memory_space<hbm>> -> memref<128x128xf32, #tpu.memory_space<hbm>>
      %dma_wait3A_33 = arith.constant 0 : i32
      %dma_wait3A_34 = tpu.memref_slice %arg4[%add3A_31, %dma_wait3A_33] : memref<200704x128xf32, #tpu.memory_space<hbm>> -> memref<128x128xf32, #tpu.memory_space<hbm>>
      tpu.wait_dma2 semaphore(%arg15 : memref<!tpu.dma_semaphore, #tpu.memory_space<semaphore_mem>>) src(%arg7 : memref<128x128xf32, #tpu.memory_space<vmem>>) dst(%dma_wait3A_34 : memref<128x128xf32, #tpu.memory_space<hbm>>)
      %add3A_35 = arith.constant 5888 : i32
      %add3A_36 = arith.addi %add3A_10, %add3A_35 : i32
      %dma_wait3A_37 = arith.constant 0 : i32
      %dma_wait3A_38 = tpu.memref_slice %arg4[%add3A_36, %dma_wait3A_37] : memref<200704x128xf32, #tpu.memory_space<hbm>> -> memref<128x128xf32, #tpu.memory_space<hbm>>
      %dma_wait3A_39 = arith.constant 0 : i32
      %dma_wait3A_40 = tpu.memref_slice %arg4[%add3A_36, %dma_wait3A_39] : memref<200704x128xf32, #tpu.memory_space<hbm>> -> memref<128x128xf32, #tpu.memory_space<hbm>>
      tpu.wait_dma2 semaphore(%arg16 : memref<!tpu.dma_semaphore, #tpu.memory_space<semaphore_mem>>) src(%arg8 : memref<128x128xf32, #tpu.memory_space<vmem>>) dst(%dma_wait3A_40 : memref<128x128xf32, #tpu.memory_space<hbm>>)
      %add3A_41 = arith.constant 6016 : i32
      %add3A_42 = arith.addi %add3A_10, %add3A_41 : i32
      %dma_wait3A_43 = arith.constant 0 : i32
      %dma_wait3A_44 = tpu.memref_slice %arg4[%add3A_42, %dma_wait3A_43] : memref<200704x128xf32, #tpu.memory_space<hbm>> -> memref<128x128xf32, #tpu.memory_space<hbm>>
      %dma_wait3A_45 = arith.constant 0 : i32
      %dma_wait3A_46 = tpu.memref_slice %arg4[%add3A_42, %dma_wait3A_45] : memref<200704x128xf32, #tpu.memory_space<hbm>> -> memref<128x128xf32, #tpu.memory_space<hbm>>
      tpu.wait_dma2 semaphore(%arg17 : memref<!tpu.dma_semaphore, #tpu.memory_space<semaphore_mem>>) src(%arg9 : memref<128x128xf32, #tpu.memory_space<vmem>>) dst(%dma_wait3A_46 : memref<128x128xf32, #tpu.memory_space<hbm>>)
      %add3A_47 = arith.constant 6144 : i32
      %add3A_48 = arith.addi %add3A_10, %add3A_47 : i32
      %dma_wait3A_49 = arith.constant 0 : i32
      %dma_wait3A_50 = tpu.memref_slice %arg4[%add3A_48, %dma_wait3A_49] : memref<200704x128xf32, #tpu.memory_space<hbm>> -> memref<128x128xf32, #tpu.memory_space<hbm>>
      %dma_wait3A_51 = arith.constant 0 : i32
      %dma_wait3A_52 = tpu.memref_slice %arg4[%add3A_48, %dma_wait3A_51] : memref<200704x128xf32, #tpu.memory_space<hbm>> -> memref<128x128xf32, #tpu.memory_space<hbm>>
      tpu.wait_dma2 semaphore(%arg14 : memref<!tpu.dma_semaphore, #tpu.memory_space<semaphore_mem>>) src(%arg6 : memref<128x128xf32, #tpu.memory_space<vmem>>) dst(%dma_wait3A_52 : memref<128x128xf32, #tpu.memory_space<hbm>>)
    } else {
    }
    return
  }
}

#map = affine_map<(d0, d1) -> (0, 0)>
#map1 = affine_map<(d0, d1) -> (0)>
module attributes {stable_mosaic.version = 14 : i64} {
  func.func @gather_k(%arg0: i32, %arg1: i32, %arg2: memref<50176x128xf32, #tpu.memory_space<hbm>>, %arg3: memref<200704xi32, #tpu.memory_space<hbm>>, %arg4: memref<200704x128xf32, #tpu.memory_space<hbm>>, %arg5: memref<6272xi32, #tpu.memory_space<vmem>>, %arg6: memref<128x128xf32, #tpu.memory_space<vmem>>, %arg7: memref<128x128xf32, #tpu.memory_space<vmem>>, %arg8: memref<128x128xf32, #tpu.memory_space<vmem>>, %arg9: memref<128x128xf32, #tpu.memory_space<vmem>>, %arg10: memref<!tpu.dma_semaphore, #tpu.memory_space<semaphore_mem>>, %arg11: memref<!tpu.dma_semaphore, #tpu.memory_space<semaphore_mem>>, %arg12: memref<!tpu.dma_semaphore, #tpu.memory_space<semaphore_mem>>, %arg13: memref<!tpu.dma_semaphore, #tpu.memory_space<semaphore_mem>>, %arg14: memref<!tpu.dma_semaphore, #tpu.memory_space<semaphore_mem>>, %arg15: memref<!tpu.dma_semaphore, #tpu.memory_space<semaphore_mem>>, %arg16: memref<!tpu.dma_semaphore, #tpu.memory_space<semaphore_mem>>, %arg17: memref<!tpu.dma_semaphore, #tpu.memory_space<semaphore_mem>>) attributes {dimension_semantics = [#tpu.dimension_semantics<core_parallel>, #tpu.dimension_semantics<subcore_parallel>], iteration_bounds = array<i64: 2, 16>, scalar_prefetch = 0 : i64, scratch_operands = 13 : i64, tpu.core_type = #tpu.core_type<sc_vector_subcore>, window_params = [{transform_indices = #map}, {transform_indices = #map1}, {transform_indices = #map}]} {
    %mul3A = arith.constant 2 : i32
    %mul3A_0 = arith.muli %arg1, %mul3A : i32
    %mul3A_1 = arith.constant 6272 : i32
    %mul3A_2 = arith.muli %mul3A_0, %mul3A_1 : i32
    %eq3A = arith.constant 0 : i32
    %eq3A_3 = arith.cmpi eq, %arg0, %eq3A : i32
    %convert_element_type3A = arith.extui %eq3A_3 : i1 to i32
    %cond3A = arith.constant 0 : i32
    %cond3A_4 = arith.cmpi ne, %convert_element_type3A, %cond3A : i32
    scf.if %cond3A_4 {
      "tpu.region"() ({
        %run_scoped3A = tpu.sem_alloc : memref<!tpu.dma_semaphore, #tpu.memory_space<semaphore_mem>>
        %dma_start3A_51 = arith.constant 0 : i32
        %dma_start3A_52 = tpu.memref_slice %arg5[%dma_start3A_51] : memref<6272xi32, #tpu.memory_space<vmem>> -> memref<6272xi32, #tpu.memory_space<vmem>>
        %dma_start3A_53 = tpu.memref_slice %arg3[%mul3A_2] : memref<200704xi32, #tpu.memory_space<hbm>> -> memref<6272xi32, #tpu.memory_space<hbm>>
        %dma_start3A_54 = arith.constant 0 : i32
        %dma_start3A_55 = tpu.memref_slice %arg5[%dma_start3A_54] : memref<6272xi32, #tpu.memory_space<vmem>> -> memref<6272xi32, #tpu.memory_space<vmem>>
        %dma_start3A_56 = tpu.memref_slice %arg3[%mul3A_2] : memref<200704xi32, #tpu.memory_space<hbm>> -> memref<6272xi32, #tpu.memory_space<hbm>>
        tpu.enqueue_dma source(%dma_start3A_56 : memref<6272xi32, #tpu.memory_space<hbm>>) target(%dma_start3A_55 : memref<6272xi32, #tpu.memory_space<vmem>>) target_semaphore(%run_scoped3A : memref<!tpu.dma_semaphore, #tpu.memory_space<semaphore_mem>>)
        %dma_wait3A_57 = arith.constant 0 : i32
        %dma_wait3A_58 = tpu.memref_slice %arg5[%dma_wait3A_57] : memref<6272xi32, #tpu.memory_space<vmem>> -> memref<6272xi32, #tpu.memory_space<vmem>>
        %dma_wait3A_59 = tpu.memref_slice %arg3[%mul3A_2] : memref<200704xi32, #tpu.memory_space<hbm>> -> memref<6272xi32, #tpu.memory_space<hbm>>
        %dma_wait3A_60 = arith.constant 0 : i32
        %dma_wait3A_61 = tpu.memref_slice %arg5[%dma_wait3A_60] : memref<6272xi32, #tpu.memory_space<vmem>> -> memref<6272xi32, #tpu.memory_space<vmem>>
        %dma_wait3A_62 = tpu.memref_slice %arg3[%mul3A_2] : memref<200704xi32, #tpu.memory_space<hbm>> -> memref<6272xi32, #tpu.memory_space<hbm>>
        tpu.wait_dma2 semaphore(%run_scoped3A : memref<!tpu.dma_semaphore, #tpu.memory_space<semaphore_mem>>) src(%dma_wait3A_62 : memref<6272xi32, #tpu.memory_space<hbm>>) dst(%dma_wait3A_61 : memref<6272xi32, #tpu.memory_space<vmem>>)
        tpu.yield
      }) : () -> ()
      %dma_start3A = arith.constant 0 : i32
      %dma_start3A_10 = tpu.memref_slice %arg5[%dma_start3A] : memref<6272xi32, #tpu.memory_space<vmem>> -> memref<128xi32, #tpu.memory_space<vmem>>
      %dma_start3A_11 = arith.constant 0 : i32
      %dma_start3A_12 = arith.constant 0 : i32
      %dma_start3A_13 = tpu.memref_slice %arg2[%dma_start3A_11, %dma_start3A_12] : memref<50176x128xf32, #tpu.memory_space<hbm>> -> memref<50176x128xf32, #tpu.memory_space<hbm>>
      tpu.enqueue_indirect_dma source(%dma_start3A_13 : memref<50176x128xf32, #tpu.memory_space<hbm>>) target(%arg6 : memref<128x128xf32, #tpu.memory_space<vmem>>) offsets(%dma_start3A_10 : memref<128xi32, #tpu.memory_space<vmem>>) semaphore(%arg10 : memref<!tpu.dma_semaphore, #tpu.memory_space<semaphore_mem>>)
      %dma_start3A_14 = arith.constant 128 : i32
      %dma_start3A_15 = tpu.memref_slice %arg5[%dma_start3A_14] : memref<6272xi32, #tpu.memory_space<vmem>> -> memref<128xi32, #tpu.memory_space<vmem>>
      %dma_start3A_16 = arith.constant 0 : i32
      %dma_start3A_17 = arith.constant 0 : i32
      %dma_start3A_18 = tpu.memref_slice %arg2[%dma_start3A_16, %dma_start3A_17] : memref<50176x128xf32, #tpu.memory_space<hbm>> -> memref<50176x128xf32, #tpu.memory_space<hbm>>
      tpu.enqueue_indirect_dma source(%dma_start3A_18 : memref<50176x128xf32, #tpu.memory_space<hbm>>) target(%arg7 : memref<128x128xf32, #tpu.memory_space<vmem>>) offsets(%dma_start3A_15 : memref<128xi32, #tpu.memory_space<vmem>>) semaphore(%arg11 : memref<!tpu.dma_semaphore, #tpu.memory_space<semaphore_mem>>)
      %dma_start3A_19 = arith.constant 256 : i32
      %dma_start3A_20 = tpu.memref_slice %arg5[%dma_start3A_19] : memref<6272xi32, #tpu.memory_space<vmem>> -> memref<128xi32, #tpu.memory_space<vmem>>
      %dma_start3A_21 = arith.constant 0 : i32
      %dma_start3A_22 = arith.constant 0 : i32
      %dma_start3A_23 = tpu.memref_slice %arg2[%dma_start3A_21, %dma_start3A_22] : memref<50176x128xf32, #tpu.memory_space<hbm>> -> memref<50176x128xf32, #tpu.memory_space<hbm>>
      tpu.enqueue_indirect_dma source(%dma_start3A_23 : memref<50176x128xf32, #tpu.memory_space<hbm>>) target(%arg8 : memref<128x128xf32, #tpu.memory_space<vmem>>) offsets(%dma_start3A_20 : memref<128xi32, #tpu.memory_space<vmem>>) semaphore(%arg12 : memref<!tpu.dma_semaphore, #tpu.memory_space<semaphore_mem>>)
      %scan3A = arith.constant 0 : i32
      %scan3A_24 = arith.constant 0 : i32
      %scan3A_25 = arith.constant 13 : i32
      %scan3A_26 = arith.addi %scan3A_24, %scan3A_25 : i32
      %scan3A_27 = arith.constant 1 : i32
      scf.for %scan3A_51 = %scan3A_24 to %scan3A_26 step %scan3A_27  : i32 {
        %mul3A_52 = arith.constant 4 : i32
        %mul3A_53 = arith.muli %scan3A_51, %mul3A_52 : i32
        %add3A_54 = arith.constant 0 : i32
        %add3A_55 = arith.addi %mul3A_53, %add3A_54 : i32
        %lt3A = arith.constant 49 : i32
        %lt3A_56 = arith.cmpi slt, %add3A_55, %lt3A : i32
        %convert_element_type3A_57 = arith.extui %lt3A_56 : i1 to i32
        %cond3A_58 = arith.constant 0 : i32
        %cond3A_59 = arith.cmpi ne, %convert_element_type3A_57, %cond3A_58 : i32
        scf.if %cond3A_59 {
          %mul3A_122 = arith.constant 128 : i32
          %mul3A_123 = arith.muli %add3A_55, %mul3A_122 : i32
          %dma_wait3A_124 = tpu.memref_slice %arg5[%mul3A_123] : memref<6272xi32, #tpu.memory_space<vmem>> -> memref<128xi32, #tpu.memory_space<vmem>>
          %dma_wait3A_125 = arith.constant 0 : i32
          %dma_wait3A_126 = arith.constant 0 : i32
          %dma_wait3A_127 = tpu.memref_slice %arg2[%dma_wait3A_125, %dma_wait3A_126] : memref<50176x128xf32, #tpu.memory_space<hbm>> -> memref<50176x128xf32, #tpu.memory_space<hbm>>
          tpu.wait_indirect_dma semaphore(%arg10 : memref<!tpu.dma_semaphore, #tpu.memory_space<semaphore_mem>>) src(%dma_wait3A_127 : memref<50176x128xf32, #tpu.memory_space<hbm>>) dst(%arg6 : memref<128x128xf32, #tpu.memory_space<vmem>>)
          %mul3A_128 = arith.constant 128 : i32
          %mul3A_129 = arith.muli %add3A_55, %mul3A_128 : i32
          %add3A_130 = arith.addi %mul3A_2, %mul3A_129 : i32
          %dma_start3A_131 = arith.constant 0 : i32
          %dma_start3A_132 = tpu.memref_slice %arg4[%add3A_130, %dma_start3A_131] : memref<200704x128xf32, #tpu.memory_space<hbm>> -> memref<128x128xf32, #tpu.memory_space<hbm>>
          %dma_start3A_133 = arith.constant 0 : i32
          %dma_start3A_134 = tpu.memref_slice %arg4[%add3A_130, %dma_start3A_133] : memref<200704x128xf32, #tpu.memory_space<hbm>> -> memref<128x128xf32, #tpu.memory_space<hbm>>
          tpu.enqueue_dma source(%arg6 : memref<128x128xf32, #tpu.memory_space<vmem>>) target(%dma_start3A_134 : memref<128x128xf32, #tpu.memory_space<hbm>>) target_semaphore(%arg14 : memref<!tpu.dma_semaphore, #tpu.memory_space<semaphore_mem>>)
        } else {
        }
        %add3A_60 = arith.constant 4 : i32
        %add3A_61 = arith.addi %add3A_55, %add3A_60 : i32
        %sub3A = arith.constant 1 : i32
        %sub3A_62 = arith.subi %add3A_61, %sub3A : i32
        %lt3A_63 = arith.constant 49 : i32
        %lt3A_64 = arith.cmpi slt, %sub3A_62, %lt3A_63 : i32
        %convert_element_type3A_65 = arith.extui %lt3A_64 : i1 to i32
        %cond3A_66 = arith.constant 0 : i32
        %cond3A_67 = arith.cmpi ne, %convert_element_type3A_65, %cond3A_66 : i32
        scf.if %cond3A_67 {
          %ge3A = arith.constant 1 : i32
          %ge3A_122 = arith.cmpi sge, %add3A_55, %ge3A : i32
          %convert_element_type3A_123 = arith.extui %ge3A_122 : i1 to i32
          %cond3A_124 = arith.constant 0 : i32
          %cond3A_125 = arith.cmpi ne, %convert_element_type3A_123, %cond3A_124 : i32
          scf.if %cond3A_125 {
            %sub3A_136 = arith.constant 1 : i32
            %sub3A_137 = arith.subi %add3A_55, %sub3A_136 : i32
            %mul3A_138 = arith.constant 128 : i32
            %mul3A_139 = arith.muli %sub3A_137, %mul3A_138 : i32
            %add3A_140 = arith.addi %mul3A_2, %mul3A_139 : i32
            %dma_wait3A_141 = arith.constant 0 : i32
            %dma_wait3A_142 = tpu.memref_slice %arg4[%add3A_140, %dma_wait3A_141] : memref<200704x128xf32, #tpu.memory_space<hbm>> -> memref<128x128xf32, #tpu.memory_space<hbm>>
            %dma_wait3A_143 = arith.constant 0 : i32
            %dma_wait3A_144 = tpu.memref_slice %arg4[%add3A_140, %dma_wait3A_143] : memref<200704x128xf32, #tpu.memory_space<hbm>> -> memref<128x128xf32, #tpu.memory_space<hbm>>
            tpu.wait_dma2 semaphore(%arg17 : memref<!tpu.dma_semaphore, #tpu.memory_space<semaphore_mem>>) src(%arg9 : memref<128x128xf32, #tpu.memory_space<vmem>>) dst(%dma_wait3A_144 : memref<128x128xf32, #tpu.memory_space<hbm>>)
          } else {
          }
          %add3A_126 = arith.constant 4 : i32
          %add3A_127 = arith.addi %add3A_55, %add3A_126 : i32
          %sub3A_128 = arith.constant 1 : i32
          %sub3A_129 = arith.subi %add3A_127, %sub3A_128 : i32
          %mul3A_130 = arith.constant 128 : i32
          %mul3A_131 = arith.muli %sub3A_129, %mul3A_130 : i32
          %dma_start3A_132 = tpu.memref_slice %arg5[%mul3A_131] : memref<6272xi32, #tpu.memory_space<vmem>> -> memref<128xi32, #tpu.memory_space<vmem>>
          %dma_start3A_133 = arith.constant 0 : i32
          %dma_start3A_134 = arith.constant 0 : i32
          %dma_start3A_135 = tpu.memref_slice %arg2[%dma_start3A_133, %dma_start3A_134] : memref<50176x128xf32, #tpu.memory_space<hbm>> -> memref<50176x128xf32, #tpu.memory_space<hbm>>
          tpu.enqueue_indirect_dma source(%dma_start3A_135 : memref<50176x128xf32, #tpu.memory_space<hbm>>) target(%arg9 : memref<128x128xf32, #tpu.memory_space<vmem>>) offsets(%dma_start3A_132 : memref<128xi32, #tpu.memory_space<vmem>>) semaphore(%arg13 : memref<!tpu.dma_semaphore, #tpu.memory_space<semaphore_mem>>)
        } else {
        }
        %mul3A_68 = arith.constant 4 : i32
        %mul3A_69 = arith.muli %scan3A_51, %mul3A_68 : i32
        %add3A_70 = arith.constant 1 : i32
        %add3A_71 = arith.addi %mul3A_69, %add3A_70 : i32
        %lt3A_72 = arith.constant 49 : i32
        %lt3A_73 = arith.cmpi slt, %add3A_71, %lt3A_72 : i32
        %convert_element_type3A_74 = arith.extui %lt3A_73 : i1 to i32
        %cond3A_75 = arith.constant 0 : i32
        %cond3A_76 = arith.cmpi ne, %convert_element_type3A_74, %cond3A_75 : i32
        scf.if %cond3A_76 {
          %mul3A_122 = arith.constant 128 : i32
          %mul3A_123 = arith.muli %add3A_71, %mul3A_122 : i32
          %dma_wait3A_124 = tpu.memref_slice %arg5[%mul3A_123] : memref<6272xi32, #tpu.memory_space<vmem>> -> memref<128xi32, #tpu.memory_space<vmem>>
          %dma_wait3A_125 = arith.constant 0 : i32
          %dma_wait3A_126 = arith.constant 0 : i32
          %dma_wait3A_127 = tpu.memref_slice %arg2[%dma_wait3A_125, %dma_wait3A_126] : memref<50176x128xf32, #tpu.memory_space<hbm>> -> memref<50176x128xf32, #tpu.memory_space<hbm>>
          tpu.wait_indirect_dma semaphore(%arg11 : memref<!tpu.dma_semaphore, #tpu.memory_space<semaphore_mem>>) src(%dma_wait3A_127 : memref<50176x128xf32, #tpu.memory_space<hbm>>) dst(%arg7 : memref<128x128xf32, #tpu.memory_space<vmem>>)
          %mul3A_128 = arith.constant 128 : i32
          %mul3A_129 = arith.muli %add3A_71, %mul3A_128 : i32
          %add3A_130 = arith.addi %mul3A_2, %mul3A_129 : i32
          %dma_start3A_131 = arith.constant 0 : i32
          %dma_start3A_132 = tpu.memref_slice %arg4[%add3A_130, %dma_start3A_131] : memref<200704x128xf32, #tpu.memory_space<hbm>> -> memref<128x128xf32, #tpu.memory_space<hbm>>
          %dma_start3A_133 = arith.constant 0 : i32
          %dma_start3A_134 = tpu.memref_slice %arg4[%add3A_130, %dma_start3A_133] : memref<200704x128xf32, #tpu.memory_space<hbm>> -> memref<128x128xf32, #tpu.memory_space<hbm>>
          tpu.enqueue_dma source(%arg7 : memref<128x128xf32, #tpu.memory_space<vmem>>) target(%dma_start3A_134 : memref<128x128xf32, #tpu.memory_space<hbm>>) target_semaphore(%arg15 : memref<!tpu.dma_semaphore, #tpu.memory_space<semaphore_mem>>)
        } else {
        }
        %add3A_77 = arith.constant 4 : i32
        %add3A_78 = arith.addi %add3A_71, %add3A_77 : i32
        %sub3A_79 = arith.constant 1 : i32
        %sub3A_80 = arith.subi %add3A_78, %sub3A_79 : i32
        %lt3A_81 = arith.constant 49 : i32
        %lt3A_82 = arith.cmpi slt, %sub3A_80, %lt3A_81 : i32
        %convert_element_type3A_83 = arith.extui %lt3A_82 : i1 to i32
        %cond3A_84 = arith.constant 0 : i32
        %cond3A_85 = arith.cmpi ne, %convert_element_type3A_83, %cond3A_84 : i32
        scf.if %cond3A_85 {
          %ge3A = arith.constant 1 : i32
          %ge3A_122 = arith.cmpi sge, %add3A_71, %ge3A : i32
          %convert_element_type3A_123 = arith.extui %ge3A_122 : i1 to i32
          %cond3A_124 = arith.constant 0 : i32
          %cond3A_125 = arith.cmpi ne, %convert_element_type3A_123, %cond3A_124 : i32
          scf.if %cond3A_125 {
            %sub3A_136 = arith.constant 1 : i32
            %sub3A_137 = arith.subi %add3A_71, %sub3A_136 : i32
            %mul3A_138 = arith.constant 128 : i32
            %mul3A_139 = arith.muli %sub3A_137, %mul3A_138 : i32
            %add3A_140 = arith.addi %mul3A_2, %mul3A_139 : i32
            %dma_wait3A_141 = arith.constant 0 : i32
            %dma_wait3A_142 = tpu.memref_slice %arg4[%add3A_140, %dma_wait3A_141] : memref<200704x128xf32, #tpu.memory_space<hbm>> -> memref<128x128xf32, #tpu.memory_space<hbm>>
            %dma_wait3A_143 = arith.constant 0 : i32
            %dma_wait3A_144 = tpu.memref_slice %arg4[%add3A_140, %dma_wait3A_143] : memref<200704x128xf32, #tpu.memory_space<hbm>> -> memref<128x128xf32, #tpu.memory_space<hbm>>
            tpu.wait_dma2 semaphore(%arg14 : memref<!tpu.dma_semaphore, #tpu.memory_space<semaphore_mem>>) src(%arg6 : memref<128x128xf32, #tpu.memory_space<vmem>>) dst(%dma_wait3A_144 : memref<128x128xf32, #tpu.memory_space<hbm>>)
          } else {
          }
          %add3A_126 = arith.constant 4 : i32
          %add3A_127 = arith.addi %add3A_71, %add3A_126 : i32
          %sub3A_128 = arith.constant 1 : i32
          %sub3A_129 = arith.subi %add3A_127, %sub3A_128 : i32
          %mul3A_130 = arith.constant 128 : i32
          %mul3A_131 = arith.muli %sub3A_129, %mul3A_130 : i32
          %dma_start3A_132 = tpu.memref_slice %arg5[%mul3A_131] : memref<6272xi32, #tpu.memory_space<vmem>> -> memref<128xi32, #tpu.memory_space<vmem>>
          %dma_start3A_133 = arith.constant 0 : i32
          %dma_start3A_134 = arith.constant 0 : i32
          %dma_start3A_135 = tpu.memref_slice %arg2[%dma_start3A_133, %dma_start3A_134] : memref<50176x128xf32, #tpu.memory_space<hbm>> -> memref<50176x128xf32, #tpu.memory_space<hbm>>
          tpu.enqueue_indirect_dma source(%dma_start3A_135 : memref<50176x128xf32, #tpu.memory_space<hbm>>) target(%arg6 : memref<128x128xf32, #tpu.memory_space<vmem>>) offsets(%dma_start3A_132 : memref<128xi32, #tpu.memory_space<vmem>>) semaphore(%arg10 : memref<!tpu.dma_semaphore, #tpu.memory_space<semaphore_mem>>)
        } else {
        }
        %mul3A_86 = arith.constant 4 : i32
        %mul3A_87 = arith.muli %scan3A_51, %mul3A_86 : i32
        %add3A_88 = arith.constant 2 : i32
        %add3A_89 = arith.addi %mul3A_87, %add3A_88 : i32
        %lt3A_90 = arith.constant 49 : i32
        %lt3A_91 = arith.cmpi slt, %add3A_89, %lt3A_90 : i32
        %convert_element_type3A_92 = arith.extui %lt3A_91 : i1 to i32
        %cond3A_93 = arith.constant 0 : i32
        %cond3A_94 = arith.cmpi ne, %convert_element_type3A_92, %cond3A_93 : i32
        scf.if %cond3A_94 {
          %mul3A_122 = arith.constant 128 : i32
          %mul3A_123 = arith.muli %add3A_89, %mul3A_122 : i32
          %dma_wait3A_124 = tpu.memref_slice %arg5[%mul3A_123] : memref<6272xi32, #tpu.memory_space<vmem>> -> memref<128xi32, #tpu.memory_space<vmem>>
          %dma_wait3A_125 = arith.constant 0 : i32
          %dma_wait3A_126 = arith.constant 0 : i32
          %dma_wait3A_127 = tpu.memref_slice %arg2[%dma_wait3A_125, %dma_wait3A_126] : memref<50176x128xf32, #tpu.memory_space<hbm>> -> memref<50176x128xf32, #tpu.memory_space<hbm>>
          tpu.wait_indirect_dma semaphore(%arg12 : memref<!tpu.dma_semaphore, #tpu.memory_space<semaphore_mem>>) src(%dma_wait3A_127 : memref<50176x128xf32, #tpu.memory_space<hbm>>) dst(%arg8 : memref<128x128xf32, #tpu.memory_space<vmem>>)
          %mul3A_128 = arith.constant 128 : i32
          %mul3A_129 = arith.muli %add3A_89, %mul3A_128 : i32
          %add3A_130 = arith.addi %mul3A_2, %mul3A_129 : i32
          %dma_start3A_131 = arith.constant 0 : i32
          %dma_start3A_132 = tpu.memref_slice %arg4[%add3A_130, %dma_start3A_131] : memref<200704x128xf32, #tpu.memory_space<hbm>> -> memref<128x128xf32, #tpu.memory_space<hbm>>
          %dma_start3A_133 = arith.constant 0 : i32
          %dma_start3A_134 = tpu.memref_slice %arg4[%add3A_130, %dma_start3A_133] : memref<200704x128xf32, #tpu.memory_space<hbm>> -> memref<128x128xf32, #tpu.memory_space<hbm>>
          tpu.enqueue_dma source(%arg8 : memref<128x128xf32, #tpu.memory_space<vmem>>) target(%dma_start3A_134 : memref<128x128xf32, #tpu.memory_space<hbm>>) target_semaphore(%arg16 : memref<!tpu.dma_semaphore, #tpu.memory_space<semaphore_mem>>)
        } else {
        }
        %add3A_95 = arith.constant 4 : i32
        %add3A_96 = arith.addi %add3A_89, %add3A_95 : i32
        %sub3A_97 = arith.constant 1 : i32
        %sub3A_98 = arith.subi %add3A_96, %sub3A_97 : i32
        %lt3A_99 = arith.constant 49 : i32
        %lt3A_100 = arith.cmpi slt, %sub3A_98, %lt3A_99 : i32
        %convert_element_type3A_101 = arith.extui %lt3A_100 : i1 to i32
        %cond3A_102 = arith.constant 0 : i32
        %cond3A_103 = arith.cmpi ne, %convert_element_type3A_101, %cond3A_102 : i32
        scf.if %cond3A_103 {
          %ge3A = arith.constant 1 : i32
          %ge3A_122 = arith.cmpi sge, %add3A_89, %ge3A : i32
          %convert_element_type3A_123 = arith.extui %ge3A_122 : i1 to i32
          %cond3A_124 = arith.constant 0 : i32
          %cond3A_125 = arith.cmpi ne, %convert_element_type3A_123, %cond3A_124 : i32
          scf.if %cond3A_125 {
            %sub3A_136 = arith.constant 1 : i32
            %sub3A_137 = arith.subi %add3A_89, %sub3A_136 : i32
            %mul3A_138 = arith.constant 128 : i32
            %mul3A_139 = arith.muli %sub3A_137, %mul3A_138 : i32
            %add3A_140 = arith.addi %mul3A_2, %mul3A_139 : i32
            %dma_wait3A_141 = arith.constant 0 : i32
            %dma_wait3A_142 = tpu.memref_slice %arg4[%add3A_140, %dma_wait3A_141] : memref<200704x128xf32, #tpu.memory_space<hbm>> -> memref<128x128xf32, #tpu.memory_space<hbm>>
            %dma_wait3A_143 = arith.constant 0 : i32
            %dma_wait3A_144 = tpu.memref_slice %arg4[%add3A_140, %dma_wait3A_143] : memref<200704x128xf32, #tpu.memory_space<hbm>> -> memref<128x128xf32, #tpu.memory_space<hbm>>
            tpu.wait_dma2 semaphore(%arg15 : memref<!tpu.dma_semaphore, #tpu.memory_space<semaphore_mem>>) src(%arg7 : memref<128x128xf32, #tpu.memory_space<vmem>>) dst(%dma_wait3A_144 : memref<128x128xf32, #tpu.memory_space<hbm>>)
          } else {
          }
          %add3A_126 = arith.constant 4 : i32
          %add3A_127 = arith.addi %add3A_89, %add3A_126 : i32
          %sub3A_128 = arith.constant 1 : i32
          %sub3A_129 = arith.subi %add3A_127, %sub3A_128 : i32
          %mul3A_130 = arith.constant 128 : i32
          %mul3A_131 = arith.muli %sub3A_129, %mul3A_130 : i32
          %dma_start3A_132 = tpu.memref_slice %arg5[%mul3A_131] : memref<6272xi32, #tpu.memory_space<vmem>> -> memref<128xi32, #tpu.memory_space<vmem>>
          %dma_start3A_133 = arith.constant 0 : i32
          %dma_start3A_134 = arith.constant 0 : i32
          %dma_start3A_135 = tpu.memref_slice %arg2[%dma_start3A_133, %dma_start3A_134] : memref<50176x128xf32, #tpu.memory_space<hbm>> -> memref<50176x128xf32, #tpu.memory_space<hbm>>
          tpu.enqueue_indirect_dma source(%dma_start3A_135 : memref<50176x128xf32, #tpu.memory_space<hbm>>) target(%arg7 : memref<128x128xf32, #tpu.memory_space<vmem>>) offsets(%dma_start3A_132 : memref<128xi32, #tpu.memory_space<vmem>>) semaphore(%arg11 : memref<!tpu.dma_semaphore, #tpu.memory_space<semaphore_mem>>)
        } else {
        }
        %mul3A_104 = arith.constant 4 : i32
        %mul3A_105 = arith.muli %scan3A_51, %mul3A_104 : i32
        %add3A_106 = arith.constant 3 : i32
        %add3A_107 = arith.addi %mul3A_105, %add3A_106 : i32
        %lt3A_108 = arith.constant 49 : i32
        %lt3A_109 = arith.cmpi slt, %add3A_107, %lt3A_108 : i32
        %convert_element_type3A_110 = arith.extui %lt3A_109 : i1 to i32
        %cond3A_111 = arith.constant 0 : i32
        %cond3A_112 = arith.cmpi ne, %convert_element_type3A_110, %cond3A_111 : i32
        scf.if %cond3A_112 {
          %mul3A_122 = arith.constant 128 : i32
          %mul3A_123 = arith.muli %add3A_107, %mul3A_122 : i32
          %dma_wait3A_124 = tpu.memref_slice %arg5[%mul3A_123] : memref<6272xi32, #tpu.memory_space<vmem>> -> memref<128xi32, #tpu.memory_space<vmem>>
          %dma_wait3A_125 = arith.constant 0 : i32
          %dma_wait3A_126 = arith.constant 0 : i32
          %dma_wait3A_127 = tpu.memref_slice %arg2[%dma_wait3A_125, %dma_wait3A_126] : memref<50176x128xf32, #tpu.memory_space<hbm>> -> memref<50176x128xf32, #tpu.memory_space<hbm>>
          tpu.wait_indirect_dma semaphore(%arg13 : memref<!tpu.dma_semaphore, #tpu.memory_space<semaphore_mem>>) src(%dma_wait3A_127 : memref<50176x128xf32, #tpu.memory_space<hbm>>) dst(%arg9 : memref<128x128xf32, #tpu.memory_space<vmem>>)
          %mul3A_128 = arith.constant 128 : i32
          %mul3A_129 = arith.muli %add3A_107, %mul3A_128 : i32
          %add3A_130 = arith.addi %mul3A_2, %mul3A_129 : i32
          %dma_start3A_131 = arith.constant 0 : i32
          %dma_start3A_132 = tpu.memref_slice %arg4[%add3A_130, %dma_start3A_131] : memref<200704x128xf32, #tpu.memory_space<hbm>> -> memref<128x128xf32, #tpu.memory_space<hbm>>
          %dma_start3A_133 = arith.constant 0 : i32
          %dma_start3A_134 = tpu.memref_slice %arg4[%add3A_130, %dma_start3A_133] : memref<200704x128xf32, #tpu.memory_space<hbm>> -> memref<128x128xf32, #tpu.memory_space<hbm>>
          tpu.enqueue_dma source(%arg9 : memref<128x128xf32, #tpu.memory_space<vmem>>) target(%dma_start3A_134 : memref<128x128xf32, #tpu.memory_space<hbm>>) target_semaphore(%arg17 : memref<!tpu.dma_semaphore, #tpu.memory_space<semaphore_mem>>)
        } else {
        }
        %add3A_113 = arith.constant 4 : i32
        %add3A_114 = arith.addi %add3A_107, %add3A_113 : i32
        %sub3A_115 = arith.constant 1 : i32
        %sub3A_116 = arith.subi %add3A_114, %sub3A_115 : i32
        %lt3A_117 = arith.constant 49 : i32
        %lt3A_118 = arith.cmpi slt, %sub3A_116, %lt3A_117 : i32
        %convert_element_type3A_119 = arith.extui %lt3A_118 : i1 to i32
        %cond3A_120 = arith.constant 0 : i32
        %cond3A_121 = arith.cmpi ne, %convert_element_type3A_119, %cond3A_120 : i32
        scf.if %cond3A_121 {
          %ge3A = arith.constant 1 : i32
          %ge3A_122 = arith.cmpi sge, %add3A_107, %ge3A : i32
          %convert_element_type3A_123 = arith.extui %ge3A_122 : i1 to i32
          %cond3A_124 = arith.constant 0 : i32
          %cond3A_125 = arith.cmpi ne, %convert_element_type3A_123, %cond3A_124 : i32
          scf.if %cond3A_125 {
            %sub3A_136 = arith.constant 1 : i32
            %sub3A_137 = arith.subi %add3A_107, %sub3A_136 : i32
            %mul3A_138 = arith.constant 128 : i32
            %mul3A_139 = arith.muli %sub3A_137, %mul3A_138 : i32
            %add3A_140 = arith.addi %mul3A_2, %mul3A_139 : i32
            %dma_wait3A_141 = arith.constant 0 : i32
            %dma_wait3A_142 = tpu.memref_slice %arg4[%add3A_140, %dma_wait3A_141] : memref<200704x128xf32, #tpu.memory_space<hbm>> -> memref<128x128xf32, #tpu.memory_space<hbm>>
            %dma_wait3A_143 = arith.constant 0 : i32
            %dma_wait3A_144 = tpu.memref_slice %arg4[%add3A_140, %dma_wait3A_143] : memref<200704x128xf32, #tpu.memory_space<hbm>> -> memref<128x128xf32, #tpu.memory_space<hbm>>
            tpu.wait_dma2 semaphore(%arg16 : memref<!tpu.dma_semaphore, #tpu.memory_space<semaphore_mem>>) src(%arg8 : memref<128x128xf32, #tpu.memory_space<vmem>>) dst(%dma_wait3A_144 : memref<128x128xf32, #tpu.memory_space<hbm>>)
          } else {
          }
          %add3A_126 = arith.constant 4 : i32
          %add3A_127 = arith.addi %add3A_107, %add3A_126 : i32
          %sub3A_128 = arith.constant 1 : i32
          %sub3A_129 = arith.subi %add3A_127, %sub3A_128 : i32
          %mul3A_130 = arith.constant 128 : i32
          %mul3A_131 = arith.muli %sub3A_129, %mul3A_130 : i32
          %dma_start3A_132 = tpu.memref_slice %arg5[%mul3A_131] : memref<6272xi32, #tpu.memory_space<vmem>> -> memref<128xi32, #tpu.memory_space<vmem>>
          %dma_start3A_133 = arith.constant 0 : i32
          %dma_start3A_134 = arith.constant 0 : i32
          %dma_start3A_135 = tpu.memref_slice %arg2[%dma_start3A_133, %dma_start3A_134] : memref<50176x128xf32, #tpu.memory_space<hbm>> -> memref<50176x128xf32, #tpu.memory_space<hbm>>
          tpu.enqueue_indirect_dma source(%dma_start3A_135 : memref<50176x128xf32, #tpu.memory_space<hbm>>) target(%arg8 : memref<128x128xf32, #tpu.memory_space<vmem>>) offsets(%dma_start3A_132 : memref<128xi32, #tpu.memory_space<vmem>>) semaphore(%arg12 : memref<!tpu.dma_semaphore, #tpu.memory_space<semaphore_mem>>)
        } else {
        }
      }
      %scan3A_28 = arith.constant 13 : i32
      %add3A = arith.constant 5760 : i32
      %add3A_29 = arith.addi %mul3A_2, %add3A : i32
      %dma_wait3A = arith.constant 0 : i32
      %dma_wait3A_30 = tpu.memref_slice %arg4[%add3A_29, %dma_wait3A] : memref<200704x128xf32, #tpu.memory_space<hbm>> -> memref<128x128xf32, #tpu.memory_space<hbm>>
      %dma_wait3A_31 = arith.constant 0 : i32
      %dma_wait3A_32 = tpu.memref_slice %arg4[%add3A_29, %dma_wait3A_31] : memref<200704x128xf32, #tpu.memory_space<hbm>> -> memref<128x128xf32, #tpu.memory_space<hbm>>
      tpu.wait_dma2 semaphore(%arg15 : memref<!tpu.dma_semaphore, #tpu.memory_space<semaphore_mem>>) src(%arg7 : memref<128x128xf32, #tpu.memory_space<vmem>>) dst(%dma_wait3A_32 : memref<128x128xf32, #tpu.memory_space<hbm>>)
      %add3A_33 = arith.constant 5888 : i32
      %add3A_34 = arith.addi %mul3A_2, %add3A_33 : i32
      %dma_wait3A_35 = arith.constant 0 : i32
      %dma_wait3A_36 = tpu.memref_slice %arg4[%add3A_34, %dma_wait3A_35] : memref<200704x128xf32, #tpu.memory_space<hbm>> -> memref<128x128xf32, #tpu.memory_space<hbm>>
      %dma_wait3A_37 = arith.constant 0 : i32
      %dma_wait3A_38 = tpu.memref_slice %arg4[%add3A_34, %dma_wait3A_37] : memref<200704x128xf32, #tpu.memory_space<hbm>> -> memref<128x128xf32, #tpu.memory_space<hbm>>
      tpu.wait_dma2 semaphore(%arg16 : memref<!tpu.dma_semaphore, #tpu.memory_space<semaphore_mem>>) src(%arg8 : memref<128x128xf32, #tpu.memory_space<vmem>>) dst(%dma_wait3A_38 : memref<128x128xf32, #tpu.memory_space<hbm>>)
      %add3A_39 = arith.constant 6016 : i32
      %add3A_40 = arith.addi %mul3A_2, %add3A_39 : i32
      %dma_wait3A_41 = arith.constant 0 : i32
      %dma_wait3A_42 = tpu.memref_slice %arg4[%add3A_40, %dma_wait3A_41] : memref<200704x128xf32, #tpu.memory_space<hbm>> -> memref<128x128xf32, #tpu.memory_space<hbm>>
      %dma_wait3A_43 = arith.constant 0 : i32
      %dma_wait3A_44 = tpu.memref_slice %arg4[%add3A_40, %dma_wait3A_43] : memref<200704x128xf32, #tpu.memory_space<hbm>> -> memref<128x128xf32, #tpu.memory_space<hbm>>
      tpu.wait_dma2 semaphore(%arg17 : memref<!tpu.dma_semaphore, #tpu.memory_space<semaphore_mem>>) src(%arg9 : memref<128x128xf32, #tpu.memory_space<vmem>>) dst(%dma_wait3A_44 : memref<128x128xf32, #tpu.memory_space<hbm>>)
      %add3A_45 = arith.constant 6144 : i32
      %add3A_46 = arith.addi %mul3A_2, %add3A_45 : i32
      %dma_wait3A_47 = arith.constant 0 : i32
      %dma_wait3A_48 = tpu.memref_slice %arg4[%add3A_46, %dma_wait3A_47] : memref<200704x128xf32, #tpu.memory_space<hbm>> -> memref<128x128xf32, #tpu.memory_space<hbm>>
      %dma_wait3A_49 = arith.constant 0 : i32
      %dma_wait3A_50 = tpu.memref_slice %arg4[%add3A_46, %dma_wait3A_49] : memref<200704x128xf32, #tpu.memory_space<hbm>> -> memref<128x128xf32, #tpu.memory_space<hbm>>
      tpu.wait_dma2 semaphore(%arg14 : memref<!tpu.dma_semaphore, #tpu.memory_space<semaphore_mem>>) src(%arg6 : memref<128x128xf32, #tpu.memory_space<vmem>>) dst(%dma_wait3A_50 : memref<128x128xf32, #tpu.memory_space<hbm>>)
    } else {
    }
    %eq3A_5 = arith.constant 1 : i32
    %eq3A_6 = arith.cmpi eq, %arg0, %eq3A_5 : i32
    %convert_element_type3A_7 = arith.extui %eq3A_6 : i1 to i32
    %cond3A_8 = arith.constant 0 : i32
    %cond3A_9 = arith.cmpi ne, %convert_element_type3A_7, %cond3A_8 : i32
    scf.if %cond3A_9 {
      %add3A = arith.constant 6272 : i32
      %add3A_10 = arith.addi %mul3A_2, %add3A : i32
      "tpu.region"() ({
        %run_scoped3A = tpu.sem_alloc : memref<!tpu.dma_semaphore, #tpu.memory_space<semaphore_mem>>
        %dma_start3A_53 = arith.constant 0 : i32
        %dma_start3A_54 = tpu.memref_slice %arg5[%dma_start3A_53] : memref<6272xi32, #tpu.memory_space<vmem>> -> memref<6272xi32, #tpu.memory_space<vmem>>
        %dma_start3A_55 = tpu.memref_slice %arg3[%add3A_10] : memref<200704xi32, #tpu.memory_space<hbm>> -> memref<6272xi32, #tpu.memory_space<hbm>>
        %dma_start3A_56 = arith.constant 0 : i32
        %dma_start3A_57 = tpu.memref_slice %arg5[%dma_start3A_56] : memref<6272xi32, #tpu.memory_space<vmem>> -> memref<6272xi32, #tpu.memory_space<vmem>>
        %dma_start3A_58 = tpu.memref_slice %arg3[%add3A_10] : memref<200704xi32, #tpu.memory_space<hbm>> -> memref<6272xi32, #tpu.memory_space<hbm>>
        tpu.enqueue_dma source(%dma_start3A_58 : memref<6272xi32, #tpu.memory_space<hbm>>) target(%dma_start3A_57 : memref<6272xi32, #tpu.memory_space<vmem>>) target_semaphore(%run_scoped3A : memref<!tpu.dma_semaphore, #tpu.memory_space<semaphore_mem>>)
        %dma_wait3A_59 = arith.constant 0 : i32
        %dma_wait3A_60 = tpu.memref_slice %arg5[%dma_wait3A_59] : memref<6272xi32, #tpu.memory_space<vmem>> -> memref<6272xi32, #tpu.memory_space<vmem>>
        %dma_wait3A_61 = tpu.memref_slice %arg3[%add3A_10] : memref<200704xi32, #tpu.memory_space<hbm>> -> memref<6272xi32, #tpu.memory_space<hbm>>
        %dma_wait3A_62 = arith.constant 0 : i32
        %dma_wait3A_63 = tpu.memref_slice %arg5[%dma_wait3A_62] : memref<6272xi32, #tpu.memory_space<vmem>> -> memref<6272xi32, #tpu.memory_space<vmem>>
        %dma_wait3A_64 = tpu.memref_slice %arg3[%add3A_10] : memref<200704xi32, #tpu.memory_space<hbm>> -> memref<6272xi32, #tpu.memory_space<hbm>>
        tpu.wait_dma2 semaphore(%run_scoped3A : memref<!tpu.dma_semaphore, #tpu.memory_space<semaphore_mem>>) src(%dma_wait3A_64 : memref<6272xi32, #tpu.memory_space<hbm>>) dst(%dma_wait3A_63 : memref<6272xi32, #tpu.memory_space<vmem>>)
        tpu.yield
      }) : () -> ()
      %dma_start3A = arith.constant 0 : i32
      %dma_start3A_11 = tpu.memref_slice %arg5[%dma_start3A] : memref<6272xi32, #tpu.memory_space<vmem>> -> memref<128xi32, #tpu.memory_space<vmem>>
      %dma_start3A_12 = arith.constant 0 : i32
      %dma_start3A_13 = arith.constant 0 : i32
      %dma_start3A_14 = tpu.memref_slice %arg2[%dma_start3A_12, %dma_start3A_13] : memref<50176x128xf32, #tpu.memory_space<hbm>> -> memref<50176x128xf32, #tpu.memory_space<hbm>>
      tpu.enqueue_indirect_dma source(%dma_start3A_14 : memref<50176x128xf32, #tpu.memory_space<hbm>>) target(%arg6 : memref<128x128xf32, #tpu.memory_space<vmem>>) offsets(%dma_start3A_11 : memref<128xi32, #tpu.memory_space<vmem>>) semaphore(%arg10 : memref<!tpu.dma_semaphore, #tpu.memory_space<semaphore_mem>>)
      %dma_start3A_15 = arith.constant 128 : i32
      %dma_start3A_16 = tpu.memref_slice %arg5[%dma_start3A_15] : memref<6272xi32, #tpu.memory_space<vmem>> -> memref<128xi32, #tpu.memory_space<vmem>>
      %dma_start3A_17 = arith.constant 0 : i32
      %dma_start3A_18 = arith.constant 0 : i32
      %dma_start3A_19 = tpu.memref_slice %arg2[%dma_start3A_17, %dma_start3A_18] : memref<50176x128xf32, #tpu.memory_space<hbm>> -> memref<50176x128xf32, #tpu.memory_space<hbm>>
      tpu.enqueue_indirect_dma source(%dma_start3A_19 : memref<50176x128xf32, #tpu.memory_space<hbm>>) target(%arg7 : memref<128x128xf32, #tpu.memory_space<vmem>>) offsets(%dma_start3A_16 : memref<128xi32, #tpu.memory_space<vmem>>) semaphore(%arg11 : memref<!tpu.dma_semaphore, #tpu.memory_space<semaphore_mem>>)
      %dma_start3A_20 = arith.constant 256 : i32
      %dma_start3A_21 = tpu.memref_slice %arg5[%dma_start3A_20] : memref<6272xi32, #tpu.memory_space<vmem>> -> memref<128xi32, #tpu.memory_space<vmem>>
      %dma_start3A_22 = arith.constant 0 : i32
      %dma_start3A_23 = arith.constant 0 : i32
      %dma_start3A_24 = tpu.memref_slice %arg2[%dma_start3A_22, %dma_start3A_23] : memref<50176x128xf32, #tpu.memory_space<hbm>> -> memref<50176x128xf32, #tpu.memory_space<hbm>>
      tpu.enqueue_indirect_dma source(%dma_start3A_24 : memref<50176x128xf32, #tpu.memory_space<hbm>>) target(%arg8 : memref<128x128xf32, #tpu.memory_space<vmem>>) offsets(%dma_start3A_21 : memref<128xi32, #tpu.memory_space<vmem>>) semaphore(%arg12 : memref<!tpu.dma_semaphore, #tpu.memory_space<semaphore_mem>>)
      %scan3A = arith.constant 0 : i32
      %scan3A_25 = arith.constant 0 : i32
      %scan3A_26 = arith.constant 13 : i32
      %scan3A_27 = arith.addi %scan3A_25, %scan3A_26 : i32
      %scan3A_28 = arith.constant 1 : i32
      scf.for %scan3A_53 = %scan3A_25 to %scan3A_27 step %scan3A_28  : i32 {
        %mul3A_54 = arith.constant 4 : i32
        %mul3A_55 = arith.muli %scan3A_53, %mul3A_54 : i32
        %add3A_56 = arith.constant 0 : i32
        %add3A_57 = arith.addi %mul3A_55, %add3A_56 : i32
        %lt3A = arith.constant 49 : i32
        %lt3A_58 = arith.cmpi slt, %add3A_57, %lt3A : i32
        %convert_element_type3A_59 = arith.extui %lt3A_58 : i1 to i32
        %cond3A_60 = arith.constant 0 : i32
        %cond3A_61 = arith.cmpi ne, %convert_element_type3A_59, %cond3A_60 : i32
        scf.if %cond3A_61 {
          %mul3A_124 = arith.constant 128 : i32
          %mul3A_125 = arith.muli %add3A_57, %mul3A_124 : i32
          %dma_wait3A_126 = tpu.memref_slice %arg5[%mul3A_125] : memref<6272xi32, #tpu.memory_space<vmem>> -> memref<128xi32, #tpu.memory_space<vmem>>
          %dma_wait3A_127 = arith.constant 0 : i32
          %dma_wait3A_128 = arith.constant 0 : i32
          %dma_wait3A_129 = tpu.memref_slice %arg2[%dma_wait3A_127, %dma_wait3A_128] : memref<50176x128xf32, #tpu.memory_space<hbm>> -> memref<50176x128xf32, #tpu.memory_space<hbm>>
          tpu.wait_indirect_dma semaphore(%arg10 : memref<!tpu.dma_semaphore, #tpu.memory_space<semaphore_mem>>) src(%dma_wait3A_129 : memref<50176x128xf32, #tpu.memory_space<hbm>>) dst(%arg6 : memref<128x128xf32, #tpu.memory_space<vmem>>)
          %mul3A_130 = arith.constant 128 : i32
          %mul3A_131 = arith.muli %add3A_57, %mul3A_130 : i32
          %add3A_132 = arith.addi %add3A_10, %mul3A_131 : i32
          %dma_start3A_133 = arith.constant 0 : i32
          %dma_start3A_134 = tpu.memref_slice %arg4[%add3A_132, %dma_start3A_133] : memref<200704x128xf32, #tpu.memory_space<hbm>> -> memref<128x128xf32, #tpu.memory_space<hbm>>
          %dma_start3A_135 = arith.constant 0 : i32
          %dma_start3A_136 = tpu.memref_slice %arg4[%add3A_132, %dma_start3A_135] : memref<200704x128xf32, #tpu.memory_space<hbm>> -> memref<128x128xf32, #tpu.memory_space<hbm>>
          tpu.enqueue_dma source(%arg6 : memref<128x128xf32, #tpu.memory_space<vmem>>) target(%dma_start3A_136 : memref<128x128xf32, #tpu.memory_space<hbm>>) target_semaphore(%arg14 : memref<!tpu.dma_semaphore, #tpu.memory_space<semaphore_mem>>)
        } else {
        }
        %add3A_62 = arith.constant 4 : i32
        %add3A_63 = arith.addi %add3A_57, %add3A_62 : i32
        %sub3A = arith.constant 1 : i32
        %sub3A_64 = arith.subi %add3A_63, %sub3A : i32
        %lt3A_65 = arith.constant 49 : i32
        %lt3A_66 = arith.cmpi slt, %sub3A_64, %lt3A_65 : i32
        %convert_element_type3A_67 = arith.extui %lt3A_66 : i1 to i32
        %cond3A_68 = arith.constant 0 : i32
        %cond3A_69 = arith.cmpi ne, %convert_element_type3A_67, %cond3A_68 : i32
        scf.if %cond3A_69 {
          %ge3A = arith.constant 1 : i32
          %ge3A_124 = arith.cmpi sge, %add3A_57, %ge3A : i32
          %convert_element_type3A_125 = arith.extui %ge3A_124 : i1 to i32
          %cond3A_126 = arith.constant 0 : i32
          %cond3A_127 = arith.cmpi ne, %convert_element_type3A_125, %cond3A_126 : i32
          scf.if %cond3A_127 {
            %sub3A_138 = arith.constant 1 : i32
            %sub3A_139 = arith.subi %add3A_57, %sub3A_138 : i32
            %mul3A_140 = arith.constant 128 : i32
            %mul3A_141 = arith.muli %sub3A_139, %mul3A_140 : i32
            %add3A_142 = arith.addi %add3A_10, %mul3A_141 : i32
            %dma_wait3A_143 = arith.constant 0 : i32
            %dma_wait3A_144 = tpu.memref_slice %arg4[%add3A_142, %dma_wait3A_143] : memref<200704x128xf32, #tpu.memory_space<hbm>> -> memref<128x128xf32, #tpu.memory_space<hbm>>
            %dma_wait3A_145 = arith.constant 0 : i32
            %dma_wait3A_146 = tpu.memref_slice %arg4[%add3A_142, %dma_wait3A_145] : memref<200704x128xf32, #tpu.memory_space<hbm>> -> memref<128x128xf32, #tpu.memory_space<hbm>>
            tpu.wait_dma2 semaphore(%arg17 : memref<!tpu.dma_semaphore, #tpu.memory_space<semaphore_mem>>) src(%arg9 : memref<128x128xf32, #tpu.memory_space<vmem>>) dst(%dma_wait3A_146 : memref<128x128xf32, #tpu.memory_space<hbm>>)
          } else {
          }
          %add3A_128 = arith.constant 4 : i32
          %add3A_129 = arith.addi %add3A_57, %add3A_128 : i32
          %sub3A_130 = arith.constant 1 : i32
          %sub3A_131 = arith.subi %add3A_129, %sub3A_130 : i32
          %mul3A_132 = arith.constant 128 : i32
          %mul3A_133 = arith.muli %sub3A_131, %mul3A_132 : i32
          %dma_start3A_134 = tpu.memref_slice %arg5[%mul3A_133] : memref<6272xi32, #tpu.memory_space<vmem>> -> memref<128xi32, #tpu.memory_space<vmem>>
          %dma_start3A_135 = arith.constant 0 : i32
          %dma_start3A_136 = arith.constant 0 : i32
          %dma_start3A_137 = tpu.memref_slice %arg2[%dma_start3A_135, %dma_start3A_136] : memref<50176x128xf32, #tpu.memory_space<hbm>> -> memref<50176x128xf32, #tpu.memory_space<hbm>>
          tpu.enqueue_indirect_dma source(%dma_start3A_137 : memref<50176x128xf32, #tpu.memory_space<hbm>>) target(%arg9 : memref<128x128xf32, #tpu.memory_space<vmem>>) offsets(%dma_start3A_134 : memref<128xi32, #tpu.memory_space<vmem>>) semaphore(%arg13 : memref<!tpu.dma_semaphore, #tpu.memory_space<semaphore_mem>>)
        } else {
        }
        %mul3A_70 = arith.constant 4 : i32
        %mul3A_71 = arith.muli %scan3A_53, %mul3A_70 : i32
        %add3A_72 = arith.constant 1 : i32
        %add3A_73 = arith.addi %mul3A_71, %add3A_72 : i32
        %lt3A_74 = arith.constant 49 : i32
        %lt3A_75 = arith.cmpi slt, %add3A_73, %lt3A_74 : i32
        %convert_element_type3A_76 = arith.extui %lt3A_75 : i1 to i32
        %cond3A_77 = arith.constant 0 : i32
        %cond3A_78 = arith.cmpi ne, %convert_element_type3A_76, %cond3A_77 : i32
        scf.if %cond3A_78 {
          %mul3A_124 = arith.constant 128 : i32
          %mul3A_125 = arith.muli %add3A_73, %mul3A_124 : i32
          %dma_wait3A_126 = tpu.memref_slice %arg5[%mul3A_125] : memref<6272xi32, #tpu.memory_space<vmem>> -> memref<128xi32, #tpu.memory_space<vmem>>
          %dma_wait3A_127 = arith.constant 0 : i32
          %dma_wait3A_128 = arith.constant 0 : i32
          %dma_wait3A_129 = tpu.memref_slice %arg2[%dma_wait3A_127, %dma_wait3A_128] : memref<50176x128xf32, #tpu.memory_space<hbm>> -> memref<50176x128xf32, #tpu.memory_space<hbm>>
          tpu.wait_indirect_dma semaphore(%arg11 : memref<!tpu.dma_semaphore, #tpu.memory_space<semaphore_mem>>) src(%dma_wait3A_129 : memref<50176x128xf32, #tpu.memory_space<hbm>>) dst(%arg7 : memref<128x128xf32, #tpu.memory_space<vmem>>)
          %mul3A_130 = arith.constant 128 : i32
          %mul3A_131 = arith.muli %add3A_73, %mul3A_130 : i32
          %add3A_132 = arith.addi %add3A_10, %mul3A_131 : i32
          %dma_start3A_133 = arith.constant 0 : i32
          %dma_start3A_134 = tpu.memref_slice %arg4[%add3A_132, %dma_start3A_133] : memref<200704x128xf32, #tpu.memory_space<hbm>> -> memref<128x128xf32, #tpu.memory_space<hbm>>
          %dma_start3A_135 = arith.constant 0 : i32
          %dma_start3A_136 = tpu.memref_slice %arg4[%add3A_132, %dma_start3A_135] : memref<200704x128xf32, #tpu.memory_space<hbm>> -> memref<128x128xf32, #tpu.memory_space<hbm>>
          tpu.enqueue_dma source(%arg7 : memref<128x128xf32, #tpu.memory_space<vmem>>) target(%dma_start3A_136 : memref<128x128xf32, #tpu.memory_space<hbm>>) target_semaphore(%arg15 : memref<!tpu.dma_semaphore, #tpu.memory_space<semaphore_mem>>)
        } else {
        }
        %add3A_79 = arith.constant 4 : i32
        %add3A_80 = arith.addi %add3A_73, %add3A_79 : i32
        %sub3A_81 = arith.constant 1 : i32
        %sub3A_82 = arith.subi %add3A_80, %sub3A_81 : i32
        %lt3A_83 = arith.constant 49 : i32
        %lt3A_84 = arith.cmpi slt, %sub3A_82, %lt3A_83 : i32
        %convert_element_type3A_85 = arith.extui %lt3A_84 : i1 to i32
        %cond3A_86 = arith.constant 0 : i32
        %cond3A_87 = arith.cmpi ne, %convert_element_type3A_85, %cond3A_86 : i32
        scf.if %cond3A_87 {
          %ge3A = arith.constant 1 : i32
          %ge3A_124 = arith.cmpi sge, %add3A_73, %ge3A : i32
          %convert_element_type3A_125 = arith.extui %ge3A_124 : i1 to i32
          %cond3A_126 = arith.constant 0 : i32
          %cond3A_127 = arith.cmpi ne, %convert_element_type3A_125, %cond3A_126 : i32
          scf.if %cond3A_127 {
            %sub3A_138 = arith.constant 1 : i32
            %sub3A_139 = arith.subi %add3A_73, %sub3A_138 : i32
            %mul3A_140 = arith.constant 128 : i32
            %mul3A_141 = arith.muli %sub3A_139, %mul3A_140 : i32
            %add3A_142 = arith.addi %add3A_10, %mul3A_141 : i32
            %dma_wait3A_143 = arith.constant 0 : i32
            %dma_wait3A_144 = tpu.memref_slice %arg4[%add3A_142, %dma_wait3A_143] : memref<200704x128xf32, #tpu.memory_space<hbm>> -> memref<128x128xf32, #tpu.memory_space<hbm>>
            %dma_wait3A_145 = arith.constant 0 : i32
            %dma_wait3A_146 = tpu.memref_slice %arg4[%add3A_142, %dma_wait3A_145] : memref<200704x128xf32, #tpu.memory_space<hbm>> -> memref<128x128xf32, #tpu.memory_space<hbm>>
            tpu.wait_dma2 semaphore(%arg14 : memref<!tpu.dma_semaphore, #tpu.memory_space<semaphore_mem>>) src(%arg6 : memref<128x128xf32, #tpu.memory_space<vmem>>) dst(%dma_wait3A_146 : memref<128x128xf32, #tpu.memory_space<hbm>>)
          } else {
          }
          %add3A_128 = arith.constant 4 : i32
          %add3A_129 = arith.addi %add3A_73, %add3A_128 : i32
          %sub3A_130 = arith.constant 1 : i32
          %sub3A_131 = arith.subi %add3A_129, %sub3A_130 : i32
          %mul3A_132 = arith.constant 128 : i32
          %mul3A_133 = arith.muli %sub3A_131, %mul3A_132 : i32
          %dma_start3A_134 = tpu.memref_slice %arg5[%mul3A_133] : memref<6272xi32, #tpu.memory_space<vmem>> -> memref<128xi32, #tpu.memory_space<vmem>>
          %dma_start3A_135 = arith.constant 0 : i32
          %dma_start3A_136 = arith.constant 0 : i32
          %dma_start3A_137 = tpu.memref_slice %arg2[%dma_start3A_135, %dma_start3A_136] : memref<50176x128xf32, #tpu.memory_space<hbm>> -> memref<50176x128xf32, #tpu.memory_space<hbm>>
          tpu.enqueue_indirect_dma source(%dma_start3A_137 : memref<50176x128xf32, #tpu.memory_space<hbm>>) target(%arg6 : memref<128x128xf32, #tpu.memory_space<vmem>>) offsets(%dma_start3A_134 : memref<128xi32, #tpu.memory_space<vmem>>) semaphore(%arg10 : memref<!tpu.dma_semaphore, #tpu.memory_space<semaphore_mem>>)
        } else {
        }
        %mul3A_88 = arith.constant 4 : i32
        %mul3A_89 = arith.muli %scan3A_53, %mul3A_88 : i32
        %add3A_90 = arith.constant 2 : i32
        %add3A_91 = arith.addi %mul3A_89, %add3A_90 : i32
        %lt3A_92 = arith.constant 49 : i32
        %lt3A_93 = arith.cmpi slt, %add3A_91, %lt3A_92 : i32
        %convert_element_type3A_94 = arith.extui %lt3A_93 : i1 to i32
        %cond3A_95 = arith.constant 0 : i32
        %cond3A_96 = arith.cmpi ne, %convert_element_type3A_94, %cond3A_95 : i32
        scf.if %cond3A_96 {
          %mul3A_124 = arith.constant 128 : i32
          %mul3A_125 = arith.muli %add3A_91, %mul3A_124 : i32
          %dma_wait3A_126 = tpu.memref_slice %arg5[%mul3A_125] : memref<6272xi32, #tpu.memory_space<vmem>> -> memref<128xi32, #tpu.memory_space<vmem>>
          %dma_wait3A_127 = arith.constant 0 : i32
          %dma_wait3A_128 = arith.constant 0 : i32
          %dma_wait3A_129 = tpu.memref_slice %arg2[%dma_wait3A_127, %dma_wait3A_128] : memref<50176x128xf32, #tpu.memory_space<hbm>> -> memref<50176x128xf32, #tpu.memory_space<hbm>>
          tpu.wait_indirect_dma semaphore(%arg12 : memref<!tpu.dma_semaphore, #tpu.memory_space<semaphore_mem>>) src(%dma_wait3A_129 : memref<50176x128xf32, #tpu.memory_space<hbm>>) dst(%arg8 : memref<128x128xf32, #tpu.memory_space<vmem>>)
          %mul3A_130 = arith.constant 128 : i32
          %mul3A_131 = arith.muli %add3A_91, %mul3A_130 : i32
          %add3A_132 = arith.addi %add3A_10, %mul3A_131 : i32
          %dma_start3A_133 = arith.constant 0 : i32
          %dma_start3A_134 = tpu.memref_slice %arg4[%add3A_132, %dma_start3A_133] : memref<200704x128xf32, #tpu.memory_space<hbm>> -> memref<128x128xf32, #tpu.memory_space<hbm>>
          %dma_start3A_135 = arith.constant 0 : i32
          %dma_start3A_136 = tpu.memref_slice %arg4[%add3A_132, %dma_start3A_135] : memref<200704x128xf32, #tpu.memory_space<hbm>> -> memref<128x128xf32, #tpu.memory_space<hbm>>
          tpu.enqueue_dma source(%arg8 : memref<128x128xf32, #tpu.memory_space<vmem>>) target(%dma_start3A_136 : memref<128x128xf32, #tpu.memory_space<hbm>>) target_semaphore(%arg16 : memref<!tpu.dma_semaphore, #tpu.memory_space<semaphore_mem>>)
        } else {
        }
        %add3A_97 = arith.constant 4 : i32
        %add3A_98 = arith.addi %add3A_91, %add3A_97 : i32
        %sub3A_99 = arith.constant 1 : i32
        %sub3A_100 = arith.subi %add3A_98, %sub3A_99 : i32
        %lt3A_101 = arith.constant 49 : i32
        %lt3A_102 = arith.cmpi slt, %sub3A_100, %lt3A_101 : i32
        %convert_element_type3A_103 = arith.extui %lt3A_102 : i1 to i32
        %cond3A_104 = arith.constant 0 : i32
        %cond3A_105 = arith.cmpi ne, %convert_element_type3A_103, %cond3A_104 : i32
        scf.if %cond3A_105 {
          %ge3A = arith.constant 1 : i32
          %ge3A_124 = arith.cmpi sge, %add3A_91, %ge3A : i32
          %convert_element_type3A_125 = arith.extui %ge3A_124 : i1 to i32
          %cond3A_126 = arith.constant 0 : i32
          %cond3A_127 = arith.cmpi ne, %convert_element_type3A_125, %cond3A_126 : i32
          scf.if %cond3A_127 {
            %sub3A_138 = arith.constant 1 : i32
            %sub3A_139 = arith.subi %add3A_91, %sub3A_138 : i32
            %mul3A_140 = arith.constant 128 : i32
            %mul3A_141 = arith.muli %sub3A_139, %mul3A_140 : i32
            %add3A_142 = arith.addi %add3A_10, %mul3A_141 : i32
            %dma_wait3A_143 = arith.constant 0 : i32
            %dma_wait3A_144 = tpu.memref_slice %arg4[%add3A_142, %dma_wait3A_143] : memref<200704x128xf32, #tpu.memory_space<hbm>> -> memref<128x128xf32, #tpu.memory_space<hbm>>
            %dma_wait3A_145 = arith.constant 0 : i32
            %dma_wait3A_146 = tpu.memref_slice %arg4[%add3A_142, %dma_wait3A_145] : memref<200704x128xf32, #tpu.memory_space<hbm>> -> memref<128x128xf32, #tpu.memory_space<hbm>>
            tpu.wait_dma2 semaphore(%arg15 : memref<!tpu.dma_semaphore, #tpu.memory_space<semaphore_mem>>) src(%arg7 : memref<128x128xf32, #tpu.memory_space<vmem>>) dst(%dma_wait3A_146 : memref<128x128xf32, #tpu.memory_space<hbm>>)
          } else {
          }
          %add3A_128 = arith.constant 4 : i32
          %add3A_129 = arith.addi %add3A_91, %add3A_128 : i32
          %sub3A_130 = arith.constant 1 : i32
          %sub3A_131 = arith.subi %add3A_129, %sub3A_130 : i32
          %mul3A_132 = arith.constant 128 : i32
          %mul3A_133 = arith.muli %sub3A_131, %mul3A_132 : i32
          %dma_start3A_134 = tpu.memref_slice %arg5[%mul3A_133] : memref<6272xi32, #tpu.memory_space<vmem>> -> memref<128xi32, #tpu.memory_space<vmem>>
          %dma_start3A_135 = arith.constant 0 : i32
          %dma_start3A_136 = arith.constant 0 : i32
          %dma_start3A_137 = tpu.memref_slice %arg2[%dma_start3A_135, %dma_start3A_136] : memref<50176x128xf32, #tpu.memory_space<hbm>> -> memref<50176x128xf32, #tpu.memory_space<hbm>>
          tpu.enqueue_indirect_dma source(%dma_start3A_137 : memref<50176x128xf32, #tpu.memory_space<hbm>>) target(%arg7 : memref<128x128xf32, #tpu.memory_space<vmem>>) offsets(%dma_start3A_134 : memref<128xi32, #tpu.memory_space<vmem>>) semaphore(%arg11 : memref<!tpu.dma_semaphore, #tpu.memory_space<semaphore_mem>>)
        } else {
        }
        %mul3A_106 = arith.constant 4 : i32
        %mul3A_107 = arith.muli %scan3A_53, %mul3A_106 : i32
        %add3A_108 = arith.constant 3 : i32
        %add3A_109 = arith.addi %mul3A_107, %add3A_108 : i32
        %lt3A_110 = arith.constant 49 : i32
        %lt3A_111 = arith.cmpi slt, %add3A_109, %lt3A_110 : i32
        %convert_element_type3A_112 = arith.extui %lt3A_111 : i1 to i32
        %cond3A_113 = arith.constant 0 : i32
        %cond3A_114 = arith.cmpi ne, %convert_element_type3A_112, %cond3A_113 : i32
        scf.if %cond3A_114 {
          %mul3A_124 = arith.constant 128 : i32
          %mul3A_125 = arith.muli %add3A_109, %mul3A_124 : i32
          %dma_wait3A_126 = tpu.memref_slice %arg5[%mul3A_125] : memref<6272xi32, #tpu.memory_space<vmem>> -> memref<128xi32, #tpu.memory_space<vmem>>
          %dma_wait3A_127 = arith.constant 0 : i32
          %dma_wait3A_128 = arith.constant 0 : i32
          %dma_wait3A_129 = tpu.memref_slice %arg2[%dma_wait3A_127, %dma_wait3A_128] : memref<50176x128xf32, #tpu.memory_space<hbm>> -> memref<50176x128xf32, #tpu.memory_space<hbm>>
          tpu.wait_indirect_dma semaphore(%arg13 : memref<!tpu.dma_semaphore, #tpu.memory_space<semaphore_mem>>) src(%dma_wait3A_129 : memref<50176x128xf32, #tpu.memory_space<hbm>>) dst(%arg9 : memref<128x128xf32, #tpu.memory_space<vmem>>)
          %mul3A_130 = arith.constant 128 : i32
          %mul3A_131 = arith.muli %add3A_109, %mul3A_130 : i32
          %add3A_132 = arith.addi %add3A_10, %mul3A_131 : i32
          %dma_start3A_133 = arith.constant 0 : i32
          %dma_start3A_134 = tpu.memref_slice %arg4[%add3A_132, %dma_start3A_133] : memref<200704x128xf32, #tpu.memory_space<hbm>> -> memref<128x128xf32, #tpu.memory_space<hbm>>
          %dma_start3A_135 = arith.constant 0 : i32
          %dma_start3A_136 = tpu.memref_slice %arg4[%add3A_132, %dma_start3A_135] : memref<200704x128xf32, #tpu.memory_space<hbm>> -> memref<128x128xf32, #tpu.memory_space<hbm>>
          tpu.enqueue_dma source(%arg9 : memref<128x128xf32, #tpu.memory_space<vmem>>) target(%dma_start3A_136 : memref<128x128xf32, #tpu.memory_space<hbm>>) target_semaphore(%arg17 : memref<!tpu.dma_semaphore, #tpu.memory_space<semaphore_mem>>)
        } else {
        }
        %add3A_115 = arith.constant 4 : i32
        %add3A_116 = arith.addi %add3A_109, %add3A_115 : i32
        %sub3A_117 = arith.constant 1 : i32
        %sub3A_118 = arith.subi %add3A_116, %sub3A_117 : i32
        %lt3A_119 = arith.constant 49 : i32
        %lt3A_120 = arith.cmpi slt, %sub3A_118, %lt3A_119 : i32
        %convert_element_type3A_121 = arith.extui %lt3A_120 : i1 to i32
        %cond3A_122 = arith.constant 0 : i32
        %cond3A_123 = arith.cmpi ne, %convert_element_type3A_121, %cond3A_122 : i32
        scf.if %cond3A_123 {
          %ge3A = arith.constant 1 : i32
          %ge3A_124 = arith.cmpi sge, %add3A_109, %ge3A : i32
          %convert_element_type3A_125 = arith.extui %ge3A_124 : i1 to i32
          %cond3A_126 = arith.constant 0 : i32
          %cond3A_127 = arith.cmpi ne, %convert_element_type3A_125, %cond3A_126 : i32
          scf.if %cond3A_127 {
            %sub3A_138 = arith.constant 1 : i32
            %sub3A_139 = arith.subi %add3A_109, %sub3A_138 : i32
            %mul3A_140 = arith.constant 128 : i32
            %mul3A_141 = arith.muli %sub3A_139, %mul3A_140 : i32
            %add3A_142 = arith.addi %add3A_10, %mul3A_141 : i32
            %dma_wait3A_143 = arith.constant 0 : i32
            %dma_wait3A_144 = tpu.memref_slice %arg4[%add3A_142, %dma_wait3A_143] : memref<200704x128xf32, #tpu.memory_space<hbm>> -> memref<128x128xf32, #tpu.memory_space<hbm>>
            %dma_wait3A_145 = arith.constant 0 : i32
            %dma_wait3A_146 = tpu.memref_slice %arg4[%add3A_142, %dma_wait3A_145] : memref<200704x128xf32, #tpu.memory_space<hbm>> -> memref<128x128xf32, #tpu.memory_space<hbm>>
            tpu.wait_dma2 semaphore(%arg16 : memref<!tpu.dma_semaphore, #tpu.memory_space<semaphore_mem>>) src(%arg8 : memref<128x128xf32, #tpu.memory_space<vmem>>) dst(%dma_wait3A_146 : memref<128x128xf32, #tpu.memory_space<hbm>>)
          } else {
          }
          %add3A_128 = arith.constant 4 : i32
          %add3A_129 = arith.addi %add3A_109, %add3A_128 : i32
          %sub3A_130 = arith.constant 1 : i32
          %sub3A_131 = arith.subi %add3A_129, %sub3A_130 : i32
          %mul3A_132 = arith.constant 128 : i32
          %mul3A_133 = arith.muli %sub3A_131, %mul3A_132 : i32
          %dma_start3A_134 = tpu.memref_slice %arg5[%mul3A_133] : memref<6272xi32, #tpu.memory_space<vmem>> -> memref<128xi32, #tpu.memory_space<vmem>>
          %dma_start3A_135 = arith.constant 0 : i32
          %dma_start3A_136 = arith.constant 0 : i32
          %dma_start3A_137 = tpu.memref_slice %arg2[%dma_start3A_135, %dma_start3A_136] : memref<50176x128xf32, #tpu.memory_space<hbm>> -> memref<50176x128xf32, #tpu.memory_space<hbm>>
          tpu.enqueue_indirect_dma source(%dma_start3A_137 : memref<50176x128xf32, #tpu.memory_space<hbm>>) target(%arg8 : memref<128x128xf32, #tpu.memory_space<vmem>>) offsets(%dma_start3A_134 : memref<128xi32, #tpu.memory_space<vmem>>) semaphore(%arg12 : memref<!tpu.dma_semaphore, #tpu.memory_space<semaphore_mem>>)
        } else {
        }
      }
      %scan3A_29 = arith.constant 13 : i32
      %add3A_30 = arith.constant 5760 : i32
      %add3A_31 = arith.addi %add3A_10, %add3A_30 : i32
      %dma_wait3A = arith.constant 0 : i32
      %dma_wait3A_32 = tpu.memref_slice %arg4[%add3A_31, %dma_wait3A] : memref<200704x128xf32, #tpu.memory_space<hbm>> -> memref<128x128xf32, #tpu.memory_space<hbm>>
      %dma_wait3A_33 = arith.constant 0 : i32
      %dma_wait3A_34 = tpu.memref_slice %arg4[%add3A_31, %dma_wait3A_33] : memref<200704x128xf32, #tpu.memory_space<hbm>> -> memref<128x128xf32, #tpu.memory_space<hbm>>
      tpu.wait_dma2 semaphore(%arg15 : memref<!tpu.dma_semaphore, #tpu.memory_space<semaphore_mem>>) src(%arg7 : memref<128x128xf32, #tpu.memory_space<vmem>>) dst(%dma_wait3A_34 : memref<128x128xf32, #tpu.memory_space<hbm>>)
      %add3A_35 = arith.constant 5888 : i32
      %add3A_36 = arith.addi %add3A_10, %add3A_35 : i32
      %dma_wait3A_37 = arith.constant 0 : i32
      %dma_wait3A_38 = tpu.memref_slice %arg4[%add3A_36, %dma_wait3A_37] : memref<200704x128xf32, #tpu.memory_space<hbm>> -> memref<128x128xf32, #tpu.memory_space<hbm>>
      %dma_wait3A_39 = arith.constant 0 : i32
      %dma_wait3A_40 = tpu.memref_slice %arg4[%add3A_36, %dma_wait3A_39] : memref<200704x128xf32, #tpu.memory_space<hbm>> -> memref<128x128xf32, #tpu.memory_space<hbm>>
      tpu.wait_dma2 semaphore(%arg16 : memref<!tpu.dma_semaphore, #tpu.memory_space<semaphore_mem>>) src(%arg8 : memref<128x128xf32, #tpu.memory_space<vmem>>) dst(%dma_wait3A_40 : memref<128x128xf32, #tpu.memory_space<hbm>>)
      %add3A_41 = arith.constant 6016 : i32
      %add3A_42 = arith.addi %add3A_10, %add3A_41 : i32
      %dma_wait3A_43 = arith.constant 0 : i32
      %dma_wait3A_44 = tpu.memref_slice %arg4[%add3A_42, %dma_wait3A_43] : memref<200704x128xf32, #tpu.memory_space<hbm>> -> memref<128x128xf32, #tpu.memory_space<hbm>>
      %dma_wait3A_45 = arith.constant 0 : i32
      %dma_wait3A_46 = tpu.memref_slice %arg4[%add3A_42, %dma_wait3A_45] : memref<200704x128xf32, #tpu.memory_space<hbm>> -> memref<128x128xf32, #tpu.memory_space<hbm>>
      tpu.wait_dma2 semaphore(%arg17 : memref<!tpu.dma_semaphore, #tpu.memory_space<semaphore_mem>>) src(%arg9 : memref<128x128xf32, #tpu.memory_space<vmem>>) dst(%dma_wait3A_46 : memref<128x128xf32, #tpu.memory_space<hbm>>)
      %add3A_47 = arith.constant 6144 : i32
      %add3A_48 = arith.addi %add3A_10, %add3A_47 : i32
      %dma_wait3A_49 = arith.constant 0 : i32
      %dma_wait3A_50 = tpu.memref_slice %arg4[%add3A_48, %dma_wait3A_49] : memref<200704x128xf32, #tpu.memory_space<hbm>> -> memref<128x128xf32, #tpu.memory_space<hbm>>
      %dma_wait3A_51 = arith.constant 0 : i32
      %dma_wait3A_52 = tpu.memref_slice %arg4[%add3A_48, %dma_wait3A_51] : memref<200704x128xf32, #tpu.memory_space<hbm>> -> memref<128x128xf32, #tpu.memory_space<hbm>>
      tpu.wait_dma2 semaphore(%arg14 : memref<!tpu.dma_semaphore, #tpu.memory_space<semaphore_mem>>) src(%arg6 : memref<128x128xf32, #tpu.memory_space<vmem>>) dst(%dma_wait3A_52 : memref<128x128xf32, #tpu.memory_space<hbm>>)
    } else {
    }
    return
  }
}

#map = affine_map<(d0, d1) -> (0, 0)>
#map1 = affine_map<(d0, d1) -> (0)>
module attributes {stable_mosaic.version = 14 : i64} {
  func.func @gather_k(%arg0: i32, %arg1: i32, %arg2: memref<50176x128xf32, #tpu.memory_space<hbm>>, %arg3: memref<200704xi32, #tpu.memory_space<hbm>>, %arg4: memref<200704x128xf32, #tpu.memory_space<hbm>>, %arg5: memref<6272xi32, #tpu.memory_space<vmem>>, %arg6: memref<128x128xf32, #tpu.memory_space<vmem>>, %arg7: memref<128x128xf32, #tpu.memory_space<vmem>>, %arg8: memref<128x128xf32, #tpu.memory_space<vmem>>, %arg9: memref<128x128xf32, #tpu.memory_space<vmem>>, %arg10: memref<!tpu.dma_semaphore, #tpu.memory_space<semaphore_mem>>, %arg11: memref<!tpu.dma_semaphore, #tpu.memory_space<semaphore_mem>>, %arg12: memref<!tpu.dma_semaphore, #tpu.memory_space<semaphore_mem>>, %arg13: memref<!tpu.dma_semaphore, #tpu.memory_space<semaphore_mem>>, %arg14: memref<!tpu.dma_semaphore, #tpu.memory_space<semaphore_mem>>, %arg15: memref<!tpu.dma_semaphore, #tpu.memory_space<semaphore_mem>>, %arg16: memref<!tpu.dma_semaphore, #tpu.memory_space<semaphore_mem>>, %arg17: memref<!tpu.dma_semaphore, #tpu.memory_space<semaphore_mem>>) attributes {dimension_semantics = [#tpu.dimension_semantics<core_parallel>, #tpu.dimension_semantics<subcore_parallel>], iteration_bounds = array<i64: 2, 16>, scalar_prefetch = 0 : i64, scratch_operands = 13 : i64, tpu.core_type = #tpu.core_type<sc_vector_subcore>, window_params = [{transform_indices = #map}, {transform_indices = #map1}, {transform_indices = #map}]} {
    %mul3A = arith.constant 2 : i32
    %mul3A_0 = arith.muli %arg1, %mul3A : i32
    %mul3A_1 = arith.constant 6272 : i32
    %mul3A_2 = arith.muli %mul3A_0, %mul3A_1 : i32
    %eq3A = arith.constant 0 : i32
    %eq3A_3 = arith.cmpi eq, %arg0, %eq3A : i32
    %convert_element_type3A = arith.extui %eq3A_3 : i1 to i32
    %cond3A = arith.constant 0 : i32
    %cond3A_4 = arith.cmpi ne, %convert_element_type3A, %cond3A : i32
    scf.if %cond3A_4 {
      "tpu.region"() ({
        %run_scoped3A = tpu.sem_alloc : memref<!tpu.dma_semaphore, #tpu.memory_space<semaphore_mem>>
        %dma_start3A_51 = arith.constant 0 : i32
        %dma_start3A_52 = tpu.memref_slice %arg5[%dma_start3A_51] : memref<6272xi32, #tpu.memory_space<vmem>> -> memref<6272xi32, #tpu.memory_space<vmem>>
        %dma_start3A_53 = tpu.memref_slice %arg3[%mul3A_2] : memref<200704xi32, #tpu.memory_space<hbm>> -> memref<6272xi32, #tpu.memory_space<hbm>>
        %dma_start3A_54 = arith.constant 0 : i32
        %dma_start3A_55 = tpu.memref_slice %arg5[%dma_start3A_54] : memref<6272xi32, #tpu.memory_space<vmem>> -> memref<6272xi32, #tpu.memory_space<vmem>>
        %dma_start3A_56 = tpu.memref_slice %arg3[%mul3A_2] : memref<200704xi32, #tpu.memory_space<hbm>> -> memref<6272xi32, #tpu.memory_space<hbm>>
        tpu.enqueue_dma source(%dma_start3A_56 : memref<6272xi32, #tpu.memory_space<hbm>>) target(%dma_start3A_55 : memref<6272xi32, #tpu.memory_space<vmem>>) target_semaphore(%run_scoped3A : memref<!tpu.dma_semaphore, #tpu.memory_space<semaphore_mem>>)
        %dma_wait3A_57 = arith.constant 0 : i32
        %dma_wait3A_58 = tpu.memref_slice %arg5[%dma_wait3A_57] : memref<6272xi32, #tpu.memory_space<vmem>> -> memref<6272xi32, #tpu.memory_space<vmem>>
        %dma_wait3A_59 = tpu.memref_slice %arg3[%mul3A_2] : memref<200704xi32, #tpu.memory_space<hbm>> -> memref<6272xi32, #tpu.memory_space<hbm>>
        %dma_wait3A_60 = arith.constant 0 : i32
        %dma_wait3A_61 = tpu.memref_slice %arg5[%dma_wait3A_60] : memref<6272xi32, #tpu.memory_space<vmem>> -> memref<6272xi32, #tpu.memory_space<vmem>>
        %dma_wait3A_62 = tpu.memref_slice %arg3[%mul3A_2] : memref<200704xi32, #tpu.memory_space<hbm>> -> memref<6272xi32, #tpu.memory_space<hbm>>
        tpu.wait_dma2 semaphore(%run_scoped3A : memref<!tpu.dma_semaphore, #tpu.memory_space<semaphore_mem>>) src(%dma_wait3A_62 : memref<6272xi32, #tpu.memory_space<hbm>>) dst(%dma_wait3A_61 : memref<6272xi32, #tpu.memory_space<vmem>>)
        tpu.yield
      }) : () -> ()
      %dma_start3A = arith.constant 0 : i32
      %dma_start3A_10 = tpu.memref_slice %arg5[%dma_start3A] : memref<6272xi32, #tpu.memory_space<vmem>> -> memref<128xi32, #tpu.memory_space<vmem>>
      %dma_start3A_11 = arith.constant 0 : i32
      %dma_start3A_12 = arith.constant 0 : i32
      %dma_start3A_13 = tpu.memref_slice %arg2[%dma_start3A_11, %dma_start3A_12] : memref<50176x128xf32, #tpu.memory_space<hbm>> -> memref<50176x128xf32, #tpu.memory_space<hbm>>
      tpu.enqueue_indirect_dma source(%dma_start3A_13 : memref<50176x128xf32, #tpu.memory_space<hbm>>) target(%arg6 : memref<128x128xf32, #tpu.memory_space<vmem>>) offsets(%dma_start3A_10 : memref<128xi32, #tpu.memory_space<vmem>>) semaphore(%arg10 : memref<!tpu.dma_semaphore, #tpu.memory_space<semaphore_mem>>)
      %dma_start3A_14 = arith.constant 128 : i32
      %dma_start3A_15 = tpu.memref_slice %arg5[%dma_start3A_14] : memref<6272xi32, #tpu.memory_space<vmem>> -> memref<128xi32, #tpu.memory_space<vmem>>
      %dma_start3A_16 = arith.constant 0 : i32
      %dma_start3A_17 = arith.constant 0 : i32
      %dma_start3A_18 = tpu.memref_slice %arg2[%dma_start3A_16, %dma_start3A_17] : memref<50176x128xf32, #tpu.memory_space<hbm>> -> memref<50176x128xf32, #tpu.memory_space<hbm>>
      tpu.enqueue_indirect_dma source(%dma_start3A_18 : memref<50176x128xf32, #tpu.memory_space<hbm>>) target(%arg7 : memref<128x128xf32, #tpu.memory_space<vmem>>) offsets(%dma_start3A_15 : memref<128xi32, #tpu.memory_space<vmem>>) semaphore(%arg11 : memref<!tpu.dma_semaphore, #tpu.memory_space<semaphore_mem>>)
      %dma_start3A_19 = arith.constant 256 : i32
      %dma_start3A_20 = tpu.memref_slice %arg5[%dma_start3A_19] : memref<6272xi32, #tpu.memory_space<vmem>> -> memref<128xi32, #tpu.memory_space<vmem>>
      %dma_start3A_21 = arith.constant 0 : i32
      %dma_start3A_22 = arith.constant 0 : i32
      %dma_start3A_23 = tpu.memref_slice %arg2[%dma_start3A_21, %dma_start3A_22] : memref<50176x128xf32, #tpu.memory_space<hbm>> -> memref<50176x128xf32, #tpu.memory_space<hbm>>
      tpu.enqueue_indirect_dma source(%dma_start3A_23 : memref<50176x128xf32, #tpu.memory_space<hbm>>) target(%arg8 : memref<128x128xf32, #tpu.memory_space<vmem>>) offsets(%dma_start3A_20 : memref<128xi32, #tpu.memory_space<vmem>>) semaphore(%arg12 : memref<!tpu.dma_semaphore, #tpu.memory_space<semaphore_mem>>)
      %scan3A = arith.constant 0 : i32
      %scan3A_24 = arith.constant 0 : i32
      %scan3A_25 = arith.constant 13 : i32
      %scan3A_26 = arith.addi %scan3A_24, %scan3A_25 : i32
      %scan3A_27 = arith.constant 1 : i32
      scf.for %scan3A_51 = %scan3A_24 to %scan3A_26 step %scan3A_27  : i32 {
        %mul3A_52 = arith.constant 4 : i32
        %mul3A_53 = arith.muli %scan3A_51, %mul3A_52 : i32
        %add3A_54 = arith.constant 0 : i32
        %add3A_55 = arith.addi %mul3A_53, %add3A_54 : i32
        %lt3A = arith.constant 49 : i32
        %lt3A_56 = arith.cmpi slt, %add3A_55, %lt3A : i32
        %convert_element_type3A_57 = arith.extui %lt3A_56 : i1 to i32
        %cond3A_58 = arith.constant 0 : i32
        %cond3A_59 = arith.cmpi ne, %convert_element_type3A_57, %cond3A_58 : i32
        scf.if %cond3A_59 {
          %mul3A_122 = arith.constant 128 : i32
          %mul3A_123 = arith.muli %add3A_55, %mul3A_122 : i32
          %dma_wait3A_124 = tpu.memref_slice %arg5[%mul3A_123] : memref<6272xi32, #tpu.memory_space<vmem>> -> memref<128xi32, #tpu.memory_space<vmem>>
          %dma_wait3A_125 = arith.constant 0 : i32
          %dma_wait3A_126 = arith.constant 0 : i32
          %dma_wait3A_127 = tpu.memref_slice %arg2[%dma_wait3A_125, %dma_wait3A_126] : memref<50176x128xf32, #tpu.memory_space<hbm>> -> memref<50176x128xf32, #tpu.memory_space<hbm>>
          tpu.wait_indirect_dma semaphore(%arg10 : memref<!tpu.dma_semaphore, #tpu.memory_space<semaphore_mem>>) src(%dma_wait3A_127 : memref<50176x128xf32, #tpu.memory_space<hbm>>) dst(%arg6 : memref<128x128xf32, #tpu.memory_space<vmem>>)
          %mul3A_128 = arith.constant 128 : i32
          %mul3A_129 = arith.muli %add3A_55, %mul3A_128 : i32
          %add3A_130 = arith.addi %mul3A_2, %mul3A_129 : i32
          %dma_start3A_131 = arith.constant 0 : i32
          %dma_start3A_132 = tpu.memref_slice %arg4[%add3A_130, %dma_start3A_131] : memref<200704x128xf32, #tpu.memory_space<hbm>> -> memref<128x128xf32, #tpu.memory_space<hbm>>
          %dma_start3A_133 = arith.constant 0 : i32
          %dma_start3A_134 = tpu.memref_slice %arg4[%add3A_130, %dma_start3A_133] : memref<200704x128xf32, #tpu.memory_space<hbm>> -> memref<128x128xf32, #tpu.memory_space<hbm>>
          tpu.enqueue_dma source(%arg6 : memref<128x128xf32, #tpu.memory_space<vmem>>) target(%dma_start3A_134 : memref<128x128xf32, #tpu.memory_space<hbm>>) target_semaphore(%arg14 : memref<!tpu.dma_semaphore, #tpu.memory_space<semaphore_mem>>)
        } else {
        }
        %add3A_60 = arith.constant 4 : i32
        %add3A_61 = arith.addi %add3A_55, %add3A_60 : i32
        %sub3A = arith.constant 1 : i32
        %sub3A_62 = arith.subi %add3A_61, %sub3A : i32
        %lt3A_63 = arith.constant 49 : i32
        %lt3A_64 = arith.cmpi slt, %sub3A_62, %lt3A_63 : i32
        %convert_element_type3A_65 = arith.extui %lt3A_64 : i1 to i32
        %cond3A_66 = arith.constant 0 : i32
        %cond3A_67 = arith.cmpi ne, %convert_element_type3A_65, %cond3A_66 : i32
        scf.if %cond3A_67 {
          %ge3A = arith.constant 1 : i32
          %ge3A_122 = arith.cmpi sge, %add3A_55, %ge3A : i32
          %convert_element_type3A_123 = arith.extui %ge3A_122 : i1 to i32
          %cond3A_124 = arith.constant 0 : i32
          %cond3A_125 = arith.cmpi ne, %convert_element_type3A_123, %cond3A_124 : i32
          scf.if %cond3A_125 {
            %sub3A_136 = arith.constant 1 : i32
            %sub3A_137 = arith.subi %add3A_55, %sub3A_136 : i32
            %mul3A_138 = arith.constant 128 : i32
            %mul3A_139 = arith.muli %sub3A_137, %mul3A_138 : i32
            %add3A_140 = arith.addi %mul3A_2, %mul3A_139 : i32
            %dma_wait3A_141 = arith.constant 0 : i32
            %dma_wait3A_142 = tpu.memref_slice %arg4[%add3A_140, %dma_wait3A_141] : memref<200704x128xf32, #tpu.memory_space<hbm>> -> memref<128x128xf32, #tpu.memory_space<hbm>>
            %dma_wait3A_143 = arith.constant 0 : i32
            %dma_wait3A_144 = tpu.memref_slice %arg4[%add3A_140, %dma_wait3A_143] : memref<200704x128xf32, #tpu.memory_space<hbm>> -> memref<128x128xf32, #tpu.memory_space<hbm>>
            tpu.wait_dma2 semaphore(%arg17 : memref<!tpu.dma_semaphore, #tpu.memory_space<semaphore_mem>>) src(%arg9 : memref<128x128xf32, #tpu.memory_space<vmem>>) dst(%dma_wait3A_144 : memref<128x128xf32, #tpu.memory_space<hbm>>)
          } else {
          }
          %add3A_126 = arith.constant 4 : i32
          %add3A_127 = arith.addi %add3A_55, %add3A_126 : i32
          %sub3A_128 = arith.constant 1 : i32
          %sub3A_129 = arith.subi %add3A_127, %sub3A_128 : i32
          %mul3A_130 = arith.constant 128 : i32
          %mul3A_131 = arith.muli %sub3A_129, %mul3A_130 : i32
          %dma_start3A_132 = tpu.memref_slice %arg5[%mul3A_131] : memref<6272xi32, #tpu.memory_space<vmem>> -> memref<128xi32, #tpu.memory_space<vmem>>
          %dma_start3A_133 = arith.constant 0 : i32
          %dma_start3A_134 = arith.constant 0 : i32
          %dma_start3A_135 = tpu.memref_slice %arg2[%dma_start3A_133, %dma_start3A_134] : memref<50176x128xf32, #tpu.memory_space<hbm>> -> memref<50176x128xf32, #tpu.memory_space<hbm>>
          tpu.enqueue_indirect_dma source(%dma_start3A_135 : memref<50176x128xf32, #tpu.memory_space<hbm>>) target(%arg9 : memref<128x128xf32, #tpu.memory_space<vmem>>) offsets(%dma_start3A_132 : memref<128xi32, #tpu.memory_space<vmem>>) semaphore(%arg13 : memref<!tpu.dma_semaphore, #tpu.memory_space<semaphore_mem>>)
        } else {
        }
        %mul3A_68 = arith.constant 4 : i32
        %mul3A_69 = arith.muli %scan3A_51, %mul3A_68 : i32
        %add3A_70 = arith.constant 1 : i32
        %add3A_71 = arith.addi %mul3A_69, %add3A_70 : i32
        %lt3A_72 = arith.constant 49 : i32
        %lt3A_73 = arith.cmpi slt, %add3A_71, %lt3A_72 : i32
        %convert_element_type3A_74 = arith.extui %lt3A_73 : i1 to i32
        %cond3A_75 = arith.constant 0 : i32
        %cond3A_76 = arith.cmpi ne, %convert_element_type3A_74, %cond3A_75 : i32
        scf.if %cond3A_76 {
          %mul3A_122 = arith.constant 128 : i32
          %mul3A_123 = arith.muli %add3A_71, %mul3A_122 : i32
          %dma_wait3A_124 = tpu.memref_slice %arg5[%mul3A_123] : memref<6272xi32, #tpu.memory_space<vmem>> -> memref<128xi32, #tpu.memory_space<vmem>>
          %dma_wait3A_125 = arith.constant 0 : i32
          %dma_wait3A_126 = arith.constant 0 : i32
          %dma_wait3A_127 = tpu.memref_slice %arg2[%dma_wait3A_125, %dma_wait3A_126] : memref<50176x128xf32, #tpu.memory_space<hbm>> -> memref<50176x128xf32, #tpu.memory_space<hbm>>
          tpu.wait_indirect_dma semaphore(%arg11 : memref<!tpu.dma_semaphore, #tpu.memory_space<semaphore_mem>>) src(%dma_wait3A_127 : memref<50176x128xf32, #tpu.memory_space<hbm>>) dst(%arg7 : memref<128x128xf32, #tpu.memory_space<vmem>>)
          %mul3A_128 = arith.constant 128 : i32
          %mul3A_129 = arith.muli %add3A_71, %mul3A_128 : i32
          %add3A_130 = arith.addi %mul3A_2, %mul3A_129 : i32
          %dma_start3A_131 = arith.constant 0 : i32
          %dma_start3A_132 = tpu.memref_slice %arg4[%add3A_130, %dma_start3A_131] : memref<200704x128xf32, #tpu.memory_space<hbm>> -> memref<128x128xf32, #tpu.memory_space<hbm>>
          %dma_start3A_133 = arith.constant 0 : i32
          %dma_start3A_134 = tpu.memref_slice %arg4[%add3A_130, %dma_start3A_133] : memref<200704x128xf32, #tpu.memory_space<hbm>> -> memref<128x128xf32, #tpu.memory_space<hbm>>
          tpu.enqueue_dma source(%arg7 : memref<128x128xf32, #tpu.memory_space<vmem>>) target(%dma_start3A_134 : memref<128x128xf32, #tpu.memory_space<hbm>>) target_semaphore(%arg15 : memref<!tpu.dma_semaphore, #tpu.memory_space<semaphore_mem>>)
        } else {
        }
        %add3A_77 = arith.constant 4 : i32
        %add3A_78 = arith.addi %add3A_71, %add3A_77 : i32
        %sub3A_79 = arith.constant 1 : i32
        %sub3A_80 = arith.subi %add3A_78, %sub3A_79 : i32
        %lt3A_81 = arith.constant 49 : i32
        %lt3A_82 = arith.cmpi slt, %sub3A_80, %lt3A_81 : i32
        %convert_element_type3A_83 = arith.extui %lt3A_82 : i1 to i32
        %cond3A_84 = arith.constant 0 : i32
        %cond3A_85 = arith.cmpi ne, %convert_element_type3A_83, %cond3A_84 : i32
        scf.if %cond3A_85 {
          %ge3A = arith.constant 1 : i32
          %ge3A_122 = arith.cmpi sge, %add3A_71, %ge3A : i32
          %convert_element_type3A_123 = arith.extui %ge3A_122 : i1 to i32
          %cond3A_124 = arith.constant 0 : i32
          %cond3A_125 = arith.cmpi ne, %convert_element_type3A_123, %cond3A_124 : i32
          scf.if %cond3A_125 {
            %sub3A_136 = arith.constant 1 : i32
            %sub3A_137 = arith.subi %add3A_71, %sub3A_136 : i32
            %mul3A_138 = arith.constant 128 : i32
            %mul3A_139 = arith.muli %sub3A_137, %mul3A_138 : i32
            %add3A_140 = arith.addi %mul3A_2, %mul3A_139 : i32
            %dma_wait3A_141 = arith.constant 0 : i32
            %dma_wait3A_142 = tpu.memref_slice %arg4[%add3A_140, %dma_wait3A_141] : memref<200704x128xf32, #tpu.memory_space<hbm>> -> memref<128x128xf32, #tpu.memory_space<hbm>>
            %dma_wait3A_143 = arith.constant 0 : i32
            %dma_wait3A_144 = tpu.memref_slice %arg4[%add3A_140, %dma_wait3A_143] : memref<200704x128xf32, #tpu.memory_space<hbm>> -> memref<128x128xf32, #tpu.memory_space<hbm>>
            tpu.wait_dma2 semaphore(%arg14 : memref<!tpu.dma_semaphore, #tpu.memory_space<semaphore_mem>>) src(%arg6 : memref<128x128xf32, #tpu.memory_space<vmem>>) dst(%dma_wait3A_144 : memref<128x128xf32, #tpu.memory_space<hbm>>)
          } else {
          }
          %add3A_126 = arith.constant 4 : i32
          %add3A_127 = arith.addi %add3A_71, %add3A_126 : i32
          %sub3A_128 = arith.constant 1 : i32
          %sub3A_129 = arith.subi %add3A_127, %sub3A_128 : i32
          %mul3A_130 = arith.constant 128 : i32
          %mul3A_131 = arith.muli %sub3A_129, %mul3A_130 : i32
          %dma_start3A_132 = tpu.memref_slice %arg5[%mul3A_131] : memref<6272xi32, #tpu.memory_space<vmem>> -> memref<128xi32, #tpu.memory_space<vmem>>
          %dma_start3A_133 = arith.constant 0 : i32
          %dma_start3A_134 = arith.constant 0 : i32
          %dma_start3A_135 = tpu.memref_slice %arg2[%dma_start3A_133, %dma_start3A_134] : memref<50176x128xf32, #tpu.memory_space<hbm>> -> memref<50176x128xf32, #tpu.memory_space<hbm>>
          tpu.enqueue_indirect_dma source(%dma_start3A_135 : memref<50176x128xf32, #tpu.memory_space<hbm>>) target(%arg6 : memref<128x128xf32, #tpu.memory_space<vmem>>) offsets(%dma_start3A_132 : memref<128xi32, #tpu.memory_space<vmem>>) semaphore(%arg10 : memref<!tpu.dma_semaphore, #tpu.memory_space<semaphore_mem>>)
        } else {
        }
        %mul3A_86 = arith.constant 4 : i32
        %mul3A_87 = arith.muli %scan3A_51, %mul3A_86 : i32
        %add3A_88 = arith.constant 2 : i32
        %add3A_89 = arith.addi %mul3A_87, %add3A_88 : i32
        %lt3A_90 = arith.constant 49 : i32
        %lt3A_91 = arith.cmpi slt, %add3A_89, %lt3A_90 : i32
        %convert_element_type3A_92 = arith.extui %lt3A_91 : i1 to i32
        %cond3A_93 = arith.constant 0 : i32
        %cond3A_94 = arith.cmpi ne, %convert_element_type3A_92, %cond3A_93 : i32
        scf.if %cond3A_94 {
          %mul3A_122 = arith.constant 128 : i32
          %mul3A_123 = arith.muli %add3A_89, %mul3A_122 : i32
          %dma_wait3A_124 = tpu.memref_slice %arg5[%mul3A_123] : memref<6272xi32, #tpu.memory_space<vmem>> -> memref<128xi32, #tpu.memory_space<vmem>>
          %dma_wait3A_125 = arith.constant 0 : i32
          %dma_wait3A_126 = arith.constant 0 : i32
          %dma_wait3A_127 = tpu.memref_slice %arg2[%dma_wait3A_125, %dma_wait3A_126] : memref<50176x128xf32, #tpu.memory_space<hbm>> -> memref<50176x128xf32, #tpu.memory_space<hbm>>
          tpu.wait_indirect_dma semaphore(%arg12 : memref<!tpu.dma_semaphore, #tpu.memory_space<semaphore_mem>>) src(%dma_wait3A_127 : memref<50176x128xf32, #tpu.memory_space<hbm>>) dst(%arg8 : memref<128x128xf32, #tpu.memory_space<vmem>>)
          %mul3A_128 = arith.constant 128 : i32
          %mul3A_129 = arith.muli %add3A_89, %mul3A_128 : i32
          %add3A_130 = arith.addi %mul3A_2, %mul3A_129 : i32
          %dma_start3A_131 = arith.constant 0 : i32
          %dma_start3A_132 = tpu.memref_slice %arg4[%add3A_130, %dma_start3A_131] : memref<200704x128xf32, #tpu.memory_space<hbm>> -> memref<128x128xf32, #tpu.memory_space<hbm>>
          %dma_start3A_133 = arith.constant 0 : i32
          %dma_start3A_134 = tpu.memref_slice %arg4[%add3A_130, %dma_start3A_133] : memref<200704x128xf32, #tpu.memory_space<hbm>> -> memref<128x128xf32, #tpu.memory_space<hbm>>
          tpu.enqueue_dma source(%arg8 : memref<128x128xf32, #tpu.memory_space<vmem>>) target(%dma_start3A_134 : memref<128x128xf32, #tpu.memory_space<hbm>>) target_semaphore(%arg16 : memref<!tpu.dma_semaphore, #tpu.memory_space<semaphore_mem>>)
        } else {
        }
        %add3A_95 = arith.constant 4 : i32
        %add3A_96 = arith.addi %add3A_89, %add3A_95 : i32
        %sub3A_97 = arith.constant 1 : i32
        %sub3A_98 = arith.subi %add3A_96, %sub3A_97 : i32
        %lt3A_99 = arith.constant 49 : i32
        %lt3A_100 = arith.cmpi slt, %sub3A_98, %lt3A_99 : i32
        %convert_element_type3A_101 = arith.extui %lt3A_100 : i1 to i32
        %cond3A_102 = arith.constant 0 : i32
        %cond3A_103 = arith.cmpi ne, %convert_element_type3A_101, %cond3A_102 : i32
        scf.if %cond3A_103 {
          %ge3A = arith.constant 1 : i32
          %ge3A_122 = arith.cmpi sge, %add3A_89, %ge3A : i32
          %convert_element_type3A_123 = arith.extui %ge3A_122 : i1 to i32
          %cond3A_124 = arith.constant 0 : i32
          %cond3A_125 = arith.cmpi ne, %convert_element_type3A_123, %cond3A_124 : i32
          scf.if %cond3A_125 {
            %sub3A_136 = arith.constant 1 : i32
            %sub3A_137 = arith.subi %add3A_89, %sub3A_136 : i32
            %mul3A_138 = arith.constant 128 : i32
            %mul3A_139 = arith.muli %sub3A_137, %mul3A_138 : i32
            %add3A_140 = arith.addi %mul3A_2, %mul3A_139 : i32
            %dma_wait3A_141 = arith.constant 0 : i32
            %dma_wait3A_142 = tpu.memref_slice %arg4[%add3A_140, %dma_wait3A_141] : memref<200704x128xf32, #tpu.memory_space<hbm>> -> memref<128x128xf32, #tpu.memory_space<hbm>>
            %dma_wait3A_143 = arith.constant 0 : i32
            %dma_wait3A_144 = tpu.memref_slice %arg4[%add3A_140, %dma_wait3A_143] : memref<200704x128xf32, #tpu.memory_space<hbm>> -> memref<128x128xf32, #tpu.memory_space<hbm>>
            tpu.wait_dma2 semaphore(%arg15 : memref<!tpu.dma_semaphore, #tpu.memory_space<semaphore_mem>>) src(%arg7 : memref<128x128xf32, #tpu.memory_space<vmem>>) dst(%dma_wait3A_144 : memref<128x128xf32, #tpu.memory_space<hbm>>)
          } else {
          }
          %add3A_126 = arith.constant 4 : i32
          %add3A_127 = arith.addi %add3A_89, %add3A_126 : i32
          %sub3A_128 = arith.constant 1 : i32
          %sub3A_129 = arith.subi %add3A_127, %sub3A_128 : i32
          %mul3A_130 = arith.constant 128 : i32
          %mul3A_131 = arith.muli %sub3A_129, %mul3A_130 : i32
          %dma_start3A_132 = tpu.memref_slice %arg5[%mul3A_131] : memref<6272xi32, #tpu.memory_space<vmem>> -> memref<128xi32, #tpu.memory_space<vmem>>
          %dma_start3A_133 = arith.constant 0 : i32
          %dma_start3A_134 = arith.constant 0 : i32
          %dma_start3A_135 = tpu.memref_slice %arg2[%dma_start3A_133, %dma_start3A_134] : memref<50176x128xf32, #tpu.memory_space<hbm>> -> memref<50176x128xf32, #tpu.memory_space<hbm>>
          tpu.enqueue_indirect_dma source(%dma_start3A_135 : memref<50176x128xf32, #tpu.memory_space<hbm>>) target(%arg7 : memref<128x128xf32, #tpu.memory_space<vmem>>) offsets(%dma_start3A_132 : memref<128xi32, #tpu.memory_space<vmem>>) semaphore(%arg11 : memref<!tpu.dma_semaphore, #tpu.memory_space<semaphore_mem>>)
        } else {
        }
        %mul3A_104 = arith.constant 4 : i32
        %mul3A_105 = arith.muli %scan3A_51, %mul3A_104 : i32
        %add3A_106 = arith.constant 3 : i32
        %add3A_107 = arith.addi %mul3A_105, %add3A_106 : i32
        %lt3A_108 = arith.constant 49 : i32
        %lt3A_109 = arith.cmpi slt, %add3A_107, %lt3A_108 : i32
        %convert_element_type3A_110 = arith.extui %lt3A_109 : i1 to i32
        %cond3A_111 = arith.constant 0 : i32
        %cond3A_112 = arith.cmpi ne, %convert_element_type3A_110, %cond3A_111 : i32
        scf.if %cond3A_112 {
          %mul3A_122 = arith.constant 128 : i32
          %mul3A_123 = arith.muli %add3A_107, %mul3A_122 : i32
          %dma_wait3A_124 = tpu.memref_slice %arg5[%mul3A_123] : memref<6272xi32, #tpu.memory_space<vmem>> -> memref<128xi32, #tpu.memory_space<vmem>>
          %dma_wait3A_125 = arith.constant 0 : i32
          %dma_wait3A_126 = arith.constant 0 : i32
          %dma_wait3A_127 = tpu.memref_slice %arg2[%dma_wait3A_125, %dma_wait3A_126] : memref<50176x128xf32, #tpu.memory_space<hbm>> -> memref<50176x128xf32, #tpu.memory_space<hbm>>
          tpu.wait_indirect_dma semaphore(%arg13 : memref<!tpu.dma_semaphore, #tpu.memory_space<semaphore_mem>>) src(%dma_wait3A_127 : memref<50176x128xf32, #tpu.memory_space<hbm>>) dst(%arg9 : memref<128x128xf32, #tpu.memory_space<vmem>>)
          %mul3A_128 = arith.constant 128 : i32
          %mul3A_129 = arith.muli %add3A_107, %mul3A_128 : i32
          %add3A_130 = arith.addi %mul3A_2, %mul3A_129 : i32
          %dma_start3A_131 = arith.constant 0 : i32
          %dma_start3A_132 = tpu.memref_slice %arg4[%add3A_130, %dma_start3A_131] : memref<200704x128xf32, #tpu.memory_space<hbm>> -> memref<128x128xf32, #tpu.memory_space<hbm>>
          %dma_start3A_133 = arith.constant 0 : i32
          %dma_start3A_134 = tpu.memref_slice %arg4[%add3A_130, %dma_start3A_133] : memref<200704x128xf32, #tpu.memory_space<hbm>> -> memref<128x128xf32, #tpu.memory_space<hbm>>
          tpu.enqueue_dma source(%arg9 : memref<128x128xf32, #tpu.memory_space<vmem>>) target(%dma_start3A_134 : memref<128x128xf32, #tpu.memory_space<hbm>>) target_semaphore(%arg17 : memref<!tpu.dma_semaphore, #tpu.memory_space<semaphore_mem>>)
        } else {
        }
        %add3A_113 = arith.constant 4 : i32
        %add3A_114 = arith.addi %add3A_107, %add3A_113 : i32
        %sub3A_115 = arith.constant 1 : i32
        %sub3A_116 = arith.subi %add3A_114, %sub3A_115 : i32
        %lt3A_117 = arith.constant 49 : i32
        %lt3A_118 = arith.cmpi slt, %sub3A_116, %lt3A_117 : i32
        %convert_element_type3A_119 = arith.extui %lt3A_118 : i1 to i32
        %cond3A_120 = arith.constant 0 : i32
        %cond3A_121 = arith.cmpi ne, %convert_element_type3A_119, %cond3A_120 : i32
        scf.if %cond3A_121 {
          %ge3A = arith.constant 1 : i32
          %ge3A_122 = arith.cmpi sge, %add3A_107, %ge3A : i32
          %convert_element_type3A_123 = arith.extui %ge3A_122 : i1 to i32
          %cond3A_124 = arith.constant 0 : i32
          %cond3A_125 = arith.cmpi ne, %convert_element_type3A_123, %cond3A_124 : i32
          scf.if %cond3A_125 {
            %sub3A_136 = arith.constant 1 : i32
            %sub3A_137 = arith.subi %add3A_107, %sub3A_136 : i32
            %mul3A_138 = arith.constant 128 : i32
            %mul3A_139 = arith.muli %sub3A_137, %mul3A_138 : i32
            %add3A_140 = arith.addi %mul3A_2, %mul3A_139 : i32
            %dma_wait3A_141 = arith.constant 0 : i32
            %dma_wait3A_142 = tpu.memref_slice %arg4[%add3A_140, %dma_wait3A_141] : memref<200704x128xf32, #tpu.memory_space<hbm>> -> memref<128x128xf32, #tpu.memory_space<hbm>>
            %dma_wait3A_143 = arith.constant 0 : i32
            %dma_wait3A_144 = tpu.memref_slice %arg4[%add3A_140, %dma_wait3A_143] : memref<200704x128xf32, #tpu.memory_space<hbm>> -> memref<128x128xf32, #tpu.memory_space<hbm>>
            tpu.wait_dma2 semaphore(%arg16 : memref<!tpu.dma_semaphore, #tpu.memory_space<semaphore_mem>>) src(%arg8 : memref<128x128xf32, #tpu.memory_space<vmem>>) dst(%dma_wait3A_144 : memref<128x128xf32, #tpu.memory_space<hbm>>)
          } else {
          }
          %add3A_126 = arith.constant 4 : i32
          %add3A_127 = arith.addi %add3A_107, %add3A_126 : i32
          %sub3A_128 = arith.constant 1 : i32
          %sub3A_129 = arith.subi %add3A_127, %sub3A_128 : i32
          %mul3A_130 = arith.constant 128 : i32
          %mul3A_131 = arith.muli %sub3A_129, %mul3A_130 : i32
          %dma_start3A_132 = tpu.memref_slice %arg5[%mul3A_131] : memref<6272xi32, #tpu.memory_space<vmem>> -> memref<128xi32, #tpu.memory_space<vmem>>
          %dma_start3A_133 = arith.constant 0 : i32
          %dma_start3A_134 = arith.constant 0 : i32
          %dma_start3A_135 = tpu.memref_slice %arg2[%dma_start3A_133, %dma_start3A_134] : memref<50176x128xf32, #tpu.memory_space<hbm>> -> memref<50176x128xf32, #tpu.memory_space<hbm>>
          tpu.enqueue_indirect_dma source(%dma_start3A_135 : memref<50176x128xf32, #tpu.memory_space<hbm>>) target(%arg8 : memref<128x128xf32, #tpu.memory_space<vmem>>) offsets(%dma_start3A_132 : memref<128xi32, #tpu.memory_space<vmem>>) semaphore(%arg12 : memref<!tpu.dma_semaphore, #tpu.memory_space<semaphore_mem>>)
        } else {
        }
      }
      %scan3A_28 = arith.constant 13 : i32
      %add3A = arith.constant 5760 : i32
      %add3A_29 = arith.addi %mul3A_2, %add3A : i32
      %dma_wait3A = arith.constant 0 : i32
      %dma_wait3A_30 = tpu.memref_slice %arg4[%add3A_29, %dma_wait3A] : memref<200704x128xf32, #tpu.memory_space<hbm>> -> memref<128x128xf32, #tpu.memory_space<hbm>>
      %dma_wait3A_31 = arith.constant 0 : i32
      %dma_wait3A_32 = tpu.memref_slice %arg4[%add3A_29, %dma_wait3A_31] : memref<200704x128xf32, #tpu.memory_space<hbm>> -> memref<128x128xf32, #tpu.memory_space<hbm>>
      tpu.wait_dma2 semaphore(%arg15 : memref<!tpu.dma_semaphore, #tpu.memory_space<semaphore_mem>>) src(%arg7 : memref<128x128xf32, #tpu.memory_space<vmem>>) dst(%dma_wait3A_32 : memref<128x128xf32, #tpu.memory_space<hbm>>)
      %add3A_33 = arith.constant 5888 : i32
      %add3A_34 = arith.addi %mul3A_2, %add3A_33 : i32
      %dma_wait3A_35 = arith.constant 0 : i32
      %dma_wait3A_36 = tpu.memref_slice %arg4[%add3A_34, %dma_wait3A_35] : memref<200704x128xf32, #tpu.memory_space<hbm>> -> memref<128x128xf32, #tpu.memory_space<hbm>>
      %dma_wait3A_37 = arith.constant 0 : i32
      %dma_wait3A_38 = tpu.memref_slice %arg4[%add3A_34, %dma_wait3A_37] : memref<200704x128xf32, #tpu.memory_space<hbm>> -> memref<128x128xf32, #tpu.memory_space<hbm>>
      tpu.wait_dma2 semaphore(%arg16 : memref<!tpu.dma_semaphore, #tpu.memory_space<semaphore_mem>>) src(%arg8 : memref<128x128xf32, #tpu.memory_space<vmem>>) dst(%dma_wait3A_38 : memref<128x128xf32, #tpu.memory_space<hbm>>)
      %add3A_39 = arith.constant 6016 : i32
      %add3A_40 = arith.addi %mul3A_2, %add3A_39 : i32
      %dma_wait3A_41 = arith.constant 0 : i32
      %dma_wait3A_42 = tpu.memref_slice %arg4[%add3A_40, %dma_wait3A_41] : memref<200704x128xf32, #tpu.memory_space<hbm>> -> memref<128x128xf32, #tpu.memory_space<hbm>>
      %dma_wait3A_43 = arith.constant 0 : i32
      %dma_wait3A_44 = tpu.memref_slice %arg4[%add3A_40, %dma_wait3A_43] : memref<200704x128xf32, #tpu.memory_space<hbm>> -> memref<128x128xf32, #tpu.memory_space<hbm>>
      tpu.wait_dma2 semaphore(%arg17 : memref<!tpu.dma_semaphore, #tpu.memory_space<semaphore_mem>>) src(%arg9 : memref<128x128xf32, #tpu.memory_space<vmem>>) dst(%dma_wait3A_44 : memref<128x128xf32, #tpu.memory_space<hbm>>)
      %add3A_45 = arith.constant 6144 : i32
      %add3A_46 = arith.addi %mul3A_2, %add3A_45 : i32
      %dma_wait3A_47 = arith.constant 0 : i32
      %dma_wait3A_48 = tpu.memref_slice %arg4[%add3A_46, %dma_wait3A_47] : memref<200704x128xf32, #tpu.memory_space<hbm>> -> memref<128x128xf32, #tpu.memory_space<hbm>>
      %dma_wait3A_49 = arith.constant 0 : i32
      %dma_wait3A_50 = tpu.memref_slice %arg4[%add3A_46, %dma_wait3A_49] : memref<200704x128xf32, #tpu.memory_space<hbm>> -> memref<128x128xf32, #tpu.memory_space<hbm>>
      tpu.wait_dma2 semaphore(%arg14 : memref<!tpu.dma_semaphore, #tpu.memory_space<semaphore_mem>>) src(%arg6 : memref<128x128xf32, #tpu.memory_space<vmem>>) dst(%dma_wait3A_50 : memref<128x128xf32, #tpu.memory_space<hbm>>)
    } else {
    }
    %eq3A_5 = arith.constant 1 : i32
    %eq3A_6 = arith.cmpi eq, %arg0, %eq3A_5 : i32
    %convert_element_type3A_7 = arith.extui %eq3A_6 : i1 to i32
    %cond3A_8 = arith.constant 0 : i32
    %cond3A_9 = arith.cmpi ne, %convert_element_type3A_7, %cond3A_8 : i32
    scf.if %cond3A_9 {
      %add3A = arith.constant 6272 : i32
      %add3A_10 = arith.addi %mul3A_2, %add3A : i32
      "tpu.region"() ({
        %run_scoped3A = tpu.sem_alloc : memref<!tpu.dma_semaphore, #tpu.memory_space<semaphore_mem>>
        %dma_start3A_53 = arith.constant 0 : i32
        %dma_start3A_54 = tpu.memref_slice %arg5[%dma_start3A_53] : memref<6272xi32, #tpu.memory_space<vmem>> -> memref<6272xi32, #tpu.memory_space<vmem>>
        %dma_start3A_55 = tpu.memref_slice %arg3[%add3A_10] : memref<200704xi32, #tpu.memory_space<hbm>> -> memref<6272xi32, #tpu.memory_space<hbm>>
        %dma_start3A_56 = arith.constant 0 : i32
        %dma_start3A_57 = tpu.memref_slice %arg5[%dma_start3A_56] : memref<6272xi32, #tpu.memory_space<vmem>> -> memref<6272xi32, #tpu.memory_space<vmem>>
        %dma_start3A_58 = tpu.memref_slice %arg3[%add3A_10] : memref<200704xi32, #tpu.memory_space<hbm>> -> memref<6272xi32, #tpu.memory_space<hbm>>
        tpu.enqueue_dma source(%dma_start3A_58 : memref<6272xi32, #tpu.memory_space<hbm>>) target(%dma_start3A_57 : memref<6272xi32, #tpu.memory_space<vmem>>) target_semaphore(%run_scoped3A : memref<!tpu.dma_semaphore, #tpu.memory_space<semaphore_mem>>)
        %dma_wait3A_59 = arith.constant 0 : i32
        %dma_wait3A_60 = tpu.memref_slice %arg5[%dma_wait3A_59] : memref<6272xi32, #tpu.memory_space<vmem>> -> memref<6272xi32, #tpu.memory_space<vmem>>
        %dma_wait3A_61 = tpu.memref_slice %arg3[%add3A_10] : memref<200704xi32, #tpu.memory_space<hbm>> -> memref<6272xi32, #tpu.memory_space<hbm>>
        %dma_wait3A_62 = arith.constant 0 : i32
        %dma_wait3A_63 = tpu.memref_slice %arg5[%dma_wait3A_62] : memref<6272xi32, #tpu.memory_space<vmem>> -> memref<6272xi32, #tpu.memory_space<vmem>>
        %dma_wait3A_64 = tpu.memref_slice %arg3[%add3A_10] : memref<200704xi32, #tpu.memory_space<hbm>> -> memref<6272xi32, #tpu.memory_space<hbm>>
        tpu.wait_dma2 semaphore(%run_scoped3A : memref<!tpu.dma_semaphore, #tpu.memory_space<semaphore_mem>>) src(%dma_wait3A_64 : memref<6272xi32, #tpu.memory_space<hbm>>) dst(%dma_wait3A_63 : memref<6272xi32, #tpu.memory_space<vmem>>)
        tpu.yield
      }) : () -> ()
      %dma_start3A = arith.constant 0 : i32
      %dma_start3A_11 = tpu.memref_slice %arg5[%dma_start3A] : memref<6272xi32, #tpu.memory_space<vmem>> -> memref<128xi32, #tpu.memory_space<vmem>>
      %dma_start3A_12 = arith.constant 0 : i32
      %dma_start3A_13 = arith.constant 0 : i32
      %dma_start3A_14 = tpu.memref_slice %arg2[%dma_start3A_12, %dma_start3A_13] : memref<50176x128xf32, #tpu.memory_space<hbm>> -> memref<50176x128xf32, #tpu.memory_space<hbm>>
      tpu.enqueue_indirect_dma source(%dma_start3A_14 : memref<50176x128xf32, #tpu.memory_space<hbm>>) target(%arg6 : memref<128x128xf32, #tpu.memory_space<vmem>>) offsets(%dma_start3A_11 : memref<128xi32, #tpu.memory_space<vmem>>) semaphore(%arg10 : memref<!tpu.dma_semaphore, #tpu.memory_space<semaphore_mem>>)
      %dma_start3A_15 = arith.constant 128 : i32
      %dma_start3A_16 = tpu.memref_slice %arg5[%dma_start3A_15] : memref<6272xi32, #tpu.memory_space<vmem>> -> memref<128xi32, #tpu.memory_space<vmem>>
      %dma_start3A_17 = arith.constant 0 : i32
      %dma_start3A_18 = arith.constant 0 : i32
      %dma_start3A_19 = tpu.memref_slice %arg2[%dma_start3A_17, %dma_start3A_18] : memref<50176x128xf32, #tpu.memory_space<hbm>> -> memref<50176x128xf32, #tpu.memory_space<hbm>>
      tpu.enqueue_indirect_dma source(%dma_start3A_19 : memref<50176x128xf32, #tpu.memory_space<hbm>>) target(%arg7 : memref<128x128xf32, #tpu.memory_space<vmem>>) offsets(%dma_start3A_16 : memref<128xi32, #tpu.memory_space<vmem>>) semaphore(%arg11 : memref<!tpu.dma_semaphore, #tpu.memory_space<semaphore_mem>>)
      %dma_start3A_20 = arith.constant 256 : i32
      %dma_start3A_21 = tpu.memref_slice %arg5[%dma_start3A_20] : memref<6272xi32, #tpu.memory_space<vmem>> -> memref<128xi32, #tpu.memory_space<vmem>>
      %dma_start3A_22 = arith.constant 0 : i32
      %dma_start3A_23 = arith.constant 0 : i32
      %dma_start3A_24 = tpu.memref_slice %arg2[%dma_start3A_22, %dma_start3A_23] : memref<50176x128xf32, #tpu.memory_space<hbm>> -> memref<50176x128xf32, #tpu.memory_space<hbm>>
      tpu.enqueue_indirect_dma source(%dma_start3A_24 : memref<50176x128xf32, #tpu.memory_space<hbm>>) target(%arg8 : memref<128x128xf32, #tpu.memory_space<vmem>>) offsets(%dma_start3A_21 : memref<128xi32, #tpu.memory_space<vmem>>) semaphore(%arg12 : memref<!tpu.dma_semaphore, #tpu.memory_space<semaphore_mem>>)
      %scan3A = arith.constant 0 : i32
      %scan3A_25 = arith.constant 0 : i32
      %scan3A_26 = arith.constant 13 : i32
      %scan3A_27 = arith.addi %scan3A_25, %scan3A_26 : i32
      %scan3A_28 = arith.constant 1 : i32
      scf.for %scan3A_53 = %scan3A_25 to %scan3A_27 step %scan3A_28  : i32 {
        %mul3A_54 = arith.constant 4 : i32
        %mul3A_55 = arith.muli %scan3A_53, %mul3A_54 : i32
        %add3A_56 = arith.constant 0 : i32
        %add3A_57 = arith.addi %mul3A_55, %add3A_56 : i32
        %lt3A = arith.constant 49 : i32
        %lt3A_58 = arith.cmpi slt, %add3A_57, %lt3A : i32
        %convert_element_type3A_59 = arith.extui %lt3A_58 : i1 to i32
        %cond3A_60 = arith.constant 0 : i32
        %cond3A_61 = arith.cmpi ne, %convert_element_type3A_59, %cond3A_60 : i32
        scf.if %cond3A_61 {
          %mul3A_124 = arith.constant 128 : i32
          %mul3A_125 = arith.muli %add3A_57, %mul3A_124 : i32
          %dma_wait3A_126 = tpu.memref_slice %arg5[%mul3A_125] : memref<6272xi32, #tpu.memory_space<vmem>> -> memref<128xi32, #tpu.memory_space<vmem>>
          %dma_wait3A_127 = arith.constant 0 : i32
          %dma_wait3A_128 = arith.constant 0 : i32
          %dma_wait3A_129 = tpu.memref_slice %arg2[%dma_wait3A_127, %dma_wait3A_128] : memref<50176x128xf32, #tpu.memory_space<hbm>> -> memref<50176x128xf32, #tpu.memory_space<hbm>>
          tpu.wait_indirect_dma semaphore(%arg10 : memref<!tpu.dma_semaphore, #tpu.memory_space<semaphore_mem>>) src(%dma_wait3A_129 : memref<50176x128xf32, #tpu.memory_space<hbm>>) dst(%arg6 : memref<128x128xf32, #tpu.memory_space<vmem>>)
          %mul3A_130 = arith.constant 128 : i32
          %mul3A_131 = arith.muli %add3A_57, %mul3A_130 : i32
          %add3A_132 = arith.addi %add3A_10, %mul3A_131 : i32
          %dma_start3A_133 = arith.constant 0 : i32
          %dma_start3A_134 = tpu.memref_slice %arg4[%add3A_132, %dma_start3A_133] : memref<200704x128xf32, #tpu.memory_space<hbm>> -> memref<128x128xf32, #tpu.memory_space<hbm>>
          %dma_start3A_135 = arith.constant 0 : i32
          %dma_start3A_136 = tpu.memref_slice %arg4[%add3A_132, %dma_start3A_135] : memref<200704x128xf32, #tpu.memory_space<hbm>> -> memref<128x128xf32, #tpu.memory_space<hbm>>
          tpu.enqueue_dma source(%arg6 : memref<128x128xf32, #tpu.memory_space<vmem>>) target(%dma_start3A_136 : memref<128x128xf32, #tpu.memory_space<hbm>>) target_semaphore(%arg14 : memref<!tpu.dma_semaphore, #tpu.memory_space<semaphore_mem>>)
        } else {
        }
        %add3A_62 = arith.constant 4 : i32
        %add3A_63 = arith.addi %add3A_57, %add3A_62 : i32
        %sub3A = arith.constant 1 : i32
        %sub3A_64 = arith.subi %add3A_63, %sub3A : i32
        %lt3A_65 = arith.constant 49 : i32
        %lt3A_66 = arith.cmpi slt, %sub3A_64, %lt3A_65 : i32
        %convert_element_type3A_67 = arith.extui %lt3A_66 : i1 to i32
        %cond3A_68 = arith.constant 0 : i32
        %cond3A_69 = arith.cmpi ne, %convert_element_type3A_67, %cond3A_68 : i32
        scf.if %cond3A_69 {
          %ge3A = arith.constant 1 : i32
          %ge3A_124 = arith.cmpi sge, %add3A_57, %ge3A : i32
          %convert_element_type3A_125 = arith.extui %ge3A_124 : i1 to i32
          %cond3A_126 = arith.constant 0 : i32
          %cond3A_127 = arith.cmpi ne, %convert_element_type3A_125, %cond3A_126 : i32
          scf.if %cond3A_127 {
            %sub3A_138 = arith.constant 1 : i32
            %sub3A_139 = arith.subi %add3A_57, %sub3A_138 : i32
            %mul3A_140 = arith.constant 128 : i32
            %mul3A_141 = arith.muli %sub3A_139, %mul3A_140 : i32
            %add3A_142 = arith.addi %add3A_10, %mul3A_141 : i32
            %dma_wait3A_143 = arith.constant 0 : i32
            %dma_wait3A_144 = tpu.memref_slice %arg4[%add3A_142, %dma_wait3A_143] : memref<200704x128xf32, #tpu.memory_space<hbm>> -> memref<128x128xf32, #tpu.memory_space<hbm>>
            %dma_wait3A_145 = arith.constant 0 : i32
            %dma_wait3A_146 = tpu.memref_slice %arg4[%add3A_142, %dma_wait3A_145] : memref<200704x128xf32, #tpu.memory_space<hbm>> -> memref<128x128xf32, #tpu.memory_space<hbm>>
            tpu.wait_dma2 semaphore(%arg17 : memref<!tpu.dma_semaphore, #tpu.memory_space<semaphore_mem>>) src(%arg9 : memref<128x128xf32, #tpu.memory_space<vmem>>) dst(%dma_wait3A_146 : memref<128x128xf32, #tpu.memory_space<hbm>>)
          } else {
          }
          %add3A_128 = arith.constant 4 : i32
          %add3A_129 = arith.addi %add3A_57, %add3A_128 : i32
          %sub3A_130 = arith.constant 1 : i32
          %sub3A_131 = arith.subi %add3A_129, %sub3A_130 : i32
          %mul3A_132 = arith.constant 128 : i32
          %mul3A_133 = arith.muli %sub3A_131, %mul3A_132 : i32
          %dma_start3A_134 = tpu.memref_slice %arg5[%mul3A_133] : memref<6272xi32, #tpu.memory_space<vmem>> -> memref<128xi32, #tpu.memory_space<vmem>>
          %dma_start3A_135 = arith.constant 0 : i32
          %dma_start3A_136 = arith.constant 0 : i32
          %dma_start3A_137 = tpu.memref_slice %arg2[%dma_start3A_135, %dma_start3A_136] : memref<50176x128xf32, #tpu.memory_space<hbm>> -> memref<50176x128xf32, #tpu.memory_space<hbm>>
          tpu.enqueue_indirect_dma source(%dma_start3A_137 : memref<50176x128xf32, #tpu.memory_space<hbm>>) target(%arg9 : memref<128x128xf32, #tpu.memory_space<vmem>>) offsets(%dma_start3A_134 : memref<128xi32, #tpu.memory_space<vmem>>) semaphore(%arg13 : memref<!tpu.dma_semaphore, #tpu.memory_space<semaphore_mem>>)
        } else {
        }
        %mul3A_70 = arith.constant 4 : i32
        %mul3A_71 = arith.muli %scan3A_53, %mul3A_70 : i32
        %add3A_72 = arith.constant 1 : i32
        %add3A_73 = arith.addi %mul3A_71, %add3A_72 : i32
        %lt3A_74 = arith.constant 49 : i32
        %lt3A_75 = arith.cmpi slt, %add3A_73, %lt3A_74 : i32
        %convert_element_type3A_76 = arith.extui %lt3A_75 : i1 to i32
        %cond3A_77 = arith.constant 0 : i32
        %cond3A_78 = arith.cmpi ne, %convert_element_type3A_76, %cond3A_77 : i32
        scf.if %cond3A_78 {
          %mul3A_124 = arith.constant 128 : i32
          %mul3A_125 = arith.muli %add3A_73, %mul3A_124 : i32
          %dma_wait3A_126 = tpu.memref_slice %arg5[%mul3A_125] : memref<6272xi32, #tpu.memory_space<vmem>> -> memref<128xi32, #tpu.memory_space<vmem>>
          %dma_wait3A_127 = arith.constant 0 : i32
          %dma_wait3A_128 = arith.constant 0 : i32
          %dma_wait3A_129 = tpu.memref_slice %arg2[%dma_wait3A_127, %dma_wait3A_128] : memref<50176x128xf32, #tpu.memory_space<hbm>> -> memref<50176x128xf32, #tpu.memory_space<hbm>>
          tpu.wait_indirect_dma semaphore(%arg11 : memref<!tpu.dma_semaphore, #tpu.memory_space<semaphore_mem>>) src(%dma_wait3A_129 : memref<50176x128xf32, #tpu.memory_space<hbm>>) dst(%arg7 : memref<128x128xf32, #tpu.memory_space<vmem>>)
          %mul3A_130 = arith.constant 128 : i32
          %mul3A_131 = arith.muli %add3A_73, %mul3A_130 : i32
          %add3A_132 = arith.addi %add3A_10, %mul3A_131 : i32
          %dma_start3A_133 = arith.constant 0 : i32
          %dma_start3A_134 = tpu.memref_slice %arg4[%add3A_132, %dma_start3A_133] : memref<200704x128xf32, #tpu.memory_space<hbm>> -> memref<128x128xf32, #tpu.memory_space<hbm>>
          %dma_start3A_135 = arith.constant 0 : i32
          %dma_start3A_136 = tpu.memref_slice %arg4[%add3A_132, %dma_start3A_135] : memref<200704x128xf32, #tpu.memory_space<hbm>> -> memref<128x128xf32, #tpu.memory_space<hbm>>
          tpu.enqueue_dma source(%arg7 : memref<128x128xf32, #tpu.memory_space<vmem>>) target(%dma_start3A_136 : memref<128x128xf32, #tpu.memory_space<hbm>>) target_semaphore(%arg15 : memref<!tpu.dma_semaphore, #tpu.memory_space<semaphore_mem>>)
        } else {
        }
        %add3A_79 = arith.constant 4 : i32
        %add3A_80 = arith.addi %add3A_73, %add3A_79 : i32
        %sub3A_81 = arith.constant 1 : i32
        %sub3A_82 = arith.subi %add3A_80, %sub3A_81 : i32
        %lt3A_83 = arith.constant 49 : i32
        %lt3A_84 = arith.cmpi slt, %sub3A_82, %lt3A_83 : i32
        %convert_element_type3A_85 = arith.extui %lt3A_84 : i1 to i32
        %cond3A_86 = arith.constant 0 : i32
        %cond3A_87 = arith.cmpi ne, %convert_element_type3A_85, %cond3A_86 : i32
        scf.if %cond3A_87 {
          %ge3A = arith.constant 1 : i32
          %ge3A_124 = arith.cmpi sge, %add3A_73, %ge3A : i32
          %convert_element_type3A_125 = arith.extui %ge3A_124 : i1 to i32
          %cond3A_126 = arith.constant 0 : i32
          %cond3A_127 = arith.cmpi ne, %convert_element_type3A_125, %cond3A_126 : i32
          scf.if %cond3A_127 {
            %sub3A_138 = arith.constant 1 : i32
            %sub3A_139 = arith.subi %add3A_73, %sub3A_138 : i32
            %mul3A_140 = arith.constant 128 : i32
            %mul3A_141 = arith.muli %sub3A_139, %mul3A_140 : i32
            %add3A_142 = arith.addi %add3A_10, %mul3A_141 : i32
            %dma_wait3A_143 = arith.constant 0 : i32
            %dma_wait3A_144 = tpu.memref_slice %arg4[%add3A_142, %dma_wait3A_143] : memref<200704x128xf32, #tpu.memory_space<hbm>> -> memref<128x128xf32, #tpu.memory_space<hbm>>
            %dma_wait3A_145 = arith.constant 0 : i32
            %dma_wait3A_146 = tpu.memref_slice %arg4[%add3A_142, %dma_wait3A_145] : memref<200704x128xf32, #tpu.memory_space<hbm>> -> memref<128x128xf32, #tpu.memory_space<hbm>>
            tpu.wait_dma2 semaphore(%arg14 : memref<!tpu.dma_semaphore, #tpu.memory_space<semaphore_mem>>) src(%arg6 : memref<128x128xf32, #tpu.memory_space<vmem>>) dst(%dma_wait3A_146 : memref<128x128xf32, #tpu.memory_space<hbm>>)
          } else {
          }
          %add3A_128 = arith.constant 4 : i32
          %add3A_129 = arith.addi %add3A_73, %add3A_128 : i32
          %sub3A_130 = arith.constant 1 : i32
          %sub3A_131 = arith.subi %add3A_129, %sub3A_130 : i32
          %mul3A_132 = arith.constant 128 : i32
          %mul3A_133 = arith.muli %sub3A_131, %mul3A_132 : i32
          %dma_start3A_134 = tpu.memref_slice %arg5[%mul3A_133] : memref<6272xi32, #tpu.memory_space<vmem>> -> memref<128xi32, #tpu.memory_space<vmem>>
          %dma_start3A_135 = arith.constant 0 : i32
          %dma_start3A_136 = arith.constant 0 : i32
          %dma_start3A_137 = tpu.memref_slice %arg2[%dma_start3A_135, %dma_start3A_136] : memref<50176x128xf32, #tpu.memory_space<hbm>> -> memref<50176x128xf32, #tpu.memory_space<hbm>>
          tpu.enqueue_indirect_dma source(%dma_start3A_137 : memref<50176x128xf32, #tpu.memory_space<hbm>>) target(%arg6 : memref<128x128xf32, #tpu.memory_space<vmem>>) offsets(%dma_start3A_134 : memref<128xi32, #tpu.memory_space<vmem>>) semaphore(%arg10 : memref<!tpu.dma_semaphore, #tpu.memory_space<semaphore_mem>>)
        } else {
        }
        %mul3A_88 = arith.constant 4 : i32
        %mul3A_89 = arith.muli %scan3A_53, %mul3A_88 : i32
        %add3A_90 = arith.constant 2 : i32
        %add3A_91 = arith.addi %mul3A_89, %add3A_90 : i32
        %lt3A_92 = arith.constant 49 : i32
        %lt3A_93 = arith.cmpi slt, %add3A_91, %lt3A_92 : i32
        %convert_element_type3A_94 = arith.extui %lt3A_93 : i1 to i32
        %cond3A_95 = arith.constant 0 : i32
        %cond3A_96 = arith.cmpi ne, %convert_element_type3A_94, %cond3A_95 : i32
        scf.if %cond3A_96 {
          %mul3A_124 = arith.constant 128 : i32
          %mul3A_125 = arith.muli %add3A_91, %mul3A_124 : i32
          %dma_wait3A_126 = tpu.memref_slice %arg5[%mul3A_125] : memref<6272xi32, #tpu.memory_space<vmem>> -> memref<128xi32, #tpu.memory_space<vmem>>
          %dma_wait3A_127 = arith.constant 0 : i32
          %dma_wait3A_128 = arith.constant 0 : i32
          %dma_wait3A_129 = tpu.memref_slice %arg2[%dma_wait3A_127, %dma_wait3A_128] : memref<50176x128xf32, #tpu.memory_space<hbm>> -> memref<50176x128xf32, #tpu.memory_space<hbm>>
          tpu.wait_indirect_dma semaphore(%arg12 : memref<!tpu.dma_semaphore, #tpu.memory_space<semaphore_mem>>) src(%dma_wait3A_129 : memref<50176x128xf32, #tpu.memory_space<hbm>>) dst(%arg8 : memref<128x128xf32, #tpu.memory_space<vmem>>)
          %mul3A_130 = arith.constant 128 : i32
          %mul3A_131 = arith.muli %add3A_91, %mul3A_130 : i32
          %add3A_132 = arith.addi %add3A_10, %mul3A_131 : i32
          %dma_start3A_133 = arith.constant 0 : i32
          %dma_start3A_134 = tpu.memref_slice %arg4[%add3A_132, %dma_start3A_133] : memref<200704x128xf32, #tpu.memory_space<hbm>> -> memref<128x128xf32, #tpu.memory_space<hbm>>
          %dma_start3A_135 = arith.constant 0 : i32
          %dma_start3A_136 = tpu.memref_slice %arg4[%add3A_132, %dma_start3A_135] : memref<200704x128xf32, #tpu.memory_space<hbm>> -> memref<128x128xf32, #tpu.memory_space<hbm>>
          tpu.enqueue_dma source(%arg8 : memref<128x128xf32, #tpu.memory_space<vmem>>) target(%dma_start3A_136 : memref<128x128xf32, #tpu.memory_space<hbm>>) target_semaphore(%arg16 : memref<!tpu.dma_semaphore, #tpu.memory_space<semaphore_mem>>)
        } else {
        }
        %add3A_97 = arith.constant 4 : i32
        %add3A_98 = arith.addi %add3A_91, %add3A_97 : i32
        %sub3A_99 = arith.constant 1 : i32
        %sub3A_100 = arith.subi %add3A_98, %sub3A_99 : i32
        %lt3A_101 = arith.constant 49 : i32
        %lt3A_102 = arith.cmpi slt, %sub3A_100, %lt3A_101 : i32
        %convert_element_type3A_103 = arith.extui %lt3A_102 : i1 to i32
        %cond3A_104 = arith.constant 0 : i32
        %cond3A_105 = arith.cmpi ne, %convert_element_type3A_103, %cond3A_104 : i32
        scf.if %cond3A_105 {
          %ge3A = arith.constant 1 : i32
          %ge3A_124 = arith.cmpi sge, %add3A_91, %ge3A : i32
          %convert_element_type3A_125 = arith.extui %ge3A_124 : i1 to i32
          %cond3A_126 = arith.constant 0 : i32
          %cond3A_127 = arith.cmpi ne, %convert_element_type3A_125, %cond3A_126 : i32
          scf.if %cond3A_127 {
            %sub3A_138 = arith.constant 1 : i32
            %sub3A_139 = arith.subi %add3A_91, %sub3A_138 : i32
            %mul3A_140 = arith.constant 128 : i32
            %mul3A_141 = arith.muli %sub3A_139, %mul3A_140 : i32
            %add3A_142 = arith.addi %add3A_10, %mul3A_141 : i32
            %dma_wait3A_143 = arith.constant 0 : i32
            %dma_wait3A_144 = tpu.memref_slice %arg4[%add3A_142, %dma_wait3A_143] : memref<200704x128xf32, #tpu.memory_space<hbm>> -> memref<128x128xf32, #tpu.memory_space<hbm>>
            %dma_wait3A_145 = arith.constant 0 : i32
            %dma_wait3A_146 = tpu.memref_slice %arg4[%add3A_142, %dma_wait3A_145] : memref<200704x128xf32, #tpu.memory_space<hbm>> -> memref<128x128xf32, #tpu.memory_space<hbm>>
            tpu.wait_dma2 semaphore(%arg15 : memref<!tpu.dma_semaphore, #tpu.memory_space<semaphore_mem>>) src(%arg7 : memref<128x128xf32, #tpu.memory_space<vmem>>) dst(%dma_wait3A_146 : memref<128x128xf32, #tpu.memory_space<hbm>>)
          } else {
          }
          %add3A_128 = arith.constant 4 : i32
          %add3A_129 = arith.addi %add3A_91, %add3A_128 : i32
          %sub3A_130 = arith.constant 1 : i32
          %sub3A_131 = arith.subi %add3A_129, %sub3A_130 : i32
          %mul3A_132 = arith.constant 128 : i32
          %mul3A_133 = arith.muli %sub3A_131, %mul3A_132 : i32
          %dma_start3A_134 = tpu.memref_slice %arg5[%mul3A_133] : memref<6272xi32, #tpu.memory_space<vmem>> -> memref<128xi32, #tpu.memory_space<vmem>>
          %dma_start3A_135 = arith.constant 0 : i32
          %dma_start3A_136 = arith.constant 0 : i32
          %dma_start3A_137 = tpu.memref_slice %arg2[%dma_start3A_135, %dma_start3A_136] : memref<50176x128xf32, #tpu.memory_space<hbm>> -> memref<50176x128xf32, #tpu.memory_space<hbm>>
          tpu.enqueue_indirect_dma source(%dma_start3A_137 : memref<50176x128xf32, #tpu.memory_space<hbm>>) target(%arg7 : memref<128x128xf32, #tpu.memory_space<vmem>>) offsets(%dma_start3A_134 : memref<128xi32, #tpu.memory_space<vmem>>) semaphore(%arg11 : memref<!tpu.dma_semaphore, #tpu.memory_space<semaphore_mem>>)
        } else {
        }
        %mul3A_106 = arith.constant 4 : i32
        %mul3A_107 = arith.muli %scan3A_53, %mul3A_106 : i32
        %add3A_108 = arith.constant 3 : i32
        %add3A_109 = arith.addi %mul3A_107, %add3A_108 : i32
        %lt3A_110 = arith.constant 49 : i32
        %lt3A_111 = arith.cmpi slt, %add3A_109, %lt3A_110 : i32
        %convert_element_type3A_112 = arith.extui %lt3A_111 : i1 to i32
        %cond3A_113 = arith.constant 0 : i32
        %cond3A_114 = arith.cmpi ne, %convert_element_type3A_112, %cond3A_113 : i32
        scf.if %cond3A_114 {
          %mul3A_124 = arith.constant 128 : i32
          %mul3A_125 = arith.muli %add3A_109, %mul3A_124 : i32
          %dma_wait3A_126 = tpu.memref_slice %arg5[%mul3A_125] : memref<6272xi32, #tpu.memory_space<vmem>> -> memref<128xi32, #tpu.memory_space<vmem>>
          %dma_wait3A_127 = arith.constant 0 : i32
          %dma_wait3A_128 = arith.constant 0 : i32
          %dma_wait3A_129 = tpu.memref_slice %arg2[%dma_wait3A_127, %dma_wait3A_128] : memref<50176x128xf32, #tpu.memory_space<hbm>> -> memref<50176x128xf32, #tpu.memory_space<hbm>>
          tpu.wait_indirect_dma semaphore(%arg13 : memref<!tpu.dma_semaphore, #tpu.memory_space<semaphore_mem>>) src(%dma_wait3A_129 : memref<50176x128xf32, #tpu.memory_space<hbm>>) dst(%arg9 : memref<128x128xf32, #tpu.memory_space<vmem>>)
          %mul3A_130 = arith.constant 128 : i32
          %mul3A_131 = arith.muli %add3A_109, %mul3A_130 : i32
          %add3A_132 = arith.addi %add3A_10, %mul3A_131 : i32
          %dma_start3A_133 = arith.constant 0 : i32
          %dma_start3A_134 = tpu.memref_slice %arg4[%add3A_132, %dma_start3A_133] : memref<200704x128xf32, #tpu.memory_space<hbm>> -> memref<128x128xf32, #tpu.memory_space<hbm>>
          %dma_start3A_135 = arith.constant 0 : i32
          %dma_start3A_136 = tpu.memref_slice %arg4[%add3A_132, %dma_start3A_135] : memref<200704x128xf32, #tpu.memory_space<hbm>> -> memref<128x128xf32, #tpu.memory_space<hbm>>
          tpu.enqueue_dma source(%arg9 : memref<128x128xf32, #tpu.memory_space<vmem>>) target(%dma_start3A_136 : memref<128x128xf32, #tpu.memory_space<hbm>>) target_semaphore(%arg17 : memref<!tpu.dma_semaphore, #tpu.memory_space<semaphore_mem>>)
        } else {
        }
        %add3A_115 = arith.constant 4 : i32
        %add3A_116 = arith.addi %add3A_109, %add3A_115 : i32
        %sub3A_117 = arith.constant 1 : i32
        %sub3A_118 = arith.subi %add3A_116, %sub3A_117 : i32
        %lt3A_119 = arith.constant 49 : i32
        %lt3A_120 = arith.cmpi slt, %sub3A_118, %lt3A_119 : i32
        %convert_element_type3A_121 = arith.extui %lt3A_120 : i1 to i32
        %cond3A_122 = arith.constant 0 : i32
        %cond3A_123 = arith.cmpi ne, %convert_element_type3A_121, %cond3A_122 : i32
        scf.if %cond3A_123 {
          %ge3A = arith.constant 1 : i32
          %ge3A_124 = arith.cmpi sge, %add3A_109, %ge3A : i32
          %convert_element_type3A_125 = arith.extui %ge3A_124 : i1 to i32
          %cond3A_126 = arith.constant 0 : i32
          %cond3A_127 = arith.cmpi ne, %convert_element_type3A_125, %cond3A_126 : i32
          scf.if %cond3A_127 {
            %sub3A_138 = arith.constant 1 : i32
            %sub3A_139 = arith.subi %add3A_109, %sub3A_138 : i32
            %mul3A_140 = arith.constant 128 : i32
            %mul3A_141 = arith.muli %sub3A_139, %mul3A_140 : i32
            %add3A_142 = arith.addi %add3A_10, %mul3A_141 : i32
            %dma_wait3A_143 = arith.constant 0 : i32
            %dma_wait3A_144 = tpu.memref_slice %arg4[%add3A_142, %dma_wait3A_143] : memref<200704x128xf32, #tpu.memory_space<hbm>> -> memref<128x128xf32, #tpu.memory_space<hbm>>
            %dma_wait3A_145 = arith.constant 0 : i32
            %dma_wait3A_146 = tpu.memref_slice %arg4[%add3A_142, %dma_wait3A_145] : memref<200704x128xf32, #tpu.memory_space<hbm>> -> memref<128x128xf32, #tpu.memory_space<hbm>>
            tpu.wait_dma2 semaphore(%arg16 : memref<!tpu.dma_semaphore, #tpu.memory_space<semaphore_mem>>) src(%arg8 : memref<128x128xf32, #tpu.memory_space<vmem>>) dst(%dma_wait3A_146 : memref<128x128xf32, #tpu.memory_space<hbm>>)
          } else {
          }
          %add3A_128 = arith.constant 4 : i32
          %add3A_129 = arith.addi %add3A_109, %add3A_128 : i32
          %sub3A_130 = arith.constant 1 : i32
          %sub3A_131 = arith.subi %add3A_129, %sub3A_130 : i32
          %mul3A_132 = arith.constant 128 : i32
          %mul3A_133 = arith.muli %sub3A_131, %mul3A_132 : i32
          %dma_start3A_134 = tpu.memref_slice %arg5[%mul3A_133] : memref<6272xi32, #tpu.memory_space<vmem>> -> memref<128xi32, #tpu.memory_space<vmem>>
          %dma_start3A_135 = arith.constant 0 : i32
          %dma_start3A_136 = arith.constant 0 : i32
          %dma_start3A_137 = tpu.memref_slice %arg2[%dma_start3A_135, %dma_start3A_136] : memref<50176x128xf32, #tpu.memory_space<hbm>> -> memref<50176x128xf32, #tpu.memory_space<hbm>>
          tpu.enqueue_indirect_dma source(%dma_start3A_137 : memref<50176x128xf32, #tpu.memory_space<hbm>>) target(%arg8 : memref<128x128xf32, #tpu.memory_space<vmem>>) offsets(%dma_start3A_134 : memref<128xi32, #tpu.memory_space<vmem>>) semaphore(%arg12 : memref<!tpu.dma_semaphore, #tpu.memory_space<semaphore_mem>>)
        } else {
        }
      }
      %scan3A_29 = arith.constant 13 : i32
      %add3A_30 = arith.constant 5760 : i32
      %add3A_31 = arith.addi %add3A_10, %add3A_30 : i32
      %dma_wait3A = arith.constant 0 : i32
      %dma_wait3A_32 = tpu.memref_slice %arg4[%add3A_31, %dma_wait3A] : memref<200704x128xf32, #tpu.memory_space<hbm>> -> memref<128x128xf32, #tpu.memory_space<hbm>>
      %dma_wait3A_33 = arith.constant 0 : i32
      %dma_wait3A_34 = tpu.memref_slice %arg4[%add3A_31, %dma_wait3A_33] : memref<200704x128xf32, #tpu.memory_space<hbm>> -> memref<128x128xf32, #tpu.memory_space<hbm>>
      tpu.wait_dma2 semaphore(%arg15 : memref<!tpu.dma_semaphore, #tpu.memory_space<semaphore_mem>>) src(%arg7 : memref<128x128xf32, #tpu.memory_space<vmem>>) dst(%dma_wait3A_34 : memref<128x128xf32, #tpu.memory_space<hbm>>)
      %add3A_35 = arith.constant 5888 : i32
      %add3A_36 = arith.addi %add3A_10, %add3A_35 : i32
      %dma_wait3A_37 = arith.constant 0 : i32
      %dma_wait3A_38 = tpu.memref_slice %arg4[%add3A_36, %dma_wait3A_37] : memref<200704x128xf32, #tpu.memory_space<hbm>> -> memref<128x128xf32, #tpu.memory_space<hbm>>
      %dma_wait3A_39 = arith.constant 0 : i32
      %dma_wait3A_40 = tpu.memref_slice %arg4[%add3A_36, %dma_wait3A_39] : memref<200704x128xf32, #tpu.memory_space<hbm>> -> memref<128x128xf32, #tpu.memory_space<hbm>>
      tpu.wait_dma2 semaphore(%arg16 : memref<!tpu.dma_semaphore, #tpu.memory_space<semaphore_mem>>) src(%arg8 : memref<128x128xf32, #tpu.memory_space<vmem>>) dst(%dma_wait3A_40 : memref<128x128xf32, #tpu.memory_space<hbm>>)
      %add3A_41 = arith.constant 6016 : i32
      %add3A_42 = arith.addi %add3A_10, %add3A_41 : i32
      %dma_wait3A_43 = arith.constant 0 : i32
      %dma_wait3A_44 = tpu.memref_slice %arg4[%add3A_42, %dma_wait3A_43] : memref<200704x128xf32, #tpu.memory_space<hbm>> -> memref<128x128xf32, #tpu.memory_space<hbm>>
      %dma_wait3A_45 = arith.constant 0 : i32
      %dma_wait3A_46 = tpu.memref_slice %arg4[%add3A_42, %dma_wait3A_45] : memref<200704x128xf32, #tpu.memory_space<hbm>> -> memref<128x128xf32, #tpu.memory_space<hbm>>
      tpu.wait_dma2 semaphore(%arg17 : memref<!tpu.dma_semaphore, #tpu.memory_space<semaphore_mem>>) src(%arg9 : memref<128x128xf32, #tpu.memory_space<vmem>>) dst(%dma_wait3A_46 : memref<128x128xf32, #tpu.memory_space<hbm>>)
      %add3A_47 = arith.constant 6144 : i32
      %add3A_48 = arith.addi %add3A_10, %add3A_47 : i32
      %dma_wait3A_49 = arith.constant 0 : i32
      %dma_wait3A_50 = tpu.memref_slice %arg4[%add3A_48, %dma_wait3A_49] : memref<200704x128xf32, #tpu.memory_space<hbm>> -> memref<128x128xf32, #tpu.memory_space<hbm>>
      %dma_wait3A_51 = arith.constant 0 : i32
      %dma_wait3A_52 = tpu.memref_slice %arg4[%add3A_48, %dma_wait3A_51] : memref<200704x128xf32, #tpu.memory_space<hbm>> -> memref<128x128xf32, #tpu.memory_space<hbm>>
      tpu.wait_dma2 semaphore(%arg14 : memref<!tpu.dma_semaphore, #tpu.memory_space<semaphore_mem>>) src(%arg6 : memref<128x128xf32, #tpu.memory_space<vmem>>) dst(%dma_wait3A_52 : memref<128x128xf32, #tpu.memory_space<hbm>>)
    } else {
    }
    return
  }
}

module attributes {stable_mosaic.version = 14 : i64} {
  func.func @_conv_body(%arg0: i32, %arg1: memref<1024x16xf32, #tpu.memory_space<vmem>>, %arg2: memref<4x1024x16xf32, #tpu.memory_space<vmem>>, %arg3: memref<80x256xbf16, #tpu.memory_space<vmem>>, %arg4: memref<1x256xf32, #tpu.memory_space<vmem>>, %arg5: memref<1024x128xf32, #tpu.memory_space<vmem>>) attributes {dimension_semantics = [#tpu.dimension_semantics<arbitrary>], iteration_bounds = array<i64: 49>, scalar_prefetch = 0 : i64, scratch_operands = 0 : i64, tpu.core_type = #tpu.core_type<tc>, window_params = [{transform_indices = @transform_0, window_bounds = array<i64: 1024, 16>}, {transform_indices = @transform_1, window_bounds = array<i64: 4, 1024, 16>}, {pipeline_mode = #tpu.pipeline_mode<synchronous>, transform_indices = @transform_2, window_bounds = array<i64: 80, 256>}, {pipeline_mode = #tpu.pipeline_mode<synchronous>, transform_indices = @transform_3, window_bounds = array<i64: 1, 256>}, {transform_indices = @transform_4, window_bounds = array<i64: 1024, 128>}]} {
    %get3A = arith.constant 0 : index
    %get3A_0 = arith.constant 0 : index
    %get3A_1 = vector.load %arg1[%get3A, %get3A_0] : memref<1024x16xf32, #tpu.memory_space<vmem>>, vector<1024x16xf32>
    %get3A_2 = arith.constant 0 : index
    %get3A_3 = arith.constant 0 : index
    %get3A_4 = arith.constant 0 : index
    %get3A_5 = vector.load %arg2[%get3A_2, %get3A_3, %get3A_4] : memref<4x1024x16xf32, #tpu.memory_space<vmem>>, vector<1x1024x16xf32>
    %get3A_6 = vector.shape_cast %get3A_5 : vector<1x1024x16xf32> to vector<1024x16xf32>
    %get3A_7 = arith.constant 1 : index
    %get3A_8 = arith.constant 0 : index
    %get3A_9 = arith.constant 0 : index
    %get3A_10 = vector.load %arg2[%get3A_7, %get3A_8, %get3A_9] : memref<4x1024x16xf32, #tpu.memory_space<vmem>>, vector<1x1024x16xf32>
    %get3A_11 = vector.shape_cast %get3A_10 : vector<1x1024x16xf32> to vector<1024x16xf32>
    %get3A_12 = arith.constant 2 : index
    %get3A_13 = arith.constant 0 : index
    %get3A_14 = arith.constant 0 : index
    %get3A_15 = vector.load %arg2[%get3A_12, %get3A_13, %get3A_14] : memref<4x1024x16xf32, #tpu.memory_space<vmem>>, vector<1x1024x16xf32>
    %get3A_16 = vector.shape_cast %get3A_15 : vector<1x1024x16xf32> to vector<1024x16xf32>
    %get3A_17 = arith.constant 3 : index
    %get3A_18 = arith.constant 0 : index
    %get3A_19 = arith.constant 0 : index
    %get3A_20 = vector.load %arg2[%get3A_17, %get3A_18, %get3A_19] : memref<4x1024x16xf32, #tpu.memory_space<vmem>>, vector<1x1024x16xf32>
    %get3A_21 = vector.shape_cast %get3A_20 : vector<1x1024x16xf32> to vector<1024x16xf32>
    %convert_element_type3A = arith.truncf %get3A_1 : vector<1024x16xf32> to vector<1024x16xbf16>
    %sub3A = arith.subf %get3A_6, %get3A_16 : vector<1024x16xf32>
    %abs3A = math.absf %sub3A : vector<1024x16xf32>
    %convert_element_type3A_22 = arith.truncf %abs3A : vector<1024x16xf32> to vector<1024x16xbf16>
    %add3A = arith.addf %get3A_6, %get3A_16 : vector<1024x16xf32>
    %convert_element_type3A_23 = arith.truncf %add3A : vector<1024x16xf32> to vector<1024x16xbf16>
    %sub3A_24 = arith.subf %get3A_11, %get3A_21 : vector<1024x16xf32>
    %abs3A_25 = math.absf %sub3A_24 : vector<1024x16xf32>
    %convert_element_type3A_26 = arith.truncf %abs3A_25 : vector<1024x16xf32> to vector<1024x16xbf16>
    %add3A_27 = arith.addf %get3A_11, %get3A_21 : vector<1024x16xf32>
    %convert_element_type3A_28 = arith.truncf %add3A_27 : vector<1024x16xf32> to vector<1024x16xbf16>
    %get3A_29 = arith.constant 0 : index
    %get3A_30 = arith.constant 0 : index
    %get3A_31 = vector.load %arg4[%get3A_29, %get3A_30] : memref<1x256xf32, #tpu.memory_space<vmem>>, vector<1x256xf32>
    %get3A_32 = arith.constant 0 : index
    %get3A_33 = arith.constant 0 : index
    %get3A_34 = vector.load %arg3[%get3A_32, %get3A_33] : memref<80x256xbf16, #tpu.memory_space<vmem>>, vector<16x256xbf16>
    %dot_general3A = arith.constant dense<0.000000e+00> : vector<1024x256xf32>
    %dot_general3A_35 = tpu.matmul %convert_element_type3A, %get3A_34, %dot_general3A {dimension_numbers = #tpu.dot_dimension_numbers<[1], [0], [0], [1], [0, 0, 1, 1], [], []>, transpose_lhs_hint = false} : vector<1024x16xbf16>, vector<16x256xbf16>, vector<1024x256xf32> -> vector<1024x256xf32>
    %add3A_36 = vector.broadcast %get3A_31 : vector<1x256xf32> to vector<1024x256xf32>
    %add3A_37 = arith.addf %add3A_36, %dot_general3A_35 : vector<1024x256xf32>
    %get3A_38 = arith.constant 16 : index
    %get3A_39 = arith.constant 0 : index
    %get3A_40 = vector.load %arg3[%get3A_38, %get3A_39] : memref<80x256xbf16, #tpu.memory_space<vmem>>, vector<16x256xbf16>
    %dot_general3A_41 = arith.constant dense<0.000000e+00> : vector<1024x256xf32>
    %dot_general3A_42 = tpu.matmul %convert_element_type3A_22, %get3A_40, %dot_general3A_41 {dimension_numbers = #tpu.dot_dimension_numbers<[1], [0], [0], [1], [0, 0, 1, 1], [], []>, transpose_lhs_hint = false} : vector<1024x16xbf16>, vector<16x256xbf16>, vector<1024x256xf32> -> vector<1024x256xf32>
    %add3A_43 = arith.addf %add3A_37, %dot_general3A_42 : vector<1024x256xf32>
    %get3A_44 = arith.constant 32 : index
    %get3A_45 = arith.constant 0 : index
    %get3A_46 = vector.load %arg3[%get3A_44, %get3A_45] : memref<80x256xbf16, #tpu.memory_space<vmem>>, vector<16x256xbf16>
    %dot_general3A_47 = arith.constant dense<0.000000e+00> : vector<1024x256xf32>
    %dot_general3A_48 = tpu.matmul %convert_element_type3A_23, %get3A_46, %dot_general3A_47 {dimension_numbers = #tpu.dot_dimension_numbers<[1], [0], [0], [1], [0, 0, 1, 1], [], []>, transpose_lhs_hint = false} : vector<1024x16xbf16>, vector<16x256xbf16>, vector<1024x256xf32> -> vector<1024x256xf32>
    %add3A_49 = arith.addf %add3A_43, %dot_general3A_48 : vector<1024x256xf32>
    %get3A_50 = arith.constant 48 : index
    %get3A_51 = arith.constant 0 : index
    %get3A_52 = vector.load %arg3[%get3A_50, %get3A_51] : memref<80x256xbf16, #tpu.memory_space<vmem>>, vector<16x256xbf16>
    %dot_general3A_53 = arith.constant dense<0.000000e+00> : vector<1024x256xf32>
    %dot_general3A_54 = tpu.matmul %convert_element_type3A_26, %get3A_52, %dot_general3A_53 {dimension_numbers = #tpu.dot_dimension_numbers<[1], [0], [0], [1], [0, 0, 1, 1], [], []>, transpose_lhs_hint = false} : vector<1024x16xbf16>, vector<16x256xbf16>, vector<1024x256xf32> -> vector<1024x256xf32>
    %add3A_55 = arith.addf %add3A_49, %dot_general3A_54 : vector<1024x256xf32>
    %get3A_56 = arith.constant 64 : index
    %get3A_57 = arith.constant 0 : index
    %get3A_58 = vector.load %arg3[%get3A_56, %get3A_57] : memref<80x256xbf16, #tpu.memory_space<vmem>>, vector<16x256xbf16>
    %dot_general3A_59 = arith.constant dense<0.000000e+00> : vector<1024x256xf32>
    %dot_general3A_60 = tpu.matmul %convert_element_type3A_28, %get3A_58, %dot_general3A_59 {dimension_numbers = #tpu.dot_dimension_numbers<[1], [0], [0], [1], [0, 0, 1, 1], [], []>, transpose_lhs_hint = false} : vector<1024x16xbf16>, vector<16x256xbf16>, vector<1024x256xf32> -> vector<1024x256xf32>
    %add3A_61 = arith.addf %add3A_55, %dot_general3A_60 : vector<1024x256xf32>
    %max3A = arith.constant 0.000000e+00 : f32
    %max3A_62 = vector.broadcast %max3A : f32 to vector<1024x256xf32>
    %max3A_63 = arith.maximumf %add3A_61, %max3A_62 : vector<1024x256xf32>
    %bitcast_convert_type3A = tpu.bitcast %max3A_63 : vector<1024x256xf32> -> vector<1024x256xi32>
    %add3A_64 = arith.constant 32768 : i32
    %add3A_65 = vector.broadcast %add3A_64 : i32 to vector<1024x256xi32>
    %add3A_66 = arith.addi %bitcast_convert_type3A, %add3A_65 : vector<1024x256xi32>
    %slice3A = vector.extract_strided_slice %add3A_66 {offsets = [0, 128], sizes = [1024, 128], strides = [1, 1]} : vector<1024x256xi32> to vector<1024x128xi32>
    %and3A = arith.constant -65536 : i32
    %and3A_67 = vector.broadcast %and3A : i32 to vector<1024x128xi32>
    %and3A_68 = arith.andi %slice3A, %and3A_67 : vector<1024x128xi32>
    %slice3A_69 = vector.extract_strided_slice %add3A_66 {offsets = [0, 0], sizes = [1024, 128], strides = [1, 1]} : vector<1024x256xi32> to vector<1024x128xi32>
    %shift_right_logical3A = arith.constant 16 : i32
    %shift_right_logical3A_70 = vector.broadcast %shift_right_logical3A : i32 to vector<1024x128xi32>
    %shift_right_logical3A_71 = arith.shrui %slice3A_69, %shift_right_logical3A_70 : vector<1024x128xi32>
    %or3A = arith.ori %and3A_68, %shift_right_logical3A_71 : vector<1024x128xi32>
    %bitcast_convert_type3A_72 = tpu.bitcast %or3A : vector<1024x128xi32> -> vector<1024x128xf32>
    %swap3A = arith.constant 0 : index
    %swap3A_73 = arith.constant 0 : index
    %swap3A_74 = vector.load %arg5[%swap3A, %swap3A_73] : memref<1024x128xf32, #tpu.memory_space<vmem>>, vector<1024x128xf32>
    tpu.vector_store %arg5[%swap3A, %swap3A_73], %bitcast_convert_type3A_72 {strides = array<i32>} : memref<1024x128xf32, #tpu.memory_space<vmem>>, vector<1024x128xf32>,
    return
  }
  func.func @transform_0(%arg0: i32) -> (i32, i32) {
    %c0_i32 = arith.constant 0 : i32
    %c0_i32_0 = arith.constant 0 : i32
    return %arg0, %c0_i32 : i32, i32
  }
  func.func @transform_1(%arg0: i32) -> (i32, i32, i32) {
    %c0_i32 = arith.constant 0 : i32
    %c0_i32_0 = arith.constant 0 : i32
    %c0_i32_1 = arith.constant 0 : i32
    return %c0_i32, %arg0, %c0_i32_0 : i32, i32, i32
  }
  func.func @transform_2(%arg0: i32) -> (i32, i32) {
    %c0_i32 = arith.constant 0 : i32
    %c0_i32_0 = arith.constant 0 : i32
    %c0_i32_1 = arith.constant 0 : i32
    return %c0_i32, %c0_i32_0 : i32, i32
  }
  func.func @transform_3(%arg0: i32) -> (i32, i32) {
    %c0_i32 = arith.constant 0 : i32
    %c0_i32_0 = arith.constant 0 : i32
    %c0_i32_1 = arith.constant 0 : i32
    return %c0_i32, %c0_i32_0 : i32, i32
  }
  func.func @transform_4(%arg0: i32) -> (i32, i32) {
    %c0_i32 = arith.constant 0 : i32
    %c0_i32_0 = arith.constant 0 : i32
    return %arg0, %c0_i32 : i32, i32
  }
}

module attributes {stable_mosaic.version = 14 : i64} {
  func.func @_conv_body(%arg0: i32, %arg1: memref<1024x128xf32, #tpu.memory_space<vmem>>, %arg2: memref<4x1024x128xf32, #tpu.memory_space<vmem>>, %arg3: memref<1280x256xbf16, #tpu.memory_space<vmem>>, %arg4: memref<1x256xf32, #tpu.memory_space<vmem>>, %arg5: memref<1024x128xf32, #tpu.memory_space<vmem>>) attributes {dimension_semantics = [#tpu.dimension_semantics<arbitrary>], iteration_bounds = array<i64: 49>, scalar_prefetch = 0 : i64, scratch_operands = 0 : i64, tpu.core_type = #tpu.core_type<tc>, window_params = [{transform_indices = @transform_0, window_bounds = array<i64: 1024, 128>}, {transform_indices = @transform_1, window_bounds = array<i64: 4, 1024, 128>}, {pipeline_mode = #tpu.pipeline_mode<synchronous>, transform_indices = @transform_2, window_bounds = array<i64: 1280, 256>}, {pipeline_mode = #tpu.pipeline_mode<synchronous>, transform_indices = @transform_3, window_bounds = array<i64: 1, 256>}, {transform_indices = @transform_4, window_bounds = array<i64: 1024, 128>}]} {
    %get3A = arith.constant 0 : index
    %get3A_0 = arith.constant 0 : index
    %get3A_1 = vector.load %arg1[%get3A, %get3A_0] : memref<1024x128xf32, #tpu.memory_space<vmem>>, vector<1024x128xf32>
    %bitcast_convert_type3A = tpu.bitcast %get3A_1 : vector<1024x128xf32> -> vector<1024x128xi32>
    %shift_left3A = arith.constant 16 : i32
    %shift_left3A_2 = vector.broadcast %shift_left3A : i32 to vector<1024x128xi32>
    %shift_left3A_3 = arith.shli %bitcast_convert_type3A, %shift_left3A_2 : vector<1024x128xi32>
    %bitcast_convert_type3A_4 = tpu.bitcast %shift_left3A_3 : vector<1024x128xi32> -> vector<1024x128xf32>
    %and3A = arith.constant -65536 : i32
    %and3A_5 = vector.broadcast %and3A : i32 to vector<1024x128xi32>
    %and3A_6 = arith.andi %bitcast_convert_type3A, %and3A_5 : vector<1024x128xi32>
    %bitcast_convert_type3A_7 = tpu.bitcast %and3A_6 : vector<1024x128xi32> -> vector<1024x128xf32>
    %concatenate3A = tpu.concatenate %bitcast_convert_type3A_4, %bitcast_convert_type3A_7 in 1 : vector<1024x128xf32>, vector<1024x128xf32> -> vector<1024x256xf32>
    %get3A_8 = arith.constant 0 : index
    %get3A_9 = arith.constant 0 : index
    %get3A_10 = arith.constant 0 : index
    %get3A_11 = vector.load %arg2[%get3A_8, %get3A_9, %get3A_10] : memref<4x1024x128xf32, #tpu.memory_space<vmem>>, vector<1x1024x128xf32>
    %get3A_12 = vector.shape_cast %get3A_11 : vector<1x1024x128xf32> to vector<1024x128xf32>
    %bitcast_convert_type3A_13 = tpu.bitcast %get3A_12 : vector<1024x128xf32> -> vector<1024x128xi32>
    %shift_left3A_14 = arith.constant 16 : i32
    %shift_left3A_15 = vector.broadcast %shift_left3A_14 : i32 to vector<1024x128xi32>
    %shift_left3A_16 = arith.shli %bitcast_convert_type3A_13, %shift_left3A_15 : vector<1024x128xi32>
    %bitcast_convert_type3A_17 = tpu.bitcast %shift_left3A_16 : vector<1024x128xi32> -> vector<1024x128xf32>
    %and3A_18 = arith.constant -65536 : i32
    %and3A_19 = vector.broadcast %and3A_18 : i32 to vector<1024x128xi32>
    %and3A_20 = arith.andi %bitcast_convert_type3A_13, %and3A_19 : vector<1024x128xi32>
    %bitcast_convert_type3A_21 = tpu.bitcast %and3A_20 : vector<1024x128xi32> -> vector<1024x128xf32>
    %concatenate3A_22 = tpu.concatenate %bitcast_convert_type3A_17, %bitcast_convert_type3A_21 in 1 : vector<1024x128xf32>, vector<1024x128xf32> -> vector<1024x256xf32>
    %get3A_23 = arith.constant 1 : index
    %get3A_24 = arith.constant 0 : index
    %get3A_25 = arith.constant 0 : index
    %get3A_26 = vector.load %arg2[%get3A_23, %get3A_24, %get3A_25] : memref<4x1024x128xf32, #tpu.memory_space<vmem>>, vector<1x1024x128xf32>
    %get3A_27 = vector.shape_cast %get3A_26 : vector<1x1024x128xf32> to vector<1024x128xf32>
    %bitcast_convert_type3A_28 = tpu.bitcast %get3A_27 : vector<1024x128xf32> -> vector<1024x128xi32>
    %shift_left3A_29 = arith.constant 16 : i32
    %shift_left3A_30 = vector.broadcast %shift_left3A_29 : i32 to vector<1024x128xi32>
    %shift_left3A_31 = arith.shli %bitcast_convert_type3A_28, %shift_left3A_30 : vector<1024x128xi32>
    %bitcast_convert_type3A_32 = tpu.bitcast %shift_left3A_31 : vector<1024x128xi32> -> vector<1024x128xf32>
    %and3A_33 = arith.constant -65536 : i32
    %and3A_34 = vector.broadcast %and3A_33 : i32 to vector<1024x128xi32>
    %and3A_35 = arith.andi %bitcast_convert_type3A_28, %and3A_34 : vector<1024x128xi32>
    %bitcast_convert_type3A_36 = tpu.bitcast %and3A_35 : vector<1024x128xi32> -> vector<1024x128xf32>
    %concatenate3A_37 = tpu.concatenate %bitcast_convert_type3A_32, %bitcast_convert_type3A_36 in 1 : vector<1024x128xf32>, vector<1024x128xf32> -> vector<1024x256xf32>
    %get3A_38 = arith.constant 2 : index
    %get3A_39 = arith.constant 0 : index
    %get3A_40 = arith.constant 0 : index
    %get3A_41 = vector.load %arg2[%get3A_38, %get3A_39, %get3A_40] : memref<4x1024x128xf32, #tpu.memory_space<vmem>>, vector<1x1024x128xf32>
    %get3A_42 = vector.shape_cast %get3A_41 : vector<1x1024x128xf32> to vector<1024x128xf32>
    %bitcast_convert_type3A_43 = tpu.bitcast %get3A_42 : vector<1024x128xf32> -> vector<1024x128xi32>
    %shift_left3A_44 = arith.constant 16 : i32
    %shift_left3A_45 = vector.broadcast %shift_left3A_44 : i32 to vector<1024x128xi32>
    %shift_left3A_46 = arith.shli %bitcast_convert_type3A_43, %shift_left3A_45 : vector<1024x128xi32>
    %bitcast_convert_type3A_47 = tpu.bitcast %shift_left3A_46 : vector<1024x128xi32> -> vector<1024x128xf32>
    %and3A_48 = arith.constant -65536 : i32
    %and3A_49 = vector.broadcast %and3A_48 : i32 to vector<1024x128xi32>
    %and3A_50 = arith.andi %bitcast_convert_type3A_43, %and3A_49 : vector<1024x128xi32>
    %bitcast_convert_type3A_51 = tpu.bitcast %and3A_50 : vector<1024x128xi32> -> vector<1024x128xf32>
    %concatenate3A_52 = tpu.concatenate %bitcast_convert_type3A_47, %bitcast_convert_type3A_51 in 1 : vector<1024x128xf32>, vector<1024x128xf32> -> vector<1024x256xf32>
    %get3A_53 = arith.constant 3 : index
    %get3A_54 = arith.constant 0 : index
    %get3A_55 = arith.constant 0 : index
    %get3A_56 = vector.load %arg2[%get3A_53, %get3A_54, %get3A_55] : memref<4x1024x128xf32, #tpu.memory_space<vmem>>, vector<1x1024x128xf32>
    %get3A_57 = vector.shape_cast %get3A_56 : vector<1x1024x128xf32> to vector<1024x128xf32>
    %bitcast_convert_type3A_58 = tpu.bitcast %get3A_57 : vector<1024x128xf32> -> vector<1024x128xi32>
    %shift_left3A_59 = arith.constant 16 : i32
    %shift_left3A_60 = vector.broadcast %shift_left3A_59 : i32 to vector<1024x128xi32>
    %shift_left3A_61 = arith.shli %bitcast_convert_type3A_58, %shift_left3A_60 : vector<1024x128xi32>
    %bitcast_convert_type3A_62 = tpu.bitcast %shift_left3A_61 : vector<1024x128xi32> -> vector<1024x128xf32>
    %and3A_63 = arith.constant -65536 : i32
    %and3A_64 = vector.broadcast %and3A_63 : i32 to vector<1024x128xi32>
    %and3A_65 = arith.andi %bitcast_convert_type3A_58, %and3A_64 : vector<1024x128xi32>
    %bitcast_convert_type3A_66 = tpu.bitcast %and3A_65 : vector<1024x128xi32> -> vector<1024x128xf32>
    %concatenate3A_67 = tpu.concatenate %bitcast_convert_type3A_62, %bitcast_convert_type3A_66 in 1 : vector<1024x128xf32>, vector<1024x128xf32> -> vector<1024x256xf32>
    %convert_element_type3A = arith.truncf %concatenate3A : vector<1024x256xf32> to vector<1024x256xbf16>
    %sub3A = arith.subf %concatenate3A_22, %concatenate3A_52 : vector<1024x256xf32>
    %abs3A = math.absf %sub3A : vector<1024x256xf32>
    %convert_element_type3A_68 = arith.truncf %abs3A : vector<1024x256xf32> to vector<1024x256xbf16>
    %add3A = arith.addf %concatenate3A_22, %concatenate3A_52 : vector<1024x256xf32>
    %convert_element_type3A_69 = arith.truncf %add3A : vector<1024x256xf32> to vector<1024x256xbf16>
    %sub3A_70 = arith.subf %concatenate3A_37, %concatenate3A_67 : vector<1024x256xf32>
    %abs3A_71 = math.absf %sub3A_70 : vector<1024x256xf32>
    %convert_element_type3A_72 = arith.truncf %abs3A_71 : vector<1024x256xf32> to vector<1024x256xbf16>
    %add3A_73 = arith.addf %concatenate3A_37, %concatenate3A_67 : vector<1024x256xf32>
    %convert_element_type3A_74 = arith.truncf %add3A_73 : vector<1024x256xf32> to vector<1024x256xbf16>
    %get3A_75 = arith.constant 0 : index
    %get3A_76 = arith.constant 0 : index
    %get3A_77 = vector.load %arg4[%get3A_75, %get3A_76] : memref<1x256xf32, #tpu.memory_space<vmem>>, vector<1x256xf32>
    %get3A_78 = arith.constant 0 : index
    %get3A_79 = arith.constant 0 : index
    %get3A_80 = vector.load %arg3[%get3A_78, %get3A_79] : memref<1280x256xbf16, #tpu.memory_space<vmem>>, vector<256x256xbf16>
    %dot_general3A = arith.constant dense<0.000000e+00> : vector<1024x256xf32>
    %dot_general3A_81 = tpu.matmul %convert_element_type3A, %get3A_80, %dot_general3A {dimension_numbers = #tpu.dot_dimension_numbers<[1], [0], [0], [1], [0, 0, 1, 1], [], []>, transpose_lhs_hint = false} : vector<1024x256xbf16>, vector<256x256xbf16>, vector<1024x256xf32> -> vector<1024x256xf32>
    %add3A_82 = vector.broadcast %get3A_77 : vector<1x256xf32> to vector<1024x256xf32>
    %add3A_83 = arith.addf %add3A_82, %dot_general3A_81 : vector<1024x256xf32>
    %get3A_84 = arith.constant 256 : index
    %get3A_85 = arith.constant 0 : index
    %get3A_86 = vector.load %arg3[%get3A_84, %get3A_85] : memref<1280x256xbf16, #tpu.memory_space<vmem>>, vector<256x256xbf16>
    %dot_general3A_87 = arith.constant dense<0.000000e+00> : vector<1024x256xf32>
    %dot_general3A_88 = tpu.matmul %convert_element_type3A_68, %get3A_86, %dot_general3A_87 {dimension_numbers = #tpu.dot_dimension_numbers<[1], [0], [0], [1], [0, 0, 1, 1], [], []>, transpose_lhs_hint = false} : vector<1024x256xbf16>, vector<256x256xbf16>, vector<1024x256xf32> -> vector<1024x256xf32>
    %add3A_89 = arith.addf %add3A_83, %dot_general3A_88 : vector<1024x256xf32>
    %get3A_90 = arith.constant 512 : index
    %get3A_91 = arith.constant 0 : index
    %get3A_92 = vector.load %arg3[%get3A_90, %get3A_91] : memref<1280x256xbf16, #tpu.memory_space<vmem>>, vector<256x256xbf16>
    %dot_general3A_93 = arith.constant dense<0.000000e+00> : vector<1024x256xf32>
    %dot_general3A_94 = tpu.matmul %convert_element_type3A_69, %get3A_92, %dot_general3A_93 {dimension_numbers = #tpu.dot_dimension_numbers<[1], [0], [0], [1], [0, 0, 1, 1], [], []>, transpose_lhs_hint = false} : vector<1024x256xbf16>, vector<256x256xbf16>, vector<1024x256xf32> -> vector<1024x256xf32>
    %add3A_95 = arith.addf %add3A_89, %dot_general3A_94 : vector<1024x256xf32>
    %get3A_96 = arith.constant 768 : index
    %get3A_97 = arith.constant 0 : index
    %get3A_98 = vector.load %arg3[%get3A_96, %get3A_97] : memref<1280x256xbf16, #tpu.memory_space<vmem>>, vector<256x256xbf16>
    %dot_general3A_99 = arith.constant dense<0.000000e+00> : vector<1024x256xf32>
    %dot_general3A_100 = tpu.matmul %convert_element_type3A_72, %get3A_98, %dot_general3A_99 {dimension_numbers = #tpu.dot_dimension_numbers<[1], [0], [0], [1], [0, 0, 1, 1], [], []>, transpose_lhs_hint = false} : vector<1024x256xbf16>, vector<256x256xbf16>, vector<1024x256xf32> -> vector<1024x256xf32>
    %add3A_101 = arith.addf %add3A_95, %dot_general3A_100 : vector<1024x256xf32>
    %get3A_102 = arith.constant 1024 : index
    %get3A_103 = arith.constant 0 : index
    %get3A_104 = vector.load %arg3[%get3A_102, %get3A_103] : memref<1280x256xbf16, #tpu.memory_space<vmem>>, vector<256x256xbf16>
    %dot_general3A_105 = arith.constant dense<0.000000e+00> : vector<1024x256xf32>
    %dot_general3A_106 = tpu.matmul %convert_element_type3A_74, %get3A_104, %dot_general3A_105 {dimension_numbers = #tpu.dot_dimension_numbers<[1], [0], [0], [1], [0, 0, 1, 1], [], []>, transpose_lhs_hint = false} : vector<1024x256xbf16>, vector<256x256xbf16>, vector<1024x256xf32> -> vector<1024x256xf32>
    %add3A_107 = arith.addf %add3A_101, %dot_general3A_106 : vector<1024x256xf32>
    %max3A = arith.constant 0.000000e+00 : f32
    %max3A_108 = vector.broadcast %max3A : f32 to vector<1024x256xf32>
    %max3A_109 = arith.maximumf %add3A_107, %max3A_108 : vector<1024x256xf32>
    %add3A_110 = arith.addf %max3A_109, %concatenate3A : vector<1024x256xf32>
    %bitcast_convert_type3A_111 = tpu.bitcast %add3A_110 : vector<1024x256xf32> -> vector<1024x256xi32>
    %add3A_112 = arith.constant 32768 : i32
    %add3A_113 = vector.broadcast %add3A_112 : i32 to vector<1024x256xi32>
    %add3A_114 = arith.addi %bitcast_convert_type3A_111, %add3A_113 : vector<1024x256xi32>
    %slice3A = vector.extract_strided_slice %add3A_114 {offsets = [0, 128], sizes = [1024, 128], strides = [1, 1]} : vector<1024x256xi32> to vector<1024x128xi32>
    %and3A_115 = arith.constant -65536 : i32
    %and3A_116 = vector.broadcast %and3A_115 : i32 to vector<1024x128xi32>
    %and3A_117 = arith.andi %slice3A, %and3A_116 : vector<1024x128xi32>
    %slice3A_118 = vector.extract_strided_slice %add3A_114 {offsets = [0, 0], sizes = [1024, 128], strides = [1, 1]} : vector<1024x256xi32> to vector<1024x128xi32>
    %shift_right_logical3A = arith.constant 16 : i32
    %shift_right_logical3A_119 = vector.broadcast %shift_right_logical3A : i32 to vector<1024x128xi32>
    %shift_right_logical3A_120 = arith.shrui %slice3A_118, %shift_right_logical3A_119 : vector<1024x128xi32>
    %or3A = arith.ori %and3A_117, %shift_right_logical3A_120 : vector<1024x128xi32>
    %bitcast_convert_type3A_121 = tpu.bitcast %or3A : vector<1024x128xi32> -> vector<1024x128xf32>
    %swap3A = arith.constant 0 : index
    %swap3A_122 = arith.constant 0 : index
    %swap3A_123 = vector.load %arg5[%swap3A, %swap3A_122] : memref<1024x128xf32, #tpu.memory_space<vmem>>, vector<1024x128xf32>
    tpu.vector_store %arg5[%swap3A, %swap3A_122], %bitcast_convert_type3A_121 {strides = array<i32>} : memref<1024x128xf32, #tpu.memory_space<vmem>>, vector<1024x128xf32>,
    return
  }
  func.func @transform_0(%arg0: i32) -> (i32, i32) {
    %c0_i32 = arith.constant 0 : i32
    %c0_i32_0 = arith.constant 0 : i32
    return %arg0, %c0_i32 : i32, i32
  }
  func.func @transform_1(%arg0: i32) -> (i32, i32, i32) {
    %c0_i32 = arith.constant 0 : i32
    %c0_i32_0 = arith.constant 0 : i32
    %c0_i32_1 = arith.constant 0 : i32
    return %c0_i32, %arg0, %c0_i32_0 : i32, i32, i32
  }
  func.func @transform_2(%arg0: i32) -> (i32, i32) {
    %c0_i32 = arith.constant 0 : i32
    %c0_i32_0 = arith.constant 0 : i32
    %c0_i32_1 = arith.constant 0 : i32
    return %c0_i32, %c0_i32_0 : i32, i32
  }
  func.func @transform_3(%arg0: i32) -> (i32, i32) {
    %c0_i32 = arith.constant 0 : i32
    %c0_i32_0 = arith.constant 0 : i32
    %c0_i32_1 = arith.constant 0 : i32
    return %c0_i32, %c0_i32_0 : i32, i32
  }
  func.func @transform_4(%arg0: i32) -> (i32, i32) {
    %c0_i32 = arith.constant 0 : i32
    %c0_i32_0 = arith.constant 0 : i32
    return %arg0, %c0_i32 : i32, i32
  }
}

module attributes {stable_mosaic.version = 14 : i64} {
  func.func @_final_body(%arg0: i32, %arg1: memref<1024x128xf32, #tpu.memory_space<vmem>>, %arg2: memref<4x1024x128xf32, #tpu.memory_space<vmem>>, %arg3: memref<1280x256xbf16, #tpu.memory_space<vmem>>, %arg4: memref<1x256xf32, #tpu.memory_space<vmem>>, %arg5: memref<256x128xbf16, #tpu.memory_space<vmem>>, %arg6: memref<1x128xf32, #tpu.memory_space<vmem>>, %arg7: memref<1024x128xf32, #tpu.memory_space<vmem>>) attributes {dimension_semantics = [#tpu.dimension_semantics<arbitrary>], iteration_bounds = array<i64: 49>, scalar_prefetch = 0 : i64, scratch_operands = 0 : i64, tpu.core_type = #tpu.core_type<tc>, window_params = [{transform_indices = @transform_0, window_bounds = array<i64: 1024, 128>}, {transform_indices = @transform_1, window_bounds = array<i64: 4, 1024, 128>}, {pipeline_mode = #tpu.pipeline_mode<synchronous>, transform_indices = @transform_2, window_bounds = array<i64: 1280, 256>}, {pipeline_mode = #tpu.pipeline_mode<synchronous>, transform_indices = @transform_3, window_bounds = array<i64: 1, 256>}, {pipeline_mode = #tpu.pipeline_mode<synchronous>, transform_indices = @transform_4, window_bounds = array<i64: 256, 128>}, {pipeline_mode = #tpu.pipeline_mode<synchronous>, transform_indices = @transform_5, window_bounds = array<i64: 1, 128>}, {transform_indices = @transform_6, window_bounds = array<i64: 1024, 128>}]} {
    %get3A = arith.constant 0 : index
    %get3A_0 = arith.constant 0 : index
    %get3A_1 = vector.load %arg1[%get3A, %get3A_0] : memref<1024x128xf32, #tpu.memory_space<vmem>>, vector<1024x128xf32>
    %bitcast_convert_type3A = tpu.bitcast %get3A_1 : vector<1024x128xf32> -> vector<1024x128xi32>
    %shift_left3A = arith.constant 16 : i32
    %shift_left3A_2 = vector.broadcast %shift_left3A : i32 to vector<1024x128xi32>
    %shift_left3A_3 = arith.shli %bitcast_convert_type3A, %shift_left3A_2 : vector<1024x128xi32>
    %bitcast_convert_type3A_4 = tpu.bitcast %shift_left3A_3 : vector<1024x128xi32> -> vector<1024x128xf32>
    %and3A = arith.constant -65536 : i32
    %and3A_5 = vector.broadcast %and3A : i32 to vector<1024x128xi32>
    %and3A_6 = arith.andi %bitcast_convert_type3A, %and3A_5 : vector<1024x128xi32>
    %bitcast_convert_type3A_7 = tpu.bitcast %and3A_6 : vector<1024x128xi32> -> vector<1024x128xf32>
    %concatenate3A = tpu.concatenate %bitcast_convert_type3A_4, %bitcast_convert_type3A_7 in 1 : vector<1024x128xf32>, vector<1024x128xf32> -> vector<1024x256xf32>
    %get3A_8 = arith.constant 0 : index
    %get3A_9 = arith.constant 0 : index
    %get3A_10 = arith.constant 0 : index
    %get3A_11 = vector.load %arg2[%get3A_8, %get3A_9, %get3A_10] : memref<4x1024x128xf32, #tpu.memory_space<vmem>>, vector<1x1024x128xf32>
    %get3A_12 = vector.shape_cast %get3A_11 : vector<1x1024x128xf32> to vector<1024x128xf32>
    %bitcast_convert_type3A_13 = tpu.bitcast %get3A_12 : vector<1024x128xf32> -> vector<1024x128xi32>
    %shift_left3A_14 = arith.constant 16 : i32
    %shift_left3A_15 = vector.broadcast %shift_left3A_14 : i32 to vector<1024x128xi32>
    %shift_left3A_16 = arith.shli %bitcast_convert_type3A_13, %shift_left3A_15 : vector<1024x128xi32>
    %bitcast_convert_type3A_17 = tpu.bitcast %shift_left3A_16 : vector<1024x128xi32> -> vector<1024x128xf32>
    %and3A_18 = arith.constant -65536 : i32
    %and3A_19 = vector.broadcast %and3A_18 : i32 to vector<1024x128xi32>
    %and3A_20 = arith.andi %bitcast_convert_type3A_13, %and3A_19 : vector<1024x128xi32>
    %bitcast_convert_type3A_21 = tpu.bitcast %and3A_20 : vector<1024x128xi32> -> vector<1024x128xf32>
    %concatenate3A_22 = tpu.concatenate %bitcast_convert_type3A_17, %bitcast_convert_type3A_21 in 1 : vector<1024x128xf32>, vector<1024x128xf32> -> vector<1024x256xf32>
    %get3A_23 = arith.constant 1 : index
    %get3A_24 = arith.constant 0 : index
    %get3A_25 = arith.constant 0 : index
    %get3A_26 = vector.load %arg2[%get3A_23, %get3A_24, %get3A_25] : memref<4x1024x128xf32, #tpu.memory_space<vmem>>, vector<1x1024x128xf32>
    %get3A_27 = vector.shape_cast %get3A_26 : vector<1x1024x128xf32> to vector<1024x128xf32>
    %bitcast_convert_type3A_28 = tpu.bitcast %get3A_27 : vector<1024x128xf32> -> vector<1024x128xi32>
    %shift_left3A_29 = arith.constant 16 : i32
    %shift_left3A_30 = vector.broadcast %shift_left3A_29 : i32 to vector<1024x128xi32>
    %shift_left3A_31 = arith.shli %bitcast_convert_type3A_28, %shift_left3A_30 : vector<1024x128xi32>
    %bitcast_convert_type3A_32 = tpu.bitcast %shift_left3A_31 : vector<1024x128xi32> -> vector<1024x128xf32>
    %and3A_33 = arith.constant -65536 : i32
    %and3A_34 = vector.broadcast %and3A_33 : i32 to vector<1024x128xi32>
    %and3A_35 = arith.andi %bitcast_convert_type3A_28, %and3A_34 : vector<1024x128xi32>
    %bitcast_convert_type3A_36 = tpu.bitcast %and3A_35 : vector<1024x128xi32> -> vector<1024x128xf32>
    %concatenate3A_37 = tpu.concatenate %bitcast_convert_type3A_32, %bitcast_convert_type3A_36 in 1 : vector<1024x128xf32>, vector<1024x128xf32> -> vector<1024x256xf32>
    %get3A_38 = arith.constant 2 : index
    %get3A_39 = arith.constant 0 : index
    %get3A_40 = arith.constant 0 : index
    %get3A_41 = vector.load %arg2[%get3A_38, %get3A_39, %get3A_40] : memref<4x1024x128xf32, #tpu.memory_space<vmem>>, vector<1x1024x128xf32>
    %get3A_42 = vector.shape_cast %get3A_41 : vector<1x1024x128xf32> to vector<1024x128xf32>
    %bitcast_convert_type3A_43 = tpu.bitcast %get3A_42 : vector<1024x128xf32> -> vector<1024x128xi32>
    %shift_left3A_44 = arith.constant 16 : i32
    %shift_left3A_45 = vector.broadcast %shift_left3A_44 : i32 to vector<1024x128xi32>
    %shift_left3A_46 = arith.shli %bitcast_convert_type3A_43, %shift_left3A_45 : vector<1024x128xi32>
    %bitcast_convert_type3A_47 = tpu.bitcast %shift_left3A_46 : vector<1024x128xi32> -> vector<1024x128xf32>
    %and3A_48 = arith.constant -65536 : i32
    %and3A_49 = vector.broadcast %and3A_48 : i32 to vector<1024x128xi32>
    %and3A_50 = arith.andi %bitcast_convert_type3A_43, %and3A_49 : vector<1024x128xi32>
    %bitcast_convert_type3A_51 = tpu.bitcast %and3A_50 : vector<1024x128xi32> -> vector<1024x128xf32>
    %concatenate3A_52 = tpu.concatenate %bitcast_convert_type3A_47, %bitcast_convert_type3A_51 in 1 : vector<1024x128xf32>, vector<1024x128xf32> -> vector<1024x256xf32>
    %get3A_53 = arith.constant 3 : index
    %get3A_54 = arith.constant 0 : index
    %get3A_55 = arith.constant 0 : index
    %get3A_56 = vector.load %arg2[%get3A_53, %get3A_54, %get3A_55] : memref<4x1024x128xf32, #tpu.memory_space<vmem>>, vector<1x1024x128xf32>
    %get3A_57 = vector.shape_cast %get3A_56 : vector<1x1024x128xf32> to vector<1024x128xf32>
    %bitcast_convert_type3A_58 = tpu.bitcast %get3A_57 : vector<1024x128xf32> -> vector<1024x128xi32>
    %shift_left3A_59 = arith.constant 16 : i32
    %shift_left3A_60 = vector.broadcast %shift_left3A_59 : i32 to vector<1024x128xi32>
    %shift_left3A_61 = arith.shli %bitcast_convert_type3A_58, %shift_left3A_60 : vector<1024x128xi32>
    %bitcast_convert_type3A_62 = tpu.bitcast %shift_left3A_61 : vector<1024x128xi32> -> vector<1024x128xf32>
    %and3A_63 = arith.constant -65536 : i32
    %and3A_64 = vector.broadcast %and3A_63 : i32 to vector<1024x128xi32>
    %and3A_65 = arith.andi %bitcast_convert_type3A_58, %and3A_64 : vector<1024x128xi32>
    %bitcast_convert_type3A_66 = tpu.bitcast %and3A_65 : vector<1024x128xi32> -> vector<1024x128xf32>
    %concatenate3A_67 = tpu.concatenate %bitcast_convert_type3A_62, %bitcast_convert_type3A_66 in 1 : vector<1024x128xf32>, vector<1024x128xf32> -> vector<1024x256xf32>
    %convert_element_type3A = arith.truncf %concatenate3A : vector<1024x256xf32> to vector<1024x256xbf16>
    %sub3A = arith.subf %concatenate3A_22, %concatenate3A_52 : vector<1024x256xf32>
    %abs3A = math.absf %sub3A : vector<1024x256xf32>
    %convert_element_type3A_68 = arith.truncf %abs3A : vector<1024x256xf32> to vector<1024x256xbf16>
    %add3A = arith.addf %concatenate3A_22, %concatenate3A_52 : vector<1024x256xf32>
    %convert_element_type3A_69 = arith.truncf %add3A : vector<1024x256xf32> to vector<1024x256xbf16>
    %sub3A_70 = arith.subf %concatenate3A_37, %concatenate3A_67 : vector<1024x256xf32>
    %abs3A_71 = math.absf %sub3A_70 : vector<1024x256xf32>
    %convert_element_type3A_72 = arith.truncf %abs3A_71 : vector<1024x256xf32> to vector<1024x256xbf16>
    %add3A_73 = arith.addf %concatenate3A_37, %concatenate3A_67 : vector<1024x256xf32>
    %convert_element_type3A_74 = arith.truncf %add3A_73 : vector<1024x256xf32> to vector<1024x256xbf16>
    %get3A_75 = arith.constant 0 : index
    %get3A_76 = arith.constant 0 : index
    %get3A_77 = vector.load %arg4[%get3A_75, %get3A_76] : memref<1x256xf32, #tpu.memory_space<vmem>>, vector<1x256xf32>
    %get3A_78 = arith.constant 0 : index
    %get3A_79 = arith.constant 0 : index
    %get3A_80 = vector.load %arg3[%get3A_78, %get3A_79] : memref<1280x256xbf16, #tpu.memory_space<vmem>>, vector<256x256xbf16>
    %dot_general3A = arith.constant dense<0.000000e+00> : vector<1024x256xf32>
    %dot_general3A_81 = tpu.matmul %convert_element_type3A, %get3A_80, %dot_general3A {dimension_numbers = #tpu.dot_dimension_numbers<[1], [0], [0], [1], [0, 0, 1, 1], [], []>, transpose_lhs_hint = false} : vector<1024x256xbf16>, vector<256x256xbf16>, vector<1024x256xf32> -> vector<1024x256xf32>
    %add3A_82 = vector.broadcast %get3A_77 : vector<1x256xf32> to vector<1024x256xf32>
    %add3A_83 = arith.addf %add3A_82, %dot_general3A_81 : vector<1024x256xf32>
    %get3A_84 = arith.constant 256 : index
    %get3A_85 = arith.constant 0 : index
    %get3A_86 = vector.load %arg3[%get3A_84, %get3A_85] : memref<1280x256xbf16, #tpu.memory_space<vmem>>, vector<256x256xbf16>
    %dot_general3A_87 = arith.constant dense<0.000000e+00> : vector<1024x256xf32>
    %dot_general3A_88 = tpu.matmul %convert_element_type3A_68, %get3A_86, %dot_general3A_87 {dimension_numbers = #tpu.dot_dimension_numbers<[1], [0], [0], [1], [0, 0, 1, 1], [], []>, transpose_lhs_hint = false} : vector<1024x256xbf16>, vector<256x256xbf16>, vector<1024x256xf32> -> vector<1024x256xf32>
    %add3A_89 = arith.addf %add3A_83, %dot_general3A_88 : vector<1024x256xf32>
    %get3A_90 = arith.constant 512 : index
    %get3A_91 = arith.constant 0 : index
    %get3A_92 = vector.load %arg3[%get3A_90, %get3A_91] : memref<1280x256xbf16, #tpu.memory_space<vmem>>, vector<256x256xbf16>
    %dot_general3A_93 = arith.constant dense<0.000000e+00> : vector<1024x256xf32>
    %dot_general3A_94 = tpu.matmul %convert_element_type3A_69, %get3A_92, %dot_general3A_93 {dimension_numbers = #tpu.dot_dimension_numbers<[1], [0], [0], [1], [0, 0, 1, 1], [], []>, transpose_lhs_hint = false} : vector<1024x256xbf16>, vector<256x256xbf16>, vector<1024x256xf32> -> vector<1024x256xf32>
    %add3A_95 = arith.addf %add3A_89, %dot_general3A_94 : vector<1024x256xf32>
    %get3A_96 = arith.constant 768 : index
    %get3A_97 = arith.constant 0 : index
    %get3A_98 = vector.load %arg3[%get3A_96, %get3A_97] : memref<1280x256xbf16, #tpu.memory_space<vmem>>, vector<256x256xbf16>
    %dot_general3A_99 = arith.constant dense<0.000000e+00> : vector<1024x256xf32>
    %dot_general3A_100 = tpu.matmul %convert_element_type3A_72, %get3A_98, %dot_general3A_99 {dimension_numbers = #tpu.dot_dimension_numbers<[1], [0], [0], [1], [0, 0, 1, 1], [], []>, transpose_lhs_hint = false} : vector<1024x256xbf16>, vector<256x256xbf16>, vector<1024x256xf32> -> vector<1024x256xf32>
    %add3A_101 = arith.addf %add3A_95, %dot_general3A_100 : vector<1024x256xf32>
    %get3A_102 = arith.constant 1024 : index
    %get3A_103 = arith.constant 0 : index
    %get3A_104 = vector.load %arg3[%get3A_102, %get3A_103] : memref<1280x256xbf16, #tpu.memory_space<vmem>>, vector<256x256xbf16>
    %dot_general3A_105 = arith.constant dense<0.000000e+00> : vector<1024x256xf32>
    %dot_general3A_106 = tpu.matmul %convert_element_type3A_74, %get3A_104, %dot_general3A_105 {dimension_numbers = #tpu.dot_dimension_numbers<[1], [0], [0], [1], [0, 0, 1, 1], [], []>, transpose_lhs_hint = false} : vector<1024x256xbf16>, vector<256x256xbf16>, vector<1024x256xf32> -> vector<1024x256xf32>
    %add3A_107 = arith.addf %add3A_101, %dot_general3A_106 : vector<1024x256xf32>
    %max3A = arith.constant 0.000000e+00 : f32
    %max3A_108 = vector.broadcast %max3A : f32 to vector<1024x256xf32>
    %max3A_109 = arith.maximumf %add3A_107, %max3A_108 : vector<1024x256xf32>
    %add3A_110 = arith.addf %max3A_109, %concatenate3A : vector<1024x256xf32>
    %convert_element_type3A_111 = arith.truncf %add3A_110 : vector<1024x256xf32> to vector<1024x256xbf16>
    %get3A_112 = arith.constant 0 : index
    %get3A_113 = arith.constant 0 : index
    %get3A_114 = vector.load %arg5[%get3A_112, %get3A_113] : memref<256x128xbf16, #tpu.memory_space<vmem>>, vector<256x128xbf16>
    %dot_general3A_115 = arith.constant dense<0.000000e+00> : vector<1024x128xf32>
    %dot_general3A_116 = tpu.matmul %convert_element_type3A_111, %get3A_114, %dot_general3A_115 {dimension_numbers = #tpu.dot_dimension_numbers<[1], [0], [0], [1], [0, 0, 1, 1], [], []>, transpose_lhs_hint = false} : vector<1024x256xbf16>, vector<256x128xbf16>, vector<1024x128xf32> -> vector<1024x128xf32>
    %get3A_117 = arith.constant 0 : index
    %get3A_118 = arith.constant 0 : index
    %get3A_119 = vector.load %arg6[%get3A_117, %get3A_118] : memref<1x128xf32, #tpu.memory_space<vmem>>, vector<1x128xf32>
    %add3A_120 = vector.broadcast %get3A_119 : vector<1x128xf32> to vector<1024x128xf32>
    %add3A_121 = arith.addf %dot_general3A_116, %add3A_120 : vector<1024x128xf32>
    %swap3A = arith.constant 0 : index
    %swap3A_122 = arith.constant 0 : index
    %swap3A_123 = vector.load %arg7[%swap3A, %swap3A_122] : memref<1024x128xf32, #tpu.memory_space<vmem>>, vector<1024x128xf32>
    tpu.vector_store %arg7[%swap3A, %swap3A_122], %add3A_121 {strides = array<i32>} : memref<1024x128xf32, #tpu.memory_space<vmem>>, vector<1024x128xf32>,
    return
  }
  func.func @transform_0(%arg0: i32) -> (i32, i32) {
    %c0_i32 = arith.constant 0 : i32
    %c0_i32_0 = arith.constant 0 : i32
    return %arg0, %c0_i32 : i32, i32
  }
  func.func @transform_1(%arg0: i32) -> (i32, i32, i32) {
    %c0_i32 = arith.constant 0 : i32
    %c0_i32_0 = arith.constant 0 : i32
    %c0_i32_1 = arith.constant 0 : i32
    return %c0_i32, %arg0, %c0_i32_0 : i32, i32, i32
  }
  func.func @transform_2(%arg0: i32) -> (i32, i32) {
    %c0_i32 = arith.constant 0 : i32
    %c0_i32_0 = arith.constant 0 : i32
    %c0_i32_1 = arith.constant 0 : i32
    return %c0_i32, %c0_i32_0 : i32, i32
  }
  func.func @transform_3(%arg0: i32) -> (i32, i32) {
    %c0_i32 = arith.constant 0 : i32
    %c0_i32_0 = arith.constant 0 : i32
    %c0_i32_1 = arith.constant 0 : i32
    return %c0_i32, %c0_i32_0 : i32, i32
  }
  func.func @transform_4(%arg0: i32) -> (i32, i32) {
    %c0_i32 = arith.constant 0 : i32
    %c0_i32_0 = arith.constant 0 : i32
    %c0_i32_1 = arith.constant 0 : i32
    return %c0_i32, %c0_i32_0 : i32, i32
  }
  func.func @transform_5(%arg0: i32) -> (i32, i32) {
    %c0_i32 = arith.constant 0 : i32
    %c0_i32_0 = arith.constant 0 : i32
    %c0_i32_1 = arith.constant 0 : i32
    return %c0_i32, %c0_i32_0 : i32, i32
  }
  func.func @transform_6(%arg0: i32) -> (i32, i32) {
    %c0_i32 = arith.constant 0 : i32
    %c0_i32_0 = arith.constant 0 : i32
    return %arg0, %c0_i32 : i32, i32
  }
}

</mosaic_0001>

<sc_bundles>
// kernel: kernel.10.cloned.1.call-start
scs
__scs_entry_jumppad:
0x0: {  	(pc) =	sbr.rel $0x88, $3  }
0x1: {  	(tag) =	ssettag $0x0;
	lr =	simm.s32 $0x1  }
0x2: {  	[smem:$0x3F95] =	sst lr;
	_ =	strace $0xD0000000  }
0x3: {  	_ = 	snop  }
0x4: {  	_ = 	snop  }
0x5: {  	_ = 	snop  }
0x6: {  	_ = 	snop  }
0x7: {  	_ = 	snop  }
__scs_overlays_trampoline_lowered:
0x8: {  	[smem:$0x3FA4] =	sst s0  }
0x9: {  	[smem:$0x3FA5] =	sst s1  }
0xa: {  	[smem:$0x3FA6] =	sst s2  }
0xb: {  	[smem:$0x3FA7] =	sst s3  }
0xc: {  	[smem:$0x3FA8] =	sst s4  }
0xd: {  	[smem:$0x3FA9] =	sst s5  }
0xe: {  	[smem:$0x3FAA] =	sst s6  }
0xf: {  	[smem:$0x3FAB] =	sst s7  }
0x10: {  	[smem:$0x3FAC] =	sst s8  }
0x11: {  	[smem:$0x3FAD] =	sst s9;
	s0 =	simm.s32 @!p0 $0x0  }
0x12: {  	s1 =	sld [smem:$0x3F93];
	s0 =	simm.s32 @p0 $0x1  }
0x13: {  	[smem:$0x3FAE] =	sst s0;
	s0 =	simm.s32 @!p1 $0x0  }
0x14: {  	s2 =	sld [smem:$0x3F92];
	s0 =	simm.s32 @p1 $0x1  }
0x15: {  	[smem:$0x3FAF] =	sst s0;
	s0 =	simm.s32 @!p2 $0x0  }
0x16: {  	s3 =	sld [smem:$0x3FDB];
	s0 =	simm.s32 @p2 $0x1  }
0x17: {  	s4 =	simm.s32 $0x1BF5;
	[smem:$0x3FB1] =	sst s0  }
0x18: {  	s0 =	sld [smem:$0x3F94];
	_ =	swait.ge [sflag:s4], $0x0  }
0x19: {  	s7 =	sld [smem:$0x3F95]  }
0x1a: {  	s8 =	sadd.s32 $0xFFFFE003, lr  }
0x1b: {  	s9 =	sadd.s32 $0xFFFFFEF7, lr;
	s5 =	simm.s32 $0xFFFFFFFF;
	p2 =	slt.u32 s8, $0xFFFFF086  }
0x1c: {  	p1 =	slt.u32 s9, $0xF7A;
	s5 =	simm.s32 @!p2 $0x0  }
0x1d: {  	s5 =	simm.s32 @p1 $0x1;
	p0 =	seq.s32 s7, s2  }
0x1e: {  	s7 =	smul.u32 @!p0 $0xF7A, s2;
	p2 =	seq.s32 @!p0 s5, $0x0  }
0x1f: {  	s9 =	smul.u32 $0xF7A, s1;
	s8 =	simm.s32 @!p0 $0x1BF5;
	p2 =	por !p2, p0  }
0x20: {  	[sflag:s8] =	ssyncset.s32 @!p0 $0xFFFFF086;
	s6 =	sadd.s32 @!p0 s3, s7;
	s7 =	simm.s32 @!p0 $0x108  }
0x21: {  	s3 =	sadd.s32 s3, s9;
	s6 =	sadd.s32 @!p0 $0x88, s6;
	s7 =	simm.s32 @p2 $0x1082  }
0x22: {  	[simem:s7], [sflag:s8] =	dma.local @!p0 [hbm:s6], $0xF7A  }
0x23: {  	s9 =	sor.u32 $0xD0000000, s2;
	s6 =	simm.s32 $0x108;
	_ =	swait.ge @!p0 [sflag:s8], $0x0  }
0x24: {  	s3 =	sadd.s32 $0x88, s3;
	s6 =	simm.s32 @!p1 $0x1082;
	[sflag:s4] =	ssyncset.s32 $0xFFFFF086  }
0x25: {  	[simem:s6], [sflag:s4] =	dma.local [hbm:s3], $0xF7A  }
0x26: {  	[smem:$0x3F95] =	sst s1;
	(tag) =	ssettag s2;
	_ =	strace s9  }
0x27: {  	s1 =	sld [smem:$0x3FA5]  }
0x28: {  	s2 =	sld [smem:$0x3FA6]  }
0x29: {  	s4 =	sld [smem:$0x3FA8]  }
0x2a: {  	p0 =	seq.s32 s5, $0x0;
	s5 =	sld [smem:$0x3FA9]  }
0x2b: {  	s6 =	sld [smem:$0x3FAA]  }
0x2c: {  	s7 =	sld [smem:$0x3FAB]  }
0x2d: {  	s3 =	simm.s32 $0x108;
	s8 =	sld [smem:$0x3FAC]  }
0x2e: {  	s3 =	simm.s32 @!p0 $0x1082;
	s9 =	sld [smem:$0x3FAD]  }
0x2f: {  	lr =	sadd.s32 s0, s3;
	s0 =	sld [smem:$0x3FA4]  }
0x30: {  	s3 =	sld [smem:$0x3FA7]  }
0x31: {  	[smem:$0x3FB0] =	sst s10  }
0x32: {  	s10 =	sld [smem:$0x3FAE];
	_ =	sdelay $0x3  }
0x33: {  	p0 =	seq.s32 s10, $0x1;
	s10 =	sld [smem:$0x3FB0];
	_ =	sdelay $0x3  }
0x34: {  	[smem:$0x3FB0] =	sst s10  }
0x35: {  	s10 =	sld [smem:$0x3FAF];
	_ =	sdelay $0x3  }
0x36: {  	p1 =	seq.s32 s10, $0x1;
	s10 =	sld [smem:$0x3FB0];
	_ =	sdelay $0x3  }
0x37: {  	[smem:$0x3FB0] =	sst s10  }
0x38: {  	s10 =	sld [smem:$0x3FB1]  }
0x39: {  	_ = 	snop;
	(pc) =	sbr.ind lr, $3  }
0x3a: {  	_ = 	snop  }
0x3b: {  	_ = 	snop  }
0x3c: {  	p2 =	seq.s32 s10, $0x1;
	s10 =	sld [smem:$0x3FB0]  }
0x3d: {  	_ =	shalt  }
0x3e: {  	_ =	shalt  }
0x3f: {  	_ =	shalt  }
0x40: {  	_ =	shalt  }
0x41: {  	_ =	shalt  }
0x42: {  	_ =	shalt  }
0x43: {  	_ =	shalt  }
0x44: {  	_ =	shalt  }
0x45: {  	_ =	shalt  }
0x46: {  	_ =	shalt  }
0x47: {  	_ =	shalt  }
0x48: {  	_ =	shalt  }
0x49: {  	_ =	shalt  }
0x4a: {  	_ =	shalt  }
0x4b: {  	_ =	shalt  }
0x4c: {  	_ =	shalt  }
0x4d: {  	_ =	shalt  }
0x4e: {  	_ =	shalt  }
0x4f: {  	_ =	shalt  }
0x50: {  	_ =	shalt  }
0x51: {  	_ =	shalt  }
0x52: {  	_ =	shalt  }
0x53: {  	_ =	shalt  }
0x54: {  	_ =	shalt  }
0x55: {  	_ =	shalt  }
0x56: {  	_ =	shalt  }
0x57: {  	_ =	shalt  }
0x58: {  	_ =	shalt  }
0x59: {  	_ =	shalt  }
0x5a: {  	_ =	shalt  }
0x5b: {  	_ =	shalt  }
0x5c: {  	_ =	shalt  }
0x5d: {  	_ =	shalt  }
0x5e: {  	_ =	shalt  }
0x5f: {  	_ =	shalt  }
0x60: {  	_ =	shalt  }
0x61: {  	_ =	shalt  }
0x62: {  	_ =	shalt  }
0x63: {  	_ =	shalt  }
0x64: {  	_ =	shalt  }
0x65: {  	_ =	shalt  }
0x66: {  	_ =	shalt  }
0x67: {  	_ =	shalt  }
0x68: {  	_ =	shalt  }
0x69: {  	_ =	shalt  }
0x6a: {  	_ =	shalt  }
0x6b: {  	_ =	shalt  }
0x6c: {  	_ =	shalt  }
0x6d: {  	_ =	shalt  }
0x6e: {  	_ =	shalt  }
0x6f: {  	_ =	shalt  }
0x70: {  	_ =	shalt  }
0x71: {  	_ =	shalt  }
0x72: {  	_ =	shalt  }
0x73: {  	_ =	shalt  }
0x74: {  	_ =	shalt  }
0x75: {  	_ =	shalt  }
0x76: {  	_ =	shalt  }
0x77: {  	_ =	shalt  }
0x78: {  	_ =	shalt  }
0x79: {  	_ =	shalt  }
0x7a: {  	_ =	shalt  }
0x7b: {  	_ =	shalt  }
0x7c: {  	_ =	shalt  }
0x7d: {  	_ =	shalt  }
0x7e: {  	_ =	shalt  }
0x7f: {  	_ =	shalt  }
0x80: {  	_ =	shalt  }
0x81: {  	_ =	shalt  }
0x82: {  	_ =	shalt  }
0x83: {  	_ =	shalt  }
0x84: {  	_ =	shalt  }
0x85: {  	_ =	shalt  }
0x86: {  	_ =	shalt  }
0x87: {  	_ =	shalt  }
.Lfunc_end0:
.L_simem_size_0:
called_computation_lowered:
.L_overlay_start_0:
0x88: {  	s2 =	sld [smem:$0x3FD9]  }
0x89: {  	s3 =	sld [smem:$0x3FFE];
	_ =	sdelay $0x1  }
0x8a: {  	s1 =	srdreg.scid  }
0x8b: {  	s0 =	sand.u32 $0x1, s1  }
0x8c: {  	s17 =	sshll.u32 s0, $0xA;
	s2 =	sadd.s32 s3, s2  }
0x8d: {  	s2 =	sadd.s32 s2, s17  }
0x8e: {  	[smem:$0x3FBC] =	sst s2  }
0x8f: {  	_ = 	snop  }
0x90: {  	s2 =	sld [smem:$0x3FD0];
	(tm) =	ssettm $0x1  }
0x91: {  	s18 =	sld [smem:$0x3FFB];
	_ =	sdelay $0x3  }
0x92: {  	_ =	strace s18  }
0x93: {  	s3 =	sld [smem:$0x3FFC];
	_ =	sdelay $0x3  }
0x94: {  	_ =	strace s3  }
0x95: {  	s3 =	sld [smem:$0x3FFD];
	_ =	sdelay $0x3  }
0x96: {  	_ =	strace s3  }
0x97: {  	_ =	strace $0x8FFFFFFF  }
0x98: {  	s19 =	sld [smem:$0x3FDB];
	_ =	sdelay $0x1  }
0x99: {  	s4 =	simm.s32 $_scs_section_size  }
0x9a: {  	s5 =	simm.s32 $_size__tile_overlayer_lowered;
	s6 =	simm.s32 $_tile_overlayer_lowered  }
0x9b: {  	s22 =	simm.s32 $0x1BFF;
	s21 =	sshll.u32 s6, $0x1;
	s3 =	sadd.s32 s4, s19  }
0x9c: {  	s7 =	simm.s32 $0x0;
	s20 =	sshll.u32 s5, $0x1;
	s5 =	sadd.s32 s21, s3  }
0x9d: {  	[timem:s7], [sflag:s22] =	dma.local [hbm:s5], s20  }
0x9e: {  	_ =	swait.ge [sflag:s22], s20  }
0x9f: {  	s4 =	ssub.s32 $0x0, s20;
	[sflag:s22] =	ssyncset.done $0x0  }
0xa0: {  	[sflag:s22] =	ssyncadd.s32 s4;
	_ =	sdelay $0x1  }
0xa1: {  	s23 =	simm.s32 $0x1B8B  }
0xa2: {  	_ =	swait.ge [sflag:s23], $0x1  }
0xa3: {  	[sflag:s23] =	ssyncset.done $0x0  }
0xa4: {  	s25 =	simm.s32 $0x1B8E;
	s24 =	sld [smem:$0x3FFE];
	[sflag:s23] =	ssyncadd.s32 $0xFFFFFFFF  }
0xa5: {  	s26 =	simm.s32 $execute0_lowered;
	[smem:$0x3FD2] =	sst s25  }
0xa6: {  	s5 =	sshll.u32 s26, $0x1;
	_ =	strace $0x80000046;
	[dreg:$0x1] =	wrdreg $0xFFFFFFFF  }
0xa7: {  	s28 =	simm.s32 $_size_execute0_lowered;
	s3 =	sadd.s32 s3, s5;
	[dreg:$0x0] =	wrdreg $0x0  }
0xa8: {  	s5 =	sshll.u32 s28, $0x1;
	[dreg:$0x2] =	wrdreg s3  }
0xa9: {  	[dreg:$0x3] =	wrdreg s5  }
0xaa: {  	[dreg:$0x4] =	wrdreg $0xC0  }
0xab: {  	_ =	task [dreg:s7], $0x5FFFF  }
0xac: {  	[dreg:$0x1] =	wrdreg $0xFFFFFFFF  }
0xad: {  	[dreg:$0x0] =	wrdreg $0x60  }
0xae: {  	[dreg:$0x2] =	wrdreg s24  }
0xaf: {  	[dreg:$0x3] =	wrdreg s2  }
0xb0: {  	[dreg:$0x4] =	wrdreg $0x9  }
0xb1: {  	_ =	task.clear_ibuf [dreg:s7], $0x5FFFF;
	_ =	strace $0x90000046  }
0xb2: {  	s29 =	simm.s32 $0x9;
	_ =	strace $0x80000048  }
0xb3: {  	_ =	swait.ge [sflag:s29], $0x1  }
0xb4: {  	[sflag:s29] =	ssyncadd.s32 $0xFFFFFFFF  }
0xb5: {  	_ =	strace $0x90000048  }
0xb6: {  	_ =	sfence  }
0xb7: {  	s30 =	sld [smem:$0x0];
	_ =	sdelay $0x2  }
0xb8: {  	s31 =	sshll.u32 s1, $0xD;
	s1 =	sshrl.u32 s1, $0x2  }
0xb9: {  	s3 =	sand.u32 $0x4000, s31;
	s1 =	sadd.s32 s1, s30  }
0xba: {  	s0 =	sor.u32 s3, s0;
	s1 =	sshll.u32 s1, $0x11  }
0xbb: {  	s0 =	sor.u32 s1, s0  }
0xbc: {  	s0 =	sadd.s32 $0x8F2B, s0  }
0xbd: {  	[sflag:s0] =	ssyncadd.remote.s32 $0x1  }
0xbe: {  	_ =	sfence.sel $0xFFFF  }
0xbf: {  	[dreg:$0x0] =	wrdreg $0xFFFFFFFF;
	(pc) =	sbr.abs _section_cstart, $3  }
0xc0: {  	[dreg:$0x1] =	wrdreg $0xFFFFFFFF  }
0xc1: {  	_ =	task.clear_ibuf [dreg:s7], $0x2FFFF;
	_ =	strace $0x9FFFFFFF  }
0xc2: {  	(tm) =	ssettm $0x7FFFFFFF  }
0xc3: {  	_ =	shalt  }
tec
execute0_lowered:
.L_overlay_start_1:
0x0: {  	(tag) =	ssettag $0x1  }
0x1: {  	s4 =	rddreg [dreg:$0x0]  }
0x2: {  	s5 =	rddreg [dreg:$0x1];
	s2 =	simm.s32 $0x0  }
0x3: {  	s0 =	stileid.u32;
	s3 =	srdreg.scid;
	s11 =	simm.s32 $0x1880  }
0x4: {  	s15 =	simm.s32 $0x1;
	s16 =	simm.s32 $0x6;
	s17 =	simm.s32 $0x7  }
0x5: {  	s18 =	simm.s32 $0x8;
	s19 =	simm.s32 $0x5;
	s20 =	simm.s32 $0x0  }
0x6: {  	[smem:$0x7FF] =	sst s2;
	s6 =	smul.u32 $0x3100, s0;
	s7 =	sand.u32 $0x1, s3  }
0x7: {  	s10 =	smul.u32 $0x6200, s0;
	s3 =	sadd.s32 $0xC6400, s4;
	_ =	strace $0x80000047  }
0x8: {  	s8 =	ssub.s32 $0x2, s7;
	p0 =	seq.s32 s7, $0x1;
	s6 =	sshrl.u32 s6, $0x3  }
.Ltmp0:
0x9: {  	s9 =	sshrl.u32 s8, $0x1;
	s0 =	simm.s32 @!p0 $0x0;
	(pc) =	sbr.rel .LBB2_1-.Ltmp0, $4  }
0xa: {  	s5 =	sadd.s32 s10, s5;
	s10 =	simm.s32 $0x80;
	s6 =	sadd.s32 s6, s4  }
0xb: {  	s8 =	ssub.s32 s8, s9;
	s0 =	simm.s32 @p0 $0x1;
	s9 =	simm.s32 $0x9  }
0xc: {  	[smem:$0x7FD] =	sst s0;
	s31 =	sadd.s32 $0xDEC00, s6;
	s6 =	sadd.s32 $0xDEF10, s6  }
0xd: {  	s7 =	smax.u32 s8, $0x1;
	s8 =	sadd.s32 $0x3100, s5;
	[dreg:$0x3] =	wrdreg s31  }
.LBB2_7:
0xe: {  	[sflag:s26] =	ssyncset.done @p4 $0x0  }
0xf: {  	s0 =	simm.s32 @p4 $0x80;
	[sflag:s26] =	ssyncadd.s32 @p4 $0xFFFFF800  }
0x10: {  	[tilespmem:s30], [sflag:$0x3] =	stream.indirect.gather @p4 [hbm4b:s3+s0], $0x10, s28, s0, $0xb8;
	[tilespmem:$0x3880] =	vst v63  }
.LBB2_8:
0x11: {  	_ =	swait.ge [sflag:s16], $0x800  }
0x12: {  	[sflag:s16] =	ssyncset.done $0x0  }
0x13: {  	[sflag:s16] =	ssyncadd.s32 $0xFFFFF800  }
0x14: {  	_ =	swait.ge [sflag:s17], $0x800  }
0x15: {  	[sflag:s17] =	ssyncset.done $0x0  }
0x16: {  	s20 =	sadd.s32 $0x1, s20;
	[sflag:s17] =	ssyncadd.s32 $0xFFFFF800  }
0x17: {  	p0 =	sne.s32 s20, s7;
	_ =	swait.ge [sflag:s18], $0x800  }
.Ltmp1:
0x18: {  	[sflag:s18] =	ssyncset.done $0x0;
	(pc) =	sbr.rel @!p0 .LBB2_9-.Ltmp1, $4  }
0x19: {  	[sflag:s18] =	ssyncadd.s32 $0xFFFFF800  }
0x1a: {  	_ =	swait.ge [sflag:s19], $0x800  }
0x1b: {  	[sflag:s19] =	ssyncset.done $0x0  }
0x1c: {  	[sflag:s19] =	ssyncadd.s32 $0xFFFFF800  }
.LBB2_1:
0x1d: {  	s0 =	sld [smem:$0x7FD];
	_ =	sdelay $0x2  }
0x1e: {  	p0 =	seq.s32 s0, $0x1  }
.Ltmp2:
0x1f: {  	_ = 	snop;
	(pc) =	sbr.rel @!p0 .LBB2_2-.Ltmp2, $1  }
0x20: {  	_ =	sdelay $0x3  }
0x21: {  	s0 =	simm.s32 $0x0  }
0x22: {  	[tilespmem:s0], [sflag:$0x9] =	stream.linear.gather [hbm4b:s6+s0], $0x1880, $0x38;
	[tilespmem:$0x3880] =	vst v63  }
0x23: {  	_ =	swait.ge [sflag:s9], $0x1880  }
0x24: {  	[sflag:s9] =	ssyncset.done $0x0  }
0x25: {  	[sflag:s9] =	ssyncadd.s32 $0xFFFFE780  }
0x26: {  	[tilespmem:s11], [sflag:$0x1] =	stream.indirect.gather [hbm4b:s3+s10], $0x10, s0, s10, $0xb8;
	[tilespmem:$0x3880] =	vst v63  }
0x27: {  	s29 =	simm.s32 $0x2080  }
0x28: {  	[tilespmem:s29], [sflag:$0x2] =	stream.indirect.gather [hbm4b:s3+s10], $0x10, s10, s10, $0xb8;
	[tilespmem:$0x3880] =	vst v63  }
0x29: {  	s31 =	simm.s32 $0x100;
	s1 =	simm.s32 $0x2880;
	p1 =	por $0x0, $0x0  }
0x2a: {  	[tilespmem:s1], [sflag:$0x3] =	stream.indirect.gather [hbm4b:s3+s10], $0x10, s31, s10, $0xb8;
	[tilespmem:$0x3880] =	vst v63  }
0x2b: {  	s21 =	simm.s32 $0x800;
	p0 =	por @!p1 $0x1, $0x1;
	_ =	swait.ge [sflag:s15], $0x800  }
0x2c: {  	p3 =	por $0x0, $0x0;
	p0 =	por p0, p1;
	[sflag:s15] =	ssyncset.done $0x0  }
0x2d: {  	p2 =	por $0x0, $0x0;
	s0 =	simm.s32 @!p0 $0x8;
	[sflag:s15] =	ssyncadd.s32 $0xFFFFF800  }
0x2e: {  	[hbm4b:s8+s2] =	stream.linear.scatter [tilespmem:s11], [sflag:$0x5], $0x800, $0x38;
	[tilespmem:$0x3880] =	vst v63  }
0x2f: {  	s23 =	simm.s32 $0x1;
	s4 =	simm.s32 @!p1 $0x3080;
	_ =	swait.ge @!p0 [sflag:s0], $0x800  }
0x30: {  	s12 =	simm.s32 @!p1 $0x80;
	s13 =	sadd.s32 @!p3 $0x100, s8;
	[sflag:s0] =	ssyncset.done @!p0 $0x0  }
0x31: {  	s1 =	simm.s32 @!p1 $0x180;
	[sflag:s0] =	ssyncadd.s32 @!p0 $0xFFFFF800;
	s0 =	simm.s32 @!p3 $0x2  }
0x32: {  	[tilespmem:s4], [sflag:$0x4] =	stream.indirect.gather @!p1 [hbm4b:s3+s12], $0x10, s1, s12, $0xb8;
	[tilespmem:$0x3880] =	vst v63  }
0x33: {  	s14 =	simm.s32 @!p2 $0x80;
	p0 =	por @!p2 $0x0, $0x0;
	_ =	swait.ge @!p3 [sflag:s0], $0x800  }
0x34: {  	s1 =	simm.s32 @!p3 $0x0;
	s12 =	simm.s32 @!p3 $0x2080;
	[sflag:s0] =	ssyncset.done @!p3 $0x0  }
0x35: {  	p4 =	por p0, p2;
	[sflag:s0] =	ssyncadd.s32 @!p3 $0xFFFFF800;
	s0 =	simm.s32 @!p2 $0x5  }
0x36: {  	[hbm4b:s13+s1] =	stream.linear.scatter @!p3 [tilespmem:s12], [sflag:$0x6], $0x800, $0x38;
	[tilespmem:$0x3880] =	vst v63  }
0x37: {  	p0 =	por @!p2 $0x0, $0x0;
	s22 =	simm.s32 @!p4 $0x0;
	_ =	swait.ge @!p2 [sflag:s0], $0x800  }
0x38: {  	s1 =	simm.s32 @!p2 $0x1880;
	s12 =	simm.s32 @!p2 $0x200;
	[sflag:s0] =	ssyncset.done @!p2 $0x0  }
0x39: {  	s13 =	simm.s32 @!p4 $0x3;
	p3 =	por @!p2 $0x0, $0x0;
	[sflag:s0] =	ssyncadd.s32 @!p2 $0xFFFFF800  }
0x3a: {  	[tilespmem:s1], [sflag:$0x1] =	stream.indirect.gather @!p2 [hbm4b:s3+s14], $0x10, s12, s14, $0xb8;
	[tilespmem:$0x3880] =	vst v63  }
0x3b: {  	p5 =	por p3, p2;
	p3 =	por !p3, p2;
	_ =	swait.ge @!p4 [sflag:s13], $0x800  }
0x3c: {  	p6 =	por @!p5 $0x1, $0x1;
	s0 =	sadd.s32 @!p4 $0x200, s8;
	[sflag:s13] =	ssyncset.done @!p4 $0x0  }
0x3d: {  	s1 =	simm.s32 @!p5 $0x6;
	s12 =	simm.s32 @!p4 $0x2880;
	[sflag:s13] =	ssyncadd.s32 @!p4 $0xFFFFF800  }
0x3e: {  	[hbm4b:s0+s22] =	stream.linear.scatter @!p4 [tilespmem:s12], [sflag:$0x7], $0x800, $0x38;
	[tilespmem:$0x3880] =	vst v63  }
0x3f: {  	p6 =	por @!p3 p0, p0;
	s13 =	simm.s32 @!p5 $0x2080;
	_ =	swait.ge @!p5 [sflag:s1], $0x800  }
0x40: {  	s0 =	simm.s32 @!p5 $0x280;
	s12 =	simm.s32 @!p5 $0x80;
	[sflag:s1] =	ssyncset.done @!p5 $0x0  }
0x41: {  	p4 =	por $0x0, $0x0;
	[sflag:s1] =	ssyncadd.s32 @!p5 $0xFFFFF800;
	s1 =	simm.s32 @!p1 $0x4  }
0x42: {  	[tilespmem:s13], [sflag:$0x2] =	stream.indirect.gather @!p5 [hbm4b:s3+s12], $0x10, s0, s12, $0xb8;
	[tilespmem:$0x3880] =	vst v63  }
0x43: {  	s24 =	sadd.s32 $0x400, s8;
	p4 =	por @!p2 p6, p6;
	_ =	swait.ge @!p1 [sflag:s1], $0x800  }
0x44: {  	s22 =	simm.s32 $0x7;
	s26 =	simm.s32 @p4 $0x7;
	[sflag:s1] =	ssyncset.done @!p1 $0x0  }
0x45: {  	s0 =	simm.s32 @!p1 $0x0;
	s12 =	sadd.s32 @!p1 $0x300, s8;
	[sflag:s1] =	ssyncadd.s32 @!p1 $0xFFFFF800  }
0x46: {  	[hbm4b:s12+s0] =	stream.linear.scatter @!p1 [tilespmem:s4], [sflag:$0x8], $0x800, $0x38;
	[tilespmem:$0x3880] =	vst v63  }
0x47: {  	s28 =	simm.s32 @p4 $0x300;
	s30 =	simm.s32 @p4 $0x2880;
	_ =	swait.ge @p4 [sflag:s26], $0x800  }
.LBB2_6:
0x48: {  	[sflag:s26] =	ssyncset.done @p4 $0x0;
	s0 =	simm.s32 @p4 $0x80;
	s25 =	smov.u32 s21  }
0x49: {  	s21 =	sadd.s32 $0x800, s21;
	s1 =	smov.u32 s22;
	s29 =	smov.u32 s23  }
0x4a: {  	p1 =	sne.s32 s21, $0x6800;
	[sflag:s26] =	ssyncadd.s32 @p4 $0xFFFFF800;
	s26 =	smov.u32 s24  }
0x4b: {  	[tilespmem:s30], [sflag:$0x3] =	stream.indirect.gather @p4 [hbm4b:s3+s0], $0x10, s28, s0, $0xb8;
	[tilespmem:$0x3880] =	vst v63  }
0x4c: {  	s22 =	sadd.s32 $0x4, s22;
	p2 =	sgt.u32 s1, $0x30;
	_ =	swait.ge [sflag:s15], $0x800  }
0x4d: {  	p0 =	seq.s32 @!p2 s25, $0x0;
	s0 =	sshra.s32 @!p2 s25, $0x2;
	[sflag:s15] =	ssyncset.done $0x0  }
0x4e: {  	p0 =	por p0, p2;
	s0 =	sadd.s32 @!p2 $0x180, s0;
	[sflag:s15] =	ssyncadd.s32 $0xFFFFF800  }
0x4f: {  	[hbm4b:s24+s2] =	stream.linear.scatter [tilespmem:s11], [sflag:$0x5], $0x800, $0x38;
	[tilespmem:$0x3880] =	vst v63  }
0x50: {  	s23 =	sadd.s32 $0x1, s23;
	s4 =	simm.s32 @!p0 $0x8;
	s24 =	sadd.s32 $0x400, s24  }
0x51: {  	s12 =	sadd.s32 $0xFFFFFFFE, s1;
	s28 =	simm.s32 @!p2 $0x3080;
	_ =	swait.ge @!p0 [sflag:s4], $0x800  }
0x52: {  	s13 =	simm.s32 @!p2 $0x80;
	p4 =	sgt.u32 s12, $0x30;
	[sflag:s4] =	ssyncset.done @!p0 $0x0  }
0x53: {  	s12 =	simm.s32 @!p4 $0x0;
	[sflag:s4] =	ssyncadd.s32 @!p0 $0xFFFFF800;
	s4 =	simm.s32 @!p4 $0x2  }
0x54: {  	[tilespmem:s28], [sflag:$0x4] =	stream.indirect.gather @!p2 [hbm4b:s3+s13], $0x10, s0, s13, $0xb8;
	[tilespmem:$0x3880] =	vst v63  }
0x55: {  	p3 =	seq.s32 s25, $0x6000;
	s0 =	simm.s32 @!p4 $0x2080;
	_ =	swait.ge @!p4 [sflag:s4], $0x800  }
0x56: {  	s14 =	sshra.s32 @!p3 s25, $0x2;
	s13 =	sadd.s32 @!p4 $0x100, s26;
	[sflag:s4] =	ssyncset.done @!p4 $0x0  }
0x57: {  	s1 =	sadd.s32 @!p3 $0xFFFFFFFF, s1;
	[sflag:s4] =	ssyncadd.s32 @!p4 $0xFFFFF800;
	s4 =	simm.s32 @!p3 $0x5  }
0x58: {  	s30 =	simm.s32 @!p3 $0x80;
	s31 =	simm.s32 @!p3 $0x1880;
	p0 =	sgt.u32 @!p3 s1, $0x30  }
0x59: {  	[hbm4b:s13+s12] =	stream.linear.scatter @!p4 [tilespmem:s0], [sflag:$0x6], $0x800, $0x38;
	[tilespmem:$0x3880] =	vst v63  }
0x5a: {  	p6 =	por p0, p3;
	s0 =	sadd.s32 @!p3 $0x200, s14;
	_ =	swait.ge @!p3 [sflag:s4], $0x800  }
0x5b: {  	s1 =	simm.s32 @!p6 $0x3;
	s12 =	simm.s32 @!p6 $0x0;
	[sflag:s4] =	ssyncset.done @!p3 $0x0  }
0x5c: {  	p5 =	sgt.u32 @!p3 s29, $0xA;
	p4 =	por @!p3 $0x0, $0x0;
	[sflag:s4] =	ssyncadd.s32 @!p3 $0xFFFFF800  }
0x5d: {  	[tilespmem:s31], [sflag:$0x1] =	stream.indirect.gather @!p3 [hbm4b:s3+s30], $0x10, s0, s30, $0xb8;
	[tilespmem:$0x3880] =	vst v63  }
0x5e: {  	p0 =	por p5, p3;
	s0 =	sadd.s32 @!p6 $0x200, s26;
	_ =	swait.ge @!p6 [sflag:s1], $0x800  }
0x5f: {  	s13 =	sshra.s32 @!p0 s25, $0x2;
	s4 =	simm.s32 @!p0 $0x6;
	[sflag:s1] =	ssyncset.done @!p6 $0x0  }
0x60: {  	s13 =	sadd.s32 @!p0 $0x280, s13;
	[sflag:s1] =	ssyncadd.s32 @!p6 $0xFFFFF800;
	s1 =	simm.s32 @!p6 $0x2880  }
0x61: {  	[hbm4b:s0+s12] =	stream.linear.scatter @!p6 [tilespmem:s1], [sflag:$0x7], $0x800, $0x38;
	[tilespmem:$0x3880] =	vst v63  }
0x62: {  	p5 =	por !p5, p3;
	s0 =	simm.s32 @!p0 $0x80  }
0x63: {  	s1 =	simm.s32 @!p0 $0x2080;
	p6 =	por @!p0 $0x1, $0x1;
	_ =	swait.ge @!p0 [sflag:s4], $0x800  }
0x64: {  	p6 =	por @!p5 p4, p4;
	[sflag:s4] =	ssyncset.done @!p0 $0x0  }
0x65: {  	p4 =	por $0x0, $0x0;
	[sflag:s4] =	ssyncadd.s32 @!p0 $0xFFFFF800;
	s4 =	simm.s32 @!p2 $0x4  }
0x66: {  	[tilespmem:s1], [sflag:$0x2] =	stream.indirect.gather @!p0 [hbm4b:s3+s0], $0x10, s13, s0, $0xb8;
	[tilespmem:$0x3880] =	vst v63  }
.Ltmp3:
0x67: {  	s0 =	simm.s32 @!p2 $0x0;
	_ =	swait.ge @!p2 [sflag:s4], $0x800;
	(pc) =	sbr.rel @p1 .LBB2_6-.Ltmp3, $4  }
0x68: {  	p4 =	por @!p3 p6, p6;
	s1 =	sadd.s32 @!p2 $0x300, s26;
	[sflag:s4] =	ssyncset.done @!p2 $0x0  }
0x69: {  	s26 =	simm.s32 @p4 $0x7;
	[sflag:s4] =	ssyncadd.s32 @!p2 $0xFFFFF800;
	s4 =	sshra.s32 @p4 s25, $0x2  }
0x6a: {  	[hbm4b:s1+s0] =	stream.linear.scatter @!p2 [tilespmem:s28], [sflag:$0x8], $0x800, $0x38;
	[tilespmem:$0x3880] =	vst v63  }
0x6b: {  	s30 =	simm.s32 @p4 $0x2880;
	s28 =	sadd.s32 @p4 $0x300, s4;
	_ =	swait.ge @p4 [sflag:s26], $0x800  }
.Ltmp4:
0x6c: {  	_ = 	snop;
	(pc) =	sbr.rel .LBB2_7-.Ltmp4, $1  }
0x6d: {  	_ =	sdelay $0x3  }
.LBB2_2:
0x6e: {  	s21 =	simm.s32 $0x0;
	s0 =	rddreg [dreg:$0x3]  }
0x6f: {  	[tilespmem:s21], [sflag:$0x9] =	stream.linear.gather [hbm4b:s0+s21], $0x1880, $0x38;
	[tilespmem:$0x3880] =	vst v63  }
0x70: {  	_ =	swait.ge [sflag:s9], $0x1880  }
0x71: {  	[sflag:s9] =	ssyncset.done $0x0  }
0x72: {  	[sflag:s9] =	ssyncadd.s32 $0xFFFFE780  }
0x73: {  	[tilespmem:s11], [sflag:$0x1] =	stream.indirect.gather [hbm4b:s3+s10], $0x10, s21, s10, $0xb8;
	[tilespmem:$0x3880] =	vst v63  }
0x74: {  	s29 =	simm.s32 $0x2080  }
0x75: {  	[tilespmem:s29], [sflag:$0x2] =	stream.indirect.gather [hbm4b:s3+s10], $0x10, s10, s10, $0xb8;
	[tilespmem:$0x3880] =	vst v63  }
0x76: {  	s31 =	simm.s32 $0x100;
	s1 =	simm.s32 $0x2880;
	p1 =	por $0x0, $0x0  }
0x77: {  	[tilespmem:s1], [sflag:$0x3] =	stream.indirect.gather [hbm4b:s3+s10], $0x10, s31, s10, $0xb8;
	[tilespmem:$0x3880] =	vst v63  }
0x78: {  	p0 =	por @!p1 $0x1, $0x1;
	_ =	swait.ge [sflag:s15], $0x800  }
0x79: {  	p0 =	por p0, p1;
	[sflag:s15] =	ssyncset.done $0x0  }
0x7a: {  	p3 =	por $0x0, $0x0;
	s22 =	simm.s32 @!p0 $0x8;
	[sflag:s15] =	ssyncadd.s32 $0xFFFFF800  }
0x7b: {  	[hbm4b:s5+s2] =	stream.linear.scatter [tilespmem:s11], [sflag:$0x5], $0x800, $0x38;
	[tilespmem:$0x3880] =	vst v63  }
0x7c: {  	p2 =	por $0x0, $0x0;
	s23 =	simm.s32 @!p1 $0x180;
	_ =	swait.ge @!p0 [sflag:s22], $0x800  }
0x7d: {  	s24 =	simm.s32 @!p1 $0x3080;
	s25 =	simm.s32 @!p1 $0x80;
	[sflag:s22] =	ssyncset.done @!p0 $0x0  }
0x7e: {  	s26 =	sadd.s32 @!p3 $0x100, s5;
	[sflag:s22] =	ssyncadd.s32 @!p0 $0xFFFFF800;
	s22 =	simm.s32 @!p3 $0x2  }
0x7f: {  	[tilespmem:s24], [sflag:$0x4] =	stream.indirect.gather @!p1 [hbm4b:s3+s25], $0x10, s23, s25, $0xb8;
	[tilespmem:$0x3880] =	vst v63  }
0x80: {  	s28 =	simm.s32 @!p2 $0x80;
	p0 =	por @!p2 $0x0, $0x0;
	_ =	swait.ge @!p3 [sflag:s22], $0x800  }
0x81: {  	s23 =	simm.s32 @!p3 $0x0;
	s25 =	simm.s32 @!p3 $0x2080;
	[sflag:s22] =	ssyncset.done @!p3 $0x0  }
0x82: {  	p4 =	por p0, p2;
	[sflag:s22] =	ssyncadd.s32 @!p3 $0xFFFFF800;
	s22 =	simm.s32 @!p2 $0x5  }
0x83: {  	[hbm4b:s26+s23] =	stream.linear.scatter @!p3 [tilespmem:s25], [sflag:$0x6], $0x800, $0x38;
	[tilespmem:$0x3880] =	vst v63  }
0x84: {  	p0 =	por @!p2 $0x0, $0x0;
	s29 =	simm.s32 @!p4 $0x0;
	_ =	swait.ge @!p2 [sflag:s22], $0x800  }
0x85: {  	s23 =	simm.s32 @!p2 $0x1880;
	s25 =	simm.s32 @!p2 $0x200;
	[sflag:s22] =	ssyncset.done @!p2 $0x0  }
0x86: {  	s26 =	simm.s32 @!p4 $0x3;
	p3 =	por @!p2 $0x0, $0x0;
	[sflag:s22] =	ssyncadd.s32 @!p2 $0xFFFFF800  }
0x87: {  	[tilespmem:s23], [sflag:$0x1] =	stream.indirect.gather @!p2 [hbm4b:s3+s28], $0x10, s25, s28, $0xb8;
	[tilespmem:$0x3880] =	vst v63  }
0x88: {  	p5 =	por p3, p2;
	p3 =	por !p3, p2;
	_ =	swait.ge @!p4 [sflag:s26], $0x800  }
0x89: {  	p6 =	por @!p5 $0x1, $0x1;
	s22 =	sadd.s32 @!p4 $0x200, s5;
	[sflag:s26] =	ssyncset.done @!p4 $0x0  }
0x8a: {  	s23 =	simm.s32 @!p5 $0x6;
	s25 =	simm.s32 @!p4 $0x2880;
	[sflag:s26] =	ssyncadd.s32 @!p4 $0xFFFFF800  }
0x8b: {  	[hbm4b:s22+s29] =	stream.linear.scatter @!p4 [tilespmem:s25], [sflag:$0x7], $0x800, $0x38;
	[tilespmem:$0x3880] =	vst v63  }
0x8c: {  	p6 =	por @!p3 p0, p0;
	s26 =	simm.s32 @!p5 $0x2080;
	_ =	swait.ge @!p5 [sflag:s23], $0x800  }
0x8d: {  	s22 =	simm.s32 @!p5 $0x280;
	s25 =	simm.s32 @!p5 $0x80;
	[sflag:s23] =	ssyncset.done @!p5 $0x0  }
0x8e: {  	p4 =	por $0x0, $0x0;
	[sflag:s23] =	ssyncadd.s32 @!p5 $0xFFFFF800;
	s23 =	simm.s32 @!p1 $0x4  }
0x8f: {  	[tilespmem:s26], [sflag:$0x2] =	stream.indirect.gather @!p5 [hbm4b:s3+s25], $0x10, s22, s25, $0xb8;
	[tilespmem:$0x3880] =	vst v63  }
0x90: {  	p4 =	por @!p2 p6, p6;
	_ =	swait.ge @!p1 [sflag:s23], $0x800  }
0x91: {  	s21 =	simm.s32 $0x800;
	s28 =	simm.s32 @p4 $0x300;
	[sflag:s23] =	ssyncset.done @!p1 $0x0  }
0x92: {  	s25 =	simm.s32 @!p1 $0x0;
	s26 =	sadd.s32 @!p1 $0x300, s5;
	[sflag:s23] =	ssyncadd.s32 @!p1 $0xFFFFF800  }
0x93: {  	[hbm4b:s26+s25] =	stream.linear.scatter @!p1 [tilespmem:s24], [sflag:$0x8], $0x800, $0x38;
	[tilespmem:$0x3880] =	vst v63  }
0x94: {  	s30 =	simm.s32 @p4 $0x2880;
	s22 =	simm.s32 $0x7;
	s26 =	simm.s32 @p4 $0x7  }
0x95: {  	s23 =	simm.s32 $0x1;
	s24 =	sadd.s32 $0x400, s5;
	_ =	swait.ge @p4 [sflag:s26], $0x800  }
.LBB2_3:
0x96: {  	[sflag:s26] =	ssyncset.done @p4 $0x0;
	s31 =	simm.s32 @p4 $0x80;
	s25 =	smov.u32 s21  }
0x97: {  	s21 =	sadd.s32 $0x800, s21;
	s0 =	smov.u32 s22;
	s29 =	smov.u32 s23  }
0x98: {  	p1 =	seq.s32 s21, $0x6800;
	[sflag:s26] =	ssyncadd.s32 @p4 $0xFFFFF800;
	s26 =	smov.u32 s24  }
0x99: {  	[tilespmem:s30], [sflag:$0x3] =	stream.indirect.gather @p4 [hbm4b:s3+s31], $0x10, s28, s31, $0xb8;
	[tilespmem:$0x3880] =	vst v63  }
0x9a: {  	s22 =	sadd.s32 $0x4, s22;
	p2 =	sgt.u32 s0, $0x30;
	_ =	swait.ge [sflag:s15], $0x800  }
0x9b: {  	p0 =	seq.s32 @!p2 s25, $0x0;
	s28 =	sshra.s32 @!p2 s25, $0x2;
	[sflag:s15] =	ssyncset.done $0x0  }
0x9c: {  	p0 =	por p0, p2;
	s30 =	sadd.s32 @!p2 $0x180, s28;
	[sflag:s15] =	ssyncadd.s32 $0xFFFFF800  }
0x9d: {  	[hbm4b:s24+s2] =	stream.linear.scatter [tilespmem:s11], [sflag:$0x5], $0x800, $0x38;
	[tilespmem:$0x3880] =	vst v63  }
0x9e: {  	s23 =	sadd.s32 $0x1, s23;
	s31 =	simm.s32 @!p0 $0x8;
	s24 =	sadd.s32 $0x400, s24  }
0x9f: {  	s1 =	sadd.s32 $0xFFFFFFFE, s0;
	s28 =	simm.s32 @!p2 $0x3080;
	_ =	swait.ge @!p0 [sflag:s31], $0x800  }
0xa0: {  	s12 =	simm.s32 @!p2 $0x80;
	p4 =	sgt.u32 s1, $0x30;
	[sflag:s31] =	ssyncset.done @!p0 $0x0  }
0xa1: {  	s1 =	simm.s32 @!p4 $0x2;
	[sflag:s31] =	ssyncadd.s32 @!p0 $0xFFFFF800;
	s31 =	simm.s32 @!p4 $0x0  }
0xa2: {  	[tilespmem:s28], [sflag:$0x4] =	stream.indirect.gather @!p2 [hbm4b:s3+s12], $0x10, s30, s12, $0xb8;
	[tilespmem:$0x3880] =	vst v63  }
0xa3: {  	p3 =	seq.s32 s25, $0x6000;
	s12 =	simm.s32 @!p4 $0x2080;
	_ =	swait.ge @!p4 [sflag:s1], $0x800  }
0xa4: {  	s13 =	sshra.s32 @!p3 s25, $0x2;
	s30 =	sadd.s32 @!p4 $0x100, s26;
	[sflag:s1] =	ssyncset.done @!p4 $0x0  }
0xa5: {  	s0 =	sadd.s32 @!p3 $0xFFFFFFFF, s0;
	[sflag:s1] =	ssyncadd.s32 @!p4 $0xFFFFF800;
	s1 =	simm.s32 @!p3 $0x5  }
0xa6: {  	s14 =	simm.s32 @!p3 $0x80;
	s4 =	simm.s32 @!p3 $0x1880;
	p0 =	sgt.u32 @!p3 s0, $0x30  }
0xa7: {  	[hbm4b:s30+s31] =	stream.linear.scatter @!p4 [tilespmem:s12], [sflag:$0x6], $0x800, $0x38;
	[tilespmem:$0x3880] =	vst v63  }
0xa8: {  	s0 =	sadd.s32 @!p3 $0x200, s13;
	p0 =	por p0, p3;
	_ =	swait.ge @!p3 [sflag:s1], $0x800  }
0xa9: {  	s13 =	simm.s32 @!p0 $0x0;
	s12 =	simm.s32 @!p0 $0x3;
	[sflag:s1] =	ssyncset.done @!p3 $0x0  }
0xaa: {  	p5 =	sgt.u32 @!p3 s29, $0xA;
	p4 =	por @!p3 $0x0, $0x0;
	[sflag:s1] =	ssyncadd.s32 @!p3 $0xFFFFF800  }
0xab: {  	[tilespmem:s4], [sflag:$0x1] =	stream.indirect.gather @!p3 [hbm4b:s3+s14], $0x10, s0, s14, $0xb8;
	[tilespmem:$0x3880] =	vst v63  }
0xac: {  	p6 =	por p5, p3;
	s0 =	sadd.s32 @!p0 $0x200, s26;
	_ =	swait.ge @!p0 [sflag:s12], $0x800  }
0xad: {  	s1 =	simm.s32 @!p6 $0x6;
	s4 =	sshra.s32 @!p6 s25, $0x2;
	[sflag:s12] =	ssyncset.done @!p0 $0x0  }
0xae: {  	s4 =	sadd.s32 @!p6 $0x280, s4;
	[sflag:s12] =	ssyncadd.s32 @!p0 $0xFFFFF800;
	s12 =	simm.s32 @!p0 $0x2880  }
0xaf: {  	[hbm4b:s0+s13] =	stream.linear.scatter @!p0 [tilespmem:s12], [sflag:$0x7], $0x800, $0x38;
	[tilespmem:$0x3880] =	vst v63  }
0xb0: {  	p5 =	por !p5, p3;
	s0 =	simm.s32 @!p6 $0x80  }
0xb1: {  	s12 =	simm.s32 @!p6 $0x2080;
	p0 =	por @!p6 $0x1, $0x1;
	_ =	swait.ge @!p6 [sflag:s1], $0x800  }
0xb2: {  	p0 =	por @!p5 p4, p4;
	[sflag:s1] =	ssyncset.done @!p6 $0x0  }
0xb3: {  	p4 =	por $0x0, $0x0;
	[sflag:s1] =	ssyncadd.s32 @!p6 $0xFFFFF800;
	s1 =	simm.s32 @!p2 $0x4  }
0xb4: {  	[tilespmem:s12], [sflag:$0x2] =	stream.indirect.gather @!p6 [hbm4b:s3+s0], $0x10, s4, s0, $0xb8;
	[tilespmem:$0x3880] =	vst v63  }
.Ltmp5:
0xb5: {  	s0 =	simm.s32 @!p2 $0x0;
	_ =	swait.ge @!p2 [sflag:s1], $0x800;
	(pc) =	sbr.rel @!p1 .LBB2_3-.Ltmp5, $4  }
0xb6: {  	p4 =	por @!p3 p0, p0;
	s4 =	sadd.s32 @!p2 $0x300, s26;
	[sflag:s1] =	ssyncset.done @!p2 $0x0  }
0xb7: {  	s26 =	simm.s32 @p4 $0x7;
	[sflag:s1] =	ssyncadd.s32 @!p2 $0xFFFFF800;
	s1 =	sshra.s32 @p4 s25, $0x2  }
0xb8: {  	[hbm4b:s4+s0] =	stream.linear.scatter @!p2 [tilespmem:s28], [sflag:$0x8], $0x800, $0x38;
	[tilespmem:$0x3880] =	vst v63  }
0xb9: {  	s30 =	simm.s32 @p4 $0x2880;
	s28 =	sadd.s32 @p4 $0x300, s1;
	_ =	swait.ge @p4 [sflag:s26], $0x800  }
.Ltmp6:
0xba: {  	(pc) =	sbr.rel .LBB2_8-.Ltmp6, $4  }
0xbb: {  	_ = 	snop  }
0xbc: {  	[sflag:s26] =	ssyncset.done @p4 $0x0  }
0xbd: {  	s0 =	simm.s32 @p4 $0x80;
	[sflag:s26] =	ssyncadd.s32 @p4 $0xFFFFF800  }
0xbe: {  	[tilespmem:s30], [sflag:$0x3] =	stream.indirect.gather @p4 [hbm4b:s3+s0], $0x10, s28, s0, $0xb8;
	[tilespmem:$0x3880] =	vst v63  }
.LBB2_9:
0xbf: {  	_ =	sfence.sel $0x180000  }
0xc0: {  	[bflag:$0x0] =	sbarrier.arrive $0xFFFF  }
0xc1: {  	_ =	strace $0x90000047  }
0xc2: {  	s0 =	stileid.u32;
	[bflag:$0x2] =	sbarrier.arrive $0xFFFF  }
0xc3: {  	p0 =	sne.s32 s0, $0x0;
	s0 =	rddreg [dreg:$0x2]  }
0xc4: {  	s0 =	sadd.s32 @!p0 $0x100000, s0  }
0xc5: {  	[sflag:s0] =	ssyncadd.tile.s32 @!p0 $0x1;
	_ =	shalt  }
.Lfunc_end2:
_tile_overlayer_lowered:
.L_overlay_start_2:
0xc6: {  	(tag) =	ssettag $0x2  }
0xc7: {  	s0 =	rddreg [dreg:$0x0];
	s2 =	stileid.u32  }
0xc8: {  	s1 =	rddreg [dreg:$0x1];
	p0 =	sne.s32 s2, $0x0  }
0xc9: {  	s3 =	rddreg [dreg:$0x2];
	[bflag:$0x3] =	sbarrier.arrive $0xFFFF;
	s2 =	simm.s32 @!p0 $0x1C09  }
0xca: {  	[timem:s3], [sflag:s2] =	dma.local @!p0 [hbm:s0], s1  }
0xcb: {  	s0 =	simm.s32 @!p0 $0x9  }
0xcc: {  	_ =	swait.ge @!p0 [sflag:s0], s1  }
0xcd: {  	s1 =	ssub.s32 @!p0 $0x0, s1;
	[sflag:s0] =	ssyncset.done @!p0 $0x0  }
0xce: {  	[sflag:s0] =	ssyncadd.s32 @!p0 s1  }
0xcf: {  	[bflag:$0x3] =	sbarrier.arrive $0xFFFF  }
0xd0: {  	_ =	shalt  }

// kernel: kernel.13.cloned.1.call-start
scs
__scs_entry_jumppad:
0x0: {  	(pc) =	sbr.rel $0x88, $3  }
0x1: {  	(tag) =	ssettag $0x0;
	lr =	simm.s32 $0x1  }
0x2: {  	[smem:$0x3F95] =	sst lr;
	_ =	strace $0xD0000000  }
0x3: {  	_ = 	snop  }
0x4: {  	_ = 	snop  }
0x5: {  	_ = 	snop  }
0x6: {  	_ = 	snop  }
0x7: {  	_ = 	snop  }
__scs_overlays_trampoline_lowered:
0x8: {  	[smem:$0x3FA4] =	sst s0  }
0x9: {  	[smem:$0x3FA5] =	sst s1  }
0xa: {  	[smem:$0x3FA6] =	sst s2  }
0xb: {  	[smem:$0x3FA7] =	sst s3  }
0xc: {  	[smem:$0x3FA8] =	sst s4  }
0xd: {  	[smem:$0x3FA9] =	sst s5  }
0xe: {  	[smem:$0x3FAA] =	sst s6  }
0xf: {  	[smem:$0x3FAB] =	sst s7  }
0x10: {  	[smem:$0x3FAC] =	sst s8  }
0x11: {  	[smem:$0x3FAD] =	sst s9;
	s0 =	simm.s32 @!p0 $0x0  }
0x12: {  	s1 =	sld [smem:$0x3F93];
	s0 =	simm.s32 @p0 $0x1  }
0x13: {  	[smem:$0x3FAE] =	sst s0;
	s0 =	simm.s32 @!p1 $0x0  }
0x14: {  	s2 =	sld [smem:$0x3F92];
	s0 =	simm.s32 @p1 $0x1  }
0x15: {  	[smem:$0x3FAF] =	sst s0;
	s0 =	simm.s32 @!p2 $0x0  }
0x16: {  	s3 =	sld [smem:$0x3FDB];
	s0 =	simm.s32 @p2 $0x1  }
0x17: {  	s4 =	simm.s32 $0x1BF5;
	[smem:$0x3FB1] =	sst s0  }
0x18: {  	s0 =	sld [smem:$0x3F94];
	_ =	swait.ge [sflag:s4], $0x0  }
0x19: {  	s7 =	sld [smem:$0x3F95]  }
0x1a: {  	s8 =	sadd.s32 $0xFFFFE003, lr  }
0x1b: {  	s9 =	sadd.s32 $0xFFFFFEF7, lr;
	s5 =	simm.s32 $0xFFFFFFFF;
	p2 =	slt.u32 s8, $0xFFFFF086  }
0x1c: {  	p1 =	slt.u32 s9, $0xF7A;
	s5 =	simm.s32 @!p2 $0x0  }
0x1d: {  	s5 =	simm.s32 @p1 $0x1;
	p0 =	seq.s32 s7, s2  }
0x1e: {  	s7 =	smul.u32 @!p0 $0xF7A, s2;
	p2 =	seq.s32 @!p0 s5, $0x0  }
0x1f: {  	s9 =	smul.u32 $0xF7A, s1;
	s8 =	simm.s32 @!p0 $0x1BF5;
	p2 =	por !p2, p0  }
0x20: {  	[sflag:s8] =	ssyncset.s32 @!p0 $0xFFFFF086;
	s6 =	sadd.s32 @!p0 s3, s7;
	s7 =	simm.s32 @!p0 $0x108  }
0x21: {  	s3 =	sadd.s32 s3, s9;
	s6 =	sadd.s32 @!p0 $0x88, s6;
	s7 =	simm.s32 @p2 $0x1082  }
0x22: {  	[simem:s7], [sflag:s8] =	dma.local @!p0 [hbm:s6], $0xF7A  }
0x23: {  	s9 =	sor.u32 $0xD0000000, s2;
	s6 =	simm.s32 $0x108;
	_ =	swait.ge @!p0 [sflag:s8], $0x0  }
0x24: {  	s3 =	sadd.s32 $0x88, s3;
	s6 =	simm.s32 @!p1 $0x1082;
	[sflag:s4] =	ssyncset.s32 $0xFFFFF086  }
0x25: {  	[simem:s6], [sflag:s4] =	dma.local [hbm:s3], $0xF7A  }
0x26: {  	[smem:$0x3F95] =	sst s1;
	(tag) =	ssettag s2;
	_ =	strace s9  }
0x27: {  	s1 =	sld [smem:$0x3FA5]  }
0x28: {  	s2 =	sld [smem:$0x3FA6]  }
0x29: {  	s4 =	sld [smem:$0x3FA8]  }
0x2a: {  	p0 =	seq.s32 s5, $0x0;
	s5 =	sld [smem:$0x3FA9]  }
0x2b: {  	s6 =	sld [smem:$0x3FAA]  }
0x2c: {  	s7 =	sld [smem:$0x3FAB]  }
0x2d: {  	s3 =	simm.s32 $0x108;
	s8 =	sld [smem:$0x3FAC]  }
0x2e: {  	s3 =	simm.s32 @!p0 $0x1082;
	s9 =	sld [smem:$0x3FAD]  }
0x2f: {  	lr =	sadd.s32 s0, s3;
	s0 =	sld [smem:$0x3FA4]  }
0x30: {  	s3 =	sld [smem:$0x3FA7]  }
0x31: {  	[smem:$0x3FB0] =	sst s10  }
0x32: {  	s10 =	sld [smem:$0x3FAE];
	_ =	sdelay $0x3  }
0x33: {  	p0 =	seq.s32 s10, $0x1;
	s10 =	sld [smem:$0x3FB0];
	_ =	sdelay $0x3  }
0x34: {  	[smem:$0x3FB0] =	sst s10  }
0x35: {  	s10 =	sld [smem:$0x3FAF];
	_ =	sdelay $0x3  }
0x36: {  	p1 =	seq.s32 s10, $0x1;
	s10 =	sld [smem:$0x3FB0];
	_ =	sdelay $0x3  }
0x37: {  	[smem:$0x3FB0] =	sst s10  }
0x38: {  	s10 =	sld [smem:$0x3FB1]  }
0x39: {  	_ = 	snop;
	(pc) =	sbr.ind lr, $3  }
0x3a: {  	_ = 	snop  }
0x3b: {  	_ = 	snop  }
0x3c: {  	p2 =	seq.s32 s10, $0x1;
	s10 =	sld [smem:$0x3FB0]  }
0x3d: {  	_ =	shalt  }
0x3e: {  	_ =	shalt  }
0x3f: {  	_ =	shalt  }
0x40: {  	_ =	shalt  }
0x41: {  	_ =	shalt  }
0x42: {  	_ =	shalt  }
0x43: {  	_ =	shalt  }
0x44: {  	_ =	shalt  }
0x45: {  	_ =	shalt  }
0x46: {  	_ =	shalt  }
0x47: {  	_ =	shalt  }
0x48: {  	_ =	shalt  }
0x49: {  	_ =	shalt  }
0x4a: {  	_ =	shalt  }
0x4b: {  	_ =	shalt  }
0x4c: {  	_ =	shalt  }
0x4d: {  	_ =	shalt  }
0x4e: {  	_ =	shalt  }
0x4f: {  	_ =	shalt  }
0x50: {  	_ =	shalt  }
0x51: {  	_ =	shalt  }
0x52: {  	_ =	shalt  }
0x53: {  	_ =	shalt  }
0x54: {  	_ =	shalt  }
0x55: {  	_ =	shalt  }
0x56: {  	_ =	shalt  }
0x57: {  	_ =	shalt  }
0x58: {  	_ =	shalt  }
0x59: {  	_ =	shalt  }
0x5a: {  	_ =	shalt  }
0x5b: {  	_ =	shalt  }
0x5c: {  	_ =	shalt  }
0x5d: {  	_ =	shalt  }
0x5e: {  	_ =	shalt  }
0x5f: {  	_ =	shalt  }
0x60: {  	_ =	shalt  }
0x61: {  	_ =	shalt  }
0x62: {  	_ =	shalt  }
0x63: {  	_ =	shalt  }
0x64: {  	_ =	shalt  }
0x65: {  	_ =	shalt  }
0x66: {  	_ =	shalt  }
0x67: {  	_ =	shalt  }
0x68: {  	_ =	shalt  }
0x69: {  	_ =	shalt  }
0x6a: {  	_ =	shalt  }
0x6b: {  	_ =	shalt  }
0x6c: {  	_ =	shalt  }
0x6d: {  	_ =	shalt  }
0x6e: {  	_ =	shalt  }
0x6f: {  	_ =	shalt  }
0x70: {  	_ =	shalt  }
0x71: {  	_ =	shalt  }
0x72: {  	_ =	shalt  }
0x73: {  	_ =	shalt  }
0x74: {  	_ =	shalt  }
0x75: {  	_ =	shalt  }
0x76: {  	_ =	shalt  }
0x77: {  	_ =	shalt  }
0x78: {  	_ =	shalt  }
0x79: {  	_ =	shalt  }
0x7a: {  	_ =	shalt  }
0x7b: {  	_ =	shalt  }
0x7c: {  	_ =	shalt  }
0x7d: {  	_ =	shalt  }
0x7e: {  	_ =	shalt  }
0x7f: {  	_ =	shalt  }
0x80: {  	_ =	shalt  }
0x81: {  	_ =	shalt  }
0x82: {  	_ =	shalt  }
0x83: {  	_ =	shalt  }
0x84: {  	_ =	shalt  }
0x85: {  	_ =	shalt  }
0x86: {  	_ =	shalt  }
0x87: {  	_ =	shalt  }
.Lfunc_end0:
.L_simem_size_0:
called_computation.1_lowered:
.L_overlay_start_0:
0x88: {  	s2 =	sld [smem:$0x3FD9]  }
0x89: {  	s3 =	sld [smem:$0x3FFE];
	_ =	sdelay $0x1  }
0x8a: {  	s1 =	srdreg.scid  }
0x8b: {  	s0 =	sand.u32 $0x1, s1  }
0x8c: {  	s16 =	sshll.u32 s0, $0xA;
	s2 =	sadd.s32 s3, s2  }
0x8d: {  	s2 =	sadd.s32 s2, s16  }
0x8e: {  	[smem:$0x3FBC] =	sst s2  }
0x8f: {  	_ = 	snop  }
0x90: {  	(tm) =	ssettm $0x1  }
0x91: {  	s17 =	sld [smem:$0x3FFB];
	_ =	sdelay $0x3  }
0x92: {  	_ =	strace s17  }
0x93: {  	s2 =	sld [smem:$0x3FFC];
	_ =	sdelay $0x3  }
0x94: {  	_ =	strace s2  }
0x95: {  	s2 =	sld [smem:$0x3FFD];
	_ =	sdelay $0x3  }
0x96: {  	_ =	strace s2  }
0x97: {  	_ =	strace $0x8FFFFFFF  }
0x98: {  	s18 =	sld [smem:$0x3FDB];
	_ =	sdelay $0x1  }
0x99: {  	s19 =	simm.s32 $_scs_section_size  }
0x9a: {  	s4 =	simm.s32 $_size__tile_overlayer_lowered;
	s5 =	simm.s32 $_tile_overlayer_lowered  }
0x9b: {  	s22 =	simm.s32 $0x1BFF;
	s21 =	sshll.u32 s5, $0x1;
	s2 =	sadd.s32 s19, s18  }
0x9c: {  	s6 =	simm.s32 $0x0;
	s20 =	sshll.u32 s4, $0x1;
	s4 =	sadd.s32 s21, s2  }
0x9d: {  	[timem:s6], [sflag:s22] =	dma.local [hbm:s4], s20  }
0x9e: {  	_ =	swait.ge [sflag:s22], s20  }
0x9f: {  	s3 =	ssub.s32 $0x0, s20;
	[sflag:s22] =	ssyncset.done $0x0  }
0xa0: {  	[sflag:s22] =	ssyncadd.s32 s3;
	_ =	sdelay $0x1  }
0xa1: {  	s23 =	simm.s32 $0x1B8B  }
0xa2: {  	_ =	swait.ge [sflag:s23], $0x1  }
0xa3: {  	[sflag:s23] =	ssyncset.done $0x0  }
0xa4: {  	s25 =	simm.s32 $0x1B8E;
	s24 =	sld [smem:$0x3FFE];
	[sflag:s23] =	ssyncadd.s32 $0xFFFFFFFF  }
0xa5: {  	s26 =	simm.s32 $execute0_lowered;
	[smem:$0x3FD2] =	sst s25  }
0xa6: {  	s4 =	sshll.u32 s26, $0x1;
	_ =	strace $0x80000049;
	[dreg:$0x1] =	wrdreg $0xFFFFFFFF  }
0xa7: {  	s28 =	simm.s32 $_size_execute0_lowered;
	s2 =	sadd.s32 s2, s4;
	[dreg:$0x0] =	wrdreg $0x0  }
0xa8: {  	s4 =	sshll.u32 s28, $0x1;
	[dreg:$0x2] =	wrdreg s2  }
0xa9: {  	[dreg:$0x3] =	wrdreg s4  }
0xaa: {  	[dreg:$0x4] =	wrdreg $0xC0  }
0xab: {  	_ =	task [dreg:s6], $0x5FFFF  }
0xac: {  	[dreg:$0x1] =	wrdreg $0xFFFFFFFF  }
0xad: {  	[dreg:$0x0] =	wrdreg $0x60  }
0xae: {  	[dreg:$0x2] =	wrdreg s24  }
0xaf: {  	[dreg:$0x3] =	wrdreg $0x9  }
0xb0: {  	_ =	task.clear_ibuf [dreg:s6], $0x4FFFF;
	_ =	strace $0x90000049  }
0xb1: {  	s29 =	simm.s32 $0x9;
	_ =	strace $0x8000004B  }
0xb2: {  	_ =	swait.ge [sflag:s29], $0x1  }
0xb3: {  	[sflag:s29] =	ssyncadd.s32 $0xFFFFFFFF  }
0xb4: {  	_ =	strace $0x9000004B  }
0xb5: {  	_ =	sfence  }
0xb6: {  	s30 =	sld [smem:$0x0];
	_ =	sdelay $0x2  }
0xb7: {  	s31 =	sshll.u32 s1, $0xD;
	s1 =	sshrl.u32 s1, $0x2  }
0xb8: {  	s3 =	sand.u32 $0x4000, s31;
	s1 =	sadd.s32 s1, s30  }
0xb9: {  	s0 =	sor.u32 s3, s0;
	s1 =	sshll.u32 s1, $0x11  }
0xba: {  	s0 =	sor.u32 s1, s0  }
0xbb: {  	s0 =	sadd.s32 $0x8F2B, s0  }
0xbc: {  	[sflag:s0] =	ssyncadd.remote.s32 $0x1  }
0xbd: {  	_ =	sfence.sel $0xFFFF  }
0xbe: {  	[dreg:$0x0] =	wrdreg $0xFFFFFFFF;
	(pc) =	sbr.abs _section_cstart, $3  }
0xbf: {  	[dreg:$0x1] =	wrdreg $0xFFFFFFFF  }
0xc0: {  	_ =	task.clear_ibuf [dreg:s6], $0x2FFFF;
	_ =	strace $0x9FFFFFFF  }
0xc1: {  	(tm) =	ssettm $0x7FFFFFFF  }
tec
execute0_lowered:
.L_overlay_start_1:
0x0: {  	(tag) =	ssettag $0x1  }
0x1: {  	s4 =	rddreg [dreg:$0x0];
	s2 =	simm.s32 $0x0;
	s0 =	stileid.u32  }
0x2: {  	s3 =	srdreg.scid;
	s11 =	simm.s32 $0x1880;
	s15 =	simm.s32 $0x1  }
0x3: {  	s16 =	simm.s32 $0x6;
	s17 =	simm.s32 $0x7;
	s18 =	simm.s32 $0x8  }
0x4: {  	s19 =	simm.s32 $0x5;
	s20 =	simm.s32 $0x0;
	s5 =	smul.u32 $0x3100, s0  }
0x5: {  	[smem:$0x7FF] =	sst s2;
	s6 =	sand.u32 $0x1, s3;
	s7 =	smul.u32 $0x31000, s0  }
0x6: {  	s3 =	sadd.s32 $0x3F4E00, s4;
	_ =	strace $0x8000004A;
	s8 =	ssub.s32 $0x2, s6  }
0x7: {  	p0 =	seq.s32 s6, $0x1;
	s5 =	sshrl.u32 s5, $0x3;
	s9 =	sshrl.u32 s8, $0x1  }
.Ltmp0:
0x8: {  	s10 =	sadd.s32 s7, s4;
	s0 =	simm.s32 @!p0 $0x0;
	(pc) =	sbr.rel .LBB2_1-.Ltmp0, $4  }
0x9: {  	s5 =	sadd.s32 s5, s4;
	s30 =	ssub.s32 s8, s9;
	s0 =	simm.s32 @p0 $0x1  }
0xa: {  	s7 =	sadd.s32 $0xE4E00, s10;
	s8 =	sadd.s32 $0xFD600, s10;
	s9 =	simm.s32 $0x9  }
0xb: {  	s10 =	simm.s32 $0x80;
	[smem:$0x7FD] =	sst s0;
	s31 =	sadd.s32 $0xDEC00, s5  }
0xc: {  	s5 =	sadd.s32 $0xDEF10, s5;
	s6 =	smax.u32 s30, $0x1;
	[dreg:$0x2] =	wrdreg s31  }
.LBB2_7:
0xd: {  	[sflag:s26] =	ssyncset.done @p4 $0x0  }
0xe: {  	s0 =	simm.s32 @p4 $0x80;
	[sflag:s26] =	ssyncadd.s32 @p4 $0xFFFFC000  }
0xf: {  	[tilespmem:s30], [sflag:$0x3] =	stream.indirect.gather @p4 [hbm4b:s3+s0], $0x80, s28, s0, $0xb8;
	[tilespmem:$0x11880] =	vst v63  }
.LBB2_8:
0x10: {  	_ =	swait.ge [sflag:s16], $0x4000  }
0x11: {  	[sflag:s16] =	ssyncset.done $0x0  }
0x12: {  	[sflag:s16] =	ssyncadd.s32 $0xFFFFC000  }
0x13: {  	_ =	swait.ge [sflag:s17], $0x4000  }
0x14: {  	[sflag:s17] =	ssyncset.done $0x0  }
0x15: {  	s20 =	sadd.s32 $0x1, s20;
	[sflag:s17] =	ssyncadd.s32 $0xFFFFC000  }
0x16: {  	p0 =	sne.s32 s20, s6;
	_ =	swait.ge [sflag:s18], $0x4000  }
.Ltmp1:
0x17: {  	[sflag:s18] =	ssyncset.done $0x0;
	(pc) =	sbr.rel @!p0 .LBB2_9-.Ltmp1, $4  }
0x18: {  	[sflag:s18] =	ssyncadd.s32 $0xFFFFC000  }
0x19: {  	_ =	swait.ge [sflag:s19], $0x4000  }
0x1a: {  	[sflag:s19] =	ssyncset.done $0x0  }
0x1b: {  	[sflag:s19] =	ssyncadd.s32 $0xFFFFC000  }
.LBB2_1:
0x1c: {  	s0 =	sld [smem:$0x7FD];
	_ =	sdelay $0x2  }
0x1d: {  	p0 =	seq.s32 s0, $0x1  }
.Ltmp2:
0x1e: {  	_ = 	snop;
	(pc) =	sbr.rel @!p0 .LBB2_2-.Ltmp2, $1  }
0x1f: {  	_ =	sdelay $0x3  }
0x20: {  	s0 =	simm.s32 $0x0  }
0x21: {  	[tilespmem:s0], [sflag:$0x9] =	stream.linear.gather [hbm4b:s5+s0], $0x1880, $0x38;
	[tilespmem:$0x11880] =	vst v63  }
0x22: {  	_ =	swait.ge [sflag:s9], $0x1880  }
0x23: {  	[sflag:s9] =	ssyncset.done $0x0  }
0x24: {  	[sflag:s9] =	ssyncadd.s32 $0xFFFFE780  }
0x25: {  	[tilespmem:s11], [sflag:$0x1] =	stream.indirect.gather [hbm4b:s3+s10], $0x80, s0, s10, $0xb8;
	[tilespmem:$0x11880] =	vst v63  }
0x26: {  	s29 =	simm.s32 $0x5880  }
0x27: {  	[tilespmem:s29], [sflag:$0x2] =	stream.indirect.gather [hbm4b:s3+s10], $0x80, s10, s10, $0xb8;
	[tilespmem:$0x11880] =	vst v63  }
0x28: {  	s31 =	simm.s32 $0x100;
	s1 =	simm.s32 $0x9880;
	p1 =	por $0x0, $0x0  }
0x29: {  	[tilespmem:s1], [sflag:$0x3] =	stream.indirect.gather [hbm4b:s3+s10], $0x80, s31, s10, $0xb8;
	[tilespmem:$0x11880] =	vst v63  }
0x2a: {  	s21 =	simm.s32 $0x800;
	p0 =	por @!p1 $0x1, $0x1;
	_ =	swait.ge [sflag:s15], $0x4000  }
0x2b: {  	p3 =	por $0x0, $0x0;
	p0 =	por p0, p1;
	[sflag:s15] =	ssyncset.done $0x0  }
0x2c: {  	p2 =	por $0x0, $0x0;
	s0 =	simm.s32 @!p0 $0x8;
	[sflag:s15] =	ssyncadd.s32 $0xFFFFC000  }
0x2d: {  	[hbm4b:s8+s2] =	stream.linear.scatter [tilespmem:s11], [sflag:$0x5], $0x4000, $0x38;
	[tilespmem:$0x11880] =	vst v63  }
0x2e: {  	s23 =	simm.s32 $0x1;
	s4 =	simm.s32 @!p1 $0xD880;
	_ =	swait.ge @!p0 [sflag:s0], $0x4000  }
0x2f: {  	s12 =	simm.s32 @!p1 $0x80;
	s13 =	sadd.s32 @!p3 $0x800, s8;
	[sflag:s0] =	ssyncset.done @!p0 $0x0  }
0x30: {  	s1 =	simm.s32 @!p1 $0x180;
	[sflag:s0] =	ssyncadd.s32 @!p0 $0xFFFFC000;
	s0 =	simm.s32 @!p3 $0x2  }
0x31: {  	[tilespmem:s4], [sflag:$0x4] =	stream.indirect.gather @!p1 [hbm4b:s3+s12], $0x80, s1, s12, $0xb8;
	[tilespmem:$0x11880] =	vst v63  }
0x32: {  	s14 =	simm.s32 @!p2 $0x80;
	p0 =	por @!p2 $0x0, $0x0;
	_ =	swait.ge @!p3 [sflag:s0], $0x4000  }
0x33: {  	s1 =	simm.s32 @!p3 $0x0;
	s12 =	simm.s32 @!p3 $0x5880;
	[sflag:s0] =	ssyncset.done @!p3 $0x0  }
0x34: {  	p4 =	por p0, p2;
	[sflag:s0] =	ssyncadd.s32 @!p3 $0xFFFFC000;
	s0 =	simm.s32 @!p2 $0x5  }
0x35: {  	[hbm4b:s13+s1] =	stream.linear.scatter @!p3 [tilespmem:s12], [sflag:$0x6], $0x4000, $0x38;
	[tilespmem:$0x11880] =	vst v63  }
0x36: {  	p0 =	por @!p2 $0x0, $0x0;
	s22 =	simm.s32 @!p4 $0x0;
	_ =	swait.ge @!p2 [sflag:s0], $0x4000  }
0x37: {  	s1 =	simm.s32 @!p2 $0x1880;
	s12 =	simm.s32 @!p2 $0x200;
	[sflag:s0] =	ssyncset.done @!p2 $0x0  }
0x38: {  	s13 =	simm.s32 @!p4 $0x3;
	p3 =	por @!p2 $0x0, $0x0;
	[sflag:s0] =	ssyncadd.s32 @!p2 $0xFFFFC000  }
0x39: {  	[tilespmem:s1], [sflag:$0x1] =	stream.indirect.gather @!p2 [hbm4b:s3+s14], $0x80, s12, s14, $0xb8;
	[tilespmem:$0x11880] =	vst v63  }
0x3a: {  	p5 =	por p3, p2;
	p3 =	por !p3, p2;
	_ =	swait.ge @!p4 [sflag:s13], $0x4000  }
0x3b: {  	p6 =	por @!p5 $0x1, $0x1;
	s0 =	sadd.s32 @!p4 $0x1000, s8;
	[sflag:s13] =	ssyncset.done @!p4 $0x0  }
0x3c: {  	s1 =	simm.s32 @!p5 $0x6;
	s12 =	simm.s32 @!p4 $0x9880;
	[sflag:s13] =	ssyncadd.s32 @!p4 $0xFFFFC000  }
0x3d: {  	[hbm4b:s0+s22] =	stream.linear.scatter @!p4 [tilespmem:s12], [sflag:$0x7], $0x4000, $0x38;
	[tilespmem:$0x11880] =	vst v63  }
0x3e: {  	p6 =	por @!p3 p0, p0;
	s13 =	simm.s32 @!p5 $0x5880;
	_ =	swait.ge @!p5 [sflag:s1], $0x4000  }
0x3f: {  	s0 =	simm.s32 @!p5 $0x280;
	s12 =	simm.s32 @!p5 $0x80;
	[sflag:s1] =	ssyncset.done @!p5 $0x0  }
0x40: {  	p4 =	por $0x0, $0x0;
	[sflag:s1] =	ssyncadd.s32 @!p5 $0xFFFFC000;
	s1 =	simm.s32 @!p1 $0x4  }
0x41: {  	[tilespmem:s13], [sflag:$0x2] =	stream.indirect.gather @!p5 [hbm4b:s3+s12], $0x80, s0, s12, $0xb8;
	[tilespmem:$0x11880] =	vst v63  }
0x42: {  	s24 =	sadd.s32 $0x2000, s8;
	p4 =	por @!p2 p6, p6;
	_ =	swait.ge @!p1 [sflag:s1], $0x4000  }
0x43: {  	s22 =	simm.s32 $0x7;
	s26 =	simm.s32 @p4 $0x7;
	[sflag:s1] =	ssyncset.done @!p1 $0x0  }
0x44: {  	s0 =	simm.s32 @!p1 $0x0;
	s12 =	sadd.s32 @!p1 $0x1800, s8;
	[sflag:s1] =	ssyncadd.s32 @!p1 $0xFFFFC000  }
0x45: {  	[hbm4b:s12+s0] =	stream.linear.scatter @!p1 [tilespmem:s4], [sflag:$0x8], $0x4000, $0x38;
	[tilespmem:$0x11880] =	vst v63  }
0x46: {  	s28 =	simm.s32 @p4 $0x300;
	s30 =	simm.s32 @p4 $0x9880;
	_ =	swait.ge @p4 [sflag:s26], $0x4000  }
.LBB2_6:
0x47: {  	[sflag:s26] =	ssyncset.done @p4 $0x0;
	s0 =	simm.s32 @p4 $0x80;
	s25 =	smov.u32 s21  }
0x48: {  	s21 =	sadd.s32 $0x800, s21;
	s1 =	smov.u32 s22;
	s29 =	smov.u32 s23  }
0x49: {  	p1 =	sne.s32 s21, $0x6800;
	[sflag:s26] =	ssyncadd.s32 @p4 $0xFFFFC000;
	s26 =	smov.u32 s24  }
0x4a: {  	[tilespmem:s30], [sflag:$0x3] =	stream.indirect.gather @p4 [hbm4b:s3+s0], $0x80, s28, s0, $0xb8;
	[tilespmem:$0x11880] =	vst v63  }
0x4b: {  	s22 =	sadd.s32 $0x4, s22;
	p2 =	sgt.u32 s1, $0x30;
	_ =	swait.ge [sflag:s15], $0x4000  }
0x4c: {  	p0 =	seq.s32 @!p2 s25, $0x0;
	s0 =	sshra.s32 @!p2 s25, $0x2;
	[sflag:s15] =	ssyncset.done $0x0  }
0x4d: {  	p0 =	por p0, p2;
	s0 =	sadd.s32 @!p2 $0x180, s0;
	[sflag:s15] =	ssyncadd.s32 $0xFFFFC000  }
0x4e: {  	[hbm4b:s24+s2] =	stream.linear.scatter [tilespmem:s11], [sflag:$0x5], $0x4000, $0x38;
	[tilespmem:$0x11880] =	vst v63  }
0x4f: {  	s23 =	sadd.s32 $0x1, s23;
	s4 =	simm.s32 @!p0 $0x8;
	s24 =	sadd.s32 $0x2000, s24  }
0x50: {  	s12 =	sadd.s32 $0xFFFFFFFE, s1;
	s28 =	simm.s32 @!p2 $0xD880;
	_ =	swait.ge @!p0 [sflag:s4], $0x4000  }
0x51: {  	s13 =	simm.s32 @!p2 $0x80;
	p4 =	sgt.u32 s12, $0x30;
	[sflag:s4] =	ssyncset.done @!p0 $0x0  }
0x52: {  	s12 =	simm.s32 @!p4 $0x0;
	[sflag:s4] =	ssyncadd.s32 @!p0 $0xFFFFC000;
	s4 =	simm.s32 @!p4 $0x2  }
0x53: {  	[tilespmem:s28], [sflag:$0x4] =	stream.indirect.gather @!p2 [hbm4b:s3+s13], $0x80, s0, s13, $0xb8;
	[tilespmem:$0x11880] =	vst v63  }
0x54: {  	p3 =	seq.s32 s25, $0x6000;
	s0 =	simm.s32 @!p4 $0x5880;
	_ =	swait.ge @!p4 [sflag:s4], $0x4000  }
0x55: {  	s14 =	sshra.s32 @!p3 s25, $0x2;
	s13 =	sadd.s32 @!p4 $0x800, s26;
	[sflag:s4] =	ssyncset.done @!p4 $0x0  }
0x56: {  	s1 =	sadd.s32 @!p3 $0xFFFFFFFF, s1;
	[sflag:s4] =	ssyncadd.s32 @!p4 $0xFFFFC000;
	s4 =	simm.s32 @!p3 $0x5  }
0x57: {  	s30 =	simm.s32 @!p3 $0x80;
	s31 =	simm.s32 @!p3 $0x1880;
	p0 =	sgt.u32 @!p3 s1, $0x30  }
0x58: {  	[hbm4b:s13+s12] =	stream.linear.scatter @!p4 [tilespmem:s0], [sflag:$0x6], $0x4000, $0x38;
	[tilespmem:$0x11880] =	vst v63  }
0x59: {  	p6 =	por p0, p3;
	s0 =	sadd.s32 @!p3 $0x200, s14;
	_ =	swait.ge @!p3 [sflag:s4], $0x4000  }
0x5a: {  	s1 =	simm.s32 @!p6 $0x3;
	s12 =	simm.s32 @!p6 $0x0;
	[sflag:s4] =	ssyncset.done @!p3 $0x0  }
0x5b: {  	p5 =	sgt.u32 @!p3 s29, $0xA;
	p4 =	por @!p3 $0x0, $0x0;
	[sflag:s4] =	ssyncadd.s32 @!p3 $0xFFFFC000  }
0x5c: {  	[tilespmem:s31], [sflag:$0x1] =	stream.indirect.gather @!p3 [hbm4b:s3+s30], $0x80, s0, s30, $0xb8;
	[tilespmem:$0x11880] =	vst v63  }
0x5d: {  	p0 =	por p5, p3;
	s0 =	sadd.s32 @!p6 $0x1000, s26;
	_ =	swait.ge @!p6 [sflag:s1], $0x4000  }
0x5e: {  	s13 =	sshra.s32 @!p0 s25, $0x2;
	s4 =	simm.s32 @!p0 $0x6;
	[sflag:s1] =	ssyncset.done @!p6 $0x0  }
0x5f: {  	s13 =	sadd.s32 @!p0 $0x280, s13;
	[sflag:s1] =	ssyncadd.s32 @!p6 $0xFFFFC000;
	s1 =	simm.s32 @!p6 $0x9880  }
0x60: {  	[hbm4b:s0+s12] =	stream.linear.scatter @!p6 [tilespmem:s1], [sflag:$0x7], $0x4000, $0x38;
	[tilespmem:$0x11880] =	vst v63  }
0x61: {  	p5 =	por !p5, p3;
	s0 =	simm.s32 @!p0 $0x80  }
0x62: {  	s1 =	simm.s32 @!p0 $0x5880;
	p6 =	por @!p0 $0x1, $0x1;
	_ =	swait.ge @!p0 [sflag:s4], $0x4000  }
0x63: {  	p6 =	por @!p5 p4, p4;
	[sflag:s4] =	ssyncset.done @!p0 $0x0  }
0x64: {  	p4 =	por $0x0, $0x0;
	[sflag:s4] =	ssyncadd.s32 @!p0 $0xFFFFC000;
	s4 =	simm.s32 @!p2 $0x4  }
0x65: {  	[tilespmem:s1], [sflag:$0x2] =	stream.indirect.gather @!p0 [hbm4b:s3+s0], $0x80, s13, s0, $0xb8;
	[tilespmem:$0x11880] =	vst v63  }
.Ltmp3:
0x66: {  	s0 =	simm.s32 @!p2 $0x0;
	_ =	swait.ge @!p2 [sflag:s4], $0x4000;
	(pc) =	sbr.rel @p1 .LBB2_6-.Ltmp3, $4  }
0x67: {  	p4 =	por @!p3 p6, p6;
	s1 =	sadd.s32 @!p2 $0x1800, s26;
	[sflag:s4] =	ssyncset.done @!p2 $0x0  }
0x68: {  	s26 =	simm.s32 @p4 $0x7;
	[sflag:s4] =	ssyncadd.s32 @!p2 $0xFFFFC000;
	s4 =	sshra.s32 @p4 s25, $0x2  }
0x69: {  	[hbm4b:s1+s0] =	stream.linear.scatter @!p2 [tilespmem:s28], [sflag:$0x8], $0x4000, $0x38;
	[tilespmem:$0x11880] =	vst v63  }
0x6a: {  	s30 =	simm.s32 @p4 $0x9880;
	s28 =	sadd.s32 @p4 $0x300, s4;
	_ =	swait.ge @p4 [sflag:s26], $0x4000  }
.Ltmp4:
0x6b: {  	_ = 	snop;
	(pc) =	sbr.rel .LBB2_7-.Ltmp4, $1  }
0x6c: {  	_ =	sdelay $0x3  }
.LBB2_2:
0x6d: {  	s21 =	simm.s32 $0x0;
	s0 =	rddreg [dreg:$0x2]  }
0x6e: {  	[tilespmem:s21], [sflag:$0x9] =	stream.linear.gather [hbm4b:s0+s21], $0x1880, $0x38;
	[tilespmem:$0x11880] =	vst v63  }
0x6f: {  	_ =	swait.ge [sflag:s9], $0x1880  }
0x70: {  	[sflag:s9] =	ssyncset.done $0x0  }
0x71: {  	[sflag:s9] =	ssyncadd.s32 $0xFFFFE780  }
0x72: {  	[tilespmem:s11], [sflag:$0x1] =	stream.indirect.gather [hbm4b:s3+s10], $0x80, s21, s10, $0xb8;
	[tilespmem:$0x11880] =	vst v63  }
0x73: {  	s29 =	simm.s32 $0x5880  }
0x74: {  	[tilespmem:s29], [sflag:$0x2] =	stream.indirect.gather [hbm4b:s3+s10], $0x80, s10, s10, $0xb8;
	[tilespmem:$0x11880] =	vst v63  }
0x75: {  	s31 =	simm.s32 $0x100;
	s1 =	simm.s32 $0x9880;
	p1 =	por $0x0, $0x0  }
0x76: {  	[tilespmem:s1], [sflag:$0x3] =	stream.indirect.gather [hbm4b:s3+s10], $0x80, s31, s10, $0xb8;
	[tilespmem:$0x11880] =	vst v63  }
0x77: {  	p0 =	por @!p1 $0x1, $0x1;
	_ =	swait.ge [sflag:s15], $0x4000  }
0x78: {  	p0 =	por p0, p1;
	[sflag:s15] =	ssyncset.done $0x0  }
0x79: {  	p3 =	por $0x0, $0x0;
	s22 =	simm.s32 @!p0 $0x8;
	[sflag:s15] =	ssyncadd.s32 $0xFFFFC000  }
0x7a: {  	[hbm4b:s7+s2] =	stream.linear.scatter [tilespmem:s11], [sflag:$0x5], $0x4000, $0x38;
	[tilespmem:$0x11880] =	vst v63  }
0x7b: {  	p2 =	por $0x0, $0x0;
	s23 =	simm.s32 @!p1 $0x180;
	_ =	swait.ge @!p0 [sflag:s22], $0x4000  }
0x7c: {  	s24 =	simm.s32 @!p1 $0xD880;
	s25 =	simm.s32 @!p1 $0x80;
	[sflag:s22] =	ssyncset.done @!p0 $0x0  }
0x7d: {  	s26 =	sadd.s32 @!p3 $0x800, s7;
	[sflag:s22] =	ssyncadd.s32 @!p0 $0xFFFFC000;
	s22 =	simm.s32 @!p3 $0x2  }
0x7e: {  	[tilespmem:s24], [sflag:$0x4] =	stream.indirect.gather @!p1 [hbm4b:s3+s25], $0x80, s23, s25, $0xb8;
	[tilespmem:$0x11880] =	vst v63  }
0x7f: {  	s28 =	simm.s32 @!p2 $0x80;
	p0 =	por @!p2 $0x0, $0x0;
	_ =	swait.ge @!p3 [sflag:s22], $0x4000  }
0x80: {  	s23 =	simm.s32 @!p3 $0x0;
	s25 =	simm.s32 @!p3 $0x5880;
	[sflag:s22] =	ssyncset.done @!p3 $0x0  }
0x81: {  	p4 =	por p0, p2;
	[sflag:s22] =	ssyncadd.s32 @!p3 $0xFFFFC000;
	s22 =	simm.s32 @!p2 $0x5  }
0x82: {  	[hbm4b:s26+s23] =	stream.linear.scatter @!p3 [tilespmem:s25], [sflag:$0x6], $0x4000, $0x38;
	[tilespmem:$0x11880] =	vst v63  }
0x83: {  	p0 =	por @!p2 $0x0, $0x0;
	s29 =	simm.s32 @!p4 $0x0;
	_ =	swait.ge @!p2 [sflag:s22], $0x4000  }
0x84: {  	s23 =	simm.s32 @!p2 $0x1880;
	s25 =	simm.s32 @!p2 $0x200;
	[sflag:s22] =	ssyncset.done @!p2 $0x0  }
0x85: {  	s26 =	simm.s32 @!p4 $0x3;
	p3 =	por @!p2 $0x0, $0x0;
	[sflag:s22] =	ssyncadd.s32 @!p2 $0xFFFFC000  }
0x86: {  	[tilespmem:s23], [sflag:$0x1] =	stream.indirect.gather @!p2 [hbm4b:s3+s28], $0x80, s25, s28, $0xb8;
	[tilespmem:$0x11880] =	vst v63  }
0x87: {  	p5 =	por p3, p2;
	p3 =	por !p3, p2;
	_ =	swait.ge @!p4 [sflag:s26], $0x4000  }
0x88: {  	p6 =	por @!p5 $0x1, $0x1;
	s22 =	sadd.s32 @!p4 $0x1000, s7;
	[sflag:s26] =	ssyncset.done @!p4 $0x0  }
0x89: {  	s23 =	simm.s32 @!p5 $0x6;
	s25 =	simm.s32 @!p4 $0x9880;
	[sflag:s26] =	ssyncadd.s32 @!p4 $0xFFFFC000  }
0x8a: {  	[hbm4b:s22+s29] =	stream.linear.scatter @!p4 [tilespmem:s25], [sflag:$0x7], $0x4000, $0x38;
	[tilespmem:$0x11880] =	vst v63  }
0x8b: {  	p6 =	por @!p3 p0, p0;
	s26 =	simm.s32 @!p5 $0x5880;
	_ =	swait.ge @!p5 [sflag:s23], $0x4000  }
0x8c: {  	s22 =	simm.s32 @!p5 $0x280;
	s25 =	simm.s32 @!p5 $0x80;
	[sflag:s23] =	ssyncset.done @!p5 $0x0  }
0x8d: {  	p4 =	por $0x0, $0x0;
	[sflag:s23] =	ssyncadd.s32 @!p5 $0xFFFFC000;
	s23 =	simm.s32 @!p1 $0x4  }
0x8e: {  	[tilespmem:s26], [sflag:$0x2] =	stream.indirect.gather @!p5 [hbm4b:s3+s25], $0x80, s22, s25, $0xb8;
	[tilespmem:$0x11880] =	vst v63  }
0x8f: {  	p4 =	por @!p2 p6, p6;
	_ =	swait.ge @!p1 [sflag:s23], $0x4000  }
0x90: {  	s21 =	simm.s32 $0x800;
	s28 =	simm.s32 @p4 $0x300;
	[sflag:s23] =	ssyncset.done @!p1 $0x0  }
0x91: {  	s25 =	simm.s32 @!p1 $0x0;
	s26 =	sadd.s32 @!p1 $0x1800, s7;
	[sflag:s23] =	ssyncadd.s32 @!p1 $0xFFFFC000  }
0x92: {  	[hbm4b:s26+s25] =	stream.linear.scatter @!p1 [tilespmem:s24], [sflag:$0x8], $0x4000, $0x38;
	[tilespmem:$0x11880] =	vst v63  }
0x93: {  	s30 =	simm.s32 @p4 $0x9880;
	s22 =	simm.s32 $0x7;
	s26 =	simm.s32 @p4 $0x7  }
0x94: {  	s23 =	simm.s32 $0x1;
	s24 =	sadd.s32 $0x2000, s7;
	_ =	swait.ge @p4 [sflag:s26], $0x4000  }
.LBB2_3:
0x95: {  	[sflag:s26] =	ssyncset.done @p4 $0x0;
	s31 =	simm.s32 @p4 $0x80;
	s25 =	smov.u32 s21  }
0x96: {  	s21 =	sadd.s32 $0x800, s21;
	s0 =	smov.u32 s22;
	s29 =	smov.u32 s23  }
0x97: {  	p1 =	seq.s32 s21, $0x6800;
	[sflag:s26] =	ssyncadd.s32 @p4 $0xFFFFC000;
	s26 =	smov.u32 s24  }
0x98: {  	[tilespmem:s30], [sflag:$0x3] =	stream.indirect.gather @p4 [hbm4b:s3+s31], $0x80, s28, s31, $0xb8;
	[tilespmem:$0x11880] =	vst v63  }
0x99: {  	s22 =	sadd.s32 $0x4, s22;
	p2 =	sgt.u32 s0, $0x30;
	_ =	swait.ge [sflag:s15], $0x4000  }
0x9a: {  	p0 =	seq.s32 @!p2 s25, $0x0;
	s28 =	sshra.s32 @!p2 s25, $0x2;
	[sflag:s15] =	ssyncset.done $0x0  }
0x9b: {  	p0 =	por p0, p2;
	s30 =	sadd.s32 @!p2 $0x180, s28;
	[sflag:s15] =	ssyncadd.s32 $0xFFFFC000  }
0x9c: {  	[hbm4b:s24+s2] =	stream.linear.scatter [tilespmem:s11], [sflag:$0x5], $0x4000, $0x38;
	[tilespmem:$0x11880] =	vst v63  }
0x9d: {  	s23 =	sadd.s32 $0x1, s23;
	s31 =	simm.s32 @!p0 $0x8;
	s24 =	sadd.s32 $0x2000, s24  }
0x9e: {  	s1 =	sadd.s32 $0xFFFFFFFE, s0;
	s28 =	simm.s32 @!p2 $0xD880;
	_ =	swait.ge @!p0 [sflag:s31], $0x4000  }
0x9f: {  	s12 =	simm.s32 @!p2 $0x80;
	p4 =	sgt.u32 s1, $0x30;
	[sflag:s31] =	ssyncset.done @!p0 $0x0  }
0xa0: {  	s1 =	simm.s32 @!p4 $0x2;
	[sflag:s31] =	ssyncadd.s32 @!p0 $0xFFFFC000;
	s31 =	simm.s32 @!p4 $0x0  }
0xa1: {  	[tilespmem:s28], [sflag:$0x4] =	stream.indirect.gather @!p2 [hbm4b:s3+s12], $0x80, s30, s12, $0xb8;
	[tilespmem:$0x11880] =	vst v63  }
0xa2: {  	p3 =	seq.s32 s25, $0x6000;
	s12 =	simm.s32 @!p4 $0x5880;
	_ =	swait.ge @!p4 [sflag:s1], $0x4000  }
0xa3: {  	s13 =	sshra.s32 @!p3 s25, $0x2;
	s30 =	sadd.s32 @!p4 $0x800, s26;
	[sflag:s1] =	ssyncset.done @!p4 $0x0  }
0xa4: {  	s0 =	sadd.s32 @!p3 $0xFFFFFFFF, s0;
	[sflag:s1] =	ssyncadd.s32 @!p4 $0xFFFFC000;
	s1 =	simm.s32 @!p3 $0x5  }
0xa5: {  	s14 =	simm.s32 @!p3 $0x80;
	s4 =	simm.s32 @!p3 $0x1880;
	p0 =	sgt.u32 @!p3 s0, $0x30  }
0xa6: {  	[hbm4b:s30+s31] =	stream.linear.scatter @!p4 [tilespmem:s12], [sflag:$0x6], $0x4000, $0x38;
	[tilespmem:$0x11880] =	vst v63  }
0xa7: {  	s0 =	sadd.s32 @!p3 $0x200, s13;
	p0 =	por p0, p3;
	_ =	swait.ge @!p3 [sflag:s1], $0x4000  }
0xa8: {  	s13 =	simm.s32 @!p0 $0x0;
	s12 =	simm.s32 @!p0 $0x3;
	[sflag:s1] =	ssyncset.done @!p3 $0x0  }
0xa9: {  	p5 =	sgt.u32 @!p3 s29, $0xA;
	p4 =	por @!p3 $0x0, $0x0;
	[sflag:s1] =	ssyncadd.s32 @!p3 $0xFFFFC000  }
0xaa: {  	[tilespmem:s4], [sflag:$0x1] =	stream.indirect.gather @!p3 [hbm4b:s3+s14], $0x80, s0, s14, $0xb8;
	[tilespmem:$0x11880] =	vst v63  }
0xab: {  	p6 =	por p5, p3;
	s0 =	sadd.s32 @!p0 $0x1000, s26;
	_ =	swait.ge @!p0 [sflag:s12], $0x4000  }
0xac: {  	s1 =	simm.s32 @!p6 $0x6;
	s4 =	sshra.s32 @!p6 s25, $0x2;
	[sflag:s12] =	ssyncset.done @!p0 $0x0  }
0xad: {  	s4 =	sadd.s32 @!p6 $0x280, s4;
	[sflag:s12] =	ssyncadd.s32 @!p0 $0xFFFFC000;
	s12 =	simm.s32 @!p0 $0x9880  }
0xae: {  	[hbm4b:s0+s13] =	stream.linear.scatter @!p0 [tilespmem:s12], [sflag:$0x7], $0x4000, $0x38;
	[tilespmem:$0x11880] =	vst v63  }
0xaf: {  	p5 =	por !p5, p3;
	s0 =	simm.s32 @!p6 $0x80  }
0xb0: {  	s12 =	simm.s32 @!p6 $0x5880;
	p0 =	por @!p6 $0x1, $0x1;
	_ =	swait.ge @!p6 [sflag:s1], $0x4000  }
0xb1: {  	p0 =	por @!p5 p4, p4;
	[sflag:s1] =	ssyncset.done @!p6 $0x0  }
0xb2: {  	p4 =	por $0x0, $0x0;
	[sflag:s1] =	ssyncadd.s32 @!p6 $0xFFFFC000;
	s1 =	simm.s32 @!p2 $0x4  }
0xb3: {  	[tilespmem:s12], [sflag:$0x2] =	stream.indirect.gather @!p6 [hbm4b:s3+s0], $0x80, s4, s0, $0xb8;
	[tilespmem:$0x11880] =	vst v63  }
.Ltmp5:
0xb4: {  	s0 =	simm.s32 @!p2 $0x0;
	_ =	swait.ge @!p2 [sflag:s1], $0x4000;
	(pc) =	sbr.rel @!p1 .LBB2_3-.Ltmp5, $4  }
0xb5: {  	p4 =	por @!p3 p0, p0;
	s4 =	sadd.s32 @!p2 $0x1800, s26;
	[sflag:s1] =	ssyncset.done @!p2 $0x0  }
0xb6: {  	s26 =	simm.s32 @p4 $0x7;
	[sflag:s1] =	ssyncadd.s32 @!p2 $0xFFFFC000;
	s1 =	sshra.s32 @p4 s25, $0x2  }
0xb7: {  	[hbm4b:s4+s0] =	stream.linear.scatter @!p2 [tilespmem:s28], [sflag:$0x8], $0x4000, $0x38;
	[tilespmem:$0x11880] =	vst v63  }
0xb8: {  	s30 =	simm.s32 @p4 $0x9880;
	s28 =	sadd.s32 @p4 $0x300, s1;
	_ =	swait.ge @p4 [sflag:s26], $0x4000  }
.Ltmp6:
0xb9: {  	(pc) =	sbr.rel .LBB2_8-.Ltmp6, $4  }
0xba: {  	_ = 	snop  }
0xbb: {  	[sflag:s26] =	ssyncset.done @p4 $0x0  }
0xbc: {  	s0 =	simm.s32 @p4 $0x80;
	[sflag:s26] =	ssyncadd.s32 @p4 $0xFFFFC000  }
0xbd: {  	[tilespmem:s30], [sflag:$0x3] =	stream.indirect.gather @p4 [hbm4b:s3+s0], $0x80, s28, s0, $0xb8;
	[tilespmem:$0x11880] =	vst v63  }
.LBB2_9:
0xbe: {  	_ =	sfence.sel $0x180000  }
0xbf: {  	[bflag:$0x0] =	sbarrier.arrive $0xFFFF  }
0xc0: {  	_ =	strace $0x9000004A  }
0xc1: {  	s0 =	stileid.u32;
	[bflag:$0x2] =	sbarrier.arrive $0xFFFF  }
0xc2: {  	p0 =	sne.s32 s0, $0x0;
	s0 =	rddreg [dreg:$0x1]  }
0xc3: {  	s0 =	sadd.s32 @!p0 $0x100000, s0  }
0xc4: {  	[sflag:s0] =	ssyncadd.tile.s32 @!p0 $0x1;
	_ =	shalt  }
.Lfunc_end2:
_tile_overlayer_lowered:
.L_overlay_start_2:
0xc5: {  	(tag) =	ssettag $0x2  }
0xc6: {  	s0 =	rddreg [dreg:$0x0];
	s2 =	stileid.u32  }
0xc7: {  	s1 =	rddreg [dreg:$0x1];
	p0 =	sne.s32 s2, $0x0  }
0xc8: {  	s3 =	rddreg [dreg:$0x2];
	[bflag:$0x3] =	sbarrier.arrive $0xFFFF;
	s2 =	simm.s32 @!p0 $0x1C09  }
0xc9: {  	[timem:s3], [sflag:s2] =	dma.local @!p0 [hbm:s0], s1  }
0xca: {  	s0 =	simm.s32 @!p0 $0x9  }
0xcb: {  	_ =	swait.ge @!p0 [sflag:s0], s1  }
0xcc: {  	s1 =	ssub.s32 @!p0 $0x0, s1;
	[sflag:s0] =	ssyncset.done @!p0 $0x0  }
0xcd: {  	[sflag:s0] =	ssyncadd.s32 @!p0 s1  }
0xce: {  	[bflag:$0x3] =	sbarrier.arrive $0xFFFF  }
0xcf: {  	_ =	shalt  }

// kernel: kernel.16.cloned.1.call-start
scs
__scs_entry_jumppad:
0x0: {  	(pc) =	sbr.rel $0x88, $3  }
0x1: {  	(tag) =	ssettag $0x0;
	lr =	simm.s32 $0x1  }
0x2: {  	[smem:$0x3F95] =	sst lr;
	_ =	strace $0xD0000000  }
0x3: {  	_ = 	snop  }
0x4: {  	_ = 	snop  }
0x5: {  	_ = 	snop  }
0x6: {  	_ = 	snop  }
0x7: {  	_ = 	snop  }
__scs_overlays_trampoline_lowered:
0x8: {  	[smem:$0x3FA4] =	sst s0  }
0x9: {  	[smem:$0x3FA5] =	sst s1  }
0xa: {  	[smem:$0x3FA6] =	sst s2  }
0xb: {  	[smem:$0x3FA7] =	sst s3  }
0xc: {  	[smem:$0x3FA8] =	sst s4  }
0xd: {  	[smem:$0x3FA9] =	sst s5  }
0xe: {  	[smem:$0x3FAA] =	sst s6  }
0xf: {  	[smem:$0x3FAB] =	sst s7  }
0x10: {  	[smem:$0x3FAC] =	sst s8  }
0x11: {  	[smem:$0x3FAD] =	sst s9;
	s0 =	simm.s32 @!p0 $0x0  }
0x12: {  	s1 =	sld [smem:$0x3F93];
	s0 =	simm.s32 @p0 $0x1  }
0x13: {  	[smem:$0x3FAE] =	sst s0;
	s0 =	simm.s32 @!p1 $0x0  }
0x14: {  	s2 =	sld [smem:$0x3F92];
	s0 =	simm.s32 @p1 $0x1  }
0x15: {  	[smem:$0x3FAF] =	sst s0;
	s0 =	simm.s32 @!p2 $0x0  }
0x16: {  	s3 =	sld [smem:$0x3FDB];
	s0 =	simm.s32 @p2 $0x1  }
0x17: {  	s4 =	simm.s32 $0x1BF5;
	[smem:$0x3FB1] =	sst s0  }
0x18: {  	s0 =	sld [smem:$0x3F94];
	_ =	swait.ge [sflag:s4], $0x0  }
0x19: {  	s7 =	sld [smem:$0x3F95]  }
0x1a: {  	s8 =	sadd.s32 $0xFFFFE003, lr  }
0x1b: {  	s9 =	sadd.s32 $0xFFFFFEF7, lr;
	s5 =	simm.s32 $0xFFFFFFFF;
	p2 =	slt.u32 s8, $0xFFFFF086  }
0x1c: {  	p1 =	slt.u32 s9, $0xF7A;
	s5 =	simm.s32 @!p2 $0x0  }
0x1d: {  	s5 =	simm.s32 @p1 $0x1;
	p0 =	seq.s32 s7, s2  }
0x1e: {  	s7 =	smul.u32 @!p0 $0xF7A, s2;
	p2 =	seq.s32 @!p0 s5, $0x0  }
0x1f: {  	s9 =	smul.u32 $0xF7A, s1;
	s8 =	simm.s32 @!p0 $0x1BF5;
	p2 =	por !p2, p0  }
0x20: {  	[sflag:s8] =	ssyncset.s32 @!p0 $0xFFFFF086;
	s6 =	sadd.s32 @!p0 s3, s7;
	s7 =	simm.s32 @!p0 $0x108  }
0x21: {  	s3 =	sadd.s32 s3, s9;
	s6 =	sadd.s32 @!p0 $0x88, s6;
	s7 =	simm.s32 @p2 $0x1082  }
0x22: {  	[simem:s7], [sflag:s8] =	dma.local @!p0 [hbm:s6], $0xF7A  }
0x23: {  	s9 =	sor.u32 $0xD0000000, s2;
	s6 =	simm.s32 $0x108;
	_ =	swait.ge @!p0 [sflag:s8], $0x0  }
0x24: {  	s3 =	sadd.s32 $0x88, s3;
	s6 =	simm.s32 @!p1 $0x1082;
	[sflag:s4] =	ssyncset.s32 $0xFFFFF086  }
0x25: {  	[simem:s6], [sflag:s4] =	dma.local [hbm:s3], $0xF7A  }
0x26: {  	[smem:$0x3F95] =	sst s1;
	(tag) =	ssettag s2;
	_ =	strace s9  }
0x27: {  	s1 =	sld [smem:$0x3FA5]  }
0x28: {  	s2 =	sld [smem:$0x3FA6]  }
0x29: {  	s4 =	sld [smem:$0x3FA8]  }
0x2a: {  	p0 =	seq.s32 s5, $0x0;
	s5 =	sld [smem:$0x3FA9]  }
0x2b: {  	s6 =	sld [smem:$0x3FAA]  }
0x2c: {  	s7 =	sld [smem:$0x3FAB]  }
0x2d: {  	s3 =	simm.s32 $0x108;
	s8 =	sld [smem:$0x3FAC]  }
0x2e: {  	s3 =	simm.s32 @!p0 $0x1082;
	s9 =	sld [smem:$0x3FAD]  }
0x2f: {  	lr =	sadd.s32 s0, s3;
	s0 =	sld [smem:$0x3FA4]  }
0x30: {  	s3 =	sld [smem:$0x3FA7]  }
0x31: {  	[smem:$0x3FB0] =	sst s10  }
0x32: {  	s10 =	sld [smem:$0x3FAE];
	_ =	sdelay $0x3  }
0x33: {  	p0 =	seq.s32 s10, $0x1;
	s10 =	sld [smem:$0x3FB0];
	_ =	sdelay $0x3  }
0x34: {  	[smem:$0x3FB0] =	sst s10  }
0x35: {  	s10 =	sld [smem:$0x3FAF];
	_ =	sdelay $0x3  }
0x36: {  	p1 =	seq.s32 s10, $0x1;
	s10 =	sld [smem:$0x3FB0];
	_ =	sdelay $0x3  }
0x37: {  	[smem:$0x3FB0] =	sst s10  }
0x38: {  	s10 =	sld [smem:$0x3FB1]  }
0x39: {  	_ = 	snop;
	(pc) =	sbr.ind lr, $3  }
0x3a: {  	_ = 	snop  }
0x3b: {  	_ = 	snop  }
0x3c: {  	p2 =	seq.s32 s10, $0x1;
	s10 =	sld [smem:$0x3FB0]  }
0x3d: {  	_ =	shalt  }
0x3e: {  	_ =	shalt  }
0x3f: {  	_ =	shalt  }
0x40: {  	_ =	shalt  }
0x41: {  	_ =	shalt  }
0x42: {  	_ =	shalt  }
0x43: {  	_ =	shalt  }
0x44: {  	_ =	shalt  }
0x45: {  	_ =	shalt  }
0x46: {  	_ =	shalt  }
0x47: {  	_ =	shalt  }
0x48: {  	_ =	shalt  }
0x49: {  	_ =	shalt  }
0x4a: {  	_ =	shalt  }
0x4b: {  	_ =	shalt  }
0x4c: {  	_ =	shalt  }
0x4d: {  	_ =	shalt  }
0x4e: {  	_ =	shalt  }
0x4f: {  	_ =	shalt  }
0x50: {  	_ =	shalt  }
0x51: {  	_ =	shalt  }
0x52: {  	_ =	shalt  }
0x53: {  	_ =	shalt  }
0x54: {  	_ =	shalt  }
0x55: {  	_ =	shalt  }
0x56: {  	_ =	shalt  }
0x57: {  	_ =	shalt  }
0x58: {  	_ =	shalt  }
0x59: {  	_ =	shalt  }
0x5a: {  	_ =	shalt  }
0x5b: {  	_ =	shalt  }
0x5c: {  	_ =	shalt  }
0x5d: {  	_ =	shalt  }
0x5e: {  	_ =	shalt  }
0x5f: {  	_ =	shalt  }
0x60: {  	_ =	shalt  }
0x61: {  	_ =	shalt  }
0x62: {  	_ =	shalt  }
0x63: {  	_ =	shalt  }
0x64: {  	_ =	shalt  }
0x65: {  	_ =	shalt  }
0x66: {  	_ =	shalt  }
0x67: {  	_ =	shalt  }
0x68: {  	_ =	shalt  }
0x69: {  	_ =	shalt  }
0x6a: {  	_ =	shalt  }
0x6b: {  	_ =	shalt  }
0x6c: {  	_ =	shalt  }
0x6d: {  	_ =	shalt  }
0x6e: {  	_ =	shalt  }
0x6f: {  	_ =	shalt  }
0x70: {  	_ =	shalt  }
0x71: {  	_ =	shalt  }
0x72: {  	_ =	shalt  }
0x73: {  	_ =	shalt  }
0x74: {  	_ =	shalt  }
0x75: {  	_ =	shalt  }
0x76: {  	_ =	shalt  }
0x77: {  	_ =	shalt  }
0x78: {  	_ =	shalt  }
0x79: {  	_ =	shalt  }
0x7a: {  	_ =	shalt  }
0x7b: {  	_ =	shalt  }
0x7c: {  	_ =	shalt  }
0x7d: {  	_ =	shalt  }
0x7e: {  	_ =	shalt  }
0x7f: {  	_ =	shalt  }
0x80: {  	_ =	shalt  }
0x81: {  	_ =	shalt  }
0x82: {  	_ =	shalt  }
0x83: {  	_ =	shalt  }
0x84: {  	_ =	shalt  }
0x85: {  	_ =	shalt  }
0x86: {  	_ =	shalt  }
0x87: {  	_ =	shalt  }
.Lfunc_end0:
.L_simem_size_0:
called_computation.2_lowered:
.L_overlay_start_0:
0x88: {  	s2 =	sld [smem:$0x3FD9]  }
0x89: {  	s3 =	sld [smem:$0x3FFE];
	_ =	sdelay $0x1  }
0x8a: {  	s1 =	srdreg.scid  }
0x8b: {  	s0 =	sand.u32 $0x1, s1  }
0x8c: {  	s16 =	sshll.u32 s0, $0xA;
	s2 =	sadd.s32 s3, s2  }
0x8d: {  	s2 =	sadd.s32 s2, s16  }
0x8e: {  	[smem:$0x3FBC] =	sst s2  }
0x8f: {  	_ = 	snop  }
0x90: {  	(tm) =	ssettm $0x1  }
0x91: {  	s17 =	sld [smem:$0x3FFB];
	_ =	sdelay $0x3  }
0x92: {  	_ =	strace s17  }
0x93: {  	s2 =	sld [smem:$0x3FFC];
	_ =	sdelay $0x3  }
0x94: {  	_ =	strace s2  }
0x95: {  	s2 =	sld [smem:$0x3FFD];
	_ =	sdelay $0x3  }
0x96: {  	_ =	strace s2  }
0x97: {  	_ =	strace $0x8FFFFFFF  }
0x98: {  	s18 =	sld [smem:$0x3FDB];
	_ =	sdelay $0x1  }
0x99: {  	s19 =	simm.s32 $_scs_section_size  }
0x9a: {  	s4 =	simm.s32 $_size__tile_overlayer_lowered;
	s5 =	simm.s32 $_tile_overlayer_lowered  }
0x9b: {  	s22 =	simm.s32 $0x1BFF;
	s21 =	sshll.u32 s5, $0x1;
	s2 =	sadd.s32 s19, s18  }
0x9c: {  	s6 =	simm.s32 $0x0;
	s20 =	sshll.u32 s4, $0x1;
	s4 =	sadd.s32 s21, s2  }
0x9d: {  	[timem:s6], [sflag:s22] =	dma.local [hbm:s4], s20  }
0x9e: {  	_ =	swait.ge [sflag:s22], s20  }
0x9f: {  	s3 =	ssub.s32 $0x0, s20;
	[sflag:s22] =	ssyncset.done $0x0  }
0xa0: {  	[sflag:s22] =	ssyncadd.s32 s3;
	_ =	sdelay $0x1  }
0xa1: {  	s23 =	simm.s32 $0x1B8B  }
0xa2: {  	_ =	swait.ge [sflag:s23], $0x1  }
0xa3: {  	[sflag:s23] =	ssyncset.done $0x0  }
0xa4: {  	s25 =	simm.s32 $0x1B8E;
	s24 =	sld [smem:$0x3FFE];
	[sflag:s23] =	ssyncadd.s32 $0xFFFFFFFF  }
0xa5: {  	s26 =	simm.s32 $execute0_lowered;
	[smem:$0x3FD2] =	sst s25  }
0xa6: {  	s4 =	sshll.u32 s26, $0x1;
	_ =	strace $0x8000004C;
	[dreg:$0x1] =	wrdreg $0xFFFFFFFF  }
0xa7: {  	s28 =	simm.s32 $_size_execute0_lowered;
	s2 =	sadd.s32 s2, s4;
	[dreg:$0x0] =	wrdreg $0x0  }
0xa8: {  	s4 =	sshll.u32 s28, $0x1;
	[dreg:$0x2] =	wrdreg s2  }
0xa9: {  	[dreg:$0x3] =	wrdreg s4  }
0xaa: {  	[dreg:$0x4] =	wrdreg $0xC0  }
0xab: {  	_ =	task [dreg:s6], $0x5FFFF  }
0xac: {  	[dreg:$0x1] =	wrdreg $0xFFFFFFFF  }
0xad: {  	[dreg:$0x0] =	wrdreg $0x60  }
0xae: {  	[dreg:$0x2] =	wrdreg s24  }
0xaf: {  	[dreg:$0x3] =	wrdreg $0x9  }
0xb0: {  	_ =	task.clear_ibuf [dreg:s6], $0x4FFFF;
	_ =	strace $0x9000004C  }
0xb1: {  	s29 =	simm.s32 $0x9;
	_ =	strace $0x8000004E  }
0xb2: {  	_ =	swait.ge [sflag:s29], $0x1  }
0xb3: {  	[sflag:s29] =	ssyncadd.s32 $0xFFFFFFFF  }
0xb4: {  	_ =	strace $0x9000004E  }
0xb5: {  	_ =	sfence  }
0xb6: {  	s30 =	sld [smem:$0x0];
	_ =	sdelay $0x2  }
0xb7: {  	s31 =	sshll.u32 s1, $0xD;
	s1 =	sshrl.u32 s1, $0x2  }
0xb8: {  	s3 =	sand.u32 $0x4000, s31;
	s1 =	sadd.s32 s1, s30  }
0xb9: {  	s0 =	sor.u32 s3, s0;
	s1 =	sshll.u32 s1, $0x11  }
0xba: {  	s0 =	sor.u32 s1, s0  }
0xbb: {  	s0 =	sadd.s32 $0x8F2B, s0  }
0xbc: {  	[sflag:s0] =	ssyncadd.remote.s32 $0x1  }
0xbd: {  	_ =	sfence.sel $0xFFFF  }
0xbe: {  	[dreg:$0x0] =	wrdreg $0xFFFFFFFF;
	(pc) =	sbr.abs _section_cstart, $3  }
0xbf: {  	[dreg:$0x1] =	wrdreg $0xFFFFFFFF  }
0xc0: {  	_ =	task.clear_ibuf [dreg:s6], $0x2FFFF;
	_ =	strace $0x9FFFFFFF  }
0xc1: {  	(tm) =	ssettm $0x7FFFFFFF  }
tec
execute0_lowered:
.L_overlay_start_1:
0x0: {  	(tag) =	ssettag $0x1  }
0x1: {  	s4 =	rddreg [dreg:$0x0];
	s2 =	simm.s32 $0x0;
	s0 =	stileid.u32  }
0x2: {  	s3 =	srdreg.scid;
	s11 =	simm.s32 $0x1880;
	s15 =	simm.s32 $0x1  }
0x3: {  	s16 =	simm.s32 $0x6;
	s17 =	simm.s32 $0x7;
	s18 =	simm.s32 $0x8  }
0x4: {  	s19 =	simm.s32 $0x5;
	s20 =	simm.s32 $0x0;
	s5 =	smul.u32 $0x3100, s0  }
0x5: {  	[smem:$0x7FF] =	sst s2;
	s6 =	sand.u32 $0x1, s3;
	s7 =	smul.u32 $0x31000, s0  }
0x6: {  	s3 =	sadd.s32 $0x2400, s4;
	_ =	strace $0x8000004D;
	s8 =	ssub.s32 $0x2, s6  }
0x7: {  	p0 =	seq.s32 s6, $0x1;
	s5 =	sshrl.u32 s5, $0x3;
	s9 =	sshrl.u32 s8, $0x1  }
.Ltmp0:
0x8: {  	s10 =	sadd.s32 s7, s4;
	s0 =	simm.s32 @!p0 $0x0;
	(pc) =	sbr.rel .LBB2_1-.Ltmp0, $4  }
0x9: {  	s5 =	sadd.s32 s5, s4;
	s30 =	ssub.s32 s8, s9;
	s0 =	simm.s32 @p0 $0x1  }
0xa: {  	s7 =	sadd.s32 $0xE4E00, s10;
	s8 =	sadd.s32 $0xFD600, s10;
	s9 =	simm.s32 $0x9  }
0xb: {  	s10 =	simm.s32 $0x80;
	[smem:$0x7FD] =	sst s0;
	s31 =	sadd.s32 $0xDEC00, s5  }
0xc: {  	s5 =	sadd.s32 $0xDEF10, s5;
	s6 =	smax.u32 s30, $0x1;
	[dreg:$0x2] =	wrdreg s31  }
.LBB2_7:
0xd: {  	[sflag:s26] =	ssyncset.done @p4 $0x0  }
0xe: {  	s0 =	simm.s32 @p4 $0x80;
	[sflag:s26] =	ssyncadd.s32 @p4 $0xFFFFC000  }
0xf: {  	[tilespmem:s30], [sflag:$0x3] =	stream.indirect.gather @p4 [hbm4b:s3+s0], $0x80, s28, s0, $0xb8;
	[tilespmem:$0x11880] =	vst v63  }
.LBB2_8:
0x10: {  	_ =	swait.ge [sflag:s16], $0x4000  }
0x11: {  	[sflag:s16] =	ssyncset.done $0x0  }
0x12: {  	[sflag:s16] =	ssyncadd.s32 $0xFFFFC000  }
0x13: {  	_ =	swait.ge [sflag:s17], $0x4000  }
0x14: {  	[sflag:s17] =	ssyncset.done $0x0  }
0x15: {  	s20 =	sadd.s32 $0x1, s20;
	[sflag:s17] =	ssyncadd.s32 $0xFFFFC000  }
0x16: {  	p0 =	sne.s32 s20, s6;
	_ =	swait.ge [sflag:s18], $0x4000  }
.Ltmp1:
0x17: {  	[sflag:s18] =	ssyncset.done $0x0;
	(pc) =	sbr.rel @!p0 .LBB2_9-.Ltmp1, $4  }
0x18: {  	[sflag:s18] =	ssyncadd.s32 $0xFFFFC000  }
0x19: {  	_ =	swait.ge [sflag:s19], $0x4000  }
0x1a: {  	[sflag:s19] =	ssyncset.done $0x0  }
0x1b: {  	[sflag:s19] =	ssyncadd.s32 $0xFFFFC000  }
.LBB2_1:
0x1c: {  	s0 =	sld [smem:$0x7FD];
	_ =	sdelay $0x2  }
0x1d: {  	p0 =	seq.s32 s0, $0x1  }
.Ltmp2:
0x1e: {  	_ = 	snop;
	(pc) =	sbr.rel @!p0 .LBB2_2-.Ltmp2, $1  }
0x1f: {  	_ =	sdelay $0x3  }
0x20: {  	s0 =	simm.s32 $0x0  }
0x21: {  	[tilespmem:s0], [sflag:$0x9] =	stream.linear.gather [hbm4b:s5+s0], $0x1880, $0x38;
	[tilespmem:$0x11880] =	vst v63  }
0x22: {  	_ =	swait.ge [sflag:s9], $0x1880  }
0x23: {  	[sflag:s9] =	ssyncset.done $0x0  }
0x24: {  	[sflag:s9] =	ssyncadd.s32 $0xFFFFE780  }
0x25: {  	[tilespmem:s11], [sflag:$0x1] =	stream.indirect.gather [hbm4b:s3+s10], $0x80, s0, s10, $0xb8;
	[tilespmem:$0x11880] =	vst v63  }
0x26: {  	s29 =	simm.s32 $0x5880  }
0x27: {  	[tilespmem:s29], [sflag:$0x2] =	stream.indirect.gather [hbm4b:s3+s10], $0x80, s10, s10, $0xb8;
	[tilespmem:$0x11880] =	vst v63  }
0x28: {  	s31 =	simm.s32 $0x100;
	s1 =	simm.s32 $0x9880;
	p1 =	por $0x0, $0x0  }
0x29: {  	[tilespmem:s1], [sflag:$0x3] =	stream.indirect.gather [hbm4b:s3+s10], $0x80, s31, s10, $0xb8;
	[tilespmem:$0x11880] =	vst v63  }
0x2a: {  	s21 =	simm.s32 $0x800;
	p0 =	por @!p1 $0x1, $0x1;
	_ =	swait.ge [sflag:s15], $0x4000  }
0x2b: {  	p3 =	por $0x0, $0x0;
	p0 =	por p0, p1;
	[sflag:s15] =	ssyncset.done $0x0  }
0x2c: {  	p2 =	por $0x0, $0x0;
	s0 =	simm.s32 @!p0 $0x8;
	[sflag:s15] =	ssyncadd.s32 $0xFFFFC000  }
0x2d: {  	[hbm4b:s8+s2] =	stream.linear.scatter [tilespmem:s11], [sflag:$0x5], $0x4000, $0x38;
	[tilespmem:$0x11880] =	vst v63  }
0x2e: {  	s23 =	simm.s32 $0x1;
	s4 =	simm.s32 @!p1 $0xD880;
	_ =	swait.ge @!p0 [sflag:s0], $0x4000  }
0x2f: {  	s12 =	simm.s32 @!p1 $0x80;
	s13 =	sadd.s32 @!p3 $0x800, s8;
	[sflag:s0] =	ssyncset.done @!p0 $0x0  }
0x30: {  	s1 =	simm.s32 @!p1 $0x180;
	[sflag:s0] =	ssyncadd.s32 @!p0 $0xFFFFC000;
	s0 =	simm.s32 @!p3 $0x2  }
0x31: {  	[tilespmem:s4], [sflag:$0x4] =	stream.indirect.gather @!p1 [hbm4b:s3+s12], $0x80, s1, s12, $0xb8;
	[tilespmem:$0x11880] =	vst v63  }
0x32: {  	s14 =	simm.s32 @!p2 $0x80;
	p0 =	por @!p2 $0x0, $0x0;
	_ =	swait.ge @!p3 [sflag:s0], $0x4000  }
0x33: {  	s1 =	simm.s32 @!p3 $0x0;
	s12 =	simm.s32 @!p3 $0x5880;
	[sflag:s0] =	ssyncset.done @!p3 $0x0  }
0x34: {  	p4 =	por p0, p2;
	[sflag:s0] =	ssyncadd.s32 @!p3 $0xFFFFC000;
	s0 =	simm.s32 @!p2 $0x5  }
0x35: {  	[hbm4b:s13+s1] =	stream.linear.scatter @!p3 [tilespmem:s12], [sflag:$0x6], $0x4000, $0x38;
	[tilespmem:$0x11880] =	vst v63  }
0x36: {  	p0 =	por @!p2 $0x0, $0x0;
	s22 =	simm.s32 @!p4 $0x0;
	_ =	swait.ge @!p2 [sflag:s0], $0x4000  }
0x37: {  	s1 =	simm.s32 @!p2 $0x1880;
	s12 =	simm.s32 @!p2 $0x200;
	[sflag:s0] =	ssyncset.done @!p2 $0x0  }
0x38: {  	s13 =	simm.s32 @!p4 $0x3;
	p3 =	por @!p2 $0x0, $0x0;
	[sflag:s0] =	ssyncadd.s32 @!p2 $0xFFFFC000  }
0x39: {  	[tilespmem:s1], [sflag:$0x1] =	stream.indirect.gather @!p2 [hbm4b:s3+s14], $0x80, s12, s14, $0xb8;
	[tilespmem:$0x11880] =	vst v63  }
0x3a: {  	p5 =	por p3, p2;
	p3 =	por !p3, p2;
	_ =	swait.ge @!p4 [sflag:s13], $0x4000  }
0x3b: {  	p6 =	por @!p5 $0x1, $0x1;
	s0 =	sadd.s32 @!p4 $0x1000, s8;
	[sflag:s13] =	ssyncset.done @!p4 $0x0  }
0x3c: {  	s1 =	simm.s32 @!p5 $0x6;
	s12 =	simm.s32 @!p4 $0x9880;
	[sflag:s13] =	ssyncadd.s32 @!p4 $0xFFFFC000  }
0x3d: {  	[hbm4b:s0+s22] =	stream.linear.scatter @!p4 [tilespmem:s12], [sflag:$0x7], $0x4000, $0x38;
	[tilespmem:$0x11880] =	vst v63  }
0x3e: {  	p6 =	por @!p3 p0, p0;
	s13 =	simm.s32 @!p5 $0x5880;
	_ =	swait.ge @!p5 [sflag:s1], $0x4000  }
0x3f: {  	s0 =	simm.s32 @!p5 $0x280;
	s12 =	simm.s32 @!p5 $0x80;
	[sflag:s1] =	ssyncset.done @!p5 $0x0  }
0x40: {  	p4 =	por $0x0, $0x0;
	[sflag:s1] =	ssyncadd.s32 @!p5 $0xFFFFC000;
	s1 =	simm.s32 @!p1 $0x4  }
0x41: {  	[tilespmem:s13], [sflag:$0x2] =	stream.indirect.gather @!p5 [hbm4b:s3+s12], $0x80, s0, s12, $0xb8;
	[tilespmem:$0x11880] =	vst v63  }
0x42: {  	s24 =	sadd.s32 $0x2000, s8;
	p4 =	por @!p2 p6, p6;
	_ =	swait.ge @!p1 [sflag:s1], $0x4000  }
0x43: {  	s22 =	simm.s32 $0x7;
	s26 =	simm.s32 @p4 $0x7;
	[sflag:s1] =	ssyncset.done @!p1 $0x0  }
0x44: {  	s0 =	simm.s32 @!p1 $0x0;
	s12 =	sadd.s32 @!p1 $0x1800, s8;
	[sflag:s1] =	ssyncadd.s32 @!p1 $0xFFFFC000  }
0x45: {  	[hbm4b:s12+s0] =	stream.linear.scatter @!p1 [tilespmem:s4], [sflag:$0x8], $0x4000, $0x38;
	[tilespmem:$0x11880] =	vst v63  }
0x46: {  	s28 =	simm.s32 @p4 $0x300;
	s30 =	simm.s32 @p4 $0x9880;
	_ =	swait.ge @p4 [sflag:s26], $0x4000  }
.LBB2_6:
0x47: {  	[sflag:s26] =	ssyncset.done @p4 $0x0;
	s0 =	simm.s32 @p4 $0x80;
	s25 =	smov.u32 s21  }
0x48: {  	s21 =	sadd.s32 $0x800, s21;
	s1 =	smov.u32 s22;
	s29 =	smov.u32 s23  }
0x49: {  	p1 =	sne.s32 s21, $0x6800;
	[sflag:s26] =	ssyncadd.s32 @p4 $0xFFFFC000;
	s26 =	smov.u32 s24  }
0x4a: {  	[tilespmem:s30], [sflag:$0x3] =	stream.indirect.gather @p4 [hbm4b:s3+s0], $0x80, s28, s0, $0xb8;
	[tilespmem:$0x11880] =	vst v63  }
0x4b: {  	s22 =	sadd.s32 $0x4, s22;
	p2 =	sgt.u32 s1, $0x30;
	_ =	swait.ge [sflag:s15], $0x4000  }
0x4c: {  	p0 =	seq.s32 @!p2 s25, $0x0;
	s0 =	sshra.s32 @!p2 s25, $0x2;
	[sflag:s15] =	ssyncset.done $0x0  }
0x4d: {  	p0 =	por p0, p2;
	s0 =	sadd.s32 @!p2 $0x180, s0;
	[sflag:s15] =	ssyncadd.s32 $0xFFFFC000  }
0x4e: {  	[hbm4b:s24+s2] =	stream.linear.scatter [tilespmem:s11], [sflag:$0x5], $0x4000, $0x38;
	[tilespmem:$0x11880] =	vst v63  }
0x4f: {  	s23 =	sadd.s32 $0x1, s23;
	s4 =	simm.s32 @!p0 $0x8;
	s24 =	sadd.s32 $0x2000, s24  }
0x50: {  	s12 =	sadd.s32 $0xFFFFFFFE, s1;
	s28 =	simm.s32 @!p2 $0xD880;
	_ =	swait.ge @!p0 [sflag:s4], $0x4000  }
0x51: {  	s13 =	simm.s32 @!p2 $0x80;
	p4 =	sgt.u32 s12, $0x30;
	[sflag:s4] =	ssyncset.done @!p0 $0x0  }
0x52: {  	s12 =	simm.s32 @!p4 $0x0;
	[sflag:s4] =	ssyncadd.s32 @!p0 $0xFFFFC000;
	s4 =	simm.s32 @!p4 $0x2  }
0x53: {  	[tilespmem:s28], [sflag:$0x4] =	stream.indirect.gather @!p2 [hbm4b:s3+s13], $0x80, s0, s13, $0xb8;
	[tilespmem:$0x11880] =	vst v63  }
0x54: {  	p3 =	seq.s32 s25, $0x6000;
	s0 =	simm.s32 @!p4 $0x5880;
	_ =	swait.ge @!p4 [sflag:s4], $0x4000  }
0x55: {  	s14 =	sshra.s32 @!p3 s25, $0x2;
	s13 =	sadd.s32 @!p4 $0x800, s26;
	[sflag:s4] =	ssyncset.done @!p4 $0x0  }
0x56: {  	s1 =	sadd.s32 @!p3 $0xFFFFFFFF, s1;
	[sflag:s4] =	ssyncadd.s32 @!p4 $0xFFFFC000;
	s4 =	simm.s32 @!p3 $0x5  }
0x57: {  	s30 =	simm.s32 @!p3 $0x80;
	s31 =	simm.s32 @!p3 $0x1880;
	p0 =	sgt.u32 @!p3 s1, $0x30  }
0x58: {  	[hbm4b:s13+s12] =	stream.linear.scatter @!p4 [tilespmem:s0], [sflag:$0x6], $0x4000, $0x38;
	[tilespmem:$0x11880] =	vst v63  }
0x59: {  	p6 =	por p0, p3;
	s0 =	sadd.s32 @!p3 $0x200, s14;
	_ =	swait.ge @!p3 [sflag:s4], $0x4000  }
0x5a: {  	s1 =	simm.s32 @!p6 $0x3;
	s12 =	simm.s32 @!p6 $0x0;
	[sflag:s4] =	ssyncset.done @!p3 $0x0  }
0x5b: {  	p5 =	sgt.u32 @!p3 s29, $0xA;
	p4 =	por @!p3 $0x0, $0x0;
	[sflag:s4] =	ssyncadd.s32 @!p3 $0xFFFFC000  }
0x5c: {  	[tilespmem:s31], [sflag:$0x1] =	stream.indirect.gather @!p3 [hbm4b:s3+s30], $0x80, s0, s30, $0xb8;
	[tilespmem:$0x11880] =	vst v63  }
0x5d: {  	p0 =	por p5, p3;
	s0 =	sadd.s32 @!p6 $0x1000, s26;
	_ =	swait.ge @!p6 [sflag:s1], $0x4000  }
0x5e: {  	s13 =	sshra.s32 @!p0 s25, $0x2;
	s4 =	simm.s32 @!p0 $0x6;
	[sflag:s1] =	ssyncset.done @!p6 $0x0  }
0x5f: {  	s13 =	sadd.s32 @!p0 $0x280, s13;
	[sflag:s1] =	ssyncadd.s32 @!p6 $0xFFFFC000;
	s1 =	simm.s32 @!p6 $0x9880  }
0x60: {  	[hbm4b:s0+s12] =	stream.linear.scatter @!p6 [tilespmem:s1], [sflag:$0x7], $0x4000, $0x38;
	[tilespmem:$0x11880] =	vst v63  }
0x61: {  	p5 =	por !p5, p3;
	s0 =	simm.s32 @!p0 $0x80  }
0x62: {  	s1 =	simm.s32 @!p0 $0x5880;
	p6 =	por @!p0 $0x1, $0x1;
	_ =	swait.ge @!p0 [sflag:s4], $0x4000  }
0x63: {  	p6 =	por @!p5 p4, p4;
	[sflag:s4] =	ssyncset.done @!p0 $0x0  }
0x64: {  	p4 =	por $0x0, $0x0;
	[sflag:s4] =	ssyncadd.s32 @!p0 $0xFFFFC000;
	s4 =	simm.s32 @!p2 $0x4  }
0x65: {  	[tilespmem:s1], [sflag:$0x2] =	stream.indirect.gather @!p0 [hbm4b:s3+s0], $0x80, s13, s0, $0xb8;
	[tilespmem:$0x11880] =	vst v63  }
.Ltmp3:
0x66: {  	s0 =	simm.s32 @!p2 $0x0;
	_ =	swait.ge @!p2 [sflag:s4], $0x4000;
	(pc) =	sbr.rel @p1 .LBB2_6-.Ltmp3, $4  }
0x67: {  	p4 =	por @!p3 p6, p6;
	s1 =	sadd.s32 @!p2 $0x1800, s26;
	[sflag:s4] =	ssyncset.done @!p2 $0x0  }
0x68: {  	s26 =	simm.s32 @p4 $0x7;
	[sflag:s4] =	ssyncadd.s32 @!p2 $0xFFFFC000;
	s4 =	sshra.s32 @p4 s25, $0x2  }
0x69: {  	[hbm4b:s1+s0] =	stream.linear.scatter @!p2 [tilespmem:s28], [sflag:$0x8], $0x4000, $0x38;
	[tilespmem:$0x11880] =	vst v63  }
0x6a: {  	s30 =	simm.s32 @p4 $0x9880;
	s28 =	sadd.s32 @p4 $0x300, s4;
	_ =	swait.ge @p4 [sflag:s26], $0x4000  }
.Ltmp4:
0x6b: {  	_ = 	snop;
	(pc) =	sbr.rel .LBB2_7-.Ltmp4, $1  }
0x6c: {  	_ =	sdelay $0x3  }
.LBB2_2:
0x6d: {  	s21 =	simm.s32 $0x0;
	s0 =	rddreg [dreg:$0x2]  }
0x6e: {  	[tilespmem:s21], [sflag:$0x9] =	stream.linear.gather [hbm4b:s0+s21], $0x1880, $0x38;
	[tilespmem:$0x11880] =	vst v63  }
0x6f: {  	_ =	swait.ge [sflag:s9], $0x1880  }
0x70: {  	[sflag:s9] =	ssyncset.done $0x0  }
0x71: {  	[sflag:s9] =	ssyncadd.s32 $0xFFFFE780  }
0x72: {  	[tilespmem:s11], [sflag:$0x1] =	stream.indirect.gather [hbm4b:s3+s10], $0x80, s21, s10, $0xb8;
	[tilespmem:$0x11880] =	vst v63  }
0x73: {  	s29 =	simm.s32 $0x5880  }
0x74: {  	[tilespmem:s29], [sflag:$0x2] =	stream.indirect.gather [hbm4b:s3+s10], $0x80, s10, s10, $0xb8;
	[tilespmem:$0x11880] =	vst v63  }
0x75: {  	s31 =	simm.s32 $0x100;
	s1 =	simm.s32 $0x9880;
	p1 =	por $0x0, $0x0  }
0x76: {  	[tilespmem:s1], [sflag:$0x3] =	stream.indirect.gather [hbm4b:s3+s10], $0x80, s31, s10, $0xb8;
	[tilespmem:$0x11880] =	vst v63  }
0x77: {  	p0 =	por @!p1 $0x1, $0x1;
	_ =	swait.ge [sflag:s15], $0x4000  }
0x78: {  	p0 =	por p0, p1;
	[sflag:s15] =	ssyncset.done $0x0  }
0x79: {  	p3 =	por $0x0, $0x0;
	s22 =	simm.s32 @!p0 $0x8;
	[sflag:s15] =	ssyncadd.s32 $0xFFFFC000  }
0x7a: {  	[hbm4b:s7+s2] =	stream.linear.scatter [tilespmem:s11], [sflag:$0x5], $0x4000, $0x38;
	[tilespmem:$0x11880] =	vst v63  }
0x7b: {  	p2 =	por $0x0, $0x0;
	s23 =	simm.s32 @!p1 $0x180;
	_ =	swait.ge @!p0 [sflag:s22], $0x4000  }
0x7c: {  	s24 =	simm.s32 @!p1 $0xD880;
	s25 =	simm.s32 @!p1 $0x80;
	[sflag:s22] =	ssyncset.done @!p0 $0x0  }
0x7d: {  	s26 =	sadd.s32 @!p3 $0x800, s7;
	[sflag:s22] =	ssyncadd.s32 @!p0 $0xFFFFC000;
	s22 =	simm.s32 @!p3 $0x2  }
0x7e: {  	[tilespmem:s24], [sflag:$0x4] =	stream.indirect.gather @!p1 [hbm4b:s3+s25], $0x80, s23, s25, $0xb8;
	[tilespmem:$0x11880] =	vst v63  }
0x7f: {  	s28 =	simm.s32 @!p2 $0x80;
	p0 =	por @!p2 $0x0, $0x0;
	_ =	swait.ge @!p3 [sflag:s22], $0x4000  }
0x80: {  	s23 =	simm.s32 @!p3 $0x0;
	s25 =	simm.s32 @!p3 $0x5880;
	[sflag:s22] =	ssyncset.done @!p3 $0x0  }
0x81: {  	p4 =	por p0, p2;
	[sflag:s22] =	ssyncadd.s32 @!p3 $0xFFFFC000;
	s22 =	simm.s32 @!p2 $0x5  }
0x82: {  	[hbm4b:s26+s23] =	stream.linear.scatter @!p3 [tilespmem:s25], [sflag:$0x6], $0x4000, $0x38;
	[tilespmem:$0x11880] =	vst v63  }
0x83: {  	p0 =	por @!p2 $0x0, $0x0;
	s29 =	simm.s32 @!p4 $0x0;
	_ =	swait.ge @!p2 [sflag:s22], $0x4000  }
0x84: {  	s23 =	simm.s32 @!p2 $0x1880;
	s25 =	simm.s32 @!p2 $0x200;
	[sflag:s22] =	ssyncset.done @!p2 $0x0  }
0x85: {  	s26 =	simm.s32 @!p4 $0x3;
	p3 =	por @!p2 $0x0, $0x0;
	[sflag:s22] =	ssyncadd.s32 @!p2 $0xFFFFC000  }
0x86: {  	[tilespmem:s23], [sflag:$0x1] =	stream.indirect.gather @!p2 [hbm4b:s3+s28], $0x80, s25, s28, $0xb8;
	[tilespmem:$0x11880] =	vst v63  }
0x87: {  	p5 =	por p3, p2;
	p3 =	por !p3, p2;
	_ =	swait.ge @!p4 [sflag:s26], $0x4000  }
0x88: {  	p6 =	por @!p5 $0x1, $0x1;
	s22 =	sadd.s32 @!p4 $0x1000, s7;
	[sflag:s26] =	ssyncset.done @!p4 $0x0  }
0x89: {  	s23 =	simm.s32 @!p5 $0x6;
	s25 =	simm.s32 @!p4 $0x9880;
	[sflag:s26] =	ssyncadd.s32 @!p4 $0xFFFFC000  }
0x8a: {  	[hbm4b:s22+s29] =	stream.linear.scatter @!p4 [tilespmem:s25], [sflag:$0x7], $0x4000, $0x38;
	[tilespmem:$0x11880] =	vst v63  }
0x8b: {  	p6 =	por @!p3 p0, p0;
	s26 =	simm.s32 @!p5 $0x5880;
	_ =	swait.ge @!p5 [sflag:s23], $0x4000  }
0x8c: {  	s22 =	simm.s32 @!p5 $0x280;
	s25 =	simm.s32 @!p5 $0x80;
	[sflag:s23] =	ssyncset.done @!p5 $0x0  }
0x8d: {  	p4 =	por $0x0, $0x0;
	[sflag:s23] =	ssyncadd.s32 @!p5 $0xFFFFC000;
	s23 =	simm.s32 @!p1 $0x4  }
0x8e: {  	[tilespmem:s26], [sflag:$0x2] =	stream.indirect.gather @!p5 [hbm4b:s3+s25], $0x80, s22, s25, $0xb8;
	[tilespmem:$0x11880] =	vst v63  }
0x8f: {  	p4 =	por @!p2 p6, p6;
	_ =	swait.ge @!p1 [sflag:s23], $0x4000  }
0x90: {  	s21 =	simm.s32 $0x800;
	s28 =	simm.s32 @p4 $0x300;
	[sflag:s23] =	ssyncset.done @!p1 $0x0  }
0x91: {  	s25 =	simm.s32 @!p1 $0x0;
	s26 =	sadd.s32 @!p1 $0x1800, s7;
	[sflag:s23] =	ssyncadd.s32 @!p1 $0xFFFFC000  }
0x92: {  	[hbm4b:s26+s25] =	stream.linear.scatter @!p1 [tilespmem:s24], [sflag:$0x8], $0x4000, $0x38;
	[tilespmem:$0x11880] =	vst v63  }
0x93: {  	s30 =	simm.s32 @p4 $0x9880;
	s22 =	simm.s32 $0x7;
	s26 =	simm.s32 @p4 $0x7  }
0x94: {  	s23 =	simm.s32 $0x1;
	s24 =	sadd.s32 $0x2000, s7;
	_ =	swait.ge @p4 [sflag:s26], $0x4000  }
.LBB2_3:
0x95: {  	[sflag:s26] =	ssyncset.done @p4 $0x0;
	s31 =	simm.s32 @p4 $0x80;
	s25 =	smov.u32 s21  }
0x96: {  	s21 =	sadd.s32 $0x800, s21;
	s0 =	smov.u32 s22;
	s29 =	smov.u32 s23  }
0x97: {  	p1 =	seq.s32 s21, $0x6800;
	[sflag:s26] =	ssyncadd.s32 @p4 $0xFFFFC000;
	s26 =	smov.u32 s24  }
0x98: {  	[tilespmem:s30], [sflag:$0x3] =	stream.indirect.gather @p4 [hbm4b:s3+s31], $0x80, s28, s31, $0xb8;
	[tilespmem:$0x11880] =	vst v63  }
0x99: {  	s22 =	sadd.s32 $0x4, s22;
	p2 =	sgt.u32 s0, $0x30;
	_ =	swait.ge [sflag:s15], $0x4000  }
0x9a: {  	p0 =	seq.s32 @!p2 s25, $0x0;
	s28 =	sshra.s32 @!p2 s25, $0x2;
	[sflag:s15] =	ssyncset.done $0x0  }
0x9b: {  	p0 =	por p0, p2;
	s30 =	sadd.s32 @!p2 $0x180, s28;
	[sflag:s15] =	ssyncadd.s32 $0xFFFFC000  }
0x9c: {  	[hbm4b:s24+s2] =	stream.linear.scatter [tilespmem:s11], [sflag:$0x5], $0x4000, $0x38;
	[tilespmem:$0x11880] =	vst v63  }
0x9d: {  	s23 =	sadd.s32 $0x1, s23;
	s31 =	simm.s32 @!p0 $0x8;
	s24 =	sadd.s32 $0x2000, s24  }
0x9e: {  	s1 =	sadd.s32 $0xFFFFFFFE, s0;
	s28 =	simm.s32 @!p2 $0xD880;
	_ =	swait.ge @!p0 [sflag:s31], $0x4000  }
0x9f: {  	s12 =	simm.s32 @!p2 $0x80;
	p4 =	sgt.u32 s1, $0x30;
	[sflag:s31] =	ssyncset.done @!p0 $0x0  }
0xa0: {  	s1 =	simm.s32 @!p4 $0x2;
	[sflag:s31] =	ssyncadd.s32 @!p0 $0xFFFFC000;
	s31 =	simm.s32 @!p4 $0x0  }
0xa1: {  	[tilespmem:s28], [sflag:$0x4] =	stream.indirect.gather @!p2 [hbm4b:s3+s12], $0x80, s30, s12, $0xb8;
	[tilespmem:$0x11880] =	vst v63  }
0xa2: {  	p3 =	seq.s32 s25, $0x6000;
	s12 =	simm.s32 @!p4 $0x5880;
	_ =	swait.ge @!p4 [sflag:s1], $0x4000  }
0xa3: {  	s13 =	sshra.s32 @!p3 s25, $0x2;
	s30 =	sadd.s32 @!p4 $0x800, s26;
	[sflag:s1] =	ssyncset.done @!p4 $0x0  }
0xa4: {  	s0 =	sadd.s32 @!p3 $0xFFFFFFFF, s0;
	[sflag:s1] =	ssyncadd.s32 @!p4 $0xFFFFC000;
	s1 =	simm.s32 @!p3 $0x5  }
0xa5: {  	s14 =	simm.s32 @!p3 $0x80;
	s4 =	simm.s32 @!p3 $0x1880;
	p0 =	sgt.u32 @!p3 s0, $0x30  }
0xa6: {  	[hbm4b:s30+s31] =	stream.linear.scatter @!p4 [tilespmem:s12], [sflag:$0x6], $0x4000, $0x38;
	[tilespmem:$0x11880] =	vst v63  }
0xa7: {  	s0 =	sadd.s32 @!p3 $0x200, s13;
	p0 =	por p0, p3;
	_ =	swait.ge @!p3 [sflag:s1], $0x4000  }
0xa8: {  	s13 =	simm.s32 @!p0 $0x0;
	s12 =	simm.s32 @!p0 $0x3;
	[sflag:s1] =	ssyncset.done @!p3 $0x0  }
0xa9: {  	p5 =	sgt.u32 @!p3 s29, $0xA;
	p4 =	por @!p3 $0x0, $0x0;
	[sflag:s1] =	ssyncadd.s32 @!p3 $0xFFFFC000  }
0xaa: {  	[tilespmem:s4], [sflag:$0x1] =	stream.indirect.gather @!p3 [hbm4b:s3+s14], $0x80, s0, s14, $0xb8;
	[tilespmem:$0x11880] =	vst v63  }
0xab: {  	p6 =	por p5, p3;
	s0 =	sadd.s32 @!p0 $0x1000, s26;
	_ =	swait.ge @!p0 [sflag:s12], $0x4000  }
0xac: {  	s1 =	simm.s32 @!p6 $0x6;
	s4 =	sshra.s32 @!p6 s25, $0x2;
	[sflag:s12] =	ssyncset.done @!p0 $0x0  }
0xad: {  	s4 =	sadd.s32 @!p6 $0x280, s4;
	[sflag:s12] =	ssyncadd.s32 @!p0 $0xFFFFC000;
	s12 =	simm.s32 @!p0 $0x9880  }
0xae: {  	[hbm4b:s0+s13] =	stream.linear.scatter @!p0 [tilespmem:s12], [sflag:$0x7], $0x4000, $0x38;
	[tilespmem:$0x11880] =	vst v63  }
0xaf: {  	p5 =	por !p5, p3;
	s0 =	simm.s32 @!p6 $0x80  }
0xb0: {  	s12 =	simm.s32 @!p6 $0x5880;
	p0 =	por @!p6 $0x1, $0x1;
	_ =	swait.ge @!p6 [sflag:s1], $0x4000  }
0xb1: {  	p0 =	por @!p5 p4, p4;
	[sflag:s1] =	ssyncset.done @!p6 $0x0  }
0xb2: {  	p4 =	por $0x0, $0x0;
	[sflag:s1] =	ssyncadd.s32 @!p6 $0xFFFFC000;
	s1 =	simm.s32 @!p2 $0x4  }
0xb3: {  	[tilespmem:s12], [sflag:$0x2] =	stream.indirect.gather @!p6 [hbm4b:s3+s0], $0x80, s4, s0, $0xb8;
	[tilespmem:$0x11880] =	vst v63  }
.Ltmp5:
0xb4: {  	s0 =	simm.s32 @!p2 $0x0;
	_ =	swait.ge @!p2 [sflag:s1], $0x4000;
	(pc) =	sbr.rel @!p1 .LBB2_3-.Ltmp5, $4  }
0xb5: {  	p4 =	por @!p3 p0, p0;
	s4 =	sadd.s32 @!p2 $0x1800, s26;
	[sflag:s1] =	ssyncset.done @!p2 $0x0  }
0xb6: {  	s26 =	simm.s32 @p4 $0x7;
	[sflag:s1] =	ssyncadd.s32 @!p2 $0xFFFFC000;
	s1 =	sshra.s32 @p4 s25, $0x2  }
0xb7: {  	[hbm4b:s4+s0] =	stream.linear.scatter @!p2 [tilespmem:s28], [sflag:$0x8], $0x4000, $0x38;
	[tilespmem:$0x11880] =	vst v63  }
0xb8: {  	s30 =	simm.s32 @p4 $0x9880;
	s28 =	sadd.s32 @p4 $0x300, s1;
	_ =	swait.ge @p4 [sflag:s26], $0x4000  }
.Ltmp6:
0xb9: {  	(pc) =	sbr.rel .LBB2_8-.Ltmp6, $4  }
0xba: {  	_ = 	snop  }
0xbb: {  	[sflag:s26] =	ssyncset.done @p4 $0x0  }
0xbc: {  	s0 =	simm.s32 @p4 $0x80;
	[sflag:s26] =	ssyncadd.s32 @p4 $0xFFFFC000  }
0xbd: {  	[tilespmem:s30], [sflag:$0x3] =	stream.indirect.gather @p4 [hbm4b:s3+s0], $0x80, s28, s0, $0xb8;
	[tilespmem:$0x11880] =	vst v63  }
.LBB2_9:
0xbe: {  	_ =	sfence.sel $0x180000  }
0xbf: {  	[bflag:$0x0] =	sbarrier.arrive $0xFFFF  }
0xc0: {  	_ =	strace $0x9000004D  }
0xc1: {  	s0 =	stileid.u32;
	[bflag:$0x2] =	sbarrier.arrive $0xFFFF  }
0xc2: {  	p0 =	sne.s32 s0, $0x0;
	s0 =	rddreg [dreg:$0x1]  }
0xc3: {  	s0 =	sadd.s32 @!p0 $0x100000, s0  }
0xc4: {  	[sflag:s0] =	ssyncadd.tile.s32 @!p0 $0x1;
	_ =	shalt  }
.Lfunc_end2:
_tile_overlayer_lowered:
.L_overlay_start_2:
0xc5: {  	(tag) =	ssettag $0x2  }
0xc6: {  	s0 =	rddreg [dreg:$0x0];
	s2 =	stileid.u32  }
0xc7: {  	s1 =	rddreg [dreg:$0x1];
	p0 =	sne.s32 s2, $0x0  }
0xc8: {  	s3 =	rddreg [dreg:$0x2];
	[bflag:$0x3] =	sbarrier.arrive $0xFFFF;
	s2 =	simm.s32 @!p0 $0x1C09  }
0xc9: {  	[timem:s3], [sflag:s2] =	dma.local @!p0 [hbm:s0], s1  }
0xca: {  	s0 =	simm.s32 @!p0 $0x9  }
0xcb: {  	_ =	swait.ge @!p0 [sflag:s0], s1  }
0xcc: {  	s1 =	ssub.s32 @!p0 $0x0, s1;
	[sflag:s0] =	ssyncset.done @!p0 $0x0  }
0xcd: {  	[sflag:s0] =	ssyncadd.s32 @!p0 s1  }
0xce: {  	[bflag:$0x3] =	sbarrier.arrive $0xFFFF  }
0xcf: {  	_ =	shalt  }

// kernel: kernel.19.cloned.1.call-start
scs
__scs_entry_jumppad:
0x0: {  	(pc) =	sbr.rel $0x88, $3  }
0x1: {  	(tag) =	ssettag $0x0;
	lr =	simm.s32 $0x1  }
0x2: {  	[smem:$0x3F95] =	sst lr;
	_ =	strace $0xD0000000  }
0x3: {  	_ = 	snop  }
0x4: {  	_ = 	snop  }
0x5: {  	_ = 	snop  }
0x6: {  	_ = 	snop  }
0x7: {  	_ = 	snop  }
__scs_overlays_trampoline_lowered:
0x8: {  	[smem:$0x3FA4] =	sst s0  }
0x9: {  	[smem:$0x3FA5] =	sst s1  }
0xa: {  	[smem:$0x3FA6] =	sst s2  }
0xb: {  	[smem:$0x3FA7] =	sst s3  }
0xc: {  	[smem:$0x3FA8] =	sst s4  }
0xd: {  	[smem:$0x3FA9] =	sst s5  }
0xe: {  	[smem:$0x3FAA] =	sst s6  }
0xf: {  	[smem:$0x3FAB] =	sst s7  }
0x10: {  	[smem:$0x3FAC] =	sst s8  }
0x11: {  	[smem:$0x3FAD] =	sst s9;
	s0 =	simm.s32 @!p0 $0x0  }
0x12: {  	s1 =	sld [smem:$0x3F93];
	s0 =	simm.s32 @p0 $0x1  }
0x13: {  	[smem:$0x3FAE] =	sst s0;
	s0 =	simm.s32 @!p1 $0x0  }
0x14: {  	s2 =	sld [smem:$0x3F92];
	s0 =	simm.s32 @p1 $0x1  }
0x15: {  	[smem:$0x3FAF] =	sst s0;
	s0 =	simm.s32 @!p2 $0x0  }
0x16: {  	s3 =	sld [smem:$0x3FDB];
	s0 =	simm.s32 @p2 $0x1  }
0x17: {  	s4 =	simm.s32 $0x1BF5;
	[smem:$0x3FB1] =	sst s0  }
0x18: {  	s0 =	sld [smem:$0x3F94];
	_ =	swait.ge [sflag:s4], $0x0  }
0x19: {  	s7 =	sld [smem:$0x3F95]  }
0x1a: {  	s8 =	sadd.s32 $0xFFFFE003, lr  }
0x1b: {  	s9 =	sadd.s32 $0xFFFFFEF7, lr;
	s5 =	simm.s32 $0xFFFFFFFF;
	p2 =	slt.u32 s8, $0xFFFFF086  }
0x1c: {  	p1 =	slt.u32 s9, $0xF7A;
	s5 =	simm.s32 @!p2 $0x0  }
0x1d: {  	s5 =	simm.s32 @p1 $0x1;
	p0 =	seq.s32 s7, s2  }
0x1e: {  	s7 =	smul.u32 @!p0 $0xF7A, s2;
	p2 =	seq.s32 @!p0 s5, $0x0  }
0x1f: {  	s9 =	smul.u32 $0xF7A, s1;
	s8 =	simm.s32 @!p0 $0x1BF5;
	p2 =	por !p2, p0  }
0x20: {  	[sflag:s8] =	ssyncset.s32 @!p0 $0xFFFFF086;
	s6 =	sadd.s32 @!p0 s3, s7;
	s7 =	simm.s32 @!p0 $0x108  }
0x21: {  	s3 =	sadd.s32 s3, s9;
	s6 =	sadd.s32 @!p0 $0x88, s6;
	s7 =	simm.s32 @p2 $0x1082  }
0x22: {  	[simem:s7], [sflag:s8] =	dma.local @!p0 [hbm:s6], $0xF7A  }
0x23: {  	s9 =	sor.u32 $0xD0000000, s2;
	s6 =	simm.s32 $0x108;
	_ =	swait.ge @!p0 [sflag:s8], $0x0  }
0x24: {  	s3 =	sadd.s32 $0x88, s3;
	s6 =	simm.s32 @!p1 $0x1082;
	[sflag:s4] =	ssyncset.s32 $0xFFFFF086  }
0x25: {  	[simem:s6], [sflag:s4] =	dma.local [hbm:s3], $0xF7A  }
0x26: {  	[smem:$0x3F95] =	sst s1;
	(tag) =	ssettag s2;
	_ =	strace s9  }
0x27: {  	s1 =	sld [smem:$0x3FA5]  }
0x28: {  	s2 =	sld [smem:$0x3FA6]  }
0x29: {  	s4 =	sld [smem:$0x3FA8]  }
0x2a: {  	p0 =	seq.s32 s5, $0x0;
	s5 =	sld [smem:$0x3FA9]  }
0x2b: {  	s6 =	sld [smem:$0x3FAA]  }
0x2c: {  	s7 =	sld [smem:$0x3FAB]  }
0x2d: {  	s3 =	simm.s32 $0x108;
	s8 =	sld [smem:$0x3FAC]  }
0x2e: {  	s3 =	simm.s32 @!p0 $0x1082;
	s9 =	sld [smem:$0x3FAD]  }
0x2f: {  	lr =	sadd.s32 s0, s3;
	s0 =	sld [smem:$0x3FA4]  }
0x30: {  	s3 =	sld [smem:$0x3FA7]  }
0x31: {  	[smem:$0x3FB0] =	sst s10  }
0x32: {  	s10 =	sld [smem:$0x3FAE];
	_ =	sdelay $0x3  }
0x33: {  	p0 =	seq.s32 s10, $0x1;
	s10 =	sld [smem:$0x3FB0];
	_ =	sdelay $0x3  }
0x34: {  	[smem:$0x3FB0] =	sst s10  }
0x35: {  	s10 =	sld [smem:$0x3FAF];
	_ =	sdelay $0x3  }
0x36: {  	p1 =	seq.s32 s10, $0x1;
	s10 =	sld [smem:$0x3FB0];
	_ =	sdelay $0x3  }
0x37: {  	[smem:$0x3FB0] =	sst s10  }
0x38: {  	s10 =	sld [smem:$0x3FB1]  }
0x39: {  	_ = 	snop;
	(pc) =	sbr.ind lr, $3  }
0x3a: {  	_ = 	snop  }
0x3b: {  	_ = 	snop  }
0x3c: {  	p2 =	seq.s32 s10, $0x1;
	s10 =	sld [smem:$0x3FB0]  }
0x3d: {  	_ =	shalt  }
0x3e: {  	_ =	shalt  }
0x3f: {  	_ =	shalt  }
0x40: {  	_ =	shalt  }
0x41: {  	_ =	shalt  }
0x42: {  	_ =	shalt  }
0x43: {  	_ =	shalt  }
0x44: {  	_ =	shalt  }
0x45: {  	_ =	shalt  }
0x46: {  	_ =	shalt  }
0x47: {  	_ =	shalt  }
0x48: {  	_ =	shalt  }
0x49: {  	_ =	shalt  }
0x4a: {  	_ =	shalt  }
0x4b: {  	_ =	shalt  }
0x4c: {  	_ =	shalt  }
0x4d: {  	_ =	shalt  }
0x4e: {  	_ =	shalt  }
0x4f: {  	_ =	shalt  }
0x50: {  	_ =	shalt  }
0x51: {  	_ =	shalt  }
0x52: {  	_ =	shalt  }
0x53: {  	_ =	shalt  }
0x54: {  	_ =	shalt  }
0x55: {  	_ =	shalt  }
0x56: {  	_ =	shalt  }
0x57: {  	_ =	shalt  }
0x58: {  	_ =	shalt  }
0x59: {  	_ =	shalt  }
0x5a: {  	_ =	shalt  }
0x5b: {  	_ =	shalt  }
0x5c: {  	_ =	shalt  }
0x5d: {  	_ =	shalt  }
0x5e: {  	_ =	shalt  }
0x5f: {  	_ =	shalt  }
0x60: {  	_ =	shalt  }
0x61: {  	_ =	shalt  }
0x62: {  	_ =	shalt  }
0x63: {  	_ =	shalt  }
0x64: {  	_ =	shalt  }
0x65: {  	_ =	shalt  }
0x66: {  	_ =	shalt  }
0x67: {  	_ =	shalt  }
0x68: {  	_ =	shalt  }
0x69: {  	_ =	shalt  }
0x6a: {  	_ =	shalt  }
0x6b: {  	_ =	shalt  }
0x6c: {  	_ =	shalt  }
0x6d: {  	_ =	shalt  }
0x6e: {  	_ =	shalt  }
0x6f: {  	_ =	shalt  }
0x70: {  	_ =	shalt  }
0x71: {  	_ =	shalt  }
0x72: {  	_ =	shalt  }
0x73: {  	_ =	shalt  }
0x74: {  	_ =	shalt  }
0x75: {  	_ =	shalt  }
0x76: {  	_ =	shalt  }
0x77: {  	_ =	shalt  }
0x78: {  	_ =	shalt  }
0x79: {  	_ =	shalt  }
0x7a: {  	_ =	shalt  }
0x7b: {  	_ =	shalt  }
0x7c: {  	_ =	shalt  }
0x7d: {  	_ =	shalt  }
0x7e: {  	_ =	shalt  }
0x7f: {  	_ =	shalt  }
0x80: {  	_ =	shalt  }
0x81: {  	_ =	shalt  }
0x82: {  	_ =	shalt  }
0x83: {  	_ =	shalt  }
0x84: {  	_ =	shalt  }
0x85: {  	_ =	shalt  }
0x86: {  	_ =	shalt  }
0x87: {  	_ =	shalt  }
.Lfunc_end0:
.L_simem_size_0:
called_computation.3_lowered:
.L_overlay_start_0:
0x88: {  	s2 =	sld [smem:$0x3FD9]  }
0x89: {  	s3 =	sld [smem:$0x3FFE];
	_ =	sdelay $0x1  }
0x8a: {  	s1 =	srdreg.scid  }
0x8b: {  	s0 =	sand.u32 $0x1, s1  }
0x8c: {  	s16 =	sshll.u32 s0, $0xA;
	s2 =	sadd.s32 s3, s2  }
0x8d: {  	s2 =	sadd.s32 s2, s16  }
0x8e: {  	[smem:$0x3FBC] =	sst s2  }
0x8f: {  	_ = 	snop  }
0x90: {  	(tm) =	ssettm $0x1  }
0x91: {  	s17 =	sld [smem:$0x3FFB];
	_ =	sdelay $0x3  }
0x92: {  	_ =	strace s17  }
0x93: {  	s2 =	sld [smem:$0x3FFC];
	_ =	sdelay $0x3  }
0x94: {  	_ =	strace s2  }
0x95: {  	s2 =	sld [smem:$0x3FFD];
	_ =	sdelay $0x3  }
0x96: {  	_ =	strace s2  }
0x97: {  	_ =	strace $0x8FFFFFFF  }
0x98: {  	s18 =	sld [smem:$0x3FDB];
	_ =	sdelay $0x1  }
0x99: {  	s19 =	simm.s32 $_scs_section_size  }
0x9a: {  	s4 =	simm.s32 $_size__tile_overlayer_lowered;
	s5 =	simm.s32 $_tile_overlayer_lowered  }
0x9b: {  	s22 =	simm.s32 $0x1BFF;
	s21 =	sshll.u32 s5, $0x1;
	s2 =	sadd.s32 s19, s18  }
0x9c: {  	s6 =	simm.s32 $0x0;
	s20 =	sshll.u32 s4, $0x1;
	s4 =	sadd.s32 s21, s2  }
0x9d: {  	[timem:s6], [sflag:s22] =	dma.local [hbm:s4], s20  }
0x9e: {  	_ =	swait.ge [sflag:s22], s20  }
0x9f: {  	s3 =	ssub.s32 $0x0, s20;
	[sflag:s22] =	ssyncset.done $0x0  }
0xa0: {  	[sflag:s22] =	ssyncadd.s32 s3;
	_ =	sdelay $0x1  }
0xa1: {  	s23 =	simm.s32 $0x1B8B  }
0xa2: {  	_ =	swait.ge [sflag:s23], $0x1  }
0xa3: {  	[sflag:s23] =	ssyncset.done $0x0  }
0xa4: {  	s25 =	simm.s32 $0x1B8E;
	s24 =	sld [smem:$0x3FFE];
	[sflag:s23] =	ssyncadd.s32 $0xFFFFFFFF  }
0xa5: {  	s26 =	simm.s32 $execute0_lowered;
	[smem:$0x3FD2] =	sst s25  }
0xa6: {  	s4 =	sshll.u32 s26, $0x1;
	_ =	strace $0x8000004F;
	[dreg:$0x1] =	wrdreg $0xFFFFFFFF  }
0xa7: {  	s28 =	simm.s32 $_size_execute0_lowered;
	s2 =	sadd.s32 s2, s4;
	[dreg:$0x0] =	wrdreg $0x0  }
0xa8: {  	s4 =	sshll.u32 s28, $0x1;
	[dreg:$0x2] =	wrdreg s2  }
0xa9: {  	[dreg:$0x3] =	wrdreg s4  }
0xaa: {  	[dreg:$0x4] =	wrdreg $0xC0  }
0xab: {  	_ =	task [dreg:s6], $0x5FFFF  }
0xac: {  	[dreg:$0x1] =	wrdreg $0xFFFFFFFF  }
0xad: {  	[dreg:$0x0] =	wrdreg $0x60  }
0xae: {  	[dreg:$0x2] =	wrdreg s24  }
0xaf: {  	[dreg:$0x3] =	wrdreg $0x9  }
0xb0: {  	_ =	task.clear_ibuf [dreg:s6], $0x4FFFF;
	_ =	strace $0x9000004F  }
0xb1: {  	s29 =	simm.s32 $0x9;
	_ =	strace $0x80000051  }
0xb2: {  	_ =	swait.ge [sflag:s29], $0x1  }
0xb3: {  	[sflag:s29] =	ssyncadd.s32 $0xFFFFFFFF  }
0xb4: {  	_ =	strace $0x90000051  }
0xb5: {  	_ =	sfence  }
0xb6: {  	s30 =	sld [smem:$0x0];
	_ =	sdelay $0x2  }
0xb7: {  	s31 =	sshll.u32 s1, $0xD;
	s1 =	sshrl.u32 s1, $0x2  }
0xb8: {  	s3 =	sand.u32 $0x4000, s31;
	s1 =	sadd.s32 s1, s30  }
0xb9: {  	s0 =	sor.u32 s3, s0;
	s1 =	sshll.u32 s1, $0x11  }
0xba: {  	s0 =	sor.u32 s1, s0  }
0xbb: {  	s0 =	sadd.s32 $0x8F2B, s0  }
0xbc: {  	[sflag:s0] =	ssyncadd.remote.s32 $0x1  }
0xbd: {  	_ =	sfence.sel $0xFFFF  }
0xbe: {  	[dreg:$0x0] =	wrdreg $0xFFFFFFFF;
	(pc) =	sbr.abs _section_cstart, $3  }
0xbf: {  	[dreg:$0x1] =	wrdreg $0xFFFFFFFF  }
0xc0: {  	_ =	task.clear_ibuf [dreg:s6], $0x2FFFF;
	_ =	strace $0x9FFFFFFF  }
0xc1: {  	(tm) =	ssettm $0x7FFFFFFF  }
tec
execute0_lowered:
.L_overlay_start_1:
0x0: {  	(tag) =	ssettag $0x1  }
0x1: {  	s4 =	rddreg [dreg:$0x0];
	s2 =	simm.s32 $0x0;
	s0 =	stileid.u32  }
0x2: {  	s3 =	srdreg.scid;
	s11 =	simm.s32 $0x1880;
	s15 =	simm.s32 $0x1  }
0x3: {  	s16 =	simm.s32 $0x6;
	s17 =	simm.s32 $0x7;
	s18 =	simm.s32 $0x8  }
0x4: {  	s19 =	simm.s32 $0x5;
	s20 =	simm.s32 $0x0;
	s5 =	smul.u32 $0x3100, s0  }
0x5: {  	[smem:$0x7FF] =	sst s2;
	s6 =	sand.u32 $0x1, s3;
	s7 =	smul.u32 $0x31000, s0  }
0x6: {  	s3 =	sadd.s32 $0x3F4E00, s4;
	_ =	strace $0x80000050;
	s8 =	ssub.s32 $0x2, s6  }
0x7: {  	p0 =	seq.s32 s6, $0x1;
	s5 =	sshrl.u32 s5, $0x3;
	s9 =	sshrl.u32 s8, $0x1  }
.Ltmp0:
0x8: {  	s10 =	sadd.s32 s7, s4;
	s0 =	simm.s32 @!p0 $0x0;
	(pc) =	sbr.rel .LBB2_1-.Ltmp0, $4  }
0x9: {  	s5 =	sadd.s32 s5, s4;
	s30 =	ssub.s32 s8, s9;
	s0 =	simm.s32 @p0 $0x1  }
0xa: {  	s7 =	sadd.s32 $0xE4E00, s10;
	s8 =	sadd.s32 $0xFD600, s10;
	s9 =	simm.s32 $0x9  }
0xb: {  	s10 =	simm.s32 $0x80;
	[smem:$0x7FD] =	sst s0;
	s31 =	sadd.s32 $0xDEC00, s5  }
0xc: {  	s5 =	sadd.s32 $0xDEF10, s5;
	s6 =	smax.u32 s30, $0x1;
	[dreg:$0x2] =	wrdreg s31  }
.LBB2_7:
0xd: {  	[sflag:s26] =	ssyncset.done @p4 $0x0  }
0xe: {  	s0 =	simm.s32 @p4 $0x80;
	[sflag:s26] =	ssyncadd.s32 @p4 $0xFFFFC000  }
0xf: {  	[tilespmem:s30], [sflag:$0x3] =	stream.indirect.gather @p4 [hbm4b:s3+s0], $0x80, s28, s0, $0xb8;
	[tilespmem:$0x11880] =	vst v63  }
.LBB2_8:
0x10: {  	_ =	swait.ge [sflag:s16], $0x4000  }
0x11: {  	[sflag:s16] =	ssyncset.done $0x0  }
0x12: {  	[sflag:s16] =	ssyncadd.s32 $0xFFFFC000  }
0x13: {  	_ =	swait.ge [sflag:s17], $0x4000  }
0x14: {  	[sflag:s17] =	ssyncset.done $0x0  }
0x15: {  	s20 =	sadd.s32 $0x1, s20;
	[sflag:s17] =	ssyncadd.s32 $0xFFFFC000  }
0x16: {  	p0 =	sne.s32 s20, s6;
	_ =	swait.ge [sflag:s18], $0x4000  }
.Ltmp1:
0x17: {  	[sflag:s18] =	ssyncset.done $0x0;
	(pc) =	sbr.rel @!p0 .LBB2_9-.Ltmp1, $4  }
0x18: {  	[sflag:s18] =	ssyncadd.s32 $0xFFFFC000  }
0x19: {  	_ =	swait.ge [sflag:s19], $0x4000  }
0x1a: {  	[sflag:s19] =	ssyncset.done $0x0  }
0x1b: {  	[sflag:s19] =	ssyncadd.s32 $0xFFFFC000  }
.LBB2_1:
0x1c: {  	s0 =	sld [smem:$0x7FD];
	_ =	sdelay $0x2  }
0x1d: {  	p0 =	seq.s32 s0, $0x1  }
.Ltmp2:
0x1e: {  	_ = 	snop;
	(pc) =	sbr.rel @!p0 .LBB2_2-.Ltmp2, $1  }
0x1f: {  	_ =	sdelay $0x3  }
0x20: {  	s0 =	simm.s32 $0x0  }
0x21: {  	[tilespmem:s0], [sflag:$0x9] =	stream.linear.gather [hbm4b:s5+s0], $0x1880, $0x38;
	[tilespmem:$0x11880] =	vst v63  }
0x22: {  	_ =	swait.ge [sflag:s9], $0x1880  }
0x23: {  	[sflag:s9] =	ssyncset.done $0x0  }
0x24: {  	[sflag:s9] =	ssyncadd.s32 $0xFFFFE780  }
0x25: {  	[tilespmem:s11], [sflag:$0x1] =	stream.indirect.gather [hbm4b:s3+s10], $0x80, s0, s10, $0xb8;
	[tilespmem:$0x11880] =	vst v63  }
0x26: {  	s29 =	simm.s32 $0x5880  }
0x27: {  	[tilespmem:s29], [sflag:$0x2] =	stream.indirect.gather [hbm4b:s3+s10], $0x80, s10, s10, $0xb8;
	[tilespmem:$0x11880] =	vst v63  }
0x28: {  	s31 =	simm.s32 $0x100;
	s1 =	simm.s32 $0x9880;
	p1 =	por $0x0, $0x0  }
0x29: {  	[tilespmem:s1], [sflag:$0x3] =	stream.indirect.gather [hbm4b:s3+s10], $0x80, s31, s10, $0xb8;
	[tilespmem:$0x11880] =	vst v63  }
0x2a: {  	s21 =	simm.s32 $0x800;
	p0 =	por @!p1 $0x1, $0x1;
	_ =	swait.ge [sflag:s15], $0x4000  }
0x2b: {  	p3 =	por $0x0, $0x0;
	p0 =	por p0, p1;
	[sflag:s15] =	ssyncset.done $0x0  }
0x2c: {  	p2 =	por $0x0, $0x0;
	s0 =	simm.s32 @!p0 $0x8;
	[sflag:s15] =	ssyncadd.s32 $0xFFFFC000  }
0x2d: {  	[hbm4b:s8+s2] =	stream.linear.scatter [tilespmem:s11], [sflag:$0x5], $0x4000, $0x38;
	[tilespmem:$0x11880] =	vst v63  }
0x2e: {  	s23 =	simm.s32 $0x1;
	s4 =	simm.s32 @!p1 $0xD880;
	_ =	swait.ge @!p0 [sflag:s0], $0x4000  }
0x2f: {  	s12 =	simm.s32 @!p1 $0x80;
	s13 =	sadd.s32 @!p3 $0x800, s8;
	[sflag:s0] =	ssyncset.done @!p0 $0x0  }
0x30: {  	s1 =	simm.s32 @!p1 $0x180;
	[sflag:s0] =	ssyncadd.s32 @!p0 $0xFFFFC000;
	s0 =	simm.s32 @!p3 $0x2  }
0x31: {  	[tilespmem:s4], [sflag:$0x4] =	stream.indirect.gather @!p1 [hbm4b:s3+s12], $0x80, s1, s12, $0xb8;
	[tilespmem:$0x11880] =	vst v63  }
0x32: {  	s14 =	simm.s32 @!p2 $0x80;
	p0 =	por @!p2 $0x0, $0x0;
	_ =	swait.ge @!p3 [sflag:s0], $0x4000  }
0x33: {  	s1 =	simm.s32 @!p3 $0x0;
	s12 =	simm.s32 @!p3 $0x5880;
	[sflag:s0] =	ssyncset.done @!p3 $0x0  }
0x34: {  	p4 =	por p0, p2;
	[sflag:s0] =	ssyncadd.s32 @!p3 $0xFFFFC000;
	s0 =	simm.s32 @!p2 $0x5  }
0x35: {  	[hbm4b:s13+s1] =	stream.linear.scatter @!p3 [tilespmem:s12], [sflag:$0x6], $0x4000, $0x38;
	[tilespmem:$0x11880] =	vst v63  }
0x36: {  	p0 =	por @!p2 $0x0, $0x0;
	s22 =	simm.s32 @!p4 $0x0;
	_ =	swait.ge @!p2 [sflag:s0], $0x4000  }
0x37: {  	s1 =	simm.s32 @!p2 $0x1880;
	s12 =	simm.s32 @!p2 $0x200;
	[sflag:s0] =	ssyncset.done @!p2 $0x0  }
0x38: {  	s13 =	simm.s32 @!p4 $0x3;
	p3 =	por @!p2 $0x0, $0x0;
	[sflag:s0] =	ssyncadd.s32 @!p2 $0xFFFFC000  }
0x39: {  	[tilespmem:s1], [sflag:$0x1] =	stream.indirect.gather @!p2 [hbm4b:s3+s14], $0x80, s12, s14, $0xb8;
	[tilespmem:$0x11880] =	vst v63  }
0x3a: {  	p5 =	por p3, p2;
	p3 =	por !p3, p2;
	_ =	swait.ge @!p4 [sflag:s13], $0x4000  }
0x3b: {  	p6 =	por @!p5 $0x1, $0x1;
	s0 =	sadd.s32 @!p4 $0x1000, s8;
	[sflag:s13] =	ssyncset.done @!p4 $0x0  }
0x3c: {  	s1 =	simm.s32 @!p5 $0x6;
	s12 =	simm.s32 @!p4 $0x9880;
	[sflag:s13] =	ssyncadd.s32 @!p4 $0xFFFFC000  }
0x3d: {  	[hbm4b:s0+s22] =	stream.linear.scatter @!p4 [tilespmem:s12], [sflag:$0x7], $0x4000, $0x38;
	[tilespmem:$0x11880] =	vst v63  }
0x3e: {  	p6 =	por @!p3 p0, p0;
	s13 =	simm.s32 @!p5 $0x5880;
	_ =	swait.ge @!p5 [sflag:s1], $0x4000  }
0x3f: {  	s0 =	simm.s32 @!p5 $0x280;
	s12 =	simm.s32 @!p5 $0x80;
	[sflag:s1] =	ssyncset.done @!p5 $0x0  }
0x40: {  	p4 =	por $0x0, $0x0;
	[sflag:s1] =	ssyncadd.s32 @!p5 $0xFFFFC000;
	s1 =	simm.s32 @!p1 $0x4  }
0x41: {  	[tilespmem:s13], [sflag:$0x2] =	stream.indirect.gather @!p5 [hbm4b:s3+s12], $0x80, s0, s12, $0xb8;
	[tilespmem:$0x11880] =	vst v63  }
0x42: {  	s24 =	sadd.s32 $0x2000, s8;
	p4 =	por @!p2 p6, p6;
	_ =	swait.ge @!p1 [sflag:s1], $0x4000  }
0x43: {  	s22 =	simm.s32 $0x7;
	s26 =	simm.s32 @p4 $0x7;
	[sflag:s1] =	ssyncset.done @!p1 $0x0  }
0x44: {  	s0 =	simm.s32 @!p1 $0x0;
	s12 =	sadd.s32 @!p1 $0x1800, s8;
	[sflag:s1] =	ssyncadd.s32 @!p1 $0xFFFFC000  }
0x45: {  	[hbm4b:s12+s0] =	stream.linear.scatter @!p1 [tilespmem:s4], [sflag:$0x8], $0x4000, $0x38;
	[tilespmem:$0x11880] =	vst v63  }
0x46: {  	s28 =	simm.s32 @p4 $0x300;
	s30 =	simm.s32 @p4 $0x9880;
	_ =	swait.ge @p4 [sflag:s26], $0x4000  }
.LBB2_6:
0x47: {  	[sflag:s26] =	ssyncset.done @p4 $0x0;
	s0 =	simm.s32 @p4 $0x80;
	s25 =	smov.u32 s21  }
0x48: {  	s21 =	sadd.s32 $0x800, s21;
	s1 =	smov.u32 s22;
	s29 =	smov.u32 s23  }
0x49: {  	p1 =	sne.s32 s21, $0x6800;
	[sflag:s26] =	ssyncadd.s32 @p4 $0xFFFFC000;
	s26 =	smov.u32 s24  }
0x4a: {  	[tilespmem:s30], [sflag:$0x3] =	stream.indirect.gather @p4 [hbm4b:s3+s0], $0x80, s28, s0, $0xb8;
	[tilespmem:$0x11880] =	vst v63  }
0x4b: {  	s22 =	sadd.s32 $0x4, s22;
	p2 =	sgt.u32 s1, $0x30;
	_ =	swait.ge [sflag:s15], $0x4000  }
0x4c: {  	p0 =	seq.s32 @!p2 s25, $0x0;
	s0 =	sshra.s32 @!p2 s25, $0x2;
	[sflag:s15] =	ssyncset.done $0x0  }
0x4d: {  	p0 =	por p0, p2;
	s0 =	sadd.s32 @!p2 $0x180, s0;
	[sflag:s15] =	ssyncadd.s32 $0xFFFFC000  }
0x4e: {  	[hbm4b:s24+s2] =	stream.linear.scatter [tilespmem:s11], [sflag:$0x5], $0x4000, $0x38;
	[tilespmem:$0x11880] =	vst v63  }
0x4f: {  	s23 =	sadd.s32 $0x1, s23;
	s4 =	simm.s32 @!p0 $0x8;
	s24 =	sadd.s32 $0x2000, s24  }
0x50: {  	s12 =	sadd.s32 $0xFFFFFFFE, s1;
	s28 =	simm.s32 @!p2 $0xD880;
	_ =	swait.ge @!p0 [sflag:s4], $0x4000  }
0x51: {  	s13 =	simm.s32 @!p2 $0x80;
	p4 =	sgt.u32 s12, $0x30;
	[sflag:s4] =	ssyncset.done @!p0 $0x0  }
0x52: {  	s12 =	simm.s32 @!p4 $0x0;
	[sflag:s4] =	ssyncadd.s32 @!p0 $0xFFFFC000;
	s4 =	simm.s32 @!p4 $0x2  }
0x53: {  	[tilespmem:s28], [sflag:$0x4] =	stream.indirect.gather @!p2 [hbm4b:s3+s13], $0x80, s0, s13, $0xb8;
	[tilespmem:$0x11880] =	vst v63  }
0x54: {  	p3 =	seq.s32 s25, $0x6000;
	s0 =	simm.s32 @!p4 $0x5880;
	_ =	swait.ge @!p4 [sflag:s4], $0x4000  }
0x55: {  	s14 =	sshra.s32 @!p3 s25, $0x2;
	s13 =	sadd.s32 @!p4 $0x800, s26;
	[sflag:s4] =	ssyncset.done @!p4 $0x0  }
0x56: {  	s1 =	sadd.s32 @!p3 $0xFFFFFFFF, s1;
	[sflag:s4] =	ssyncadd.s32 @!p4 $0xFFFFC000;
	s4 =	simm.s32 @!p3 $0x5  }
0x57: {  	s30 =	simm.s32 @!p3 $0x80;
	s31 =	simm.s32 @!p3 $0x1880;
	p0 =	sgt.u32 @!p3 s1, $0x30  }
0x58: {  	[hbm4b:s13+s12] =	stream.linear.scatter @!p4 [tilespmem:s0], [sflag:$0x6], $0x4000, $0x38;
	[tilespmem:$0x11880] =	vst v63  }
0x59: {  	p6 =	por p0, p3;
	s0 =	sadd.s32 @!p3 $0x200, s14;
	_ =	swait.ge @!p3 [sflag:s4], $0x4000  }
0x5a: {  	s1 =	simm.s32 @!p6 $0x3;
	s12 =	simm.s32 @!p6 $0x0;
	[sflag:s4] =	ssyncset.done @!p3 $0x0  }
0x5b: {  	p5 =	sgt.u32 @!p3 s29, $0xA;
	p4 =	por @!p3 $0x0, $0x0;
	[sflag:s4] =	ssyncadd.s32 @!p3 $0xFFFFC000  }
0x5c: {  	[tilespmem:s31], [sflag:$0x1] =	stream.indirect.gather @!p3 [hbm4b:s3+s30], $0x80, s0, s30, $0xb8;
	[tilespmem:$0x11880] =	vst v63  }
0x5d: {  	p0 =	por p5, p3;
	s0 =	sadd.s32 @!p6 $0x1000, s26;
	_ =	swait.ge @!p6 [sflag:s1], $0x4000  }
0x5e: {  	s13 =	sshra.s32 @!p0 s25, $0x2;
	s4 =	simm.s32 @!p0 $0x6;
	[sflag:s1] =	ssyncset.done @!p6 $0x0  }
0x5f: {  	s13 =	sadd.s32 @!p0 $0x280, s13;
	[sflag:s1] =	ssyncadd.s32 @!p6 $0xFFFFC000;
	s1 =	simm.s32 @!p6 $0x9880  }
0x60: {  	[hbm4b:s0+s12] =	stream.linear.scatter @!p6 [tilespmem:s1], [sflag:$0x7], $0x4000, $0x38;
	[tilespmem:$0x11880] =	vst v63  }
0x61: {  	p5 =	por !p5, p3;
	s0 =	simm.s32 @!p0 $0x80  }
0x62: {  	s1 =	simm.s32 @!p0 $0x5880;
	p6 =	por @!p0 $0x1, $0x1;
	_ =	swait.ge @!p0 [sflag:s4], $0x4000  }
0x63: {  	p6 =	por @!p5 p4, p4;
	[sflag:s4] =	ssyncset.done @!p0 $0x0  }
0x64: {  	p4 =	por $0x0, $0x0;
	[sflag:s4] =	ssyncadd.s32 @!p0 $0xFFFFC000;
	s4 =	simm.s32 @!p2 $0x4  }
0x65: {  	[tilespmem:s1], [sflag:$0x2] =	stream.indirect.gather @!p0 [hbm4b:s3+s0], $0x80, s13, s0, $0xb8;
	[tilespmem:$0x11880] =	vst v63  }
.Ltmp3:
0x66: {  	s0 =	simm.s32 @!p2 $0x0;
	_ =	swait.ge @!p2 [sflag:s4], $0x4000;
	(pc) =	sbr.rel @p1 .LBB2_6-.Ltmp3, $4  }
0x67: {  	p4 =	por @!p3 p6, p6;
	s1 =	sadd.s32 @!p2 $0x1800, s26;
	[sflag:s4] =	ssyncset.done @!p2 $0x0  }
0x68: {  	s26 =	simm.s32 @p4 $0x7;
	[sflag:s4] =	ssyncadd.s32 @!p2 $0xFFFFC000;
	s4 =	sshra.s32 @p4 s25, $0x2  }
0x69: {  	[hbm4b:s1+s0] =	stream.linear.scatter @!p2 [tilespmem:s28], [sflag:$0x8], $0x4000, $0x38;
	[tilespmem:$0x11880] =	vst v63  }
0x6a: {  	s30 =	simm.s32 @p4 $0x9880;
	s28 =	sadd.s32 @p4 $0x300, s4;
	_ =	swait.ge @p4 [sflag:s26], $0x4000  }
.Ltmp4:
0x6b: {  	_ = 	snop;
	(pc) =	sbr.rel .LBB2_7-.Ltmp4, $1  }
0x6c: {  	_ =	sdelay $0x3  }
.LBB2_2:
0x6d: {  	s21 =	simm.s32 $0x0;
	s0 =	rddreg [dreg:$0x2]  }
0x6e: {  	[tilespmem:s21], [sflag:$0x9] =	stream.linear.gather [hbm4b:s0+s21], $0x1880, $0x38;
	[tilespmem:$0x11880] =	vst v63  }
0x6f: {  	_ =	swait.ge [sflag:s9], $0x1880  }
0x70: {  	[sflag:s9] =	ssyncset.done $0x0  }
0x71: {  	[sflag:s9] =	ssyncadd.s32 $0xFFFFE780  }
0x72: {  	[tilespmem:s11], [sflag:$0x1] =	stream.indirect.gather [hbm4b:s3+s10], $0x80, s21, s10, $0xb8;
	[tilespmem:$0x11880] =	vst v63  }
0x73: {  	s29 =	simm.s32 $0x5880  }
0x74: {  	[tilespmem:s29], [sflag:$0x2] =	stream.indirect.gather [hbm4b:s3+s10], $0x80, s10, s10, $0xb8;
	[tilespmem:$0x11880] =	vst v63  }
0x75: {  	s31 =	simm.s32 $0x100;
	s1 =	simm.s32 $0x9880;
	p1 =	por $0x0, $0x0  }
0x76: {  	[tilespmem:s1], [sflag:$0x3] =	stream.indirect.gather [hbm4b:s3+s10], $0x80, s31, s10, $0xb8;
	[tilespmem:$0x11880] =	vst v63  }
0x77: {  	p0 =	por @!p1 $0x1, $0x1;
	_ =	swait.ge [sflag:s15], $0x4000  }
0x78: {  	p0 =	por p0, p1;
	[sflag:s15] =	ssyncset.done $0x0  }
0x79: {  	p3 =	por $0x0, $0x0;
	s22 =	simm.s32 @!p0 $0x8;
	[sflag:s15] =	ssyncadd.s32 $0xFFFFC000  }
0x7a: {  	[hbm4b:s7+s2] =	stream.linear.scatter [tilespmem:s11], [sflag:$0x5], $0x4000, $0x38;
	[tilespmem:$0x11880] =	vst v63  }
0x7b: {  	p2 =	por $0x0, $0x0;
	s23 =	simm.s32 @!p1 $0x180;
	_ =	swait.ge @!p0 [sflag:s22], $0x4000  }
0x7c: {  	s24 =	simm.s32 @!p1 $0xD880;
	s25 =	simm.s32 @!p1 $0x80;
	[sflag:s22] =	ssyncset.done @!p0 $0x0  }
0x7d: {  	s26 =	sadd.s32 @!p3 $0x800, s7;
	[sflag:s22] =	ssyncadd.s32 @!p0 $0xFFFFC000;
	s22 =	simm.s32 @!p3 $0x2  }
0x7e: {  	[tilespmem:s24], [sflag:$0x4] =	stream.indirect.gather @!p1 [hbm4b:s3+s25], $0x80, s23, s25, $0xb8;
	[tilespmem:$0x11880] =	vst v63  }
0x7f: {  	s28 =	simm.s32 @!p2 $0x80;
	p0 =	por @!p2 $0x0, $0x0;
	_ =	swait.ge @!p3 [sflag:s22], $0x4000  }
0x80: {  	s23 =	simm.s32 @!p3 $0x0;
	s25 =	simm.s32 @!p3 $0x5880;
	[sflag:s22] =	ssyncset.done @!p3 $0x0  }
0x81: {  	p4 =	por p0, p2;
	[sflag:s22] =	ssyncadd.s32 @!p3 $0xFFFFC000;
	s22 =	simm.s32 @!p2 $0x5  }
0x82: {  	[hbm4b:s26+s23] =	stream.linear.scatter @!p3 [tilespmem:s25], [sflag:$0x6], $0x4000, $0x38;
	[tilespmem:$0x11880] =	vst v63  }
0x83: {  	p0 =	por @!p2 $0x0, $0x0;
	s29 =	simm.s32 @!p4 $0x0;
	_ =	swait.ge @!p2 [sflag:s22], $0x4000  }
0x84: {  	s23 =	simm.s32 @!p2 $0x1880;
	s25 =	simm.s32 @!p2 $0x200;
	[sflag:s22] =	ssyncset.done @!p2 $0x0  }
0x85: {  	s26 =	simm.s32 @!p4 $0x3;
	p3 =	por @!p2 $0x0, $0x0;
	[sflag:s22] =	ssyncadd.s32 @!p2 $0xFFFFC000  }
0x86: {  	[tilespmem:s23], [sflag:$0x1] =	stream.indirect.gather @!p2 [hbm4b:s3+s28], $0x80, s25, s28, $0xb8;
	[tilespmem:$0x11880] =	vst v63  }
0x87: {  	p5 =	por p3, p2;
	p3 =	por !p3, p2;
	_ =	swait.ge @!p4 [sflag:s26], $0x4000  }
0x88: {  	p6 =	por @!p5 $0x1, $0x1;
	s22 =	sadd.s32 @!p4 $0x1000, s7;
	[sflag:s26] =	ssyncset.done @!p4 $0x0  }
0x89: {  	s23 =	simm.s32 @!p5 $0x6;
	s25 =	simm.s32 @!p4 $0x9880;
	[sflag:s26] =	ssyncadd.s32 @!p4 $0xFFFFC000  }
0x8a: {  	[hbm4b:s22+s29] =	stream.linear.scatter @!p4 [tilespmem:s25], [sflag:$0x7], $0x4000, $0x38;
	[tilespmem:$0x11880] =	vst v63  }
0x8b: {  	p6 =	por @!p3 p0, p0;
	s26 =	simm.s32 @!p5 $0x5880;
	_ =	swait.ge @!p5 [sflag:s23], $0x4000  }
0x8c: {  	s22 =	simm.s32 @!p5 $0x280;
	s25 =	simm.s32 @!p5 $0x80;
	[sflag:s23] =	ssyncset.done @!p5 $0x0  }
0x8d: {  	p4 =	por $0x0, $0x0;
	[sflag:s23] =	ssyncadd.s32 @!p5 $0xFFFFC000;
	s23 =	simm.s32 @!p1 $0x4  }
0x8e: {  	[tilespmem:s26], [sflag:$0x2] =	stream.indirect.gather @!p5 [hbm4b:s3+s25], $0x80, s22, s25, $0xb8;
	[tilespmem:$0x11880] =	vst v63  }
0x8f: {  	p4 =	por @!p2 p6, p6;
	_ =	swait.ge @!p1 [sflag:s23], $0x4000  }
0x90: {  	s21 =	simm.s32 $0x800;
	s28 =	simm.s32 @p4 $0x300;
	[sflag:s23] =	ssyncset.done @!p1 $0x0  }
0x91: {  	s25 =	simm.s32 @!p1 $0x0;
	s26 =	sadd.s32 @!p1 $0x1800, s7;
	[sflag:s23] =	ssyncadd.s32 @!p1 $0xFFFFC000  }
0x92: {  	[hbm4b:s26+s25] =	stream.linear.scatter @!p1 [tilespmem:s24], [sflag:$0x8], $0x4000, $0x38;
	[tilespmem:$0x11880] =	vst v63  }
0x93: {  	s30 =	simm.s32 @p4 $0x9880;
	s22 =	simm.s32 $0x7;
	s26 =	simm.s32 @p4 $0x7  }
0x94: {  	s23 =	simm.s32 $0x1;
	s24 =	sadd.s32 $0x2000, s7;
	_ =	swait.ge @p4 [sflag:s26], $0x4000  }
.LBB2_3:
0x95: {  	[sflag:s26] =	ssyncset.done @p4 $0x0;
	s31 =	simm.s32 @p4 $0x80;
	s25 =	smov.u32 s21  }
0x96: {  	s21 =	sadd.s32 $0x800, s21;
	s0 =	smov.u32 s22;
	s29 =	smov.u32 s23  }
0x97: {  	p1 =	seq.s32 s21, $0x6800;
	[sflag:s26] =	ssyncadd.s32 @p4 $0xFFFFC000;
	s26 =	smov.u32 s24  }
0x98: {  	[tilespmem:s30], [sflag:$0x3] =	stream.indirect.gather @p4 [hbm4b:s3+s31], $0x80, s28, s31, $0xb8;
	[tilespmem:$0x11880] =	vst v63  }
0x99: {  	s22 =	sadd.s32 $0x4, s22;
	p2 =	sgt.u32 s0, $0x30;
	_ =	swait.ge [sflag:s15], $0x4000  }
0x9a: {  	p0 =	seq.s32 @!p2 s25, $0x0;
	s28 =	sshra.s32 @!p2 s25, $0x2;
	[sflag:s15] =	ssyncset.done $0x0  }
0x9b: {  	p0 =	por p0, p2;
	s30 =	sadd.s32 @!p2 $0x180, s28;
	[sflag:s15] =	ssyncadd.s32 $0xFFFFC000  }
0x9c: {  	[hbm4b:s24+s2] =	stream.linear.scatter [tilespmem:s11], [sflag:$0x5], $0x4000, $0x38;
	[tilespmem:$0x11880] =	vst v63  }
0x9d: {  	s23 =	sadd.s32 $0x1, s23;
	s31 =	simm.s32 @!p0 $0x8;
	s24 =	sadd.s32 $0x2000, s24  }
0x9e: {  	s1 =	sadd.s32 $0xFFFFFFFE, s0;
	s28 =	simm.s32 @!p2 $0xD880;
	_ =	swait.ge @!p0 [sflag:s31], $0x4000  }
0x9f: {  	s12 =	simm.s32 @!p2 $0x80;
	p4 =	sgt.u32 s1, $0x30;
	[sflag:s31] =	ssyncset.done @!p0 $0x0  }
0xa0: {  	s1 =	simm.s32 @!p4 $0x2;
	[sflag:s31] =	ssyncadd.s32 @!p0 $0xFFFFC000;
	s31 =	simm.s32 @!p4 $0x0  }
0xa1: {  	[tilespmem:s28], [sflag:$0x4] =	stream.indirect.gather @!p2 [hbm4b:s3+s12], $0x80, s30, s12, $0xb8;
	[tilespmem:$0x11880] =	vst v63  }
0xa2: {  	p3 =	seq.s32 s25, $0x6000;
	s12 =	simm.s32 @!p4 $0x5880;
	_ =	swait.ge @!p4 [sflag:s1], $0x4000  }
0xa3: {  	s13 =	sshra.s32 @!p3 s25, $0x2;
	s30 =	sadd.s32 @!p4 $0x800, s26;
	[sflag:s1] =	ssyncset.done @!p4 $0x0  }
0xa4: {  	s0 =	sadd.s32 @!p3 $0xFFFFFFFF, s0;
	[sflag:s1] =	ssyncadd.s32 @!p4 $0xFFFFC000;
	s1 =	simm.s32 @!p3 $0x5  }
0xa5: {  	s14 =	simm.s32 @!p3 $0x80;
	s4 =	simm.s32 @!p3 $0x1880;
	p0 =	sgt.u32 @!p3 s0, $0x30  }
0xa6: {  	[hbm4b:s30+s31] =	stream.linear.scatter @!p4 [tilespmem:s12], [sflag:$0x6], $0x4000, $0x38;
	[tilespmem:$0x11880] =	vst v63  }
0xa7: {  	s0 =	sadd.s32 @!p3 $0x200, s13;
	p0 =	por p0, p3;
	_ =	swait.ge @!p3 [sflag:s1], $0x4000  }
0xa8: {  	s13 =	simm.s32 @!p0 $0x0;
	s12 =	simm.s32 @!p0 $0x3;
	[sflag:s1] =	ssyncset.done @!p3 $0x0  }
0xa9: {  	p5 =	sgt.u32 @!p3 s29, $0xA;
	p4 =	por @!p3 $0x0, $0x0;
	[sflag:s1] =	ssyncadd.s32 @!p3 $0xFFFFC000  }
0xaa: {  	[tilespmem:s4], [sflag:$0x1] =	stream.indirect.gather @!p3 [hbm4b:s3+s14], $0x80, s0, s14, $0xb8;
	[tilespmem:$0x11880] =	vst v63  }
0xab: {  	p6 =	por p5, p3;
	s0 =	sadd.s32 @!p0 $0x1000, s26;
	_ =	swait.ge @!p0 [sflag:s12], $0x4000  }
0xac: {  	s1 =	simm.s32 @!p6 $0x6;
	s4 =	sshra.s32 @!p6 s25, $0x2;
	[sflag:s12] =	ssyncset.done @!p0 $0x0  }
0xad: {  	s4 =	sadd.s32 @!p6 $0x280, s4;
	[sflag:s12] =	ssyncadd.s32 @!p0 $0xFFFFC000;
	s12 =	simm.s32 @!p0 $0x9880  }
0xae: {  	[hbm4b:s0+s13] =	stream.linear.scatter @!p0 [tilespmem:s12], [sflag:$0x7], $0x4000, $0x38;
	[tilespmem:$0x11880] =	vst v63  }
0xaf: {  	p5 =	por !p5, p3;
	s0 =	simm.s32 @!p6 $0x80  }
0xb0: {  	s12 =	simm.s32 @!p6 $0x5880;
	p0 =	por @!p6 $0x1, $0x1;
	_ =	swait.ge @!p6 [sflag:s1], $0x4000  }
0xb1: {  	p0 =	por @!p5 p4, p4;
	[sflag:s1] =	ssyncset.done @!p6 $0x0  }
0xb2: {  	p4 =	por $0x0, $0x0;
	[sflag:s1] =	ssyncadd.s32 @!p6 $0xFFFFC000;
	s1 =	simm.s32 @!p2 $0x4  }
0xb3: {  	[tilespmem:s12], [sflag:$0x2] =	stream.indirect.gather @!p6 [hbm4b:s3+s0], $0x80, s4, s0, $0xb8;
	[tilespmem:$0x11880] =	vst v63  }
.Ltmp5:
0xb4: {  	s0 =	simm.s32 @!p2 $0x0;
	_ =	swait.ge @!p2 [sflag:s1], $0x4000;
	(pc) =	sbr.rel @!p1 .LBB2_3-.Ltmp5, $4  }
0xb5: {  	p4 =	por @!p3 p0, p0;
	s4 =	sadd.s32 @!p2 $0x1800, s26;
	[sflag:s1] =	ssyncset.done @!p2 $0x0  }
0xb6: {  	s26 =	simm.s32 @p4 $0x7;
	[sflag:s1] =	ssyncadd.s32 @!p2 $0xFFFFC000;
	s1 =	sshra.s32 @p4 s25, $0x2  }
0xb7: {  	[hbm4b:s4+s0] =	stream.linear.scatter @!p2 [tilespmem:s28], [sflag:$0x8], $0x4000, $0x38;
	[tilespmem:$0x11880] =	vst v63  }
0xb8: {  	s30 =	simm.s32 @p4 $0x9880;
	s28 =	sadd.s32 @p4 $0x300, s1;
	_ =	swait.ge @p4 [sflag:s26], $0x4000  }
.Ltmp6:
0xb9: {  	(pc) =	sbr.rel .LBB2_8-.Ltmp6, $4  }
0xba: {  	_ = 	snop  }
0xbb: {  	[sflag:s26] =	ssyncset.done @p4 $0x0  }
0xbc: {  	s0 =	simm.s32 @p4 $0x80;
	[sflag:s26] =	ssyncadd.s32 @p4 $0xFFFFC000  }
0xbd: {  	[tilespmem:s30], [sflag:$0x3] =	stream.indirect.gather @p4 [hbm4b:s3+s0], $0x80, s28, s0, $0xb8;
	[tilespmem:$0x11880] =	vst v63  }
.LBB2_9:
0xbe: {  	_ =	sfence.sel $0x180000  }
0xbf: {  	[bflag:$0x0] =	sbarrier.arrive $0xFFFF  }
0xc0: {  	_ =	strace $0x90000050  }
0xc1: {  	s0 =	stileid.u32;
	[bflag:$0x2] =	sbarrier.arrive $0xFFFF  }
0xc2: {  	p0 =	sne.s32 s0, $0x0;
	s0 =	rddreg [dreg:$0x1]  }
0xc3: {  	s0 =	sadd.s32 @!p0 $0x100000, s0  }
0xc4: {  	[sflag:s0] =	ssyncadd.tile.s32 @!p0 $0x1;
	_ =	shalt  }
.Lfunc_end2:
_tile_overlayer_lowered:
.L_overlay_start_2:
0xc5: {  	(tag) =	ssettag $0x2  }
0xc6: {  	s0 =	rddreg [dreg:$0x0];
	s2 =	stileid.u32  }
0xc7: {  	s1 =	rddreg [dreg:$0x1];
	p0 =	sne.s32 s2, $0x0  }
0xc8: {  	s3 =	rddreg [dreg:$0x2];
	[bflag:$0x3] =	sbarrier.arrive $0xFFFF;
	s2 =	simm.s32 @!p0 $0x1C09  }
0xc9: {  	[timem:s3], [sflag:s2] =	dma.local @!p0 [hbm:s0], s1  }
0xca: {  	s0 =	simm.s32 @!p0 $0x9  }
0xcb: {  	_ =	swait.ge @!p0 [sflag:s0], s1  }
0xcc: {  	s1 =	ssub.s32 @!p0 $0x0, s1;
	[sflag:s0] =	ssyncset.done @!p0 $0x0  }
0xcd: {  	[sflag:s0] =	ssyncadd.s32 @!p0 s1  }
0xce: {  	[bflag:$0x3] =	sbarrier.arrive $0xFFFF  }
0xcf: {  	_ =	shalt  }

</sc_bundles>
